<compile_context>
chip_gen: v7x
topology: tpu7x:2x2x1
jax: 0.10.2.dev20260603
libtpu: 0.0.44.dev20260713+nightly
codegen_flags: <defaults>
</compile_context>

<pallas_src>
import functools

import numpy as np
import jax
import jax.numpy as jnp
from jax import lax
from jax.experimental import pallas as pl
from jax.experimental.pallas import tpu as pltpu
from jax.experimental.pallas import tpu_sc as plsc

N_LEVELS = 8
F = 4
BASE_RES = 512.0
MAX_RES = 32768.0
PER_LEVEL_SCALE = float(np.exp2(np.log2(MAX_RES / BASE_RES) / (N_LEVELS - 1)))
TIME_RES = 8
NUM_BASIS = 4
N_PTS = 131072

PRIME1 = int(np.uint32(2654435761).astype(np.int32))
PRIME2 = int(np.uint32(805459861).astype(np.int32))

SCALES = [
    float(np.exp2(l * np.log2(PER_LEVEL_SCALE)) * BASE_RES - 1.0)
    for l in range(N_LEVELS)
]

T_STATIC = 2 ** 19
MASK_S = T_STATIC - 1

NW = 32
PPT = N_PTS // NW
CH = 512
CH8 = CH * 8


def _reduce_body(c_ref, a_ref, b_ref, o_ref):
    a = a_ref[...]
    b = b_ref[...]
    acc = (
        c_ref[0] * a[:, 0, :] + c_ref[1] * a[:, 1, :]
        + c_ref[2] * a[:, 2, :] + c_ref[3] * a[:, 3, :]
        + c_ref[4] * b[:, 0, :] + c_ref[5] * b[:, 1, :]
        + c_ref[6] * b[:, 2, :] + c_ref[7] * b[:, 3, :]
    )
    o_ref[...] = acc


def _reduce_pair(cvec, a3, b3):
    t = a3.shape[2]
    blk = 4096
    return pl.pallas_call(
        _reduce_body,
        grid=(t // blk,),
        in_specs=[
            pl.BlockSpec(memory_space=pltpu.SMEM),
            pl.BlockSpec((N_LEVELS, 4, blk), lambda i: (0, 0, i)),
            pl.BlockSpec((N_LEVELS, 4, blk), lambda i: (0, 0, i)),
        ],
        out_specs=pl.BlockSpec((N_LEVELS, blk), lambda i: (0, i)),
        out_shape=jax.ShapeDtypeStruct((N_LEVELS, t), jnp.float32),
    )(cvec, a3, b3)


def _sc_static_body(xT, scal, wst, s_out,
                    x0b, x1b, x2b, sclb, ridxb, idxb, wb, gbuf, stg,
                    semA, semB, semOA, semOB):
    wid = lax.axis_index("s") * 2 + lax.axis_index("c")
    base = wid * PPT

    pltpu.sync_copy(xT.at[pl.ds(base, PPT)], x0b)
    pltpu.sync_copy(xT.at[pl.ds(N_PTS + base, PPT)], x1b)
    pltpu.sync_copy(xT.at[pl.ds(2 * N_PTS + base, PPT)], x2b)
    pltpu.sync_copy(scal, sclb)

    iota = lax.iota(jnp.int32, 16)
    q4 = lax.shift_right_logical(iota, 2)
    f4 = lax.bitwise_and(iota, 3)

    EL = CH8 * 4
    CPL = PPT // CH
    NCH = N_LEVELS * CPL
    t4 = jnp.int32(4 * T_STATIC)
    f4t = f4 * T_STATIC

    def hfire(t, s, semS, scale=None):
        lvl = lax.shift_right_logical(t, 3)
        pbase = lax.bitwise_and(t, CPL - 1) * CH
        if scale is None:
            scale = plsc.load_gather(sclb, [jnp.full((16,), lvl, jnp.int32)])
        lvl_off = lvl * t4

        def hash_body(i, _):
            n0 = pbase + i * 16
            o = i * 16
            p0 = x0b[pl.ds(n0, 16)] * scale + 0.5
            p1 = x1b[pl.ds(n0, 16)] * scale + 0.5
            p2 = x2b[pl.ds(n0, 16)] * scale + 0.5
            i0 = p0.astype(jnp.int32)
            i1_ = p1.astype(jnp.int32)
            i2_ = p2.astype(jnp.int32)
            f0 = p0 - i0.astype(jnp.float32)
            f1 = p1 - i1_.astype(jnp.float32)
            f2 = p2 - i2_.astype(jnp.float32)
            g0 = 1.0 - f0
            g1 = 1.0 - f1
            g2 = 1.0 - f2
            h1a = i1_ * PRIME1
            h1b = h1a + PRIME1
            h2a = i2_ * PRIME2
            h2b = h2a + PRIME2
            i0b = i0 + 1
            for c in range(8):
                hx = i0b if (c & 1) else i0
                hy = h1b if (c & 2) else h1a
                hz = h2b if (c & 4) else h2a
                idx = lax.bitwise_and(
                    lax.bitwise_xor(lax.bitwise_xor(hx, hy), hz), MASK_S
                ) + lvl_off
                wx = f0 if (c & 1) else g0
                wy = f1 if (c & 2) else g1
                wz = f2 if (c & 4) else g2
                ridxb[pl.ds(c * CH + o, 16)] = idx
                wb[pl.ds(s * CH8 + c * CH + o, 16)] = wx * wy * wz
            return _

        lax.fori_loop(0, CH // 16, hash_body, None)

        def expand_body(g, _):
            for q in range(4):
                piece = plsc.load_gather(ridxb, [g * 16 + q * 4 + q4])
                idxb[pl.ds(s * EL + g * 64 + q * 16, 16)] = piece + f4t
            return _

        lax.fori_loop(0, CH8 // 16, expand_body, None)
        pltpu.async_copy(
            wst.at[idxb.at[pl.ds(s * EL, EL)]],
            gbuf.at[pl.ds(s * EL, EL)], semS,
        )

    def accum(t, s, u, semS, semO):
        pltpu.make_async_copy(
            wst.at[idxb.at[pl.ds(s * EL, EL)]],
            gbuf.at[pl.ds(s * EL, EL)], semS,
        ).wait()
        lvl = lax.shift_right_logical(t, 3)
        pbase = lax.bitwise_and(t, CPL - 1) * CH
        dst = s_out.at[pl.ds(lvl * (4 * N_PTS) + (base + pbase) * 4, CH * 4)]

        @pl.when(u >= 1)
        def _():
            pltpu.make_async_copy(stg.at[pl.ds(s * CH * 4, CH * 4)], dst,
                                  semO).wait()

        def acc_body(g, _):
            gb16 = g * 16
            for q in range(4):
                off = gb16 + q * 4
                acc = jnp.zeros((16,), jnp.float32)
                for c in range(8):
                    row = gbuf[pl.ds(s * EL + (c * CH + off) * 4, 16)]
                    wexp = plsc.load_gather(wb, [s * CH8 + c * CH + off + q4])
                    acc = acc + wexp * row
                stg[pl.ds(s * CH * 4 + gb16 * 4 + q * 16, 16)] = acc
            return _

        lax.fori_loop(0, CH // 16, acc_body, None)
        pltpu.async_copy(stg.at[pl.ds(s * CH * 4, CH * 4)], dst, semO)

    hfire(jnp.int32(0), 0, semA,
          scale=jnp.full((16,), SCALES[0], jnp.float32))

    def body2(u, _):
        t0 = u * 2
        hfire(t0 + 1, 1, semB)
        accum(t0, 0, u, semA, semOA)

        @pl.when(t0 + 2 < NCH)
        def _():
            hfire(t0 + 2, 0, semA)

        accum(t0 + 1, 1, u, semB, semOB)
        return _

    lax.fori_loop(0, NCH // 2, body2, None)
    dummy = s_out.at[pl.ds(0, CH * 4)]
    pltpu.make_async_copy(stg.at[pl.ds(0, CH * 4)], dummy, semOA).wait()
    pltpu.make_async_copy(stg.at[pl.ds(CH * 4, CH * 4)], dummy, semOB).wait()


def _sc_dyn_body(xT, scal, r0, r1, r2, d_out,
                 x0b, x1b, x2b, sclb, rbuf, colb):
    wid = lax.axis_index("s") * 2 + lax.axis_index("c")
    base = wid * PPT

    pltpu.sync_copy(xT.at[pl.ds(base, PPT)], x0b)
    pltpu.sync_copy(xT.at[pl.ds(N_PTS + base, PPT)], x1b)
    pltpu.sync_copy(xT.at[pl.ds(2 * N_PTS + base, PPT)], x2b)
    pltpu.sync_copy(scal, sclb)

    planes = (
        (r0, 32768, x0b, x1b),
        (r1, 8192, x0b, x2b),
        (r2, 8192, x1b, x2b),
    )
    for p, (rref, tsz, xab, xbb) in enumerate(planes):
        maskp = tsz - 1

        def lvl_body(l, _, rref=rref, tsz=tsz, xab=xab, xbb=xbb,
                     maskp=maskp, p=p):
            pltpu.sync_copy(rref.at[pl.ds(l * tsz, tsz)], rbuf.at[pl.ds(0, tsz)])
            scl = plsc.load_gather(sclb, [jnp.full((16,), l, jnp.int32)])

            def pt_body(g, _, hh):
                n0 = hh * (PPT // 2) + g * 16
                pa = xab[pl.ds(n0, 16)] * scl + 0.5
                pb = xbb[pl.ds(n0, 16)] * scl + 0.5
                ia = pa.astype(jnp.int32)
                ib = pb.astype(jnp.int32)
                fa = pa - ia.astype(jnp.float32)
                fb = pb - ib.astype(jnp.float32)
                ga = 1.0 - fa
                gb2 = 1.0 - fb
                hb0 = ib * PRIME1
                hb1 = hb0 + PRIME1
                ia1 = ia + 1
                i00 = lax.bitwise_and(lax.bitwise_xor(ia, hb0), maskp)
                i10 = lax.bitwise_and(lax.bitwise_xor(ia1, hb0), maskp)
                i01 = lax.bitwise_and(lax.bitwise_xor(ia, hb1), maskp)
                i11 = lax.bitwise_and(lax.bitwise_xor(ia1, hb1), maskp)
                v = (ga * gb2) * plsc.load_gather(rbuf, [i00])
                v = v + (fa * gb2) * plsc.load_gather(rbuf, [i10])
                v = v + (ga * fb) * plsc.load_gather(rbuf, [i01])
                v = v + (fa * fb) * plsc.load_gather(rbuf, [i11])
                colb[pl.ds(g * 16, 16)] = v
                return _

            for hh in range(2):
                lax.fori_loop(0, PPT // 32,
                              functools.partial(pt_body, hh=hh), None)
                pltpu.sync_copy(
                    colb,
                    d_out.at[pl.ds((p * 8 + l) * N_PTS + base
                                   + hh * (PPT // 2), PPT // 2)],
                )
            return _

        lax.fori_loop(0, N_LEVELS, lvl_body, None)


def _sc_call(xT, scal, wst2, R0, R1, R2):
    mesh = plsc.VectorSubcoreMesh(
        core_axis_name="c", subcore_axis_name="s", num_cores=2, num_subcores=16
    )
    cp = pltpu.CompilerParams(
        needs_layout_passes=False, use_tc_tiling_on_sc=False
    )
    fn_s = pl.kernel(
        _sc_static_body,
        out_type=jax.ShapeDtypeStruct((N_LEVELS * 4 * N_PTS,), jnp.float32),
        mesh=mesh,
        compiler_params=cp,
        scratch_types=[
            pltpu.VMEM((PPT,), jnp.float32),
            pltpu.VMEM((PPT,), jnp.float32),
            pltpu.VMEM((PPT,), jnp.float32),
            pltpu.VMEM((16,), jnp.float32),
            pltpu.VMEM((CH8,), jnp.int32),
            pltpu.VMEM((2 * CH8 * 4,), jnp.int32),
            pltpu.VMEM((2 * CH8,), jnp.float32),
            pltpu.VMEM((2 * CH8 * 4,), jnp.float32),
            pltpu.VMEM((2 * CH * 4,), jnp.float32),
            pltpu.SemaphoreType.DMA,
            pltpu.SemaphoreType.DMA,
            pltpu.SemaphoreType.DMA,
            pltpu.SemaphoreType.DMA,
        ],
    )
    fn_d = pl.kernel(
        _sc_dyn_body,
        out_type=jax.ShapeDtypeStruct((24 * N_PTS,), jnp.float32),
        mesh=mesh,
        compiler_params=cp,
        scratch_types=[
            pltpu.VMEM((PPT,), jnp.float32),
            pltpu.VMEM((PPT,), jnp.float32),
            pltpu.VMEM((PPT,), jnp.float32),
            pltpu.VMEM((16,), jnp.float32),
            pltpu.VMEM((32768,), jnp.float32),
            pltpu.VMEM((PPT // 2,), jnp.float32),
        ],
    )
    return fn_s(xT, scal, wst2), fn_d(xT, scal, R0, R1, R2)


def kernel(x, t, W_static, W_dyn0, W_dyn1, W_dyn2):
    ts = t[0]
    s = ts * (TIME_RES - 1.0)
    resid = (ts * float(TIME_RES) - s) - ts
    fl_s = jnp.floor(s)
    on_grid = s == fl_s
    i1 = fl_s.astype(jnp.int32) - jnp.where(on_grid & (resid < 0), 1, 0)
    i2 = jnp.ceil(s).astype(jnp.int32) + jnp.where(on_grid & (resid > 0), 1, 0)
    same = i1 == i2
    w1 = jnp.where(same, jnp.float32(1.0), i2.astype(jnp.float32) - s)
    w2 = s - i1.astype(jnp.float32)

    tn = [i / (NUM_BASIS - 1) for i in range(NUM_BASIS)]
    bs = []
    for j in range(NUM_BASIS):
        b = jnp.float32(1.0)
        for m in range(NUM_BASIS):
            if m != j:
                b = b * (ts - tn[m]) / (tn[j] - tn[m])
        bs.append(b)
    cvec = jnp.stack([w1 * bj for bj in bs] + [w2 * bj for bj in bs])
    cvec = cvec.astype(jnp.float32)

    def slice_t(w, i):
        return lax.dynamic_index_in_dim(w, i, axis=0, keepdims=False)

    rs = []
    for wdyn in (W_dyn0, W_dyn1, W_dyn2):
        tsz = wdyn.shape[2]
        wt = wdyn.transpose(0, 1, 3, 2)
        a3 = slice_t(wt, i1)
        b3 = slice_t(wt, i2)
        rs.append(_reduce_pair(cvec, a3, b3).reshape(N_LEVELS * tsz))

    xT = x.T.reshape(3 * N_PTS)
    scal = jnp.asarray(SCALES + [0.0] * 8, dtype=jnp.float32)
    wst2 = W_static.transpose(0, 2, 1).reshape(N_LEVELS * F * T_STATIC)

    s_flat, d_mat = _sc_call(xT, scal, wst2, rs[0], rs[1], rs[2])

    feat_static = (
        s_flat.reshape(N_LEVELS, N_PTS, F).transpose(1, 0, 2).reshape(N_PTS, 32)
    )
    feat_dynamic = d_mat.reshape(24, N_PTS).T
    return (feat_static, feat_dynamic)

# --- scband reference (transcript-rebuilt; emitter-appended) ---
"""Pipeline reference for scband-hash-grid4-d-48378511622633 (READ-ONLY COPY).

The authoritative reference and input builder live on the scoring server;
editing this copy changes nothing except your own understanding.
"""

import jax, jax.numpy as jnp
import numpy as np

N_LEVELS = 8
F = 4
BASE_RES = 512.0
MAX_RES = 32768.0
PER_LEVEL_SCALE = float(np.exp2(np.log2(MAX_RES / BASE_RES) / (N_LEVELS - 1)))
TIME_RES = 8
NUM_BASIS = 4
PRIMES = (1, 2654435761, 805459861)
N_PTS = 131072


def grid_encode(x, table):
    # x: [N, D] in [0,1); table: [n_levels, T, F] -- tcnn-style multires hash grid
    N, D = x.shape
    Tsize = table.shape[1]
    outs = []
    for l in range(N_LEVELS):
        scale = float(np.exp2(l * np.log2(PER_LEVEL_SCALE)) * BASE_RES - 1.0)
        pos = x * scale + 0.5
        pos0f = jnp.floor(pos)
        w = pos - pos0f
        pos0 = pos0f.astype(jnp.uint32)
        feat = jnp.zeros((N, F), dtype=x.dtype)
        for corner in range(2 ** D):
            idx = jnp.zeros((N,), dtype=jnp.uint32)
            wgt = jnp.ones((N,), dtype=x.dtype)
            for d in range(D):
                o = (corner >> d) & 1
                c = pos0[:, d] + np.uint32(o)
                idx = idx ^ (c * np.uint32(PRIMES[d]))
                wgt = wgt * (w[:, d] if o == 1 else (1.0 - w[:, d]))
            idx = (idx % np.uint32(Tsize)).astype(jnp.int32)
            feat = feat + wgt[:, None] * jnp.take(table[l], idx, axis=0)
        outs.append(feat)
    return jnp.concatenate(outs, axis=-1)


def interp_t(feat, t):
    # Lagrange basis interpolation over NUM_BASIS feature chunks (HashGridT.interpT)
    xx = feat.reshape(-1, N_LEVELS, F)
    chunks = jnp.split(xx, NUM_BASIS, axis=-1)
    Tn = [i / (NUM_BASIS - 1) for i in range(NUM_BASIS)]
    out = 0.0
    for j in range(NUM_BASIS):
        b = 1.0
        for m in range(NUM_BASIS):
            if m != j:
                b = b * (t - Tn[m]) / (Tn[j] - Tn[m])
        out = out + b * chunks[j]
    return out.reshape(-1, N_LEVELS * F // NUM_BASIS)


def hash_grid_t(x2, t, tables, i1, i2):
    # tables: [TIME_RES, N_LEVELS, T, F]; linear interp between two time slices
    idx = t * (TIME_RES - 1)
    same = i1 == i2
    hf1 = grid_encode(x2, tables[i1])
    hf2 = grid_encode(x2, tables[i2])
    w1 = jnp.where(same, jnp.asarray(1.0, dtype=idx.dtype), i2 - idx)
    w2 = idx - i1
    hf = w1 * hf1 + w2 * hf2
    return interp_t(hf, t)


def setup_inputs(seed: int = 0) -> dict:
    key = jax.random.key(seed)
    ks = jax.random.split(key, 6)
    x = jax.random.uniform(ks[0], (N_PTS, 3), dtype=jnp.float32)
    t = jax.random.uniform(ks[1], (1,), dtype=jnp.float32)

    def init_table(k, shape):
        return jax.random.uniform(k, shape, dtype=jnp.float32, minval=-1e-4, maxval=1e-4)

    W_static = init_table(ks[2], (N_LEVELS, 2 ** 19, F))
    W_dyn0 = init_table(ks[3], (TIME_RES, N_LEVELS, 2 ** 15, F))
    W_dyn1 = init_table(ks[4], (TIME_RES, N_LEVELS, 2 ** 13, F))
    W_dyn2 = init_table(ks[5], (TIME_RES, N_LEVELS, 2 ** 13, F))
    return {"x": x, "t": t, "W_static": W_static, "W_dyn0": W_dyn0, "W_dyn1": W_dyn1, "W_dyn2": W_dyn2}


def reference(x, t, W_static, W_dyn0, W_dyn1, W_dyn2):
    ts = t[0]
    # floor/ceil of the exact product ts*(TIME_RES-1): TIME_RES*ts is exact in
    # float32, and both subtractions below are exact (Sterbenz), so resid is the
    # exact rounding error of s; correct the boundary where rounding crosses an
    # integer so the indices match the float64 computation.
    s = ts * (TIME_RES - 1.0)
    resid = (ts * float(TIME_RES) - s) - ts
    fl_s = jnp.floor(s)
    on_grid = s == fl_s
    i1 = fl_s.astype(jnp.int32) - jnp.where(on_grid & (resid < 0), 1, 0)
    i2 = jnp.ceil(s).astype(jnp.int32) + jnp.where(on_grid & (resid > 0), 1, 0)
    # static 3D hash grid
    feat_static = grid_encode(x, W_static)
    # dynamic tri-plane time hash grids
    xy = x[:, 0:2]
    xz = jnp.stack([x[:, 0], x[:, 2]], axis=-1)
    yz = x[:, 1:3]
    f0 = hash_grid_t(xy, ts, W_dyn0, i1, i2)
    f1 = hash_grid_t(xz, ts, W_dyn1, i1, i2)
    f2 = hash_grid_t(yz, ts, W_dyn2, i1, i2)
    feat_dynamic = jnp.concatenate([f0, f1, f2], axis=-1)
    # decompose=True -> returns [static, dynamic]
    return (feat_static, feat_dynamic)

if __name__ == "__main__":
    import jax
    _d = setup_inputs()
    print(jax.jit(kernel)(*tuple(_d.values())))

</pallas_src>

<mosaic_0001>
#map = affine_map<(d0, d1) -> (0)>
module attributes {stable_mosaic.version = 14 : i64} {
  func.func @_sc_static_body(%arg0: i32, %arg1: i32, %arg2: memref<393216xf32, #tpu.memory_space<hbm>>, %arg3: memref<16xf32, #tpu.memory_space<hbm>>, %arg4: memref<16777216xf32, #tpu.memory_space<hbm>>, %arg5: memref<4194304xf32, #tpu.memory_space<hbm>>, %arg6: memref<4096xf32, #tpu.memory_space<vmem>>, %arg7: memref<4096xf32, #tpu.memory_space<vmem>>, %arg8: memref<4096xf32, #tpu.memory_space<vmem>>, %arg9: memref<16xf32, #tpu.memory_space<vmem>>, %arg10: memref<4096xi32, #tpu.memory_space<vmem>>, %arg11: memref<32768xi32, #tpu.memory_space<vmem>>, %arg12: memref<8192xf32, #tpu.memory_space<vmem>>, %arg13: memref<32768xf32, #tpu.memory_space<vmem>>, %arg14: memref<4096xf32, #tpu.memory_space<vmem>>, %arg15: memref<!tpu.dma_semaphore, #tpu.memory_space<semaphore_mem>>, %arg16: memref<!tpu.dma_semaphore, #tpu.memory_space<semaphore_mem>>, %arg17: memref<!tpu.dma_semaphore, #tpu.memory_space<semaphore_mem>>, %arg18: memref<!tpu.dma_semaphore, #tpu.memory_space<semaphore_mem>>) attributes {dimension_semantics = [#tpu.dimension_semantics<core_parallel>, #tpu.dimension_semantics<subcore_parallel>], iteration_bounds = array<i64: 2, 16>, scalar_prefetch = 0 : i64, scratch_operands = 13 : i64, tpu.core_type = #tpu.core_type<sc_vector_subcore>, window_params = [{transform_indices = #map}, {transform_indices = #map}, {transform_indices = #map}, {transform_indices = #map}]} {
    %mul3A = arith.constant 2 : i32
    %mul3A_0 = arith.muli %arg1, %mul3A : i32
    %add3A = arith.addi %mul3A_0, %arg0 : i32
    %mul3A_1 = arith.constant 4096 : i32
    %mul3A_2 = arith.muli %add3A, %mul3A_1 : i32
    "tpu.region"() ({
      %run_scoped3A = tpu.sem_alloc : memref<!tpu.dma_semaphore, #tpu.memory_space<semaphore_mem>>
      %dma_start3A_60 = tpu.memref_slice %arg2[%mul3A_2] : memref<393216xf32, #tpu.memory_space<hbm>> -> memref<4096xf32, #tpu.memory_space<hbm>>
      %dma_start3A_61 = tpu.memref_slice %arg2[%mul3A_2] : memref<393216xf32, #tpu.memory_space<hbm>> -> memref<4096xf32, #tpu.memory_space<hbm>>
      tpu.enqueue_dma source(%dma_start3A_61 : memref<4096xf32, #tpu.memory_space<hbm>>) target(%arg6 : memref<4096xf32, #tpu.memory_space<vmem>>) target_semaphore(%run_scoped3A : memref<!tpu.dma_semaphore, #tpu.memory_space<semaphore_mem>>)
      %dma_wait3A_62 = tpu.memref_slice %arg2[%mul3A_2] : memref<393216xf32, #tpu.memory_space<hbm>> -> memref<4096xf32, #tpu.memory_space<hbm>>
      %dma_wait3A_63 = tpu.memref_slice %arg2[%mul3A_2] : memref<393216xf32, #tpu.memory_space<hbm>> -> memref<4096xf32, #tpu.memory_space<hbm>>
      tpu.wait_dma2 semaphore(%run_scoped3A : memref<!tpu.dma_semaphore, #tpu.memory_space<semaphore_mem>>) src(%dma_wait3A_63 : memref<4096xf32, #tpu.memory_space<hbm>>) dst(%arg6 : memref<4096xf32, #tpu.memory_space<vmem>>)
      tpu.yield
    }) : () -> ()
    %add3A_3 = arith.constant 131072 : i32
    %add3A_4 = arith.addi %add3A_3, %mul3A_2 : i32
    "tpu.region"() ({
      %run_scoped3A = tpu.sem_alloc : memref<!tpu.dma_semaphore, #tpu.memory_space<semaphore_mem>>
      %dma_start3A_60 = tpu.memref_slice %arg2[%add3A_4] : memref<393216xf32, #tpu.memory_space<hbm>> -> memref<4096xf32, #tpu.memory_space<hbm>>
      %dma_start3A_61 = tpu.memref_slice %arg2[%add3A_4] : memref<393216xf32, #tpu.memory_space<hbm>> -> memref<4096xf32, #tpu.memory_space<hbm>>
      tpu.enqueue_dma source(%dma_start3A_61 : memref<4096xf32, #tpu.memory_space<hbm>>) target(%arg7 : memref<4096xf32, #tpu.memory_space<vmem>>) target_semaphore(%run_scoped3A : memref<!tpu.dma_semaphore, #tpu.memory_space<semaphore_mem>>)
      %dma_wait3A_62 = tpu.memref_slice %arg2[%add3A_4] : memref<393216xf32, #tpu.memory_space<hbm>> -> memref<4096xf32, #tpu.memory_space<hbm>>
      %dma_wait3A_63 = tpu.memref_slice %arg2[%add3A_4] : memref<393216xf32, #tpu.memory_space<hbm>> -> memref<4096xf32, #tpu.memory_space<hbm>>
      tpu.wait_dma2 semaphore(%run_scoped3A : memref<!tpu.dma_semaphore, #tpu.memory_space<semaphore_mem>>) src(%dma_wait3A_63 : memref<4096xf32, #tpu.memory_space<hbm>>) dst(%arg7 : memref<4096xf32, #tpu.memory_space<vmem>>)
      tpu.yield
    }) : () -> ()
    %add3A_5 = arith.constant 262144 : i32
    %add3A_6 = arith.addi %add3A_5, %mul3A_2 : i32
    "tpu.region"() ({
      %run_scoped3A = tpu.sem_alloc : memref<!tpu.dma_semaphore, #tpu.memory_space<semaphore_mem>>
      %dma_start3A_60 = tpu.memref_slice %arg2[%add3A_6] : memref<393216xf32, #tpu.memory_space<hbm>> -> memref<4096xf32, #tpu.memory_space<hbm>>
      %dma_start3A_61 = tpu.memref_slice %arg2[%add3A_6] : memref<393216xf32, #tpu.memory_space<hbm>> -> memref<4096xf32, #tpu.memory_space<hbm>>
      tpu.enqueue_dma source(%dma_start3A_61 : memref<4096xf32, #tpu.memory_space<hbm>>) target(%arg8 : memref<4096xf32, #tpu.memory_space<vmem>>) target_semaphore(%run_scoped3A : memref<!tpu.dma_semaphore, #tpu.memory_space<semaphore_mem>>)
      %dma_wait3A_62 = tpu.memref_slice %arg2[%add3A_6] : memref<393216xf32, #tpu.memory_space<hbm>> -> memref<4096xf32, #tpu.memory_space<hbm>>
      %dma_wait3A_63 = tpu.memref_slice %arg2[%add3A_6] : memref<393216xf32, #tpu.memory_space<hbm>> -> memref<4096xf32, #tpu.memory_space<hbm>>
      tpu.wait_dma2 semaphore(%run_scoped3A : memref<!tpu.dma_semaphore, #tpu.memory_space<semaphore_mem>>) src(%dma_wait3A_63 : memref<4096xf32, #tpu.memory_space<hbm>>) dst(%arg8 : memref<4096xf32, #tpu.memory_space<vmem>>)
      tpu.yield
    }) : () -> ()
    "tpu.region"() ({
      %run_scoped3A = tpu.sem_alloc : memref<!tpu.dma_semaphore, #tpu.memory_space<semaphore_mem>>
      tpu.enqueue_dma source(%arg3 : memref<16xf32, #tpu.memory_space<hbm>>) target(%arg9 : memref<16xf32, #tpu.memory_space<vmem>>) target_semaphore(%run_scoped3A : memref<!tpu.dma_semaphore, #tpu.memory_space<semaphore_mem>>)
      tpu.wait_dma2 semaphore(%run_scoped3A : memref<!tpu.dma_semaphore, #tpu.memory_space<semaphore_mem>>) src(%arg3 : memref<16xf32, #tpu.memory_space<hbm>>) dst(%arg9 : memref<16xf32, #tpu.memory_space<vmem>>)
      tpu.yield
    }) : () -> ()
    %iota3A = tpu.iota {dimensions = array<i32: 0>} : vector<16xi32>
    %shift_right_logical3A = arith.constant 2 : i32
    %shift_right_logical3A_7 = vector.broadcast %shift_right_logical3A : i32 to vector<16xi32>
    %shift_right_logical3A_8 = arith.shrui %iota3A, %shift_right_logical3A_7 : vector<16xi32>
    %and3A = arith.constant 3 : i32
    %and3A_9 = vector.broadcast %and3A : i32 to vector<16xi32>
    %and3A_10 = arith.andi %iota3A, %and3A_9 : vector<16xi32>
    %mul3A_11 = arith.constant 524288 : i32
    %mul3A_12 = vector.broadcast %mul3A_11 : i32 to vector<16xi32>
    %mul3A_13 = arith.muli %and3A_10, %mul3A_12 : vector<16xi32>
    %broadcast_in_dim3A = arith.constant 5.110000e+02 : f32
    %broadcast_in_dim3A_14 = vector.broadcast %broadcast_in_dim3A : f32 to vector<16xf32>
    %shift_right_logical3A_15 = arith.constant 0 : i32
    %shift_right_logical3A_16 = arith.constant 3 : i32
    %shift_right_logical3A_17 = arith.shrui %shift_right_logical3A_15, %shift_right_logical3A_16 : i32
    %and3A_18 = arith.constant 0 : i32
    %and3A_19 = arith.constant 7 : i32
    %and3A_20 = arith.andi %and3A_18, %and3A_19 : i32
    %mul3A_21 = arith.constant 512 : i32
    %mul3A_22 = arith.muli %and3A_20, %mul3A_21 : i32
    %mul3A_23 = arith.constant 2097152 : i32
    %mul3A_24 = arith.muli %shift_right_logical3A_17, %mul3A_23 : i32
    %scan3A = arith.constant 0 : i32
    %scan3A_25 = arith.constant 32 : i32
    %scan3A_26 = arith.addi %scan3A, %scan3A_25 : i32
    %scan3A_27 = arith.constant 1 : i32
    scf.for %scan3A_60 = %scan3A to %scan3A_26 step %scan3A_27  : i32 {
      %mul3A_61 = arith.constant 16 : i32
      %mul3A_62 = arith.muli %scan3A_60, %mul3A_61 : i32
      %add3A_63 = arith.addi %mul3A_22, %mul3A_62 : i32
      %mul3A_64 = arith.constant 16 : i32
      %mul3A_65 = arith.muli %scan3A_60, %mul3A_64 : i32
      %get3A = arith.index_cast %add3A_63 : i32 to index
      %get3A_66 = tpu.vector_load %arg6[%get3A] {strides = array<i32>} : memref<4096xf32, #tpu.memory_space<vmem>>, vector<16xf32>,
      %mul3A_67 = arith.mulf %get3A_66, %broadcast_in_dim3A_14 : vector<16xf32>
      %add3A_68 = arith.constant 5.000000e-01 : f32
      %add3A_69 = vector.broadcast %add3A_68 : f32 to vector<16xf32>
      %add3A_70 = arith.addf %mul3A_67, %add3A_69 : vector<16xf32>
      %get3A_71 = arith.index_cast %add3A_63 : i32 to index
      %get3A_72 = tpu.vector_load %arg7[%get3A_71] {strides = array<i32>} : memref<4096xf32, #tpu.memory_space<vmem>>, vector<16xf32>,
      %mul3A_73 = arith.mulf %get3A_72, %broadcast_in_dim3A_14 : vector<16xf32>
      %add3A_74 = arith.constant 5.000000e-01 : f32
      %add3A_75 = vector.broadcast %add3A_74 : f32 to vector<16xf32>
      %add3A_76 = arith.addf %mul3A_73, %add3A_75 : vector<16xf32>
      %get3A_77 = arith.index_cast %add3A_63 : i32 to index
      %get3A_78 = tpu.vector_load %arg8[%get3A_77] {strides = array<i32>} : memref<4096xf32, #tpu.memory_space<vmem>>, vector<16xf32>,
      %mul3A_79 = arith.mulf %get3A_78, %broadcast_in_dim3A_14 : vector<16xf32>
      %add3A_80 = arith.constant 5.000000e-01 : f32
      %add3A_81 = vector.broadcast %add3A_80 : f32 to vector<16xf32>
      %add3A_82 = arith.addf %mul3A_79, %add3A_81 : vector<16xf32>
      %convert_element_type3A = arith.fptosi %add3A_70 : vector<16xf32> to vector<16xi32>
      %convert_element_type3A_83 = arith.fptosi %add3A_76 : vector<16xf32> to vector<16xi32>
      %convert_element_type3A_84 = arith.fptosi %add3A_82 : vector<16xf32> to vector<16xi32>
      %convert_element_type3A_85 = arith.sitofp %convert_element_type3A : vector<16xi32> to vector<16xf32>
      %sub3A = arith.subf %add3A_70, %convert_element_type3A_85 : vector<16xf32>
      %convert_element_type3A_86 = arith.sitofp %convert_element_type3A_83 : vector<16xi32> to vector<16xf32>
      %sub3A_87 = arith.subf %add3A_76, %convert_element_type3A_86 : vector<16xf32>
      %convert_element_type3A_88 = arith.sitofp %convert_element_type3A_84 : vector<16xi32> to vector<16xf32>
      %sub3A_89 = arith.subf %add3A_82, %convert_element_type3A_88 : vector<16xf32>
      %sub3A_90 = arith.constant 1.000000e+00 : f32
      %sub3A_91 = vector.broadcast %sub3A_90 : f32 to vector<16xf32>
      %sub3A_92 = arith.subf %sub3A_91, %sub3A : vector<16xf32>
      %sub3A_93 = arith.constant 1.000000e+00 : f32
      %sub3A_94 = vector.broadcast %sub3A_93 : f32 to vector<16xf32>
      %sub3A_95 = arith.subf %sub3A_94, %sub3A_87 : vector<16xf32>
      %sub3A_96 = arith.constant 1.000000e+00 : f32
      %sub3A_97 = vector.broadcast %sub3A_96 : f32 to vector<16xf32>
      %sub3A_98 = arith.subf %sub3A_97, %sub3A_89 : vector<16xf32>
      %mul3A_99 = arith.constant -1640531535 : i32
      %mul3A_100 = vector.broadcast %mul3A_99 : i32 to vector<16xi32>
      %mul3A_101 = arith.muli %convert_element_type3A_83, %mul3A_100 : vector<16xi32>
      %add3A_102 = arith.constant -1640531535 : i32
      %add3A_103 = vector.broadcast %add3A_102 : i32 to vector<16xi32>
      %add3A_104 = arith.addi %mul3A_101, %add3A_103 : vector<16xi32>
      %mul3A_105 = arith.constant 805459861 : i32
      %mul3A_106 = vector.broadcast %mul3A_105 : i32 to vector<16xi32>
      %mul3A_107 = arith.muli %convert_element_type3A_84, %mul3A_106 : vector<16xi32>
      %add3A_108 = arith.constant 805459861 : i32
      %add3A_109 = vector.broadcast %add3A_108 : i32 to vector<16xi32>
      %add3A_110 = arith.addi %mul3A_107, %add3A_109 : vector<16xi32>
      %add3A_111 = arith.constant 1 : i32
      %add3A_112 = vector.broadcast %add3A_111 : i32 to vector<16xi32>
      %add3A_113 = arith.addi %convert_element_type3A, %add3A_112 : vector<16xi32>
      %xor3A = arith.xori %convert_element_type3A, %mul3A_101 : vector<16xi32>
      %xor3A_114 = arith.xori %xor3A, %mul3A_107 : vector<16xi32>
      %and3A_115 = arith.constant 524287 : i32
      %and3A_116 = vector.broadcast %and3A_115 : i32 to vector<16xi32>
      %and3A_117 = arith.andi %xor3A_114, %and3A_116 : vector<16xi32>
      %add3A_118 = vector.broadcast %mul3A_24 : i32 to vector<16xi32>
      %add3A_119 = arith.addi %and3A_117, %add3A_118 : vector<16xi32>
      %add3A_120 = arith.constant 0 : i32
      %add3A_121 = arith.addi %add3A_120, %mul3A_65 : i32
      %swap3A = arith.index_cast %add3A_121 : i32 to index
      %swap3A_122 = tpu.vector_load %arg10[%swap3A] {strides = array<i32>} : memref<4096xi32, #tpu.memory_space<vmem>>, vector<16xi32>,
      tpu.vector_store %arg10[%swap3A], %add3A_119 {strides = array<i32>} : memref<4096xi32, #tpu.memory_space<vmem>>, vector<16xi32>,
      %mul3A_123 = arith.mulf %sub3A_92, %sub3A_95 : vector<16xf32>
      %mul3A_124 = arith.mulf %mul3A_123, %sub3A_98 : vector<16xf32>
      %add3A_125 = arith.constant 0 : i32
      %add3A_126 = arith.addi %add3A_125, %mul3A_65 : i32
      %swap3A_127 = arith.index_cast %add3A_126 : i32 to index
      %swap3A_128 = tpu.vector_load %arg12[%swap3A_127] {strides = array<i32>} : memref<8192xf32, #tpu.memory_space<vmem>>, vector<16xf32>,
      tpu.vector_store %arg12[%swap3A_127], %mul3A_124 {strides = array<i32>} : memref<8192xf32, #tpu.memory_space<vmem>>, vector<16xf32>,
      %xor3A_129 = arith.xori %add3A_113, %mul3A_101 : vector<16xi32>
      %xor3A_130 = arith.xori %xor3A_129, %mul3A_107 : vector<16xi32>
      %and3A_131 = arith.constant 524287 : i32
      %and3A_132 = vector.broadcast %and3A_131 : i32 to vector<16xi32>
      %and3A_133 = arith.andi %xor3A_130, %and3A_132 : vector<16xi32>
      %add3A_134 = vector.broadcast %mul3A_24 : i32 to vector<16xi32>
      %add3A_135 = arith.addi %and3A_133, %add3A_134 : vector<16xi32>
      %add3A_136 = arith.constant 512 : i32
      %add3A_137 = arith.addi %add3A_136, %mul3A_65 : i32
      %swap3A_138 = arith.index_cast %add3A_137 : i32 to index
      %swap3A_139 = tpu.vector_load %arg10[%swap3A_138] {strides = array<i32>} : memref<4096xi32, #tpu.memory_space<vmem>>, vector<16xi32>,
      tpu.vector_store %arg10[%swap3A_138], %add3A_135 {strides = array<i32>} : memref<4096xi32, #tpu.memory_space<vmem>>, vector<16xi32>,
      %mul3A_140 = arith.mulf %sub3A, %sub3A_95 : vector<16xf32>
      %mul3A_141 = arith.mulf %mul3A_140, %sub3A_98 : vector<16xf32>
      %add3A_142 = arith.constant 512 : i32
      %add3A_143 = arith.addi %add3A_142, %mul3A_65 : i32
      %swap3A_144 = arith.index_cast %add3A_143 : i32 to index
      %swap3A_145 = tpu.vector_load %arg12[%swap3A_144] {strides = array<i32>} : memref<8192xf32, #tpu.memory_space<vmem>>, vector<16xf32>,
      tpu.vector_store %arg12[%swap3A_144], %mul3A_141 {strides = array<i32>} : memref<8192xf32, #tpu.memory_space<vmem>>, vector<16xf32>,
      %xor3A_146 = arith.xori %convert_element_type3A, %add3A_104 : vector<16xi32>
      %xor3A_147 = arith.xori %xor3A_146, %mul3A_107 : vector<16xi32>
      %and3A_148 = arith.constant 524287 : i32
      %and3A_149 = vector.broadcast %and3A_148 : i32 to vector<16xi32>
      %and3A_150 = arith.andi %xor3A_147, %and3A_149 : vector<16xi32>
      %add3A_151 = vector.broadcast %mul3A_24 : i32 to vector<16xi32>
      %add3A_152 = arith.addi %and3A_150, %add3A_151 : vector<16xi32>
      %add3A_153 = arith.constant 1024 : i32
      %add3A_154 = arith.addi %add3A_153, %mul3A_65 : i32
      %swap3A_155 = arith.index_cast %add3A_154 : i32 to index
      %swap3A_156 = tpu.vector_load %arg10[%swap3A_155] {strides = array<i32>} : memref<4096xi32, #tpu.memory_space<vmem>>, vector<16xi32>,
      tpu.vector_store %arg10[%swap3A_155], %add3A_152 {strides = array<i32>} : memref<4096xi32, #tpu.memory_space<vmem>>, vector<16xi32>,
      %mul3A_157 = arith.mulf %sub3A_92, %sub3A_87 : vector<16xf32>
      %mul3A_158 = arith.mulf %mul3A_157, %sub3A_98 : vector<16xf32>
      %add3A_159 = arith.constant 1024 : i32
      %add3A_160 = arith.addi %add3A_159, %mul3A_65 : i32
      %swap3A_161 = arith.index_cast %add3A_160 : i32 to index
      %swap3A_162 = tpu.vector_load %arg12[%swap3A_161] {strides = array<i32>} : memref<8192xf32, #tpu.memory_space<vmem>>, vector<16xf32>,
      tpu.vector_store %arg12[%swap3A_161], %mul3A_158 {strides = array<i32>} : memref<8192xf32, #tpu.memory_space<vmem>>, vector<16xf32>,
      %xor3A_163 = arith.xori %add3A_113, %add3A_104 : vector<16xi32>
      %xor3A_164 = arith.xori %xor3A_163, %mul3A_107 : vector<16xi32>
      %and3A_165 = arith.constant 524287 : i32
      %and3A_166 = vector.broadcast %and3A_165 : i32 to vector<16xi32>
      %and3A_167 = arith.andi %xor3A_164, %and3A_166 : vector<16xi32>
      %add3A_168 = vector.broadcast %mul3A_24 : i32 to vector<16xi32>
      %add3A_169 = arith.addi %and3A_167, %add3A_168 : vector<16xi32>
      %add3A_170 = arith.constant 1536 : i32
      %add3A_171 = arith.addi %add3A_170, %mul3A_65 : i32
      %swap3A_172 = arith.index_cast %add3A_171 : i32 to index
      %swap3A_173 = tpu.vector_load %arg10[%swap3A_172] {strides = array<i32>} : memref<4096xi32, #tpu.memory_space<vmem>>, vector<16xi32>,
      tpu.vector_store %arg10[%swap3A_172], %add3A_169 {strides = array<i32>} : memref<4096xi32, #tpu.memory_space<vmem>>, vector<16xi32>,
      %mul3A_174 = arith.mulf %sub3A, %sub3A_87 : vector<16xf32>
      %mul3A_175 = arith.mulf %mul3A_174, %sub3A_98 : vector<16xf32>
      %add3A_176 = arith.constant 1536 : i32
      %add3A_177 = arith.addi %add3A_176, %mul3A_65 : i32
      %swap3A_178 = arith.index_cast %add3A_177 : i32 to index
      %swap3A_179 = tpu.vector_load %arg12[%swap3A_178] {strides = array<i32>} : memref<8192xf32, #tpu.memory_space<vmem>>, vector<16xf32>,
      tpu.vector_store %arg12[%swap3A_178], %mul3A_175 {strides = array<i32>} : memref<8192xf32, #tpu.memory_space<vmem>>, vector<16xf32>,
      %xor3A_180 = arith.xori %convert_element_type3A, %mul3A_101 : vector<16xi32>
      %xor3A_181 = arith.xori %xor3A_180, %add3A_110 : vector<16xi32>
      %and3A_182 = arith.constant 524287 : i32
      %and3A_183 = vector.broadcast %and3A_182 : i32 to vector<16xi32>
      %and3A_184 = arith.andi %xor3A_181, %and3A_183 : vector<16xi32>
      %add3A_185 = vector.broadcast %mul3A_24 : i32 to vector<16xi32>
      %add3A_186 = arith.addi %and3A_184, %add3A_185 : vector<16xi32>
      %add3A_187 = arith.constant 2048 : i32
      %add3A_188 = arith.addi %add3A_187, %mul3A_65 : i32
      %swap3A_189 = arith.index_cast %add3A_188 : i32 to index
      %swap3A_190 = tpu.vector_load %arg10[%swap3A_189] {strides = array<i32>} : memref<4096xi32, #tpu.memory_space<vmem>>, vector<16xi32>,
      tpu.vector_store %arg10[%swap3A_189], %add3A_186 {strides = array<i32>} : memref<4096xi32, #tpu.memory_space<vmem>>, vector<16xi32>,
      %mul3A_191 = arith.mulf %sub3A_92, %sub3A_95 : vector<16xf32>
      %mul3A_192 = arith.mulf %mul3A_191, %sub3A_89 : vector<16xf32>
      %add3A_193 = arith.constant 2048 : i32
      %add3A_194 = arith.addi %add3A_193, %mul3A_65 : i32
      %swap3A_195 = arith.index_cast %add3A_194 : i32 to index
      %swap3A_196 = tpu.vector_load %arg12[%swap3A_195] {strides = array<i32>} : memref<8192xf32, #tpu.memory_space<vmem>>, vector<16xf32>,
      tpu.vector_store %arg12[%swap3A_195], %mul3A_192 {strides = array<i32>} : memref<8192xf32, #tpu.memory_space<vmem>>, vector<16xf32>,
      %xor3A_197 = arith.xori %add3A_113, %mul3A_101 : vector<16xi32>
      %xor3A_198 = arith.xori %xor3A_197, %add3A_110 : vector<16xi32>
      %and3A_199 = arith.constant 524287 : i32
      %and3A_200 = vector.broadcast %and3A_199 : i32 to vector<16xi32>
      %and3A_201 = arith.andi %xor3A_198, %and3A_200 : vector<16xi32>
      %add3A_202 = vector.broadcast %mul3A_24 : i32 to vector<16xi32>
      %add3A_203 = arith.addi %and3A_201, %add3A_202 : vector<16xi32>
      %add3A_204 = arith.constant 2560 : i32
      %add3A_205 = arith.addi %add3A_204, %mul3A_65 : i32
      %swap3A_206 = arith.index_cast %add3A_205 : i32 to index
      %swap3A_207 = tpu.vector_load %arg10[%swap3A_206] {strides = array<i32>} : memref<4096xi32, #tpu.memory_space<vmem>>, vector<16xi32>,
      tpu.vector_store %arg10[%swap3A_206], %add3A_203 {strides = array<i32>} : memref<4096xi32, #tpu.memory_space<vmem>>, vector<16xi32>,
      %mul3A_208 = arith.mulf %sub3A, %sub3A_95 : vector<16xf32>
      %mul3A_209 = arith.mulf %mul3A_208, %sub3A_89 : vector<16xf32>
      %add3A_210 = arith.constant 2560 : i32
      %add3A_211 = arith.addi %add3A_210, %mul3A_65 : i32
      %swap3A_212 = arith.index_cast %add3A_211 : i32 to index
      %swap3A_213 = tpu.vector_load %arg12[%swap3A_212] {strides = array<i32>} : memref<8192xf32, #tpu.memory_space<vmem>>, vector<16xf32>,
      tpu.vector_store %arg12[%swap3A_212], %mul3A_209 {strides = array<i32>} : memref<8192xf32, #tpu.memory_space<vmem>>, vector<16xf32>,
      %xor3A_214 = arith.xori %convert_element_type3A, %add3A_104 : vector<16xi32>
      %xor3A_215 = arith.xori %xor3A_214, %add3A_110 : vector<16xi32>
      %and3A_216 = arith.constant 524287 : i32
      %and3A_217 = vector.broadcast %and3A_216 : i32 to vector<16xi32>
      %and3A_218 = arith.andi %xor3A_215, %and3A_217 : vector<16xi32>
      %add3A_219 = vector.broadcast %mul3A_24 : i32 to vector<16xi32>
      %add3A_220 = arith.addi %and3A_218, %add3A_219 : vector<16xi32>
      %add3A_221 = arith.constant 3072 : i32
      %add3A_222 = arith.addi %add3A_221, %mul3A_65 : i32
      %swap3A_223 = arith.index_cast %add3A_222 : i32 to index
      %swap3A_224 = tpu.vector_load %arg10[%swap3A_223] {strides = array<i32>} : memref<4096xi32, #tpu.memory_space<vmem>>, vector<16xi32>,
      tpu.vector_store %arg10[%swap3A_223], %add3A_220 {strides = array<i32>} : memref<4096xi32, #tpu.memory_space<vmem>>, vector<16xi32>,
      %mul3A_225 = arith.mulf %sub3A_92, %sub3A_87 : vector<16xf32>
      %mul3A_226 = arith.mulf %mul3A_225, %sub3A_89 : vector<16xf32>
      %add3A_227 = arith.constant 3072 : i32
      %add3A_228 = arith.addi %add3A_227, %mul3A_65 : i32
      %swap3A_229 = arith.index_cast %add3A_228 : i32 to index
      %swap3A_230 = tpu.vector_load %arg12[%swap3A_229] {strides = array<i32>} : memref<8192xf32, #tpu.memory_space<vmem>>, vector<16xf32>,
      tpu.vector_store %arg12[%swap3A_229], %mul3A_226 {strides = array<i32>} : memref<8192xf32, #tpu.memory_space<vmem>>, vector<16xf32>,
      %xor3A_231 = arith.xori %add3A_113, %add3A_104 : vector<16xi32>
      %xor3A_232 = arith.xori %xor3A_231, %add3A_110 : vector<16xi32>
      %and3A_233 = arith.constant 524287 : i32
      %and3A_234 = vector.broadcast %and3A_233 : i32 to vector<16xi32>
      %and3A_235 = arith.andi %xor3A_232, %and3A_234 : vector<16xi32>
      %add3A_236 = vector.broadcast %mul3A_24 : i32 to vector<16xi32>
      %add3A_237 = arith.addi %and3A_235, %add3A_236 : vector<16xi32>
      %add3A_238 = arith.constant 3584 : i32
      %add3A_239 = arith.addi %add3A_238, %mul3A_65 : i32
      %swap3A_240 = arith.index_cast %add3A_239 : i32 to index
      %swap3A_241 = tpu.vector_load %arg10[%swap3A_240] {strides = array<i32>} : memref<4096xi32, #tpu.memory_space<vmem>>, vector<16xi32>,
      tpu.vector_store %arg10[%swap3A_240], %add3A_237 {strides = array<i32>} : memref<4096xi32, #tpu.memory_space<vmem>>, vector<16xi32>,
      %mul3A_242 = arith.mulf %sub3A, %sub3A_87 : vector<16xf32>
      %mul3A_243 = arith.mulf %mul3A_242, %sub3A_89 : vector<16xf32>
      %add3A_244 = arith.constant 3584 : i32
      %add3A_245 = arith.addi %add3A_244, %mul3A_65 : i32
      %swap3A_246 = arith.index_cast %add3A_245 : i32 to index
      %swap3A_247 = tpu.vector_load %arg12[%swap3A_246] {strides = array<i32>} : memref<8192xf32, #tpu.memory_space<vmem>>, vector<16xf32>,
      tpu.vector_store %arg12[%swap3A_246], %mul3A_243 {strides = array<i32>} : memref<8192xf32, #tpu.memory_space<vmem>>, vector<16xf32>,
    }
    %scan3A_28 = arith.constant 32 : i32
    %scan3A_29 = arith.constant 0 : i32
    %scan3A_30 = arith.constant 256 : i32
    %scan3A_31 = arith.addi %scan3A_29, %scan3A_30 : i32
    %scan3A_32 = arith.constant 1 : i32
    scf.for %scan3A_60 = %scan3A_29 to %scan3A_31 step %scan3A_32  : i32 {
      %mul3A_61 = arith.constant 16 : i32
      %mul3A_62 = arith.muli %scan3A_60, %mul3A_61 : i32
      %add3A_63 = arith.constant 0 : i32
      %add3A_64 = arith.addi %mul3A_62, %add3A_63 : i32
      %add3A_65 = vector.broadcast %add3A_64 : i32 to vector<16xi32>
      %add3A_66 = arith.addi %add3A_65, %shift_right_logical3A_8 : vector<16xi32>
      %gather3A = tpu.vector_load_idx %arg10[%add3A_66] : memref<4096xi32, #tpu.memory_space<vmem>>[vector<16xi32>], vector<16xi32>,
      %add3A_67 = arith.addi %gather3A, %mul3A_13 : vector<16xi32>
      %mul3A_68 = arith.constant 64 : i32
      %mul3A_69 = arith.muli %scan3A_60, %mul3A_68 : i32
      %add3A_70 = arith.constant 0 : i32
      %add3A_71 = arith.addi %add3A_70, %mul3A_69 : i32
      %add3A_72 = arith.constant 0 : i32
      %add3A_73 = arith.addi %add3A_71, %add3A_72 : i32
      %swap3A = arith.index_cast %add3A_73 : i32 to index
      %swap3A_74 = tpu.vector_load %arg11[%swap3A] {strides = array<i32>} : memref<32768xi32, #tpu.memory_space<vmem>>, vector<16xi32>,
      tpu.vector_store %arg11[%swap3A], %add3A_67 {strides = array<i32>} : memref<32768xi32, #tpu.memory_space<vmem>>, vector<16xi32>,
      %mul3A_75 = arith.constant 16 : i32
      %mul3A_76 = arith.muli %scan3A_60, %mul3A_75 : i32
      %add3A_77 = arith.constant 4 : i32
      %add3A_78 = arith.addi %mul3A_76, %add3A_77 : i32
      %add3A_79 = vector.broadcast %add3A_78 : i32 to vector<16xi32>
      %add3A_80 = arith.addi %add3A_79, %shift_right_logical3A_8 : vector<16xi32>
      %gather3A_81 = tpu.vector_load_idx %arg10[%add3A_80] : memref<4096xi32, #tpu.memory_space<vmem>>[vector<16xi32>], vector<16xi32>,
      %add3A_82 = arith.addi %gather3A_81, %mul3A_13 : vector<16xi32>
      %mul3A_83 = arith.constant 64 : i32
      %mul3A_84 = arith.muli %scan3A_60, %mul3A_83 : i32
      %add3A_85 = arith.constant 0 : i32
      %add3A_86 = arith.addi %add3A_85, %mul3A_84 : i32
      %add3A_87 = arith.constant 16 : i32
      %add3A_88 = arith.addi %add3A_86, %add3A_87 : i32
      %swap3A_89 = arith.index_cast %add3A_88 : i32 to index
      %swap3A_90 = tpu.vector_load %arg11[%swap3A_89] {strides = array<i32>} : memref<32768xi32, #tpu.memory_space<vmem>>, vector<16xi32>,
      tpu.vector_store %arg11[%swap3A_89], %add3A_82 {strides = array<i32>} : memref<32768xi32, #tpu.memory_space<vmem>>, vector<16xi32>,
      %mul3A_91 = arith.constant 16 : i32
      %mul3A_92 = arith.muli %scan3A_60, %mul3A_91 : i32
      %add3A_93 = arith.constant 8 : i32
      %add3A_94 = arith.addi %mul3A_92, %add3A_93 : i32
      %add3A_95 = vector.broadcast %add3A_94 : i32 to vector<16xi32>
      %add3A_96 = arith.addi %add3A_95, %shift_right_logical3A_8 : vector<16xi32>
      %gather3A_97 = tpu.vector_load_idx %arg10[%add3A_96] : memref<4096xi32, #tpu.memory_space<vmem>>[vector<16xi32>], vector<16xi32>,
      %add3A_98 = arith.addi %gather3A_97, %mul3A_13 : vector<16xi32>
      %mul3A_99 = arith.constant 64 : i32
      %mul3A_100 = arith.muli %scan3A_60, %mul3A_99 : i32
      %add3A_101 = arith.constant 0 : i32
      %add3A_102 = arith.addi %add3A_101, %mul3A_100 : i32
      %add3A_103 = arith.constant 32 : i32
      %add3A_104 = arith.addi %add3A_102, %add3A_103 : i32
      %swap3A_105 = arith.index_cast %add3A_104 : i32 to index
      %swap3A_106 = tpu.vector_load %arg11[%swap3A_105] {strides = array<i32>} : memref<32768xi32, #tpu.memory_space<vmem>>, vector<16xi32>,
      tpu.vector_store %arg11[%swap3A_105], %add3A_98 {strides = array<i32>} : memref<32768xi32, #tpu.memory_space<vmem>>, vector<16xi32>,
      %mul3A_107 = arith.constant 16 : i32
      %mul3A_108 = arith.muli %scan3A_60, %mul3A_107 : i32
      %add3A_109 = arith.constant 12 : i32
      %add3A_110 = arith.addi %mul3A_108, %add3A_109 : i32
      %add3A_111 = vector.broadcast %add3A_110 : i32 to vector<16xi32>
      %add3A_112 = arith.addi %add3A_111, %shift_right_logical3A_8 : vector<16xi32>
      %gather3A_113 = tpu.vector_load_idx %arg10[%add3A_112] : memref<4096xi32, #tpu.memory_space<vmem>>[vector<16xi32>], vector<16xi32>,
      %add3A_114 = arith.addi %gather3A_113, %mul3A_13 : vector<16xi32>
      %mul3A_115 = arith.constant 64 : i32
      %mul3A_116 = arith.muli %scan3A_60, %mul3A_115 : i32
      %add3A_117 = arith.constant 0 : i32
      %add3A_118 = arith.addi %add3A_117, %mul3A_116 : i32
      %add3A_119 = arith.constant 48 : i32
      %add3A_120 = arith.addi %add3A_118, %add3A_119 : i32
      %swap3A_121 = arith.index_cast %add3A_120 : i32 to index
      %swap3A_122 = tpu.vector_load %arg11[%swap3A_121] {strides = array<i32>} : memref<32768xi32, #tpu.memory_space<vmem>>, vector<16xi32>,
      tpu.vector_store %arg11[%swap3A_121], %add3A_114 {strides = array<i32>} : memref<32768xi32, #tpu.memory_space<vmem>>, vector<16xi32>,
    }
    %scan3A_33 = arith.constant 256 : i32
    %dma_start3A = arith.constant 0 : i32
    %dma_start3A_34 = tpu.memref_slice %arg13[%dma_start3A] : memref<32768xf32, #tpu.memory_space<vmem>> -> memref<16384xf32, #tpu.memory_space<vmem>>
    %dma_start3A_35 = arith.constant 0 : i32
    %dma_start3A_36 = tpu.memref_slice %arg11[%dma_start3A_35] : memref<32768xi32, #tpu.memory_space<vmem>> -> memref<16384xi32, #tpu.memory_space<vmem>>
    %dma_start3A_37 = arith.constant 0 : i32
    %dma_start3A_38 = tpu.memref_slice %arg4[%dma_start3A_37] : memref<16777216xf32, #tpu.memory_space<hbm>> -> memref<16777216xf32, #tpu.memory_space<hbm>>
    tpu.enqueue_indirect_dma source(%dma_start3A_38 : memref<16777216xf32, #tpu.memory_space<hbm>>) target(%dma_start3A_34 : memref<16384xf32, #tpu.memory_space<vmem>>) offsets(%dma_start3A_36 : memref<16384xi32, #tpu.memory_space<vmem>>) semaphore(%arg15 : memref<!tpu.dma_semaphore, #tpu.memory_space<semaphore_mem>>)
    %scan3A_39 = arith.constant 2097152 : i32
    %scan3A_40 = arith.constant 0 : i32
    %scan3A_41 = arith.constant 32 : i32
    %scan3A_42 = arith.addi %scan3A_40, %scan3A_41 : i32
    %scan3A_43 = arith.constant 1 : i32
    scf.for %scan3A_60 = %scan3A_40 to %scan3A_42 step %scan3A_43  : i32 {
      %mul3A_61 = arith.constant 2 : i32
      %mul3A_62 = arith.muli %scan3A_60, %mul3A_61 : i32
      %add3A_63 = arith.constant 1 : i32
      %add3A_64 = arith.addi %mul3A_62, %add3A_63 : i32
      %shift_right_logical3A_65 = arith.constant 3 : i32
      %shift_right_logical3A_66 = arith.shrui %add3A_64, %shift_right_logical3A_65 : i32
      %and3A_67 = arith.constant 7 : i32
      %and3A_68 = arith.andi %add3A_64, %and3A_67 : i32
      %mul3A_69 = arith.constant 512 : i32
      %mul3A_70 = arith.muli %and3A_68, %mul3A_69 : i32
      %broadcast_in_dim3A_71 = vector.broadcast %shift_right_logical3A_66 : i32 to vector<16xi32>
      %gather3A = tpu.vector_load_idx %arg9[%broadcast_in_dim3A_71] : memref<16xf32, #tpu.memory_space<vmem>>[vector<16xi32>], vector<16xf32>,
      %mul3A_72 = arith.muli %shift_right_logical3A_66, %scan3A_39 : i32
      %scan3A_73 = arith.constant 0 : i32
      %scan3A_74 = arith.constant 32 : i32
      %scan3A_75 = arith.addi %scan3A_73, %scan3A_74 : i32
      %scan3A_76 = arith.constant 1 : i32
      scf.for %scan3A_162 = %scan3A_73 to %scan3A_75 step %scan3A_76  : i32 {
        %mul3A_163 = arith.constant 16 : i32
        %mul3A_164 = arith.muli %scan3A_162, %mul3A_163 : i32
        %add3A_165 = arith.addi %mul3A_70, %mul3A_164 : i32
        %mul3A_166 = arith.constant 16 : i32
        %mul3A_167 = arith.muli %scan3A_162, %mul3A_166 : i32
        %get3A = arith.index_cast %add3A_165 : i32 to index
        %get3A_168 = tpu.vector_load %arg6[%get3A] {strides = array<i32>} : memref<4096xf32, #tpu.memory_space<vmem>>, vector<16xf32>,
        %mul3A_169 = arith.mulf %get3A_168, %gather3A : vector<16xf32>
        %add3A_170 = arith.constant 5.000000e-01 : f32
        %add3A_171 = vector.broadcast %add3A_170 : f32 to vector<16xf32>
        %add3A_172 = arith.addf %mul3A_169, %add3A_171 : vector<16xf32>
        %get3A_173 = arith.index_cast %add3A_165 : i32 to index
        %get3A_174 = tpu.vector_load %arg7[%get3A_173] {strides = array<i32>} : memref<4096xf32, #tpu.memory_space<vmem>>, vector<16xf32>,
        %mul3A_175 = arith.mulf %get3A_174, %gather3A : vector<16xf32>
        %add3A_176 = arith.constant 5.000000e-01 : f32
        %add3A_177 = vector.broadcast %add3A_176 : f32 to vector<16xf32>
        %add3A_178 = arith.addf %mul3A_175, %add3A_177 : vector<16xf32>
        %get3A_179 = arith.index_cast %add3A_165 : i32 to index
        %get3A_180 = tpu.vector_load %arg8[%get3A_179] {strides = array<i32>} : memref<4096xf32, #tpu.memory_space<vmem>>, vector<16xf32>,
        %mul3A_181 = arith.mulf %get3A_180, %gather3A : vector<16xf32>
        %add3A_182 = arith.constant 5.000000e-01 : f32
        %add3A_183 = vector.broadcast %add3A_182 : f32 to vector<16xf32>
        %add3A_184 = arith.addf %mul3A_181, %add3A_183 : vector<16xf32>
        %convert_element_type3A_185 = arith.fptosi %add3A_172 : vector<16xf32> to vector<16xi32>
        %convert_element_type3A_186 = arith.fptosi %add3A_178 : vector<16xf32> to vector<16xi32>
        %convert_element_type3A_187 = arith.fptosi %add3A_184 : vector<16xf32> to vector<16xi32>
        %convert_element_type3A_188 = arith.sitofp %convert_element_type3A_185 : vector<16xi32> to vector<16xf32>
        %sub3A = arith.subf %add3A_172, %convert_element_type3A_188 : vector<16xf32>
        %convert_element_type3A_189 = arith.sitofp %convert_element_type3A_186 : vector<16xi32> to vector<16xf32>
        %sub3A_190 = arith.subf %add3A_178, %convert_element_type3A_189 : vector<16xf32>
        %convert_element_type3A_191 = arith.sitofp %convert_element_type3A_187 : vector<16xi32> to vector<16xf32>
        %sub3A_192 = arith.subf %add3A_184, %convert_element_type3A_191 : vector<16xf32>
        %sub3A_193 = arith.constant 1.000000e+00 : f32
        %sub3A_194 = vector.broadcast %sub3A_193 : f32 to vector<16xf32>
        %sub3A_195 = arith.subf %sub3A_194, %sub3A : vector<16xf32>
        %sub3A_196 = arith.constant 1.000000e+00 : f32
        %sub3A_197 = vector.broadcast %sub3A_196 : f32 to vector<16xf32>
        %sub3A_198 = arith.subf %sub3A_197, %sub3A_190 : vector<16xf32>
        %sub3A_199 = arith.constant 1.000000e+00 : f32
        %sub3A_200 = vector.broadcast %sub3A_199 : f32 to vector<16xf32>
        %sub3A_201 = arith.subf %sub3A_200, %sub3A_192 : vector<16xf32>
        %mul3A_202 = arith.constant -1640531535 : i32
        %mul3A_203 = vector.broadcast %mul3A_202 : i32 to vector<16xi32>
        %mul3A_204 = arith.muli %convert_element_type3A_186, %mul3A_203 : vector<16xi32>
        %add3A_205 = arith.constant -1640531535 : i32
        %add3A_206 = vector.broadcast %add3A_205 : i32 to vector<16xi32>
        %add3A_207 = arith.addi %mul3A_204, %add3A_206 : vector<16xi32>
        %mul3A_208 = arith.constant 805459861 : i32
        %mul3A_209 = vector.broadcast %mul3A_208 : i32 to vector<16xi32>
        %mul3A_210 = arith.muli %convert_element_type3A_187, %mul3A_209 : vector<16xi32>
        %add3A_211 = arith.constant 805459861 : i32
        %add3A_212 = vector.broadcast %add3A_211 : i32 to vector<16xi32>
        %add3A_213 = arith.addi %mul3A_210, %add3A_212 : vector<16xi32>
        %add3A_214 = arith.constant 1 : i32
        %add3A_215 = vector.broadcast %add3A_214 : i32 to vector<16xi32>
        %add3A_216 = arith.addi %convert_element_type3A_185, %add3A_215 : vector<16xi32>
        %xor3A = arith.xori %convert_element_type3A_185, %mul3A_204 : vector<16xi32>
        %xor3A_217 = arith.xori %xor3A, %mul3A_210 : vector<16xi32>
        %and3A_218 = arith.constant 524287 : i32
        %and3A_219 = vector.broadcast %and3A_218 : i32 to vector<16xi32>
        %and3A_220 = arith.andi %xor3A_217, %and3A_219 : vector<16xi32>
        %add3A_221 = vector.broadcast %mul3A_72 : i32 to vector<16xi32>
        %add3A_222 = arith.addi %and3A_220, %add3A_221 : vector<16xi32>
        %add3A_223 = arith.constant 0 : i32
        %add3A_224 = arith.addi %add3A_223, %mul3A_167 : i32
        %swap3A = arith.index_cast %add3A_224 : i32 to index
        %swap3A_225 = tpu.vector_load %arg10[%swap3A] {strides = array<i32>} : memref<4096xi32, #tpu.memory_space<vmem>>, vector<16xi32>,
        tpu.vector_store %arg10[%swap3A], %add3A_222 {strides = array<i32>} : memref<4096xi32, #tpu.memory_space<vmem>>, vector<16xi32>,
        %mul3A_226 = arith.mulf %sub3A_195, %sub3A_198 : vector<16xf32>
        %mul3A_227 = arith.mulf %mul3A_226, %sub3A_201 : vector<16xf32>
        %add3A_228 = arith.constant 4096 : i32
        %add3A_229 = arith.addi %add3A_228, %mul3A_167 : i32
        %swap3A_230 = arith.index_cast %add3A_229 : i32 to index
        %swap3A_231 = tpu.vector_load %arg12[%swap3A_230] {strides = array<i32>} : memref<8192xf32, #tpu.memory_space<vmem>>, vector<16xf32>,
        tpu.vector_store %arg12[%swap3A_230], %mul3A_227 {strides = array<i32>} : memref<8192xf32, #tpu.memory_space<vmem>>, vector<16xf32>,
        %xor3A_232 = arith.xori %add3A_216, %mul3A_204 : vector<16xi32>
        %xor3A_233 = arith.xori %xor3A_232, %mul3A_210 : vector<16xi32>
        %and3A_234 = arith.constant 524287 : i32
        %and3A_235 = vector.broadcast %and3A_234 : i32 to vector<16xi32>
        %and3A_236 = arith.andi %xor3A_233, %and3A_235 : vector<16xi32>
        %add3A_237 = vector.broadcast %mul3A_72 : i32 to vector<16xi32>
        %add3A_238 = arith.addi %and3A_236, %add3A_237 : vector<16xi32>
        %add3A_239 = arith.constant 512 : i32
        %add3A_240 = arith.addi %add3A_239, %mul3A_167 : i32
        %swap3A_241 = arith.index_cast %add3A_240 : i32 to index
        %swap3A_242 = tpu.vector_load %arg10[%swap3A_241] {strides = array<i32>} : memref<4096xi32, #tpu.memory_space<vmem>>, vector<16xi32>,
        tpu.vector_store %arg10[%swap3A_241], %add3A_238 {strides = array<i32>} : memref<4096xi32, #tpu.memory_space<vmem>>, vector<16xi32>,
        %mul3A_243 = arith.mulf %sub3A, %sub3A_198 : vector<16xf32>
        %mul3A_244 = arith.mulf %mul3A_243, %sub3A_201 : vector<16xf32>
        %add3A_245 = arith.constant 4608 : i32
        %add3A_246 = arith.addi %add3A_245, %mul3A_167 : i32
        %swap3A_247 = arith.index_cast %add3A_246 : i32 to index
        %swap3A_248 = tpu.vector_load %arg12[%swap3A_247] {strides = array<i32>} : memref<8192xf32, #tpu.memory_space<vmem>>, vector<16xf32>,
        tpu.vector_store %arg12[%swap3A_247], %mul3A_244 {strides = array<i32>} : memref<8192xf32, #tpu.memory_space<vmem>>, vector<16xf32>,
        %xor3A_249 = arith.xori %convert_element_type3A_185, %add3A_207 : vector<16xi32>
        %xor3A_250 = arith.xori %xor3A_249, %mul3A_210 : vector<16xi32>
        %and3A_251 = arith.constant 524287 : i32
        %and3A_252 = vector.broadcast %and3A_251 : i32 to vector<16xi32>
        %and3A_253 = arith.andi %xor3A_250, %and3A_252 : vector<16xi32>
        %add3A_254 = vector.broadcast %mul3A_72 : i32 to vector<16xi32>
        %add3A_255 = arith.addi %and3A_253, %add3A_254 : vector<16xi32>
        %add3A_256 = arith.constant 1024 : i32
        %add3A_257 = arith.addi %add3A_256, %mul3A_167 : i32
        %swap3A_258 = arith.index_cast %add3A_257 : i32 to index
        %swap3A_259 = tpu.vector_load %arg10[%swap3A_258] {strides = array<i32>} : memref<4096xi32, #tpu.memory_space<vmem>>, vector<16xi32>,
        tpu.vector_store %arg10[%swap3A_258], %add3A_255 {strides = array<i32>} : memref<4096xi32, #tpu.memory_space<vmem>>, vector<16xi32>,
        %mul3A_260 = arith.mulf %sub3A_195, %sub3A_190 : vector<16xf32>
        %mul3A_261 = arith.mulf %mul3A_260, %sub3A_201 : vector<16xf32>
        %add3A_262 = arith.constant 5120 : i32
        %add3A_263 = arith.addi %add3A_262, %mul3A_167 : i32
        %swap3A_264 = arith.index_cast %add3A_263 : i32 to index
        %swap3A_265 = tpu.vector_load %arg12[%swap3A_264] {strides = array<i32>} : memref<8192xf32, #tpu.memory_space<vmem>>, vector<16xf32>,
        tpu.vector_store %arg12[%swap3A_264], %mul3A_261 {strides = array<i32>} : memref<8192xf32, #tpu.memory_space<vmem>>, vector<16xf32>,
        %xor3A_266 = arith.xori %add3A_216, %add3A_207 : vector<16xi32>
        %xor3A_267 = arith.xori %xor3A_266, %mul3A_210 : vector<16xi32>
        %and3A_268 = arith.constant 524287 : i32
        %and3A_269 = vector.broadcast %and3A_268 : i32 to vector<16xi32>
        %and3A_270 = arith.andi %xor3A_267, %and3A_269 : vector<16xi32>
        %add3A_271 = vector.broadcast %mul3A_72 : i32 to vector<16xi32>
        %add3A_272 = arith.addi %and3A_270, %add3A_271 : vector<16xi32>
        %add3A_273 = arith.constant 1536 : i32
        %add3A_274 = arith.addi %add3A_273, %mul3A_167 : i32
        %swap3A_275 = arith.index_cast %add3A_274 : i32 to index
        %swap3A_276 = tpu.vector_load %arg10[%swap3A_275] {strides = array<i32>} : memref<4096xi32, #tpu.memory_space<vmem>>, vector<16xi32>,
        tpu.vector_store %arg10[%swap3A_275], %add3A_272 {strides = array<i32>} : memref<4096xi32, #tpu.memory_space<vmem>>, vector<16xi32>,
        %mul3A_277 = arith.mulf %sub3A, %sub3A_190 : vector<16xf32>
        %mul3A_278 = arith.mulf %mul3A_277, %sub3A_201 : vector<16xf32>
        %add3A_279 = arith.constant 5632 : i32
        %add3A_280 = arith.addi %add3A_279, %mul3A_167 : i32
        %swap3A_281 = arith.index_cast %add3A_280 : i32 to index
        %swap3A_282 = tpu.vector_load %arg12[%swap3A_281] {strides = array<i32>} : memref<8192xf32, #tpu.memory_space<vmem>>, vector<16xf32>,
        tpu.vector_store %arg12[%swap3A_281], %mul3A_278 {strides = array<i32>} : memref<8192xf32, #tpu.memory_space<vmem>>, vector<16xf32>,
        %xor3A_283 = arith.xori %convert_element_type3A_185, %mul3A_204 : vector<16xi32>
        %xor3A_284 = arith.xori %xor3A_283, %add3A_213 : vector<16xi32>
        %and3A_285 = arith.constant 524287 : i32
        %and3A_286 = vector.broadcast %and3A_285 : i32 to vector<16xi32>
        %and3A_287 = arith.andi %xor3A_284, %and3A_286 : vector<16xi32>
        %add3A_288 = vector.broadcast %mul3A_72 : i32 to vector<16xi32>
        %add3A_289 = arith.addi %and3A_287, %add3A_288 : vector<16xi32>
        %add3A_290 = arith.constant 2048 : i32
        %add3A_291 = arith.addi %add3A_290, %mul3A_167 : i32
        %swap3A_292 = arith.index_cast %add3A_291 : i32 to index
        %swap3A_293 = tpu.vector_load %arg10[%swap3A_292] {strides = array<i32>} : memref<4096xi32, #tpu.memory_space<vmem>>, vector<16xi32>,
        tpu.vector_store %arg10[%swap3A_292], %add3A_289 {strides = array<i32>} : memref<4096xi32, #tpu.memory_space<vmem>>, vector<16xi32>,
        %mul3A_294 = arith.mulf %sub3A_195, %sub3A_198 : vector<16xf32>
        %mul3A_295 = arith.mulf %mul3A_294, %sub3A_192 : vector<16xf32>
        %add3A_296 = arith.constant 6144 : i32
        %add3A_297 = arith.addi %add3A_296, %mul3A_167 : i32
        %swap3A_298 = arith.index_cast %add3A_297 : i32 to index
        %swap3A_299 = tpu.vector_load %arg12[%swap3A_298] {strides = array<i32>} : memref<8192xf32, #tpu.memory_space<vmem>>, vector<16xf32>,
        tpu.vector_store %arg12[%swap3A_298], %mul3A_295 {strides = array<i32>} : memref<8192xf32, #tpu.memory_space<vmem>>, vector<16xf32>,
        %xor3A_300 = arith.xori %add3A_216, %mul3A_204 : vector<16xi32>
        %xor3A_301 = arith.xori %xor3A_300, %add3A_213 : vector<16xi32>
        %and3A_302 = arith.constant 524287 : i32
        %and3A_303 = vector.broadcast %and3A_302 : i32 to vector<16xi32>
        %and3A_304 = arith.andi %xor3A_301, %and3A_303 : vector<16xi32>
        %add3A_305 = vector.broadcast %mul3A_72 : i32 to vector<16xi32>
        %add3A_306 = arith.addi %and3A_304, %add3A_305 : vector<16xi32>
        %add3A_307 = arith.constant 2560 : i32
        %add3A_308 = arith.addi %add3A_307, %mul3A_167 : i32
        %swap3A_309 = arith.index_cast %add3A_308 : i32 to index
        %swap3A_310 = tpu.vector_load %arg10[%swap3A_309] {strides = array<i32>} : memref<4096xi32, #tpu.memory_space<vmem>>, vector<16xi32>,
        tpu.vector_store %arg10[%swap3A_309], %add3A_306 {strides = array<i32>} : memref<4096xi32, #tpu.memory_space<vmem>>, vector<16xi32>,
        %mul3A_311 = arith.mulf %sub3A, %sub3A_198 : vector<16xf32>
        %mul3A_312 = arith.mulf %mul3A_311, %sub3A_192 : vector<16xf32>
        %add3A_313 = arith.constant 6656 : i32
        %add3A_314 = arith.addi %add3A_313, %mul3A_167 : i32
        %swap3A_315 = arith.index_cast %add3A_314 : i32 to index
        %swap3A_316 = tpu.vector_load %arg12[%swap3A_315] {strides = array<i32>} : memref<8192xf32, #tpu.memory_space<vmem>>, vector<16xf32>,
        tpu.vector_store %arg12[%swap3A_315], %mul3A_312 {strides = array<i32>} : memref<8192xf32, #tpu.memory_space<vmem>>, vector<16xf32>,
        %xor3A_317 = arith.xori %convert_element_type3A_185, %add3A_207 : vector<16xi32>
        %xor3A_318 = arith.xori %xor3A_317, %add3A_213 : vector<16xi32>
        %and3A_319 = arith.constant 524287 : i32
        %and3A_320 = vector.broadcast %and3A_319 : i32 to vector<16xi32>
        %and3A_321 = arith.andi %xor3A_318, %and3A_320 : vector<16xi32>
        %add3A_322 = vector.broadcast %mul3A_72 : i32 to vector<16xi32>
        %add3A_323 = arith.addi %and3A_321, %add3A_322 : vector<16xi32>
        %add3A_324 = arith.constant 3072 : i32
        %add3A_325 = arith.addi %add3A_324, %mul3A_167 : i32
        %swap3A_326 = arith.index_cast %add3A_325 : i32 to index
        %swap3A_327 = tpu.vector_load %arg10[%swap3A_326] {strides = array<i32>} : memref<4096xi32, #tpu.memory_space<vmem>>, vector<16xi32>,
        tpu.vector_store %arg10[%swap3A_326], %add3A_323 {strides = array<i32>} : memref<4096xi32, #tpu.memory_space<vmem>>, vector<16xi32>,
        %mul3A_328 = arith.mulf %sub3A_195, %sub3A_190 : vector<16xf32>
        %mul3A_329 = arith.mulf %mul3A_328, %sub3A_192 : vector<16xf32>
        %add3A_330 = arith.constant 7168 : i32
        %add3A_331 = arith.addi %add3A_330, %mul3A_167 : i32
        %swap3A_332 = arith.index_cast %add3A_331 : i32 to index
        %swap3A_333 = tpu.vector_load %arg12[%swap3A_332] {strides = array<i32>} : memref<8192xf32, #tpu.memory_space<vmem>>, vector<16xf32>,
        tpu.vector_store %arg12[%swap3A_332], %mul3A_329 {strides = array<i32>} : memref<8192xf32, #tpu.memory_space<vmem>>, vector<16xf32>,
        %xor3A_334 = arith.xori %add3A_216, %add3A_207 : vector<16xi32>
        %xor3A_335 = arith.xori %xor3A_334, %add3A_213 : vector<16xi32>
        %and3A_336 = arith.constant 524287 : i32
        %and3A_337 = vector.broadcast %and3A_336 : i32 to vector<16xi32>
        %and3A_338 = arith.andi %xor3A_335, %and3A_337 : vector<16xi32>
        %add3A_339 = vector.broadcast %mul3A_72 : i32 to vector<16xi32>
        %add3A_340 = arith.addi %and3A_338, %add3A_339 : vector<16xi32>
        %add3A_341 = arith.constant 3584 : i32
        %add3A_342 = arith.addi %add3A_341, %mul3A_167 : i32
        %swap3A_343 = arith.index_cast %add3A_342 : i32 to index
        %swap3A_344 = tpu.vector_load %arg10[%swap3A_343] {strides = array<i32>} : memref<4096xi32, #tpu.memory_space<vmem>>, vector<16xi32>,
        tpu.vector_store %arg10[%swap3A_343], %add3A_340 {strides = array<i32>} : memref<4096xi32, #tpu.memory_space<vmem>>, vector<16xi32>,
        %mul3A_345 = arith.mulf %sub3A, %sub3A_190 : vector<16xf32>
        %mul3A_346 = arith.mulf %mul3A_345, %sub3A_192 : vector<16xf32>
        %add3A_347 = arith.constant 7680 : i32
        %add3A_348 = arith.addi %add3A_347, %mul3A_167 : i32
        %swap3A_349 = arith.index_cast %add3A_348 : i32 to index
        %swap3A_350 = tpu.vector_load %arg12[%swap3A_349] {strides = array<i32>} : memref<8192xf32, #tpu.memory_space<vmem>>, vector<16xf32>,
        tpu.vector_store %arg12[%swap3A_349], %mul3A_346 {strides = array<i32>} : memref<8192xf32, #tpu.memory_space<vmem>>, vector<16xf32>,
      }
      %scan3A_77 = arith.constant 32 : i32
      %scan3A_78 = arith.constant 0 : i32
      %scan3A_79 = arith.constant 256 : i32
      %scan3A_80 = arith.addi %scan3A_78, %scan3A_79 : i32
      %scan3A_81 = arith.constant 1 : i32
      scf.for %scan3A_162 = %scan3A_78 to %scan3A_80 step %scan3A_81  : i32 {
        %mul3A_163 = arith.constant 16 : i32
        %mul3A_164 = arith.muli %scan3A_162, %mul3A_163 : i32
        %add3A_165 = arith.constant 0 : i32
        %add3A_166 = arith.addi %mul3A_164, %add3A_165 : i32
        %add3A_167 = vector.broadcast %add3A_166 : i32 to vector<16xi32>
        %add3A_168 = arith.addi %add3A_167, %shift_right_logical3A_8 : vector<16xi32>
        %gather3A_169 = tpu.vector_load_idx %arg10[%add3A_168] : memref<4096xi32, #tpu.memory_space<vmem>>[vector<16xi32>], vector<16xi32>,
        %add3A_170 = arith.addi %gather3A_169, %mul3A_13 : vector<16xi32>
        %mul3A_171 = arith.constant 64 : i32
        %mul3A_172 = arith.muli %scan3A_162, %mul3A_171 : i32
        %add3A_173 = arith.constant 16384 : i32
        %add3A_174 = arith.addi %add3A_173, %mul3A_172 : i32
        %add3A_175 = arith.constant 0 : i32
        %add3A_176 = arith.addi %add3A_174, %add3A_175 : i32
        %swap3A = arith.index_cast %add3A_176 : i32 to index
        %swap3A_177 = tpu.vector_load %arg11[%swap3A] {strides = array<i32>} : memref<32768xi32, #tpu.memory_space<vmem>>, vector<16xi32>,
        tpu.vector_store %arg11[%swap3A], %add3A_170 {strides = array<i32>} : memref<32768xi32, #tpu.memory_space<vmem>>, vector<16xi32>,
        %mul3A_178 = arith.constant 16 : i32
        %mul3A_179 = arith.muli %scan3A_162, %mul3A_178 : i32
        %add3A_180 = arith.constant 4 : i32
        %add3A_181 = arith.addi %mul3A_179, %add3A_180 : i32
        %add3A_182 = vector.broadcast %add3A_181 : i32 to vector<16xi32>
        %add3A_183 = arith.addi %add3A_182, %shift_right_logical3A_8 : vector<16xi32>
        %gather3A_184 = tpu.vector_load_idx %arg10[%add3A_183] : memref<4096xi32, #tpu.memory_space<vmem>>[vector<16xi32>], vector<16xi32>,
        %add3A_185 = arith.addi %gather3A_184, %mul3A_13 : vector<16xi32>
        %mul3A_186 = arith.constant 64 : i32
        %mul3A_187 = arith.muli %scan3A_162, %mul3A_186 : i32
        %add3A_188 = arith.constant 16384 : i32
        %add3A_189 = arith.addi %add3A_188, %mul3A_187 : i32
        %add3A_190 = arith.constant 16 : i32
        %add3A_191 = arith.addi %add3A_189, %add3A_190 : i32
        %swap3A_192 = arith.index_cast %add3A_191 : i32 to index
        %swap3A_193 = tpu.vector_load %arg11[%swap3A_192] {strides = array<i32>} : memref<32768xi32, #tpu.memory_space<vmem>>, vector<16xi32>,
        tpu.vector_store %arg11[%swap3A_192], %add3A_185 {strides = array<i32>} : memref<32768xi32, #tpu.memory_space<vmem>>, vector<16xi32>,
        %mul3A_194 = arith.constant 16 : i32
        %mul3A_195 = arith.muli %scan3A_162, %mul3A_194 : i32
        %add3A_196 = arith.constant 8 : i32
        %add3A_197 = arith.addi %mul3A_195, %add3A_196 : i32
        %add3A_198 = vector.broadcast %add3A_197 : i32 to vector<16xi32>
        %add3A_199 = arith.addi %add3A_198, %shift_right_logical3A_8 : vector<16xi32>
        %gather3A_200 = tpu.vector_load_idx %arg10[%add3A_199] : memref<4096xi32, #tpu.memory_space<vmem>>[vector<16xi32>], vector<16xi32>,
        %add3A_201 = arith.addi %gather3A_200, %mul3A_13 : vector<16xi32>
        %mul3A_202 = arith.constant 64 : i32
        %mul3A_203 = arith.muli %scan3A_162, %mul3A_202 : i32
        %add3A_204 = arith.constant 16384 : i32
        %add3A_205 = arith.addi %add3A_204, %mul3A_203 : i32
        %add3A_206 = arith.constant 32 : i32
        %add3A_207 = arith.addi %add3A_205, %add3A_206 : i32
        %swap3A_208 = arith.index_cast %add3A_207 : i32 to index
        %swap3A_209 = tpu.vector_load %arg11[%swap3A_208] {strides = array<i32>} : memref<32768xi32, #tpu.memory_space<vmem>>, vector<16xi32>,
        tpu.vector_store %arg11[%swap3A_208], %add3A_201 {strides = array<i32>} : memref<32768xi32, #tpu.memory_space<vmem>>, vector<16xi32>,
        %mul3A_210 = arith.constant 16 : i32
        %mul3A_211 = arith.muli %scan3A_162, %mul3A_210 : i32
        %add3A_212 = arith.constant 12 : i32
        %add3A_213 = arith.addi %mul3A_211, %add3A_212 : i32
        %add3A_214 = vector.broadcast %add3A_213 : i32 to vector<16xi32>
        %add3A_215 = arith.addi %add3A_214, %shift_right_logical3A_8 : vector<16xi32>
        %gather3A_216 = tpu.vector_load_idx %arg10[%add3A_215] : memref<4096xi32, #tpu.memory_space<vmem>>[vector<16xi32>], vector<16xi32>,
        %add3A_217 = arith.addi %gather3A_216, %mul3A_13 : vector<16xi32>
        %mul3A_218 = arith.constant 64 : i32
        %mul3A_219 = arith.muli %scan3A_162, %mul3A_218 : i32
        %add3A_220 = arith.constant 16384 : i32
        %add3A_221 = arith.addi %add3A_220, %mul3A_219 : i32
        %add3A_222 = arith.constant 48 : i32
        %add3A_223 = arith.addi %add3A_221, %add3A_222 : i32
        %swap3A_224 = arith.index_cast %add3A_223 : i32 to index
        %swap3A_225 = tpu.vector_load %arg11[%swap3A_224] {strides = array<i32>} : memref<32768xi32, #tpu.memory_space<vmem>>, vector<16xi32>,
        tpu.vector_store %arg11[%swap3A_224], %add3A_217 {strides = array<i32>} : memref<32768xi32, #tpu.memory_space<vmem>>, vector<16xi32>,
      }
      %scan3A_82 = arith.constant 256 : i32
      %dma_start3A_83 = arith.constant 16384 : i32
      %dma_start3A_84 = tpu.memref_slice %arg13[%dma_start3A_83] : memref<32768xf32, #tpu.memory_space<vmem>> -> memref<16384xf32, #tpu.memory_space<vmem>>
      %dma_start3A_85 = arith.constant 16384 : i32
      %dma_start3A_86 = tpu.memref_slice %arg11[%dma_start3A_85] : memref<32768xi32, #tpu.memory_space<vmem>> -> memref<16384xi32, #tpu.memory_space<vmem>>
      %dma_start3A_87 = arith.constant 0 : i32
      %dma_start3A_88 = tpu.memref_slice %arg4[%dma_start3A_87] : memref<16777216xf32, #tpu.memory_space<hbm>> -> memref<16777216xf32, #tpu.memory_space<hbm>>
      tpu.enqueue_indirect_dma source(%dma_start3A_88 : memref<16777216xf32, #tpu.memory_space<hbm>>) target(%dma_start3A_84 : memref<16384xf32, #tpu.memory_space<vmem>>) offsets(%dma_start3A_86 : memref<16384xi32, #tpu.memory_space<vmem>>) semaphore(%arg16 : memref<!tpu.dma_semaphore, #tpu.memory_space<semaphore_mem>>)
      %dma_wait3A_89 = arith.constant 0 : i32
      %dma_wait3A_90 = tpu.memref_slice %arg13[%dma_wait3A_89] : memref<32768xf32, #tpu.memory_space<vmem>> -> memref<16384xf32, #tpu.memory_space<vmem>>
      %dma_wait3A_91 = arith.constant 0 : i32
      %dma_wait3A_92 = tpu.memref_slice %arg11[%dma_wait3A_91] : memref<32768xi32, #tpu.memory_space<vmem>> -> memref<16384xi32, #tpu.memory_space<vmem>>
      %dma_wait3A_93 = arith.constant 0 : i32
      %dma_wait3A_94 = tpu.memref_slice %arg4[%dma_wait3A_93] : memref<16777216xf32, #tpu.memory_space<hbm>> -> memref<16777216xf32, #tpu.memory_space<hbm>>
      tpu.wait_indirect_dma semaphore(%arg15 : memref<!tpu.dma_semaphore, #tpu.memory_space<semaphore_mem>>) src(%dma_wait3A_94 : memref<16777216xf32, #tpu.memory_space<hbm>>) dst(%dma_wait3A_90 : memref<16384xf32, #tpu.memory_space<vmem>>)
      %shift_right_logical3A_95 = arith.constant 3 : i32
      %shift_right_logical3A_96 = arith.shrui %mul3A_62, %shift_right_logical3A_95 : i32
      %and3A_97 = arith.constant 7 : i32
      %and3A_98 = arith.andi %mul3A_62, %and3A_97 : i32
      %mul3A_99 = arith.constant 512 : i32
      %mul3A_100 = arith.muli %and3A_98, %mul3A_99 : i32
      %mul3A_101 = arith.constant 524288 : i32
      %mul3A_102 = arith.muli %shift_right_logical3A_96, %mul3A_101 : i32
      %add3A_103 = arith.addi %mul3A_2, %mul3A_100 : i32
      %mul3A_104 = arith.constant 4 : i32
      %mul3A_105 = arith.muli %add3A_103, %mul3A_104 : i32
      %add3A_106 = arith.addi %mul3A_102, %mul3A_105 : i32
      %ge3A = arith.constant 1 : i32
      %ge3A_107 = arith.cmpi sge, %scan3A_60, %ge3A : i32
      %convert_element_type3A = arith.extui %ge3A_107 : i1 to i32
      %cond3A = arith.constant 0 : i32
      %cond3A_108 = arith.cmpi ne, %convert_element_type3A, %cond3A : i32
      scf.if %cond3A_108 {
        %dma_wait3A_162 = arith.constant 0 : i32
        %dma_wait3A_163 = tpu.memref_slice %arg14[%dma_wait3A_162] : memref<4096xf32, #tpu.memory_space<vmem>> -> memref<2048xf32, #tpu.memory_space<vmem>>
        %dma_wait3A_164 = tpu.memref_slice %arg5[%add3A_106] : memref<4194304xf32, #tpu.memory_space<hbm>> -> memref<2048xf32, #tpu.memory_space<hbm>>
        %dma_wait3A_165 = tpu.memref_slice %arg5[%add3A_106] : memref<4194304xf32, #tpu.memory_space<hbm>> -> memref<2048xf32, #tpu.memory_space<hbm>>
        %dma_wait3A_166 = arith.constant 0 : i32
        %dma_wait3A_167 = tpu.memref_slice %arg14[%dma_wait3A_166] : memref<4096xf32, #tpu.memory_space<vmem>> -> memref<2048xf32, #tpu.memory_space<vmem>>
        tpu.wait_dma2 semaphore(%arg17 : memref<!tpu.dma_semaphore, #tpu.memory_space<semaphore_mem>>) src(%dma_wait3A_167 : memref<2048xf32, #tpu.memory_space<vmem>>) dst(%dma_wait3A_165 : memref<2048xf32, #tpu.memory_space<hbm>>)
      } else {
      }
      %scan3A_109 = arith.constant 0 : i32
      %scan3A_110 = arith.constant 32 : i32
      %scan3A_111 = arith.addi %scan3A_109, %scan3A_110 : i32
      %scan3A_112 = arith.constant 1 : i32
      scf.for %scan3A_162 = %scan3A_109 to %scan3A_111 step %scan3A_112  : i32 {
        %mul3A_163 = arith.constant 16 : i32
        %mul3A_164 = arith.muli %scan3A_162, %mul3A_163 : i32
        %add3A_165 = arith.constant 0 : i32
        %add3A_166 = arith.addi %mul3A_164, %add3A_165 : i32
        %broadcast_in_dim3A_167 = arith.constant 0.000000e+00 : f32
        %broadcast_in_dim3A_168 = vector.broadcast %broadcast_in_dim3A_167 : f32 to vector<16xf32>
        %add3A_169 = arith.constant 0 : i32
        %add3A_170 = arith.addi %add3A_169, %add3A_166 : i32
        %mul3A_171 = arith.constant 4 : i32
        %mul3A_172 = arith.muli %add3A_170, %mul3A_171 : i32
        %add3A_173 = arith.constant 0 : i32
        %add3A_174 = arith.addi %add3A_173, %mul3A_172 : i32
        %get3A = arith.index_cast %add3A_174 : i32 to index
        %get3A_175 = tpu.vector_load %arg13[%get3A] {strides = array<i32>} : memref<32768xf32, #tpu.memory_space<vmem>>, vector<16xf32>,
        %add3A_176 = arith.constant 0 : i32
        %add3A_177 = arith.addi %add3A_176, %add3A_166 : i32
        %add3A_178 = vector.broadcast %add3A_177 : i32 to vector<16xi32>
        %add3A_179 = arith.addi %add3A_178, %shift_right_logical3A_8 : vector<16xi32>
        %gather3A_180 = tpu.vector_load_idx %arg12[%add3A_179] : memref<8192xf32, #tpu.memory_space<vmem>>[vector<16xi32>], vector<16xf32>,
        %mul3A_181 = arith.mulf %gather3A_180, %get3A_175 : vector<16xf32>
        %add3A_182 = arith.addf %broadcast_in_dim3A_168, %mul3A_181 : vector<16xf32>
        %add3A_183 = arith.constant 512 : i32
        %add3A_184 = arith.addi %add3A_183, %add3A_166 : i32
        %mul3A_185 = arith.constant 4 : i32
        %mul3A_186 = arith.muli %add3A_184, %mul3A_185 : i32
        %add3A_187 = arith.constant 0 : i32
        %add3A_188 = arith.addi %add3A_187, %mul3A_186 : i32
        %get3A_189 = arith.index_cast %add3A_188 : i32 to index
        %get3A_190 = tpu.vector_load %arg13[%get3A_189] {strides = array<i32>} : memref<32768xf32, #tpu.memory_space<vmem>>, vector<16xf32>,
        %add3A_191 = arith.constant 512 : i32
        %add3A_192 = arith.addi %add3A_191, %add3A_166 : i32
        %add3A_193 = vector.broadcast %add3A_192 : i32 to vector<16xi32>
        %add3A_194 = arith.addi %add3A_193, %shift_right_logical3A_8 : vector<16xi32>
        %gather3A_195 = tpu.vector_load_idx %arg12[%add3A_194] : memref<8192xf32, #tpu.memory_space<vmem>>[vector<16xi32>], vector<16xf32>,
        %mul3A_196 = arith.mulf %gather3A_195, %get3A_190 : vector<16xf32>
        %add3A_197 = arith.addf %add3A_182, %mul3A_196 : vector<16xf32>
        %add3A_198 = arith.constant 1024 : i32
        %add3A_199 = arith.addi %add3A_198, %add3A_166 : i32
        %mul3A_200 = arith.constant 4 : i32
        %mul3A_201 = arith.muli %add3A_199, %mul3A_200 : i32
        %add3A_202 = arith.constant 0 : i32
        %add3A_203 = arith.addi %add3A_202, %mul3A_201 : i32
        %get3A_204 = arith.index_cast %add3A_203 : i32 to index
        %get3A_205 = tpu.vector_load %arg13[%get3A_204] {strides = array<i32>} : memref<32768xf32, #tpu.memory_space<vmem>>, vector<16xf32>,
        %add3A_206 = arith.constant 1024 : i32
        %add3A_207 = arith.addi %add3A_206, %add3A_166 : i32
        %add3A_208 = vector.broadcast %add3A_207 : i32 to vector<16xi32>
        %add3A_209 = arith.addi %add3A_208, %shift_right_logical3A_8 : vector<16xi32>
        %gather3A_210 = tpu.vector_load_idx %arg12[%add3A_209] : memref<8192xf32, #tpu.memory_space<vmem>>[vector<16xi32>], vector<16xf32>,
        %mul3A_211 = arith.mulf %gather3A_210, %get3A_205 : vector<16xf32>
        %add3A_212 = arith.addf %add3A_197, %mul3A_211 : vector<16xf32>
        %add3A_213 = arith.constant 1536 : i32
        %add3A_214 = arith.addi %add3A_213, %add3A_166 : i32
        %mul3A_215 = arith.constant 4 : i32
        %mul3A_216 = arith.muli %add3A_214, %mul3A_215 : i32
        %add3A_217 = arith.constant 0 : i32
        %add3A_218 = arith.addi %add3A_217, %mul3A_216 : i32
        %get3A_219 = arith.index_cast %add3A_218 : i32 to index
        %get3A_220 = tpu.vector_load %arg13[%get3A_219] {strides = array<i32>} : memref<32768xf32, #tpu.memory_space<vmem>>, vector<16xf32>,
        %add3A_221 = arith.constant 1536 : i32
        %add3A_222 = arith.addi %add3A_221, %add3A_166 : i32
        %add3A_223 = vector.broadcast %add3A_222 : i32 to vector<16xi32>
        %add3A_224 = arith.addi %add3A_223, %shift_right_logical3A_8 : vector<16xi32>
        %gather3A_225 = tpu.vector_load_idx %arg12[%add3A_224] : memref<8192xf32, #tpu.memory_space<vmem>>[vector<16xi32>], vector<16xf32>,
        %mul3A_226 = arith.mulf %gather3A_225, %get3A_220 : vector<16xf32>
        %add3A_227 = arith.addf %add3A_212, %mul3A_226 : vector<16xf32>
        %add3A_228 = arith.constant 2048 : i32
        %add3A_229 = arith.addi %add3A_228, %add3A_166 : i32
        %mul3A_230 = arith.constant 4 : i32
        %mul3A_231 = arith.muli %add3A_229, %mul3A_230 : i32
        %add3A_232 = arith.constant 0 : i32
        %add3A_233 = arith.addi %add3A_232, %mul3A_231 : i32
        %get3A_234 = arith.index_cast %add3A_233 : i32 to index
        %get3A_235 = tpu.vector_load %arg13[%get3A_234] {strides = array<i32>} : memref<32768xf32, #tpu.memory_space<vmem>>, vector<16xf32>,
        %add3A_236 = arith.constant 2048 : i32
        %add3A_237 = arith.addi %add3A_236, %add3A_166 : i32
        %add3A_238 = vector.broadcast %add3A_237 : i32 to vector<16xi32>
        %add3A_239 = arith.addi %add3A_238, %shift_right_logical3A_8 : vector<16xi32>
        %gather3A_240 = tpu.vector_load_idx %arg12[%add3A_239] : memref<8192xf32, #tpu.memory_space<vmem>>[vector<16xi32>], vector<16xf32>,
        %mul3A_241 = arith.mulf %gather3A_240, %get3A_235 : vector<16xf32>
        %add3A_242 = arith.addf %add3A_227, %mul3A_241 : vector<16xf32>
        %add3A_243 = arith.constant 2560 : i32
        %add3A_244 = arith.addi %add3A_243, %add3A_166 : i32
        %mul3A_245 = arith.constant 4 : i32
        %mul3A_246 = arith.muli %add3A_244, %mul3A_245 : i32
        %add3A_247 = arith.constant 0 : i32
        %add3A_248 = arith.addi %add3A_247, %mul3A_246 : i32
        %get3A_249 = arith.index_cast %add3A_248 : i32 to index
        %get3A_250 = tpu.vector_load %arg13[%get3A_249] {strides = array<i32>} : memref<32768xf32, #tpu.memory_space<vmem>>, vector<16xf32>,
        %add3A_251 = arith.constant 2560 : i32
        %add3A_252 = arith.addi %add3A_251, %add3A_166 : i32
        %add3A_253 = vector.broadcast %add3A_252 : i32 to vector<16xi32>
        %add3A_254 = arith.addi %add3A_253, %shift_right_logical3A_8 : vector<16xi32>
        %gather3A_255 = tpu.vector_load_idx %arg12[%add3A_254] : memref<8192xf32, #tpu.memory_space<vmem>>[vector<16xi32>], vector<16xf32>,
        %mul3A_256 = arith.mulf %gather3A_255, %get3A_250 : vector<16xf32>
        %add3A_257 = arith.addf %add3A_242, %mul3A_256 : vector<16xf32>
        %add3A_258 = arith.constant 3072 : i32
        %add3A_259 = arith.addi %add3A_258, %add3A_166 : i32
        %mul3A_260 = arith.constant 4 : i32
        %mul3A_261 = arith.muli %add3A_259, %mul3A_260 : i32
        %add3A_262 = arith.constant 0 : i32
        %add3A_263 = arith.addi %add3A_262, %mul3A_261 : i32
        %get3A_264 = arith.index_cast %add3A_263 : i32 to index
        %get3A_265 = tpu.vector_load %arg13[%get3A_264] {strides = array<i32>} : memref<32768xf32, #tpu.memory_space<vmem>>, vector<16xf32>,
        %add3A_266 = arith.constant 3072 : i32
        %add3A_267 = arith.addi %add3A_266, %add3A_166 : i32
        %add3A_268 = vector.broadcast %add3A_267 : i32 to vector<16xi32>
        %add3A_269 = arith.addi %add3A_268, %shift_right_logical3A_8 : vector<16xi32>
        %gather3A_270 = tpu.vector_load_idx %arg12[%add3A_269] : memref<8192xf32, #tpu.memory_space<vmem>>[vector<16xi32>], vector<16xf32>,
        %mul3A_271 = arith.mulf %gather3A_270, %get3A_265 : vector<16xf32>
        %add3A_272 = arith.addf %add3A_257, %mul3A_271 : vector<16xf32>
        %add3A_273 = arith.constant 3584 : i32
        %add3A_274 = arith.addi %add3A_273, %add3A_166 : i32
        %mul3A_275 = arith.constant 4 : i32
        %mul3A_276 = arith.muli %add3A_274, %mul3A_275 : i32
        %add3A_277 = arith.constant 0 : i32
        %add3A_278 = arith.addi %add3A_277, %mul3A_276 : i32
        %get3A_279 = arith.index_cast %add3A_278 : i32 to index
        %get3A_280 = tpu.vector_load %arg13[%get3A_279] {strides = array<i32>} : memref<32768xf32, #tpu.memory_space<vmem>>, vector<16xf32>,
        %add3A_281 = arith.constant 3584 : i32
        %add3A_282 = arith.addi %add3A_281, %add3A_166 : i32
        %add3A_283 = vector.broadcast %add3A_282 : i32 to vector<16xi32>
        %add3A_284 = arith.addi %add3A_283, %shift_right_logical3A_8 : vector<16xi32>
        %gather3A_285 = tpu.vector_load_idx %arg12[%add3A_284] : memref<8192xf32, #tpu.memory_space<vmem>>[vector<16xi32>], vector<16xf32>,
        %mul3A_286 = arith.mulf %gather3A_285, %get3A_280 : vector<16xf32>
        %add3A_287 = arith.addf %add3A_272, %mul3A_286 : vector<16xf32>
        %mul3A_288 = arith.constant 4 : i32
        %mul3A_289 = arith.muli %mul3A_164, %mul3A_288 : i32
        %add3A_290 = arith.constant 0 : i32
        %add3A_291 = arith.addi %add3A_290, %mul3A_289 : i32
        %add3A_292 = arith.constant 0 : i32
        %add3A_293 = arith.addi %add3A_291, %add3A_292 : i32
        %swap3A = arith.index_cast %add3A_293 : i32 to index
        %swap3A_294 = tpu.vector_load %arg14[%swap3A] {strides = array<i32>} : memref<4096xf32, #tpu.memory_space<vmem>>, vector<16xf32>,
        tpu.vector_store %arg14[%swap3A], %add3A_287 {strides = array<i32>} : memref<4096xf32, #tpu.memory_space<vmem>>, vector<16xf32>,
        %add3A_295 = arith.constant 4 : i32
        %add3A_296 = arith.addi %mul3A_164, %add3A_295 : i32
        %broadcast_in_dim3A_297 = arith.constant 0.000000e+00 : f32
        %broadcast_in_dim3A_298 = vector.broadcast %broadcast_in_dim3A_297 : f32 to vector<16xf32>
        %add3A_299 = arith.constant 0 : i32
        %add3A_300 = arith.addi %add3A_299, %add3A_296 : i32
        %mul3A_301 = arith.constant 4 : i32
        %mul3A_302 = arith.muli %add3A_300, %mul3A_301 : i32
        %add3A_303 = arith.constant 0 : i32
        %add3A_304 = arith.addi %add3A_303, %mul3A_302 : i32
        %get3A_305 = arith.index_cast %add3A_304 : i32 to index
        %get3A_306 = tpu.vector_load %arg13[%get3A_305] {strides = array<i32>} : memref<32768xf32, #tpu.memory_space<vmem>>, vector<16xf32>,
        %add3A_307 = arith.constant 0 : i32
        %add3A_308 = arith.addi %add3A_307, %add3A_296 : i32
        %add3A_309 = vector.broadcast %add3A_308 : i32 to vector<16xi32>
        %add3A_310 = arith.addi %add3A_309, %shift_right_logical3A_8 : vector<16xi32>
        %gather3A_311 = tpu.vector_load_idx %arg12[%add3A_310] : memref<8192xf32, #tpu.memory_space<vmem>>[vector<16xi32>], vector<16xf32>,
        %mul3A_312 = arith.mulf %gather3A_311, %get3A_306 : vector<16xf32>
        %add3A_313 = arith.addf %broadcast_in_dim3A_298, %mul3A_312 : vector<16xf32>
        %add3A_314 = arith.constant 512 : i32
        %add3A_315 = arith.addi %add3A_314, %add3A_296 : i32
        %mul3A_316 = arith.constant 4 : i32
        %mul3A_317 = arith.muli %add3A_315, %mul3A_316 : i32
        %add3A_318 = arith.constant 0 : i32
        %add3A_319 = arith.addi %add3A_318, %mul3A_317 : i32
        %get3A_320 = arith.index_cast %add3A_319 : i32 to index
        %get3A_321 = tpu.vector_load %arg13[%get3A_320] {strides = array<i32>} : memref<32768xf32, #tpu.memory_space<vmem>>, vector<16xf32>,
        %add3A_322 = arith.constant 512 : i32
        %add3A_323 = arith.addi %add3A_322, %add3A_296 : i32
        %add3A_324 = vector.broadcast %add3A_323 : i32 to vector<16xi32>
        %add3A_325 = arith.addi %add3A_324, %shift_right_logical3A_8 : vector<16xi32>
        %gather3A_326 = tpu.vector_load_idx %arg12[%add3A_325] : memref<8192xf32, #tpu.memory_space<vmem>>[vector<16xi32>], vector<16xf32>,
        %mul3A_327 = arith.mulf %gather3A_326, %get3A_321 : vector<16xf32>
        %add3A_328 = arith.addf %add3A_313, %mul3A_327 : vector<16xf32>
        %add3A_329 = arith.constant 1024 : i32
        %add3A_330 = arith.addi %add3A_329, %add3A_296 : i32
        %mul3A_331 = arith.constant 4 : i32
        %mul3A_332 = arith.muli %add3A_330, %mul3A_331 : i32
        %add3A_333 = arith.constant 0 : i32
        %add3A_334 = arith.addi %add3A_333, %mul3A_332 : i32
        %get3A_335 = arith.index_cast %add3A_334 : i32 to index
        %get3A_336 = tpu.vector_load %arg13[%get3A_335] {strides = array<i32>} : memref<32768xf32, #tpu.memory_space<vmem>>, vector<16xf32>,
        %add3A_337 = arith.constant 1024 : i32
        %add3A_338 = arith.addi %add3A_337, %add3A_296 : i32
        %add3A_339 = vector.broadcast %add3A_338 : i32 to vector<16xi32>
        %add3A_340 = arith.addi %add3A_339, %shift_right_logical3A_8 : vector<16xi32>
        %gather3A_341 = tpu.vector_load_idx %arg12[%add3A_340] : memref<8192xf32, #tpu.memory_space<vmem>>[vector<16xi32>], vector<16xf32>,
        %mul3A_342 = arith.mulf %gather3A_341, %get3A_336 : vector<16xf32>
        %add3A_343 = arith.addf %add3A_328, %mul3A_342 : vector<16xf32>
        %add3A_344 = arith.constant 1536 : i32
        %add3A_345 = arith.addi %add3A_344, %add3A_296 : i32
        %mul3A_346 = arith.constant 4 : i32
        %mul3A_347 = arith.muli %add3A_345, %mul3A_346 : i32
        %add3A_348 = arith.constant 0 : i32
        %add3A_349 = arith.addi %add3A_348, %mul3A_347 : i32
        %get3A_350 = arith.index_cast %add3A_349 : i32 to index
        %get3A_351 = tpu.vector_load %arg13[%get3A_350] {strides = array<i32>} : memref<32768xf32, #tpu.memory_space<vmem>>, vector<16xf32>,
        %add3A_352 = arith.constant 1536 : i32
        %add3A_353 = arith.addi %add3A_352, %add3A_296 : i32
        %add3A_354 = vector.broadcast %add3A_353 : i32 to vector<16xi32>
        %add3A_355 = arith.addi %add3A_354, %shift_right_logical3A_8 : vector<16xi32>
        %gather3A_356 = tpu.vector_load_idx %arg12[%add3A_355] : memref<8192xf32, #tpu.memory_space<vmem>>[vector<16xi32>], vector<16xf32>,
        %mul3A_357 = arith.mulf %gather3A_356, %get3A_351 : vector<16xf32>
        %add3A_358 = arith.addf %add3A_343, %mul3A_357 : vector<16xf32>
        %add3A_359 = arith.constant 2048 : i32
        %add3A_360 = arith.addi %add3A_359, %add3A_296 : i32
        %mul3A_361 = arith.constant 4 : i32
        %mul3A_362 = arith.muli %add3A_360, %mul3A_361 : i32
        %add3A_363 = arith.constant 0 : i32
        %add3A_364 = arith.addi %add3A_363, %mul3A_362 : i32
        %get3A_365 = arith.index_cast %add3A_364 : i32 to index
        %get3A_366 = tpu.vector_load %arg13[%get3A_365] {strides = array<i32>} : memref<32768xf32, #tpu.memory_space<vmem>>, vector<16xf32>,
        %add3A_367 = arith.constant 2048 : i32
        %add3A_368 = arith.addi %add3A_367, %add3A_296 : i32
        %add3A_369 = vector.broadcast %add3A_368 : i32 to vector<16xi32>
        %add3A_370 = arith.addi %add3A_369, %shift_right_logical3A_8 : vector<16xi32>
        %gather3A_371 = tpu.vector_load_idx %arg12[%add3A_370] : memref<8192xf32, #tpu.memory_space<vmem>>[vector<16xi32>], vector<16xf32>,
        %mul3A_372 = arith.mulf %gather3A_371, %get3A_366 : vector<16xf32>
        %add3A_373 = arith.addf %add3A_358, %mul3A_372 : vector<16xf32>
        %add3A_374 = arith.constant 2560 : i32
        %add3A_375 = arith.addi %add3A_374, %add3A_296 : i32
        %mul3A_376 = arith.constant 4 : i32
        %mul3A_377 = arith.muli %add3A_375, %mul3A_376 : i32
        %add3A_378 = arith.constant 0 : i32
        %add3A_379 = arith.addi %add3A_378, %mul3A_377 : i32
        %get3A_380 = arith.index_cast %add3A_379 : i32 to index
        %get3A_381 = tpu.vector_load %arg13[%get3A_380] {strides = array<i32>} : memref<32768xf32, #tpu.memory_space<vmem>>, vector<16xf32>,
        %add3A_382 = arith.constant 2560 : i32
        %add3A_383 = arith.addi %add3A_382, %add3A_296 : i32
        %add3A_384 = vector.broadcast %add3A_383 : i32 to vector<16xi32>
        %add3A_385 = arith.addi %add3A_384, %shift_right_logical3A_8 : vector<16xi32>
        %gather3A_386 = tpu.vector_load_idx %arg12[%add3A_385] : memref<8192xf32, #tpu.memory_space<vmem>>[vector<16xi32>], vector<16xf32>,
        %mul3A_387 = arith.mulf %gather3A_386, %get3A_381 : vector<16xf32>
        %add3A_388 = arith.addf %add3A_373, %mul3A_387 : vector<16xf32>
        %add3A_389 = arith.constant 3072 : i32
        %add3A_390 = arith.addi %add3A_389, %add3A_296 : i32
        %mul3A_391 = arith.constant 4 : i32
        %mul3A_392 = arith.muli %add3A_390, %mul3A_391 : i32
        %add3A_393 = arith.constant 0 : i32
        %add3A_394 = arith.addi %add3A_393, %mul3A_392 : i32
        %get3A_395 = arith.index_cast %add3A_394 : i32 to index
        %get3A_396 = tpu.vector_load %arg13[%get3A_395] {strides = array<i32>} : memref<32768xf32, #tpu.memory_space<vmem>>, vector<16xf32>,
        %add3A_397 = arith.constant 3072 : i32
        %add3A_398 = arith.addi %add3A_397, %add3A_296 : i32
        %add3A_399 = vector.broadcast %add3A_398 : i32 to vector<16xi32>
        %add3A_400 = arith.addi %add3A_399, %shift_right_logical3A_8 : vector<16xi32>
        %gather3A_401 = tpu.vector_load_idx %arg12[%add3A_400] : memref<8192xf32, #tpu.memory_space<vmem>>[vector<16xi32>], vector<16xf32>,
        %mul3A_402 = arith.mulf %gather3A_401, %get3A_396 : vector<16xf32>
        %add3A_403 = arith.addf %add3A_388, %mul3A_402 : vector<16xf32>
        %add3A_404 = arith.constant 3584 : i32
        %add3A_405 = arith.addi %add3A_404, %add3A_296 : i32
        %mul3A_406 = arith.constant 4 : i32
        %mul3A_407 = arith.muli %add3A_405, %mul3A_406 : i32
        %add3A_408 = arith.constant 0 : i32
        %add3A_409 = arith.addi %add3A_408, %mul3A_407 : i32
        %get3A_410 = arith.index_cast %add3A_409 : i32 to index
        %get3A_411 = tpu.vector_load %arg13[%get3A_410] {strides = array<i32>} : memref<32768xf32, #tpu.memory_space<vmem>>, vector<16xf32>,
        %add3A_412 = arith.constant 3584 : i32
        %add3A_413 = arith.addi %add3A_412, %add3A_296 : i32
        %add3A_414 = vector.broadcast %add3A_413 : i32 to vector<16xi32>
        %add3A_415 = arith.addi %add3A_414, %shift_right_logical3A_8 : vector<16xi32>
        %gather3A_416 = tpu.vector_load_idx %arg12[%add3A_415] : memref<8192xf32, #tpu.memory_space<vmem>>[vector<16xi32>], vector<16xf32>,
        %mul3A_417 = arith.mulf %gather3A_416, %get3A_411 : vector<16xf32>
        %add3A_418 = arith.addf %add3A_403, %mul3A_417 : vector<16xf32>
        %mul3A_419 = arith.constant 4 : i32
        %mul3A_420 = arith.muli %mul3A_164, %mul3A_419 : i32
        %add3A_421 = arith.constant 0 : i32
        %add3A_422 = arith.addi %add3A_421, %mul3A_420 : i32
        %add3A_423 = arith.constant 16 : i32
        %add3A_424 = arith.addi %add3A_422, %add3A_423 : i32
        %swap3A_425 = arith.index_cast %add3A_424 : i32 to index
        %swap3A_426 = tpu.vector_load %arg14[%swap3A_425] {strides = array<i32>} : memref<4096xf32, #tpu.memory_space<vmem>>, vector<16xf32>,
        tpu.vector_store %arg14[%swap3A_425], %add3A_418 {strides = array<i32>} : memref<4096xf32, #tpu.memory_space<vmem>>, vector<16xf32>,
        %add3A_427 = arith.constant 8 : i32
        %add3A_428 = arith.addi %mul3A_164, %add3A_427 : i32
        %broadcast_in_dim3A_429 = arith.constant 0.000000e+00 : f32
        %broadcast_in_dim3A_430 = vector.broadcast %broadcast_in_dim3A_429 : f32 to vector<16xf32>
        %add3A_431 = arith.constant 0 : i32
        %add3A_432 = arith.addi %add3A_431, %add3A_428 : i32
        %mul3A_433 = arith.constant 4 : i32
        %mul3A_434 = arith.muli %add3A_432, %mul3A_433 : i32
        %add3A_435 = arith.constant 0 : i32
        %add3A_436 = arith.addi %add3A_435, %mul3A_434 : i32
        %get3A_437 = arith.index_cast %add3A_436 : i32 to index
        %get3A_438 = tpu.vector_load %arg13[%get3A_437] {strides = array<i32>} : memref<32768xf32, #tpu.memory_space<vmem>>, vector<16xf32>,
        %add3A_439 = arith.constant 0 : i32
        %add3A_440 = arith.addi %add3A_439, %add3A_428 : i32
        %add3A_441 = vector.broadcast %add3A_440 : i32 to vector<16xi32>
        %add3A_442 = arith.addi %add3A_441, %shift_right_logical3A_8 : vector<16xi32>
        %gather3A_443 = tpu.vector_load_idx %arg12[%add3A_442] : memref<8192xf32, #tpu.memory_space<vmem>>[vector<16xi32>], vector<16xf32>,
        %mul3A_444 = arith.mulf %gather3A_443, %get3A_438 : vector<16xf32>
        %add3A_445 = arith.addf %broadcast_in_dim3A_430, %mul3A_444 : vector<16xf32>
        %add3A_446 = arith.constant 512 : i32
        %add3A_447 = arith.addi %add3A_446, %add3A_428 : i32
        %mul3A_448 = arith.constant 4 : i32
        %mul3A_449 = arith.muli %add3A_447, %mul3A_448 : i32
        %add3A_450 = arith.constant 0 : i32
        %add3A_451 = arith.addi %add3A_450, %mul3A_449 : i32
        %get3A_452 = arith.index_cast %add3A_451 : i32 to index
        %get3A_453 = tpu.vector_load %arg13[%get3A_452] {strides = array<i32>} : memref<32768xf32, #tpu.memory_space<vmem>>, vector<16xf32>,
        %add3A_454 = arith.constant 512 : i32
        %add3A_455 = arith.addi %add3A_454, %add3A_428 : i32
        %add3A_456 = vector.broadcast %add3A_455 : i32 to vector<16xi32>
        %add3A_457 = arith.addi %add3A_456, %shift_right_logical3A_8 : vector<16xi32>
        %gather3A_458 = tpu.vector_load_idx %arg12[%add3A_457] : memref<8192xf32, #tpu.memory_space<vmem>>[vector<16xi32>], vector<16xf32>,
        %mul3A_459 = arith.mulf %gather3A_458, %get3A_453 : vector<16xf32>
        %add3A_460 = arith.addf %add3A_445, %mul3A_459 : vector<16xf32>
        %add3A_461 = arith.constant 1024 : i32
        %add3A_462 = arith.addi %add3A_461, %add3A_428 : i32
        %mul3A_463 = arith.constant 4 : i32
        %mul3A_464 = arith.muli %add3A_462, %mul3A_463 : i32
        %add3A_465 = arith.constant 0 : i32
        %add3A_466 = arith.addi %add3A_465, %mul3A_464 : i32
        %get3A_467 = arith.index_cast %add3A_466 : i32 to index
        %get3A_468 = tpu.vector_load %arg13[%get3A_467] {strides = array<i32>} : memref<32768xf32, #tpu.memory_space<vmem>>, vector<16xf32>,
        %add3A_469 = arith.constant 1024 : i32
        %add3A_470 = arith.addi %add3A_469, %add3A_428 : i32
        %add3A_471 = vector.broadcast %add3A_470 : i32 to vector<16xi32>
        %add3A_472 = arith.addi %add3A_471, %shift_right_logical3A_8 : vector<16xi32>
        %gather3A_473 = tpu.vector_load_idx %arg12[%add3A_472] : memref<8192xf32, #tpu.memory_space<vmem>>[vector<16xi32>], vector<16xf32>,
        %mul3A_474 = arith.mulf %gather3A_473, %get3A_468 : vector<16xf32>
        %add3A_475 = arith.addf %add3A_460, %mul3A_474 : vector<16xf32>
        %add3A_476 = arith.constant 1536 : i32
        %add3A_477 = arith.addi %add3A_476, %add3A_428 : i32
        %mul3A_478 = arith.constant 4 : i32
        %mul3A_479 = arith.muli %add3A_477, %mul3A_478 : i32
        %add3A_480 = arith.constant 0 : i32
        %add3A_481 = arith.addi %add3A_480, %mul3A_479 : i32
        %get3A_482 = arith.index_cast %add3A_481 : i32 to index
        %get3A_483 = tpu.vector_load %arg13[%get3A_482] {strides = array<i32>} : memref<32768xf32, #tpu.memory_space<vmem>>, vector<16xf32>,
        %add3A_484 = arith.constant 1536 : i32
        %add3A_485 = arith.addi %add3A_484, %add3A_428 : i32
        %add3A_486 = vector.broadcast %add3A_485 : i32 to vector<16xi32>
        %add3A_487 = arith.addi %add3A_486, %shift_right_logical3A_8 : vector<16xi32>
        %gather3A_488 = tpu.vector_load_idx %arg12[%add3A_487] : memref<8192xf32, #tpu.memory_space<vmem>>[vector<16xi32>], vector<16xf32>,
        %mul3A_489 = arith.mulf %gather3A_488, %get3A_483 : vector<16xf32>
        %add3A_490 = arith.addf %add3A_475, %mul3A_489 : vector<16xf32>
        %add3A_491 = arith.constant 2048 : i32
        %add3A_492 = arith.addi %add3A_491, %add3A_428 : i32
        %mul3A_493 = arith.constant 4 : i32
        %mul3A_494 = arith.muli %add3A_492, %mul3A_493 : i32
        %add3A_495 = arith.constant 0 : i32
        %add3A_496 = arith.addi %add3A_495, %mul3A_494 : i32
        %get3A_497 = arith.index_cast %add3A_496 : i32 to index
        %get3A_498 = tpu.vector_load %arg13[%get3A_497] {strides = array<i32>} : memref<32768xf32, #tpu.memory_space<vmem>>, vector<16xf32>,
        %add3A_499 = arith.constant 2048 : i32
        %add3A_500 = arith.addi %add3A_499, %add3A_428 : i32
        %add3A_501 = vector.broadcast %add3A_500 : i32 to vector<16xi32>
        %add3A_502 = arith.addi %add3A_501, %shift_right_logical3A_8 : vector<16xi32>
        %gather3A_503 = tpu.vector_load_idx %arg12[%add3A_502] : memref<8192xf32, #tpu.memory_space<vmem>>[vector<16xi32>], vector<16xf32>,
        %mul3A_504 = arith.mulf %gather3A_503, %get3A_498 : vector<16xf32>
        %add3A_505 = arith.addf %add3A_490, %mul3A_504 : vector<16xf32>
        %add3A_506 = arith.constant 2560 : i32
        %add3A_507 = arith.addi %add3A_506, %add3A_428 : i32
        %mul3A_508 = arith.constant 4 : i32
        %mul3A_509 = arith.muli %add3A_507, %mul3A_508 : i32
        %add3A_510 = arith.constant 0 : i32
        %add3A_511 = arith.addi %add3A_510, %mul3A_509 : i32
        %get3A_512 = arith.index_cast %add3A_511 : i32 to index
        %get3A_513 = tpu.vector_load %arg13[%get3A_512] {strides = array<i32>} : memref<32768xf32, #tpu.memory_space<vmem>>, vector<16xf32>,
        %add3A_514 = arith.constant 2560 : i32
        %add3A_515 = arith.addi %add3A_514, %add3A_428 : i32
        %add3A_516 = vector.broadcast %add3A_515 : i32 to vector<16xi32>
        %add3A_517 = arith.addi %add3A_516, %shift_right_logical3A_8 : vector<16xi32>
        %gather3A_518 = tpu.vector_load_idx %arg12[%add3A_517] : memref<8192xf32, #tpu.memory_space<vmem>>[vector<16xi32>], vector<16xf32>,
        %mul3A_519 = arith.mulf %gather3A_518, %get3A_513 : vector<16xf32>
        %add3A_520 = arith.addf %add3A_505, %mul3A_519 : vector<16xf32>
        %add3A_521 = arith.constant 3072 : i32
        %add3A_522 = arith.addi %add3A_521, %add3A_428 : i32
        %mul3A_523 = arith.constant 4 : i32
        %mul3A_524 = arith.muli %add3A_522, %mul3A_523 : i32
        %add3A_525 = arith.constant 0 : i32
        %add3A_526 = arith.addi %add3A_525, %mul3A_524 : i32
        %get3A_527 = arith.index_cast %add3A_526 : i32 to index
        %get3A_528 = tpu.vector_load %arg13[%get3A_527] {strides = array<i32>} : memref<32768xf32, #tpu.memory_space<vmem>>, vector<16xf32>,
        %add3A_529 = arith.constant 3072 : i32
        %add3A_530 = arith.addi %add3A_529, %add3A_428 : i32
        %add3A_531 = vector.broadcast %add3A_530 : i32 to vector<16xi32>
        %add3A_532 = arith.addi %add3A_531, %shift_right_logical3A_8 : vector<16xi32>
        %gather3A_533 = tpu.vector_load_idx %arg12[%add3A_532] : memref<8192xf32, #tpu.memory_space<vmem>>[vector<16xi32>], vector<16xf32>,
        %mul3A_534 = arith.mulf %gather3A_533, %get3A_528 : vector<16xf32>
        %add3A_535 = arith.addf %add3A_520, %mul3A_534 : vector<16xf32>
        %add3A_536 = arith.constant 3584 : i32
        %add3A_537 = arith.addi %add3A_536, %add3A_428 : i32
        %mul3A_538 = arith.constant 4 : i32
        %mul3A_539 = arith.muli %add3A_537, %mul3A_538 : i32
        %add3A_540 = arith.constant 0 : i32
        %add3A_541 = arith.addi %add3A_540, %mul3A_539 : i32
        %get3A_542 = arith.index_cast %add3A_541 : i32 to index
        %get3A_543 = tpu.vector_load %arg13[%get3A_542] {strides = array<i32>} : memref<32768xf32, #tpu.memory_space<vmem>>, vector<16xf32>,
        %add3A_544 = arith.constant 3584 : i32
        %add3A_545 = arith.addi %add3A_544, %add3A_428 : i32
        %add3A_546 = vector.broadcast %add3A_545 : i32 to vector<16xi32>
        %add3A_547 = arith.addi %add3A_546, %shift_right_logical3A_8 : vector<16xi32>
        %gather3A_548 = tpu.vector_load_idx %arg12[%add3A_547] : memref<8192xf32, #tpu.memory_space<vmem>>[vector<16xi32>], vector<16xf32>,
        %mul3A_549 = arith.mulf %gather3A_548, %get3A_543 : vector<16xf32>
        %add3A_550 = arith.addf %add3A_535, %mul3A_549 : vector<16xf32>
        %mul3A_551 = arith.constant 4 : i32
        %mul3A_552 = arith.muli %mul3A_164, %mul3A_551 : i32
        %add3A_553 = arith.constant 0 : i32
        %add3A_554 = arith.addi %add3A_553, %mul3A_552 : i32
        %add3A_555 = arith.constant 32 : i32
        %add3A_556 = arith.addi %add3A_554, %add3A_555 : i32
        %swap3A_557 = arith.index_cast %add3A_556 : i32 to index
        %swap3A_558 = tpu.vector_load %arg14[%swap3A_557] {strides = array<i32>} : memref<4096xf32, #tpu.memory_space<vmem>>, vector<16xf32>,
        tpu.vector_store %arg14[%swap3A_557], %add3A_550 {strides = array<i32>} : memref<4096xf32, #tpu.memory_space<vmem>>, vector<16xf32>,
        %add3A_559 = arith.constant 12 : i32
        %add3A_560 = arith.addi %mul3A_164, %add3A_559 : i32
        %broadcast_in_dim3A_561 = arith.constant 0.000000e+00 : f32
        %broadcast_in_dim3A_562 = vector.broadcast %broadcast_in_dim3A_561 : f32 to vector<16xf32>
        %add3A_563 = arith.constant 0 : i32
        %add3A_564 = arith.addi %add3A_563, %add3A_560 : i32
        %mul3A_565 = arith.constant 4 : i32
        %mul3A_566 = arith.muli %add3A_564, %mul3A_565 : i32
        %add3A_567 = arith.constant 0 : i32
        %add3A_568 = arith.addi %add3A_567, %mul3A_566 : i32
        %get3A_569 = arith.index_cast %add3A_568 : i32 to index
        %get3A_570 = tpu.vector_load %arg13[%get3A_569] {strides = array<i32>} : memref<32768xf32, #tpu.memory_space<vmem>>, vector<16xf32>,
        %add3A_571 = arith.constant 0 : i32
        %add3A_572 = arith.addi %add3A_571, %add3A_560 : i32
        %add3A_573 = vector.broadcast %add3A_572 : i32 to vector<16xi32>
        %add3A_574 = arith.addi %add3A_573, %shift_right_logical3A_8 : vector<16xi32>
        %gather3A_575 = tpu.vector_load_idx %arg12[%add3A_574] : memref<8192xf32, #tpu.memory_space<vmem>>[vector<16xi32>], vector<16xf32>,
        %mul3A_576 = arith.mulf %gather3A_575, %get3A_570 : vector<16xf32>
        %add3A_577 = arith.addf %broadcast_in_dim3A_562, %mul3A_576 : vector<16xf32>
        %add3A_578 = arith.constant 512 : i32
        %add3A_579 = arith.addi %add3A_578, %add3A_560 : i32
        %mul3A_580 = arith.constant 4 : i32
        %mul3A_581 = arith.muli %add3A_579, %mul3A_580 : i32
        %add3A_582 = arith.constant 0 : i32
        %add3A_583 = arith.addi %add3A_582, %mul3A_581 : i32
        %get3A_584 = arith.index_cast %add3A_583 : i32 to index
        %get3A_585 = tpu.vector_load %arg13[%get3A_584] {strides = array<i32>} : memref<32768xf32, #tpu.memory_space<vmem>>, vector<16xf32>,
        %add3A_586 = arith.constant 512 : i32
        %add3A_587 = arith.addi %add3A_586, %add3A_560 : i32
        %add3A_588 = vector.broadcast %add3A_587 : i32 to vector<16xi32>
        %add3A_589 = arith.addi %add3A_588, %shift_right_logical3A_8 : vector<16xi32>
        %gather3A_590 = tpu.vector_load_idx %arg12[%add3A_589] : memref<8192xf32, #tpu.memory_space<vmem>>[vector<16xi32>], vector<16xf32>,
        %mul3A_591 = arith.mulf %gather3A_590, %get3A_585 : vector<16xf32>
        %add3A_592 = arith.addf %add3A_577, %mul3A_591 : vector<16xf32>
        %add3A_593 = arith.constant 1024 : i32
        %add3A_594 = arith.addi %add3A_593, %add3A_560 : i32
        %mul3A_595 = arith.constant 4 : i32
        %mul3A_596 = arith.muli %add3A_594, %mul3A_595 : i32
        %add3A_597 = arith.constant 0 : i32
        %add3A_598 = arith.addi %add3A_597, %mul3A_596 : i32
        %get3A_599 = arith.index_cast %add3A_598 : i32 to index
        %get3A_600 = tpu.vector_load %arg13[%get3A_599] {strides = array<i32>} : memref<32768xf32, #tpu.memory_space<vmem>>, vector<16xf32>,
        %add3A_601 = arith.constant 1024 : i32
        %add3A_602 = arith.addi %add3A_601, %add3A_560 : i32
        %add3A_603 = vector.broadcast %add3A_602 : i32 to vector<16xi32>
        %add3A_604 = arith.addi %add3A_603, %shift_right_logical3A_8 : vector<16xi32>
        %gather3A_605 = tpu.vector_load_idx %arg12[%add3A_604] : memref<8192xf32, #tpu.memory_space<vmem>>[vector<16xi32>], vector<16xf32>,
        %mul3A_606 = arith.mulf %gather3A_605, %get3A_600 : vector<16xf32>
        %add3A_607 = arith.addf %add3A_592, %mul3A_606 : vector<16xf32>
        %add3A_608 = arith.constant 1536 : i32
        %add3A_609 = arith.addi %add3A_608, %add3A_560 : i32
        %mul3A_610 = arith.constant 4 : i32
        %mul3A_611 = arith.muli %add3A_609, %mul3A_610 : i32
        %add3A_612 = arith.constant 0 : i32
        %add3A_613 = arith.addi %add3A_612, %mul3A_611 : i32
        %get3A_614 = arith.index_cast %add3A_613 : i32 to index
        %get3A_615 = tpu.vector_load %arg13[%get3A_614] {strides = array<i32>} : memref<32768xf32, #tpu.memory_space<vmem>>, vector<16xf32>,
        %add3A_616 = arith.constant 1536 : i32
        %add3A_617 = arith.addi %add3A_616, %add3A_560 : i32
        %add3A_618 = vector.broadcast %add3A_617 : i32 to vector<16xi32>
        %add3A_619 = arith.addi %add3A_618, %shift_right_logical3A_8 : vector<16xi32>
        %gather3A_620 = tpu.vector_load_idx %arg12[%add3A_619] : memref<8192xf32, #tpu.memory_space<vmem>>[vector<16xi32>], vector<16xf32>,
        %mul3A_621 = arith.mulf %gather3A_620, %get3A_615 : vector<16xf32>
        %add3A_622 = arith.addf %add3A_607, %mul3A_621 : vector<16xf32>
        %add3A_623 = arith.constant 2048 : i32
        %add3A_624 = arith.addi %add3A_623, %add3A_560 : i32
        %mul3A_625 = arith.constant 4 : i32
        %mul3A_626 = arith.muli %add3A_624, %mul3A_625 : i32
        %add3A_627 = arith.constant 0 : i32
        %add3A_628 = arith.addi %add3A_627, %mul3A_626 : i32
        %get3A_629 = arith.index_cast %add3A_628 : i32 to index
        %get3A_630 = tpu.vector_load %arg13[%get3A_629] {strides = array<i32>} : memref<32768xf32, #tpu.memory_space<vmem>>, vector<16xf32>,
        %add3A_631 = arith.constant 2048 : i32
        %add3A_632 = arith.addi %add3A_631, %add3A_560 : i32
        %add3A_633 = vector.broadcast %add3A_632 : i32 to vector<16xi32>
        %add3A_634 = arith.addi %add3A_633, %shift_right_logical3A_8 : vector<16xi32>
        %gather3A_635 = tpu.vector_load_idx %arg12[%add3A_634] : memref<8192xf32, #tpu.memory_space<vmem>>[vector<16xi32>], vector<16xf32>,
        %mul3A_636 = arith.mulf %gather3A_635, %get3A_630 : vector<16xf32>
        %add3A_637 = arith.addf %add3A_622, %mul3A_636 : vector<16xf32>
        %add3A_638 = arith.constant 2560 : i32
        %add3A_639 = arith.addi %add3A_638, %add3A_560 : i32
        %mul3A_640 = arith.constant 4 : i32
        %mul3A_641 = arith.muli %add3A_639, %mul3A_640 : i32
        %add3A_642 = arith.constant 0 : i32
        %add3A_643 = arith.addi %add3A_642, %mul3A_641 : i32
        %get3A_644 = arith.index_cast %add3A_643 : i32 to index
        %get3A_645 = tpu.vector_load %arg13[%get3A_644] {strides = array<i32>} : memref<32768xf32, #tpu.memory_space<vmem>>, vector<16xf32>,
        %add3A_646 = arith.constant 2560 : i32
        %add3A_647 = arith.addi %add3A_646, %add3A_560 : i32
        %add3A_648 = vector.broadcast %add3A_647 : i32 to vector<16xi32>
        %add3A_649 = arith.addi %add3A_648, %shift_right_logical3A_8 : vector<16xi32>
        %gather3A_650 = tpu.vector_load_idx %arg12[%add3A_649] : memref<8192xf32, #tpu.memory_space<vmem>>[vector<16xi32>], vector<16xf32>,
        %mul3A_651 = arith.mulf %gather3A_650, %get3A_645 : vector<16xf32>
        %add3A_652 = arith.addf %add3A_637, %mul3A_651 : vector<16xf32>
        %add3A_653 = arith.constant 3072 : i32
        %add3A_654 = arith.addi %add3A_653, %add3A_560 : i32
        %mul3A_655 = arith.constant 4 : i32
        %mul3A_656 = arith.muli %add3A_654, %mul3A_655 : i32
        %add3A_657 = arith.constant 0 : i32
        %add3A_658 = arith.addi %add3A_657, %mul3A_656 : i32
        %get3A_659 = arith.index_cast %add3A_658 : i32 to index
        %get3A_660 = tpu.vector_load %arg13[%get3A_659] {strides = array<i32>} : memref<32768xf32, #tpu.memory_space<vmem>>, vector<16xf32>,
        %add3A_661 = arith.constant 3072 : i32
        %add3A_662 = arith.addi %add3A_661, %add3A_560 : i32
        %add3A_663 = vector.broadcast %add3A_662 : i32 to vector<16xi32>
        %add3A_664 = arith.addi %add3A_663, %shift_right_logical3A_8 : vector<16xi32>
        %gather3A_665 = tpu.vector_load_idx %arg12[%add3A_664] : memref<8192xf32, #tpu.memory_space<vmem>>[vector<16xi32>], vector<16xf32>,
        %mul3A_666 = arith.mulf %gather3A_665, %get3A_660 : vector<16xf32>
        %add3A_667 = arith.addf %add3A_652, %mul3A_666 : vector<16xf32>
        %add3A_668 = arith.constant 3584 : i32
        %add3A_669 = arith.addi %add3A_668, %add3A_560 : i32
        %mul3A_670 = arith.constant 4 : i32
        %mul3A_671 = arith.muli %add3A_669, %mul3A_670 : i32
        %add3A_672 = arith.constant 0 : i32
        %add3A_673 = arith.addi %add3A_672, %mul3A_671 : i32
        %get3A_674 = arith.index_cast %add3A_673 : i32 to index
        %get3A_675 = tpu.vector_load %arg13[%get3A_674] {strides = array<i32>} : memref<32768xf32, #tpu.memory_space<vmem>>, vector<16xf32>,
        %add3A_676 = arith.constant 3584 : i32
        %add3A_677 = arith.addi %add3A_676, %add3A_560 : i32
        %add3A_678 = vector.broadcast %add3A_677 : i32 to vector<16xi32>
        %add3A_679 = arith.addi %add3A_678, %shift_right_logical3A_8 : vector<16xi32>
        %gather3A_680 = tpu.vector_load_idx %arg12[%add3A_679] : memref<8192xf32, #tpu.memory_space<vmem>>[vector<16xi32>], vector<16xf32>,
        %mul3A_681 = arith.mulf %gather3A_680, %get3A_675 : vector<16xf32>
        %add3A_682 = arith.addf %add3A_667, %mul3A_681 : vector<16xf32>
        %mul3A_683 = arith.constant 4 : i32
        %mul3A_684 = arith.muli %mul3A_164, %mul3A_683 : i32
        %add3A_685 = arith.constant 0 : i32
        %add3A_686 = arith.addi %add3A_685, %mul3A_684 : i32
        %add3A_687 = arith.constant 48 : i32
        %add3A_688 = arith.addi %add3A_686, %add3A_687 : i32
        %swap3A_689 = arith.index_cast %add3A_688 : i32 to index
        %swap3A_690 = tpu.vector_load %arg14[%swap3A_689] {strides = array<i32>} : memref<4096xf32, #tpu.memory_space<vmem>>, vector<16xf32>,
        tpu.vector_store %arg14[%swap3A_689], %add3A_682 {strides = array<i32>} : memref<4096xf32, #tpu.memory_space<vmem>>, vector<16xf32>,
      }
      %scan3A_113 = arith.constant 32 : i32
      %dma_start3A_114 = arith.constant 0 : i32
      %dma_start3A_115 = tpu.memref_slice %arg14[%dma_start3A_114] : memref<4096xf32, #tpu.memory_space<vmem>> -> memref<2048xf32, #tpu.memory_space<vmem>>
      %dma_start3A_116 = tpu.memref_slice %arg5[%add3A_106] : memref<4194304xf32, #tpu.memory_space<hbm>> -> memref<2048xf32, #tpu.memory_space<hbm>>
      %dma_start3A_117 = tpu.memref_slice %arg5[%add3A_106] : memref<4194304xf32, #tpu.memory_space<hbm>> -> memref<2048xf32, #tpu.memory_space<hbm>>
      %dma_start3A_118 = arith.constant 0 : i32
      %dma_start3A_119 = tpu.memref_slice %arg14[%dma_start3A_118] : memref<4096xf32, #tpu.memory_space<vmem>> -> memref<2048xf32, #tpu.memory_space<vmem>>
      tpu.enqueue_dma source(%dma_start3A_119 : memref<2048xf32, #tpu.memory_space<vmem>>) target(%dma_start3A_117 : memref<2048xf32, #tpu.memory_space<hbm>>) target_semaphore(%arg17 : memref<!tpu.dma_semaphore, #tpu.memory_space<semaphore_mem>>)
      %add3A_120 = arith.constant 2 : i32
      %add3A_121 = arith.addi %mul3A_62, %add3A_120 : i32
      %lt3A = arith.constant 64 : i32
      %lt3A_122 = arith.cmpi slt, %add3A_121, %lt3A : i32
      %convert_element_type3A_123 = arith.extui %lt3A_122 : i1 to i32
      %cond3A_124 = arith.constant 0 : i32
      %cond3A_125 = arith.cmpi ne, %convert_element_type3A_123, %cond3A_124 : i32
      scf.if %cond3A_125 {
        %add3A_162 = arith.constant 2 : i32
        %add3A_163 = arith.addi %mul3A_62, %add3A_162 : i32
        %shift_right_logical3A_164 = arith.constant 3 : i32
        %shift_right_logical3A_165 = arith.shrui %add3A_163, %shift_right_logical3A_164 : i32
        %and3A_166 = arith.constant 7 : i32
        %and3A_167 = arith.andi %add3A_163, %and3A_166 : i32
        %mul3A_168 = arith.constant 512 : i32
        %mul3A_169 = arith.muli %and3A_167, %mul3A_168 : i32
        %broadcast_in_dim3A_170 = vector.broadcast %shift_right_logical3A_165 : i32 to vector<16xi32>
        %gather3A_171 = tpu.vector_load_idx %arg9[%broadcast_in_dim3A_170] : memref<16xf32, #tpu.memory_space<vmem>>[vector<16xi32>], vector<16xf32>,
        %mul3A_172 = arith.muli %shift_right_logical3A_165, %scan3A_39 : i32
        %scan3A_173 = arith.constant 0 : i32
        %scan3A_174 = arith.constant 32 : i32
        %scan3A_175 = arith.addi %scan3A_173, %scan3A_174 : i32
        %scan3A_176 = arith.constant 1 : i32
        scf.for %scan3A_189 = %scan3A_173 to %scan3A_175 step %scan3A_176  : i32 {
          %mul3A_190 = arith.constant 16 : i32
          %mul3A_191 = arith.muli %scan3A_189, %mul3A_190 : i32
          %add3A_192 = arith.addi %mul3A_169, %mul3A_191 : i32
          %mul3A_193 = arith.constant 16 : i32
          %mul3A_194 = arith.muli %scan3A_189, %mul3A_193 : i32
          %get3A = arith.index_cast %add3A_192 : i32 to index
          %get3A_195 = tpu.vector_load %arg6[%get3A] {strides = array<i32>} : memref<4096xf32, #tpu.memory_space<vmem>>, vector<16xf32>,
          %mul3A_196 = arith.mulf %get3A_195, %gather3A_171 : vector<16xf32>
          %add3A_197 = arith.constant 5.000000e-01 : f32
          %add3A_198 = vector.broadcast %add3A_197 : f32 to vector<16xf32>
          %add3A_199 = arith.addf %mul3A_196, %add3A_198 : vector<16xf32>
          %get3A_200 = arith.index_cast %add3A_192 : i32 to index
          %get3A_201 = tpu.vector_load %arg7[%get3A_200] {strides = array<i32>} : memref<4096xf32, #tpu.memory_space<vmem>>, vector<16xf32>,
          %mul3A_202 = arith.mulf %get3A_201, %gather3A_171 : vector<16xf32>
          %add3A_203 = arith.constant 5.000000e-01 : f32
          %add3A_204 = vector.broadcast %add3A_203 : f32 to vector<16xf32>
          %add3A_205 = arith.addf %mul3A_202, %add3A_204 : vector<16xf32>
          %get3A_206 = arith.index_cast %add3A_192 : i32 to index
          %get3A_207 = tpu.vector_load %arg8[%get3A_206] {strides = array<i32>} : memref<4096xf32, #tpu.memory_space<vmem>>, vector<16xf32>,
          %mul3A_208 = arith.mulf %get3A_207, %gather3A_171 : vector<16xf32>
          %add3A_209 = arith.constant 5.000000e-01 : f32
          %add3A_210 = vector.broadcast %add3A_209 : f32 to vector<16xf32>
          %add3A_211 = arith.addf %mul3A_208, %add3A_210 : vector<16xf32>
          %convert_element_type3A_212 = arith.fptosi %add3A_199 : vector<16xf32> to vector<16xi32>
          %convert_element_type3A_213 = arith.fptosi %add3A_205 : vector<16xf32> to vector<16xi32>
          %convert_element_type3A_214 = arith.fptosi %add3A_211 : vector<16xf32> to vector<16xi32>
          %convert_element_type3A_215 = arith.sitofp %convert_element_type3A_212 : vector<16xi32> to vector<16xf32>
          %sub3A = arith.subf %add3A_199, %convert_element_type3A_215 : vector<16xf32>
          %convert_element_type3A_216 = arith.sitofp %convert_element_type3A_213 : vector<16xi32> to vector<16xf32>
          %sub3A_217 = arith.subf %add3A_205, %convert_element_type3A_216 : vector<16xf32>
          %convert_element_type3A_218 = arith.sitofp %convert_element_type3A_214 : vector<16xi32> to vector<16xf32>
          %sub3A_219 = arith.subf %add3A_211, %convert_element_type3A_218 : vector<16xf32>
          %sub3A_220 = arith.constant 1.000000e+00 : f32
          %sub3A_221 = vector.broadcast %sub3A_220 : f32 to vector<16xf32>
          %sub3A_222 = arith.subf %sub3A_221, %sub3A : vector<16xf32>
          %sub3A_223 = arith.constant 1.000000e+00 : f32
          %sub3A_224 = vector.broadcast %sub3A_223 : f32 to vector<16xf32>
          %sub3A_225 = arith.subf %sub3A_224, %sub3A_217 : vector<16xf32>
          %sub3A_226 = arith.constant 1.000000e+00 : f32
          %sub3A_227 = vector.broadcast %sub3A_226 : f32 to vector<16xf32>
          %sub3A_228 = arith.subf %sub3A_227, %sub3A_219 : vector<16xf32>
          %mul3A_229 = arith.constant -1640531535 : i32
          %mul3A_230 = vector.broadcast %mul3A_229 : i32 to vector<16xi32>
          %mul3A_231 = arith.muli %convert_element_type3A_213, %mul3A_230 : vector<16xi32>
          %add3A_232 = arith.constant -1640531535 : i32
          %add3A_233 = vector.broadcast %add3A_232 : i32 to vector<16xi32>
          %add3A_234 = arith.addi %mul3A_231, %add3A_233 : vector<16xi32>
          %mul3A_235 = arith.constant 805459861 : i32
          %mul3A_236 = vector.broadcast %mul3A_235 : i32 to vector<16xi32>
          %mul3A_237 = arith.muli %convert_element_type3A_214, %mul3A_236 : vector<16xi32>
          %add3A_238 = arith.constant 805459861 : i32
          %add3A_239 = vector.broadcast %add3A_238 : i32 to vector<16xi32>
          %add3A_240 = arith.addi %mul3A_237, %add3A_239 : vector<16xi32>
          %add3A_241 = arith.constant 1 : i32
          %add3A_242 = vector.broadcast %add3A_241 : i32 to vector<16xi32>
          %add3A_243 = arith.addi %convert_element_type3A_212, %add3A_242 : vector<16xi32>
          %xor3A = arith.xori %convert_element_type3A_212, %mul3A_231 : vector<16xi32>
          %xor3A_244 = arith.xori %xor3A, %mul3A_237 : vector<16xi32>
          %and3A_245 = arith.constant 524287 : i32
          %and3A_246 = vector.broadcast %and3A_245 : i32 to vector<16xi32>
          %and3A_247 = arith.andi %xor3A_244, %and3A_246 : vector<16xi32>
          %add3A_248 = vector.broadcast %mul3A_172 : i32 to vector<16xi32>
          %add3A_249 = arith.addi %and3A_247, %add3A_248 : vector<16xi32>
          %add3A_250 = arith.constant 0 : i32
          %add3A_251 = arith.addi %add3A_250, %mul3A_194 : i32
          %swap3A = arith.index_cast %add3A_251 : i32 to index
          %swap3A_252 = tpu.vector_load %arg10[%swap3A] {strides = array<i32>} : memref<4096xi32, #tpu.memory_space<vmem>>, vector<16xi32>,
          tpu.vector_store %arg10[%swap3A], %add3A_249 {strides = array<i32>} : memref<4096xi32, #tpu.memory_space<vmem>>, vector<16xi32>,
          %mul3A_253 = arith.mulf %sub3A_222, %sub3A_225 : vector<16xf32>
          %mul3A_254 = arith.mulf %mul3A_253, %sub3A_228 : vector<16xf32>
          %add3A_255 = arith.constant 0 : i32
          %add3A_256 = arith.addi %add3A_255, %mul3A_194 : i32
          %swap3A_257 = arith.index_cast %add3A_256 : i32 to index
          %swap3A_258 = tpu.vector_load %arg12[%swap3A_257] {strides = array<i32>} : memref<8192xf32, #tpu.memory_space<vmem>>, vector<16xf32>,
          tpu.vector_store %arg12[%swap3A_257], %mul3A_254 {strides = array<i32>} : memref<8192xf32, #tpu.memory_space<vmem>>, vector<16xf32>,
          %xor3A_259 = arith.xori %add3A_243, %mul3A_231 : vector<16xi32>
          %xor3A_260 = arith.xori %xor3A_259, %mul3A_237 : vector<16xi32>
          %and3A_261 = arith.constant 524287 : i32
          %and3A_262 = vector.broadcast %and3A_261 : i32 to vector<16xi32>
          %and3A_263 = arith.andi %xor3A_260, %and3A_262 : vector<16xi32>
          %add3A_264 = vector.broadcast %mul3A_172 : i32 to vector<16xi32>
          %add3A_265 = arith.addi %and3A_263, %add3A_264 : vector<16xi32>
          %add3A_266 = arith.constant 512 : i32
          %add3A_267 = arith.addi %add3A_266, %mul3A_194 : i32
          %swap3A_268 = arith.index_cast %add3A_267 : i32 to index
          %swap3A_269 = tpu.vector_load %arg10[%swap3A_268] {strides = array<i32>} : memref<4096xi32, #tpu.memory_space<vmem>>, vector<16xi32>,
          tpu.vector_store %arg10[%swap3A_268], %add3A_265 {strides = array<i32>} : memref<4096xi32, #tpu.memory_space<vmem>>, vector<16xi32>,
          %mul3A_270 = arith.mulf %sub3A, %sub3A_225 : vector<16xf32>
          %mul3A_271 = arith.mulf %mul3A_270, %sub3A_228 : vector<16xf32>
          %add3A_272 = arith.constant 512 : i32
          %add3A_273 = arith.addi %add3A_272, %mul3A_194 : i32
          %swap3A_274 = arith.index_cast %add3A_273 : i32 to index
          %swap3A_275 = tpu.vector_load %arg12[%swap3A_274] {strides = array<i32>} : memref<8192xf32, #tpu.memory_space<vmem>>, vector<16xf32>,
          tpu.vector_store %arg12[%swap3A_274], %mul3A_271 {strides = array<i32>} : memref<8192xf32, #tpu.memory_space<vmem>>, vector<16xf32>,
          %xor3A_276 = arith.xori %convert_element_type3A_212, %add3A_234 : vector<16xi32>
          %xor3A_277 = arith.xori %xor3A_276, %mul3A_237 : vector<16xi32>
          %and3A_278 = arith.constant 524287 : i32
          %and3A_279 = vector.broadcast %and3A_278 : i32 to vector<16xi32>
          %and3A_280 = arith.andi %xor3A_277, %and3A_279 : vector<16xi32>
          %add3A_281 = vector.broadcast %mul3A_172 : i32 to vector<16xi32>
          %add3A_282 = arith.addi %and3A_280, %add3A_281 : vector<16xi32>
          %add3A_283 = arith.constant 1024 : i32
          %add3A_284 = arith.addi %add3A_283, %mul3A_194 : i32
          %swap3A_285 = arith.index_cast %add3A_284 : i32 to index
          %swap3A_286 = tpu.vector_load %arg10[%swap3A_285] {strides = array<i32>} : memref<4096xi32, #tpu.memory_space<vmem>>, vector<16xi32>,
          tpu.vector_store %arg10[%swap3A_285], %add3A_282 {strides = array<i32>} : memref<4096xi32, #tpu.memory_space<vmem>>, vector<16xi32>,
          %mul3A_287 = arith.mulf %sub3A_222, %sub3A_217 : vector<16xf32>
          %mul3A_288 = arith.mulf %mul3A_287, %sub3A_228 : vector<16xf32>
          %add3A_289 = arith.constant 1024 : i32
          %add3A_290 = arith.addi %add3A_289, %mul3A_194 : i32
          %swap3A_291 = arith.index_cast %add3A_290 : i32 to index
          %swap3A_292 = tpu.vector_load %arg12[%swap3A_291] {strides = array<i32>} : memref<8192xf32, #tpu.memory_space<vmem>>, vector<16xf32>,
          tpu.vector_store %arg12[%swap3A_291], %mul3A_288 {strides = array<i32>} : memref<8192xf32, #tpu.memory_space<vmem>>, vector<16xf32>,
          %xor3A_293 = arith.xori %add3A_243, %add3A_234 : vector<16xi32>
          %xor3A_294 = arith.xori %xor3A_293, %mul3A_237 : vector<16xi32>
          %and3A_295 = arith.constant 524287 : i32
          %and3A_296 = vector.broadcast %and3A_295 : i32 to vector<16xi32>
          %and3A_297 = arith.andi %xor3A_294, %and3A_296 : vector<16xi32>
          %add3A_298 = vector.broadcast %mul3A_172 : i32 to vector<16xi32>
          %add3A_299 = arith.addi %and3A_297, %add3A_298 : vector<16xi32>
          %add3A_300 = arith.constant 1536 : i32
          %add3A_301 = arith.addi %add3A_300, %mul3A_194 : i32
          %swap3A_302 = arith.index_cast %add3A_301 : i32 to index
          %swap3A_303 = tpu.vector_load %arg10[%swap3A_302] {strides = array<i32>} : memref<4096xi32, #tpu.memory_space<vmem>>, vector<16xi32>,
          tpu.vector_store %arg10[%swap3A_302], %add3A_299 {strides = array<i32>} : memref<4096xi32, #tpu.memory_space<vmem>>, vector<16xi32>,
          %mul3A_304 = arith.mulf %sub3A, %sub3A_217 : vector<16xf32>
          %mul3A_305 = arith.mulf %mul3A_304, %sub3A_228 : vector<16xf32>
          %add3A_306 = arith.constant 1536 : i32
          %add3A_307 = arith.addi %add3A_306, %mul3A_194 : i32
          %swap3A_308 = arith.index_cast %add3A_307 : i32 to index
          %swap3A_309 = tpu.vector_load %arg12[%swap3A_308] {strides = array<i32>} : memref<8192xf32, #tpu.memory_space<vmem>>, vector<16xf32>,
          tpu.vector_store %arg12[%swap3A_308], %mul3A_305 {strides = array<i32>} : memref<8192xf32, #tpu.memory_space<vmem>>, vector<16xf32>,
          %xor3A_310 = arith.xori %convert_element_type3A_212, %mul3A_231 : vector<16xi32>
          %xor3A_311 = arith.xori %xor3A_310, %add3A_240 : vector<16xi32>
          %and3A_312 = arith.constant 524287 : i32
          %and3A_313 = vector.broadcast %and3A_312 : i32 to vector<16xi32>
          %and3A_314 = arith.andi %xor3A_311, %and3A_313 : vector<16xi32>
          %add3A_315 = vector.broadcast %mul3A_172 : i32 to vector<16xi32>
          %add3A_316 = arith.addi %and3A_314, %add3A_315 : vector<16xi32>
          %add3A_317 = arith.constant 2048 : i32
          %add3A_318 = arith.addi %add3A_317, %mul3A_194 : i32
          %swap3A_319 = arith.index_cast %add3A_318 : i32 to index
          %swap3A_320 = tpu.vector_load %arg10[%swap3A_319] {strides = array<i32>} : memref<4096xi32, #tpu.memory_space<vmem>>, vector<16xi32>,
          tpu.vector_store %arg10[%swap3A_319], %add3A_316 {strides = array<i32>} : memref<4096xi32, #tpu.memory_space<vmem>>, vector<16xi32>,
          %mul3A_321 = arith.mulf %sub3A_222, %sub3A_225 : vector<16xf32>
          %mul3A_322 = arith.mulf %mul3A_321, %sub3A_219 : vector<16xf32>
          %add3A_323 = arith.constant 2048 : i32
          %add3A_324 = arith.addi %add3A_323, %mul3A_194 : i32
          %swap3A_325 = arith.index_cast %add3A_324 : i32 to index
          %swap3A_326 = tpu.vector_load %arg12[%swap3A_325] {strides = array<i32>} : memref<8192xf32, #tpu.memory_space<vmem>>, vector<16xf32>,
          tpu.vector_store %arg12[%swap3A_325], %mul3A_322 {strides = array<i32>} : memref<8192xf32, #tpu.memory_space<vmem>>, vector<16xf32>,
          %xor3A_327 = arith.xori %add3A_243, %mul3A_231 : vector<16xi32>
          %xor3A_328 = arith.xori %xor3A_327, %add3A_240 : vector<16xi32>
          %and3A_329 = arith.constant 524287 : i32
          %and3A_330 = vector.broadcast %and3A_329 : i32 to vector<16xi32>
          %and3A_331 = arith.andi %xor3A_328, %and3A_330 : vector<16xi32>
          %add3A_332 = vector.broadcast %mul3A_172 : i32 to vector<16xi32>
          %add3A_333 = arith.addi %and3A_331, %add3A_332 : vector<16xi32>
          %add3A_334 = arith.constant 2560 : i32
          %add3A_335 = arith.addi %add3A_334, %mul3A_194 : i32
          %swap3A_336 = arith.index_cast %add3A_335 : i32 to index
          %swap3A_337 = tpu.vector_load %arg10[%swap3A_336] {strides = array<i32>} : memref<4096xi32, #tpu.memory_space<vmem>>, vector<16xi32>,
          tpu.vector_store %arg10[%swap3A_336], %add3A_333 {strides = array<i32>} : memref<4096xi32, #tpu.memory_space<vmem>>, vector<16xi32>,
          %mul3A_338 = arith.mulf %sub3A, %sub3A_225 : vector<16xf32>
          %mul3A_339 = arith.mulf %mul3A_338, %sub3A_219 : vector<16xf32>
          %add3A_340 = arith.constant 2560 : i32
          %add3A_341 = arith.addi %add3A_340, %mul3A_194 : i32
          %swap3A_342 = arith.index_cast %add3A_341 : i32 to index
          %swap3A_343 = tpu.vector_load %arg12[%swap3A_342] {strides = array<i32>} : memref<8192xf32, #tpu.memory_space<vmem>>, vector<16xf32>,
          tpu.vector_store %arg12[%swap3A_342], %mul3A_339 {strides = array<i32>} : memref<8192xf32, #tpu.memory_space<vmem>>, vector<16xf32>,
          %xor3A_344 = arith.xori %convert_element_type3A_212, %add3A_234 : vector<16xi32>
          %xor3A_345 = arith.xori %xor3A_344, %add3A_240 : vector<16xi32>
          %and3A_346 = arith.constant 524287 : i32
          %and3A_347 = vector.broadcast %and3A_346 : i32 to vector<16xi32>
          %and3A_348 = arith.andi %xor3A_345, %and3A_347 : vector<16xi32>
          %add3A_349 = vector.broadcast %mul3A_172 : i32 to vector<16xi32>
          %add3A_350 = arith.addi %and3A_348, %add3A_349 : vector<16xi32>
          %add3A_351 = arith.constant 3072 : i32
          %add3A_352 = arith.addi %add3A_351, %mul3A_194 : i32
          %swap3A_353 = arith.index_cast %add3A_352 : i32 to index
          %swap3A_354 = tpu.vector_load %arg10[%swap3A_353] {strides = array<i32>} : memref<4096xi32, #tpu.memory_space<vmem>>, vector<16xi32>,
          tpu.vector_store %arg10[%swap3A_353], %add3A_350 {strides = array<i32>} : memref<4096xi32, #tpu.memory_space<vmem>>, vector<16xi32>,
          %mul3A_355 = arith.mulf %sub3A_222, %sub3A_217 : vector<16xf32>
          %mul3A_356 = arith.mulf %mul3A_355, %sub3A_219 : vector<16xf32>
          %add3A_357 = arith.constant 3072 : i32
          %add3A_358 = arith.addi %add3A_357, %mul3A_194 : i32
          %swap3A_359 = arith.index_cast %add3A_358 : i32 to index
          %swap3A_360 = tpu.vector_load %arg12[%swap3A_359] {strides = array<i32>} : memref<8192xf32, #tpu.memory_space<vmem>>, vector<16xf32>,
          tpu.vector_store %arg12[%swap3A_359], %mul3A_356 {strides = array<i32>} : memref<8192xf32, #tpu.memory_space<vmem>>, vector<16xf32>,
          %xor3A_361 = arith.xori %add3A_243, %add3A_234 : vector<16xi32>
          %xor3A_362 = arith.xori %xor3A_361, %add3A_240 : vector<16xi32>
          %and3A_363 = arith.constant 524287 : i32
          %and3A_364 = vector.broadcast %and3A_363 : i32 to vector<16xi32>
          %and3A_365 = arith.andi %xor3A_362, %and3A_364 : vector<16xi32>
          %add3A_366 = vector.broadcast %mul3A_172 : i32 to vector<16xi32>
          %add3A_367 = arith.addi %and3A_365, %add3A_366 : vector<16xi32>
          %add3A_368 = arith.constant 3584 : i32
          %add3A_369 = arith.addi %add3A_368, %mul3A_194 : i32
          %swap3A_370 = arith.index_cast %add3A_369 : i32 to index
          %swap3A_371 = tpu.vector_load %arg10[%swap3A_370] {strides = array<i32>} : memref<4096xi32, #tpu.memory_space<vmem>>, vector<16xi32>,
          tpu.vector_store %arg10[%swap3A_370], %add3A_367 {strides = array<i32>} : memref<4096xi32, #tpu.memory_space<vmem>>, vector<16xi32>,
          %mul3A_372 = arith.mulf %sub3A, %sub3A_217 : vector<16xf32>
          %mul3A_373 = arith.mulf %mul3A_372, %sub3A_219 : vector<16xf32>
          %add3A_374 = arith.constant 3584 : i32
          %add3A_375 = arith.addi %add3A_374, %mul3A_194 : i32
          %swap3A_376 = arith.index_cast %add3A_375 : i32 to index
          %swap3A_377 = tpu.vector_load %arg12[%swap3A_376] {strides = array<i32>} : memref<8192xf32, #tpu.memory_space<vmem>>, vector<16xf32>,
          tpu.vector_store %arg12[%swap3A_376], %mul3A_373 {strides = array<i32>} : memref<8192xf32, #tpu.memory_space<vmem>>, vector<16xf32>,
        }
        %scan3A_177 = arith.constant 32 : i32
        %scan3A_178 = arith.constant 0 : i32
        %scan3A_179 = arith.constant 256 : i32
        %scan3A_180 = arith.addi %scan3A_178, %scan3A_179 : i32
        %scan3A_181 = arith.constant 1 : i32
        scf.for %scan3A_189 = %scan3A_178 to %scan3A_180 step %scan3A_181  : i32 {
          %mul3A_190 = arith.constant 16 : i32
          %mul3A_191 = arith.muli %scan3A_189, %mul3A_190 : i32
          %add3A_192 = arith.constant 0 : i32
          %add3A_193 = arith.addi %mul3A_191, %add3A_192 : i32
          %add3A_194 = vector.broadcast %add3A_193 : i32 to vector<16xi32>
          %add3A_195 = arith.addi %add3A_194, %shift_right_logical3A_8 : vector<16xi32>
          %gather3A_196 = tpu.vector_load_idx %arg10[%add3A_195] : memref<4096xi32, #tpu.memory_space<vmem>>[vector<16xi32>], vector<16xi32>,
          %add3A_197 = arith.addi %gather3A_196, %mul3A_13 : vector<16xi32>
          %mul3A_198 = arith.constant 64 : i32
          %mul3A_199 = arith.muli %scan3A_189, %mul3A_198 : i32
          %add3A_200 = arith.constant 0 : i32
          %add3A_201 = arith.addi %add3A_200, %mul3A_199 : i32
          %add3A_202 = arith.constant 0 : i32
          %add3A_203 = arith.addi %add3A_201, %add3A_202 : i32
          %swap3A = arith.index_cast %add3A_203 : i32 to index
          %swap3A_204 = tpu.vector_load %arg11[%swap3A] {strides = array<i32>} : memref<32768xi32, #tpu.memory_space<vmem>>, vector<16xi32>,
          tpu.vector_store %arg11[%swap3A], %add3A_197 {strides = array<i32>} : memref<32768xi32, #tpu.memory_space<vmem>>, vector<16xi32>,
          %mul3A_205 = arith.constant 16 : i32
          %mul3A_206 = arith.muli %scan3A_189, %mul3A_205 : i32
          %add3A_207 = arith.constant 4 : i32
          %add3A_208 = arith.addi %mul3A_206, %add3A_207 : i32
          %add3A_209 = vector.broadcast %add3A_208 : i32 to vector<16xi32>
          %add3A_210 = arith.addi %add3A_209, %shift_right_logical3A_8 : vector<16xi32>
          %gather3A_211 = tpu.vector_load_idx %arg10[%add3A_210] : memref<4096xi32, #tpu.memory_space<vmem>>[vector<16xi32>], vector<16xi32>,
          %add3A_212 = arith.addi %gather3A_211, %mul3A_13 : vector<16xi32>
          %mul3A_213 = arith.constant 64 : i32
          %mul3A_214 = arith.muli %scan3A_189, %mul3A_213 : i32
          %add3A_215 = arith.constant 0 : i32
          %add3A_216 = arith.addi %add3A_215, %mul3A_214 : i32
          %add3A_217 = arith.constant 16 : i32
          %add3A_218 = arith.addi %add3A_216, %add3A_217 : i32
          %swap3A_219 = arith.index_cast %add3A_218 : i32 to index
          %swap3A_220 = tpu.vector_load %arg11[%swap3A_219] {strides = array<i32>} : memref<32768xi32, #tpu.memory_space<vmem>>, vector<16xi32>,
          tpu.vector_store %arg11[%swap3A_219], %add3A_212 {strides = array<i32>} : memref<32768xi32, #tpu.memory_space<vmem>>, vector<16xi32>,
          %mul3A_221 = arith.constant 16 : i32
          %mul3A_222 = arith.muli %scan3A_189, %mul3A_221 : i32
          %add3A_223 = arith.constant 8 : i32
          %add3A_224 = arith.addi %mul3A_222, %add3A_223 : i32
          %add3A_225 = vector.broadcast %add3A_224 : i32 to vector<16xi32>
          %add3A_226 = arith.addi %add3A_225, %shift_right_logical3A_8 : vector<16xi32>
          %gather3A_227 = tpu.vector_load_idx %arg10[%add3A_226] : memref<4096xi32, #tpu.memory_space<vmem>>[vector<16xi32>], vector<16xi32>,
          %add3A_228 = arith.addi %gather3A_227, %mul3A_13 : vector<16xi32>
          %mul3A_229 = arith.constant 64 : i32
          %mul3A_230 = arith.muli %scan3A_189, %mul3A_229 : i32
          %add3A_231 = arith.constant 0 : i32
          %add3A_232 = arith.addi %add3A_231, %mul3A_230 : i32
          %add3A_233 = arith.constant 32 : i32
          %add3A_234 = arith.addi %add3A_232, %add3A_233 : i32
          %swap3A_235 = arith.index_cast %add3A_234 : i32 to index
          %swap3A_236 = tpu.vector_load %arg11[%swap3A_235] {strides = array<i32>} : memref<32768xi32, #tpu.memory_space<vmem>>, vector<16xi32>,
          tpu.vector_store %arg11[%swap3A_235], %add3A_228 {strides = array<i32>} : memref<32768xi32, #tpu.memory_space<vmem>>, vector<16xi32>,
          %mul3A_237 = arith.constant 16 : i32
          %mul3A_238 = arith.muli %scan3A_189, %mul3A_237 : i32
          %add3A_239 = arith.constant 12 : i32
          %add3A_240 = arith.addi %mul3A_238, %add3A_239 : i32
          %add3A_241 = vector.broadcast %add3A_240 : i32 to vector<16xi32>
          %add3A_242 = arith.addi %add3A_241, %shift_right_logical3A_8 : vector<16xi32>
          %gather3A_243 = tpu.vector_load_idx %arg10[%add3A_242] : memref<4096xi32, #tpu.memory_space<vmem>>[vector<16xi32>], vector<16xi32>,
          %add3A_244 = arith.addi %gather3A_243, %mul3A_13 : vector<16xi32>
          %mul3A_245 = arith.constant 64 : i32
          %mul3A_246 = arith.muli %scan3A_189, %mul3A_245 : i32
          %add3A_247 = arith.constant 0 : i32
          %add3A_248 = arith.addi %add3A_247, %mul3A_246 : i32
          %add3A_249 = arith.constant 48 : i32
          %add3A_250 = arith.addi %add3A_248, %add3A_249 : i32
          %swap3A_251 = arith.index_cast %add3A_250 : i32 to index
          %swap3A_252 = tpu.vector_load %arg11[%swap3A_251] {strides = array<i32>} : memref<32768xi32, #tpu.memory_space<vmem>>, vector<16xi32>,
          tpu.vector_store %arg11[%swap3A_251], %add3A_244 {strides = array<i32>} : memref<32768xi32, #tpu.memory_space<vmem>>, vector<16xi32>,
        }
        %scan3A_182 = arith.constant 256 : i32
        %dma_start3A_183 = arith.constant 0 : i32
        %dma_start3A_184 = tpu.memref_slice %arg13[%dma_start3A_183] : memref<32768xf32, #tpu.memory_space<vmem>> -> memref<16384xf32, #tpu.memory_space<vmem>>
        %dma_start3A_185 = arith.constant 0 : i32
        %dma_start3A_186 = tpu.memref_slice %arg11[%dma_start3A_185] : memref<32768xi32, #tpu.memory_space<vmem>> -> memref<16384xi32, #tpu.memory_space<vmem>>
        %dma_start3A_187 = arith.constant 0 : i32
        %dma_start3A_188 = tpu.memref_slice %arg4[%dma_start3A_187] : memref<16777216xf32, #tpu.memory_space<hbm>> -> memref<16777216xf32, #tpu.memory_space<hbm>>
        tpu.enqueue_indirect_dma source(%dma_start3A_188 : memref<16777216xf32, #tpu.memory_space<hbm>>) target(%dma_start3A_184 : memref<16384xf32, #tpu.memory_space<vmem>>) offsets(%dma_start3A_186 : memref<16384xi32, #tpu.memory_space<vmem>>) semaphore(%arg15 : memref<!tpu.dma_semaphore, #tpu.memory_space<semaphore_mem>>)
      } else {
      }
      %add3A_126 = arith.constant 1 : i32
      %add3A_127 = arith.addi %mul3A_62, %add3A_126 : i32
      %dma_wait3A_128 = arith.constant 16384 : i32
      %dma_wait3A_129 = tpu.memref_slice %arg13[%dma_wait3A_128] : memref<32768xf32, #tpu.memory_space<vmem>> -> memref<16384xf32, #tpu.memory_space<vmem>>
      %dma_wait3A_130 = arith.constant 16384 : i32
      %dma_wait3A_131 = tpu.memref_slice %arg11[%dma_wait3A_130] : memref<32768xi32, #tpu.memory_space<vmem>> -> memref<16384xi32, #tpu.memory_space<vmem>>
      %dma_wait3A_132 = arith.constant 0 : i32
      %dma_wait3A_133 = tpu.memref_slice %arg4[%dma_wait3A_132] : memref<16777216xf32, #tpu.memory_space<hbm>> -> memref<16777216xf32, #tpu.memory_space<hbm>>
      tpu.wait_indirect_dma semaphore(%arg16 : memref<!tpu.dma_semaphore, #tpu.memory_space<semaphore_mem>>) src(%dma_wait3A_133 : memref<16777216xf32, #tpu.memory_space<hbm>>) dst(%dma_wait3A_129 : memref<16384xf32, #tpu.memory_space<vmem>>)
      %shift_right_logical3A_134 = arith.constant 3 : i32
      %shift_right_logical3A_135 = arith.shrui %add3A_127, %shift_right_logical3A_134 : i32
      %and3A_136 = arith.constant 7 : i32
      %and3A_137 = arith.andi %add3A_127, %and3A_136 : i32
      %mul3A_138 = arith.constant 512 : i32
      %mul3A_139 = arith.muli %and3A_137, %mul3A_138 : i32
      %mul3A_140 = arith.constant 524288 : i32
      %mul3A_141 = arith.muli %shift_right_logical3A_135, %mul3A_140 : i32
      %add3A_142 = arith.addi %mul3A_2, %mul3A_139 : i32
      %mul3A_143 = arith.constant 4 : i32
      %mul3A_144 = arith.muli %add3A_142, %mul3A_143 : i32
      %add3A_145 = arith.addi %mul3A_141, %mul3A_144 : i32
      %ge3A_146 = arith.constant 1 : i32
      %ge3A_147 = arith.cmpi sge, %scan3A_60, %ge3A_146 : i32
      %convert_element_type3A_148 = arith.extui %ge3A_147 : i1 to i32
      %cond3A_149 = arith.constant 0 : i32
      %cond3A_150 = arith.cmpi ne, %convert_element_type3A_148, %cond3A_149 : i32
      scf.if %cond3A_150 {
        %dma_wait3A_162 = arith.constant 2048 : i32
        %dma_wait3A_163 = tpu.memref_slice %arg14[%dma_wait3A_162] : memref<4096xf32, #tpu.memory_space<vmem>> -> memref<2048xf32, #tpu.memory_space<vmem>>
        %dma_wait3A_164 = tpu.memref_slice %arg5[%add3A_145] : memref<4194304xf32, #tpu.memory_space<hbm>> -> memref<2048xf32, #tpu.memory_space<hbm>>
        %dma_wait3A_165 = tpu.memref_slice %arg5[%add3A_145] : memref<4194304xf32, #tpu.memory_space<hbm>> -> memref<2048xf32, #tpu.memory_space<hbm>>
        %dma_wait3A_166 = arith.constant 2048 : i32
        %dma_wait3A_167 = tpu.memref_slice %arg14[%dma_wait3A_166] : memref<4096xf32, #tpu.memory_space<vmem>> -> memref<2048xf32, #tpu.memory_space<vmem>>
        tpu.wait_dma2 semaphore(%arg18 : memref<!tpu.dma_semaphore, #tpu.memory_space<semaphore_mem>>) src(%dma_wait3A_167 : memref<2048xf32, #tpu.memory_space<vmem>>) dst(%dma_wait3A_165 : memref<2048xf32, #tpu.memory_space<hbm>>)
      } else {
      }
      %scan3A_151 = arith.constant 0 : i32
      %scan3A_152 = arith.constant 32 : i32
      %scan3A_153 = arith.addi %scan3A_151, %scan3A_152 : i32
      %scan3A_154 = arith.constant 1 : i32
      scf.for %scan3A_162 = %scan3A_151 to %scan3A_153 step %scan3A_154  : i32 {
        %mul3A_163 = arith.constant 16 : i32
        %mul3A_164 = arith.muli %scan3A_162, %mul3A_163 : i32
        %add3A_165 = arith.constant 0 : i32
        %add3A_166 = arith.addi %mul3A_164, %add3A_165 : i32
        %broadcast_in_dim3A_167 = arith.constant 0.000000e+00 : f32
        %broadcast_in_dim3A_168 = vector.broadcast %broadcast_in_dim3A_167 : f32 to vector<16xf32>
        %add3A_169 = arith.constant 0 : i32
        %add3A_170 = arith.addi %add3A_169, %add3A_166 : i32
        %mul3A_171 = arith.constant 4 : i32
        %mul3A_172 = arith.muli %add3A_170, %mul3A_171 : i32
        %add3A_173 = arith.constant 16384 : i32
        %add3A_174 = arith.addi %add3A_173, %mul3A_172 : i32
        %get3A = arith.index_cast %add3A_174 : i32 to index
        %get3A_175 = tpu.vector_load %arg13[%get3A] {strides = array<i32>} : memref<32768xf32, #tpu.memory_space<vmem>>, vector<16xf32>,
        %add3A_176 = arith.constant 4096 : i32
        %add3A_177 = arith.addi %add3A_176, %add3A_166 : i32
        %add3A_178 = vector.broadcast %add3A_177 : i32 to vector<16xi32>
        %add3A_179 = arith.addi %add3A_178, %shift_right_logical3A_8 : vector<16xi32>
        %gather3A_180 = tpu.vector_load_idx %arg12[%add3A_179] : memref<8192xf32, #tpu.memory_space<vmem>>[vector<16xi32>], vector<16xf32>,
        %mul3A_181 = arith.mulf %gather3A_180, %get3A_175 : vector<16xf32>
        %add3A_182 = arith.addf %broadcast_in_dim3A_168, %mul3A_181 : vector<16xf32>
        %add3A_183 = arith.constant 512 : i32
        %add3A_184 = arith.addi %add3A_183, %add3A_166 : i32
        %mul3A_185 = arith.constant 4 : i32
        %mul3A_186 = arith.muli %add3A_184, %mul3A_185 : i32
        %add3A_187 = arith.constant 16384 : i32
        %add3A_188 = arith.addi %add3A_187, %mul3A_186 : i32
        %get3A_189 = arith.index_cast %add3A_188 : i32 to index
        %get3A_190 = tpu.vector_load %arg13[%get3A_189] {strides = array<i32>} : memref<32768xf32, #tpu.memory_space<vmem>>, vector<16xf32>,
        %add3A_191 = arith.constant 4608 : i32
        %add3A_192 = arith.addi %add3A_191, %add3A_166 : i32
        %add3A_193 = vector.broadcast %add3A_192 : i32 to vector<16xi32>
        %add3A_194 = arith.addi %add3A_193, %shift_right_logical3A_8 : vector<16xi32>
        %gather3A_195 = tpu.vector_load_idx %arg12[%add3A_194] : memref<8192xf32, #tpu.memory_space<vmem>>[vector<16xi32>], vector<16xf32>,
        %mul3A_196 = arith.mulf %gather3A_195, %get3A_190 : vector<16xf32>
        %add3A_197 = arith.addf %add3A_182, %mul3A_196 : vector<16xf32>
        %add3A_198 = arith.constant 1024 : i32
        %add3A_199 = arith.addi %add3A_198, %add3A_166 : i32
        %mul3A_200 = arith.constant 4 : i32
        %mul3A_201 = arith.muli %add3A_199, %mul3A_200 : i32
        %add3A_202 = arith.constant 16384 : i32
        %add3A_203 = arith.addi %add3A_202, %mul3A_201 : i32
        %get3A_204 = arith.index_cast %add3A_203 : i32 to index
        %get3A_205 = tpu.vector_load %arg13[%get3A_204] {strides = array<i32>} : memref<32768xf32, #tpu.memory_space<vmem>>, vector<16xf32>,
        %add3A_206 = arith.constant 5120 : i32
        %add3A_207 = arith.addi %add3A_206, %add3A_166 : i32
        %add3A_208 = vector.broadcast %add3A_207 : i32 to vector<16xi32>
        %add3A_209 = arith.addi %add3A_208, %shift_right_logical3A_8 : vector<16xi32>
        %gather3A_210 = tpu.vector_load_idx %arg12[%add3A_209] : memref<8192xf32, #tpu.memory_space<vmem>>[vector<16xi32>], vector<16xf32>,
        %mul3A_211 = arith.mulf %gather3A_210, %get3A_205 : vector<16xf32>
        %add3A_212 = arith.addf %add3A_197, %mul3A_211 : vector<16xf32>
        %add3A_213 = arith.constant 1536 : i32
        %add3A_214 = arith.addi %add3A_213, %add3A_166 : i32
        %mul3A_215 = arith.constant 4 : i32
        %mul3A_216 = arith.muli %add3A_214, %mul3A_215 : i32
        %add3A_217 = arith.constant 16384 : i32
        %add3A_218 = arith.addi %add3A_217, %mul3A_216 : i32
        %get3A_219 = arith.index_cast %add3A_218 : i32 to index
        %get3A_220 = tpu.vector_load %arg13[%get3A_219] {strides = array<i32>} : memref<32768xf32, #tpu.memory_space<vmem>>, vector<16xf32>,
        %add3A_221 = arith.constant 5632 : i32
        %add3A_222 = arith.addi %add3A_221, %add3A_166 : i32
        %add3A_223 = vector.broadcast %add3A_222 : i32 to vector<16xi32>
        %add3A_224 = arith.addi %add3A_223, %shift_right_logical3A_8 : vector<16xi32>
        %gather3A_225 = tpu.vector_load_idx %arg12[%add3A_224] : memref<8192xf32, #tpu.memory_space<vmem>>[vector<16xi32>], vector<16xf32>,
        %mul3A_226 = arith.mulf %gather3A_225, %get3A_220 : vector<16xf32>
        %add3A_227 = arith.addf %add3A_212, %mul3A_226 : vector<16xf32>
        %add3A_228 = arith.constant 2048 : i32
        %add3A_229 = arith.addi %add3A_228, %add3A_166 : i32
        %mul3A_230 = arith.constant 4 : i32
        %mul3A_231 = arith.muli %add3A_229, %mul3A_230 : i32
        %add3A_232 = arith.constant 16384 : i32
        %add3A_233 = arith.addi %add3A_232, %mul3A_231 : i32
        %get3A_234 = arith.index_cast %add3A_233 : i32 to index
        %get3A_235 = tpu.vector_load %arg13[%get3A_234] {strides = array<i32>} : memref<32768xf32, #tpu.memory_space<vmem>>, vector<16xf32>,
        %add3A_236 = arith.constant 6144 : i32
        %add3A_237 = arith.addi %add3A_236, %add3A_166 : i32
        %add3A_238 = vector.broadcast %add3A_237 : i32 to vector<16xi32>
        %add3A_239 = arith.addi %add3A_238, %shift_right_logical3A_8 : vector<16xi32>
        %gather3A_240 = tpu.vector_load_idx %arg12[%add3A_239] : memref<8192xf32, #tpu.memory_space<vmem>>[vector<16xi32>], vector<16xf32>,
        %mul3A_241 = arith.mulf %gather3A_240, %get3A_235 : vector<16xf32>
        %add3A_242 = arith.addf %add3A_227, %mul3A_241 : vector<16xf32>
        %add3A_243 = arith.constant 2560 : i32
        %add3A_244 = arith.addi %add3A_243, %add3A_166 : i32
        %mul3A_245 = arith.constant 4 : i32
        %mul3A_246 = arith.muli %add3A_244, %mul3A_245 : i32
        %add3A_247 = arith.constant 16384 : i32
        %add3A_248 = arith.addi %add3A_247, %mul3A_246 : i32
        %get3A_249 = arith.index_cast %add3A_248 : i32 to index
        %get3A_250 = tpu.vector_load %arg13[%get3A_249] {strides = array<i32>} : memref<32768xf32, #tpu.memory_space<vmem>>, vector<16xf32>,
        %add3A_251 = arith.constant 6656 : i32
        %add3A_252 = arith.addi %add3A_251, %add3A_166 : i32
        %add3A_253 = vector.broadcast %add3A_252 : i32 to vector<16xi32>
        %add3A_254 = arith.addi %add3A_253, %shift_right_logical3A_8 : vector<16xi32>
        %gather3A_255 = tpu.vector_load_idx %arg12[%add3A_254] : memref<8192xf32, #tpu.memory_space<vmem>>[vector<16xi32>], vector<16xf32>,
        %mul3A_256 = arith.mulf %gather3A_255, %get3A_250 : vector<16xf32>
        %add3A_257 = arith.addf %add3A_242, %mul3A_256 : vector<16xf32>
        %add3A_258 = arith.constant 3072 : i32
        %add3A_259 = arith.addi %add3A_258, %add3A_166 : i32
        %mul3A_260 = arith.constant 4 : i32
        %mul3A_261 = arith.muli %add3A_259, %mul3A_260 : i32
        %add3A_262 = arith.constant 16384 : i32
        %add3A_263 = arith.addi %add3A_262, %mul3A_261 : i32
        %get3A_264 = arith.index_cast %add3A_263 : i32 to index
        %get3A_265 = tpu.vector_load %arg13[%get3A_264] {strides = array<i32>} : memref<32768xf32, #tpu.memory_space<vmem>>, vector<16xf32>,
        %add3A_266 = arith.constant 7168 : i32
        %add3A_267 = arith.addi %add3A_266, %add3A_166 : i32
        %add3A_268 = vector.broadcast %add3A_267 : i32 to vector<16xi32>
        %add3A_269 = arith.addi %add3A_268, %shift_right_logical3A_8 : vector<16xi32>
        %gather3A_270 = tpu.vector_load_idx %arg12[%add3A_269] : memref<8192xf32, #tpu.memory_space<vmem>>[vector<16xi32>], vector<16xf32>,
        %mul3A_271 = arith.mulf %gather3A_270, %get3A_265 : vector<16xf32>
        %add3A_272 = arith.addf %add3A_257, %mul3A_271 : vector<16xf32>
        %add3A_273 = arith.constant 3584 : i32
        %add3A_274 = arith.addi %add3A_273, %add3A_166 : i32
        %mul3A_275 = arith.constant 4 : i32
        %mul3A_276 = arith.muli %add3A_274, %mul3A_275 : i32
        %add3A_277 = arith.constant 16384 : i32
        %add3A_278 = arith.addi %add3A_277, %mul3A_276 : i32
        %get3A_279 = arith.index_cast %add3A_278 : i32 to index
        %get3A_280 = tpu.vector_load %arg13[%get3A_279] {strides = array<i32>} : memref<32768xf32, #tpu.memory_space<vmem>>, vector<16xf32>,
        %add3A_281 = arith.constant 7680 : i32
        %add3A_282 = arith.addi %add3A_281, %add3A_166 : i32
        %add3A_283 = vector.broadcast %add3A_282 : i32 to vector<16xi32>
        %add3A_284 = arith.addi %add3A_283, %shift_right_logical3A_8 : vector<16xi32>
        %gather3A_285 = tpu.vector_load_idx %arg12[%add3A_284] : memref<8192xf32, #tpu.memory_space<vmem>>[vector<16xi32>], vector<16xf32>,
        %mul3A_286 = arith.mulf %gather3A_285, %get3A_280 : vector<16xf32>
        %add3A_287 = arith.addf %add3A_272, %mul3A_286 : vector<16xf32>
        %mul3A_288 = arith.constant 4 : i32
        %mul3A_289 = arith.muli %mul3A_164, %mul3A_288 : i32
        %add3A_290 = arith.constant 2048 : i32
        %add3A_291 = arith.addi %add3A_290, %mul3A_289 : i32
        %add3A_292 = arith.constant 0 : i32
        %add3A_293 = arith.addi %add3A_291, %add3A_292 : i32
        %swap3A = arith.index_cast %add3A_293 : i32 to index
        %swap3A_294 = tpu.vector_load %arg14[%swap3A] {strides = array<i32>} : memref<4096xf32, #tpu.memory_space<vmem>>, vector<16xf32>,
        tpu.vector_store %arg14[%swap3A], %add3A_287 {strides = array<i32>} : memref<4096xf32, #tpu.memory_space<vmem>>, vector<16xf32>,
        %add3A_295 = arith.constant 4 : i32
        %add3A_296 = arith.addi %mul3A_164, %add3A_295 : i32
        %broadcast_in_dim3A_297 = arith.constant 0.000000e+00 : f32
        %broadcast_in_dim3A_298 = vector.broadcast %broadcast_in_dim3A_297 : f32 to vector<16xf32>
        %add3A_299 = arith.constant 0 : i32
        %add3A_300 = arith.addi %add3A_299, %add3A_296 : i32
        %mul3A_301 = arith.constant 4 : i32
        %mul3A_302 = arith.muli %add3A_300, %mul3A_301 : i32
        %add3A_303 = arith.constant 16384 : i32
        %add3A_304 = arith.addi %add3A_303, %mul3A_302 : i32
        %get3A_305 = arith.index_cast %add3A_304 : i32 to index
        %get3A_306 = tpu.vector_load %arg13[%get3A_305] {strides = array<i32>} : memref<32768xf32, #tpu.memory_space<vmem>>, vector<16xf32>,
        %add3A_307 = arith.constant 4096 : i32
        %add3A_308 = arith.addi %add3A_307, %add3A_296 : i32
        %add3A_309 = vector.broadcast %add3A_308 : i32 to vector<16xi32>
        %add3A_310 = arith.addi %add3A_309, %shift_right_logical3A_8 : vector<16xi32>
        %gather3A_311 = tpu.vector_load_idx %arg12[%add3A_310] : memref<8192xf32, #tpu.memory_space<vmem>>[vector<16xi32>], vector<16xf32>,
        %mul3A_312 = arith.mulf %gather3A_311, %get3A_306 : vector<16xf32>
        %add3A_313 = arith.addf %broadcast_in_dim3A_298, %mul3A_312 : vector<16xf32>
        %add3A_314 = arith.constant 512 : i32
        %add3A_315 = arith.addi %add3A_314, %add3A_296 : i32
        %mul3A_316 = arith.constant 4 : i32
        %mul3A_317 = arith.muli %add3A_315, %mul3A_316 : i32
        %add3A_318 = arith.constant 16384 : i32
        %add3A_319 = arith.addi %add3A_318, %mul3A_317 : i32
        %get3A_320 = arith.index_cast %add3A_319 : i32 to index
        %get3A_321 = tpu.vector_load %arg13[%get3A_320] {strides = array<i32>} : memref<32768xf32, #tpu.memory_space<vmem>>, vector<16xf32>,
        %add3A_322 = arith.constant 4608 : i32
        %add3A_323 = arith.addi %add3A_322, %add3A_296 : i32
        %add3A_324 = vector.broadcast %add3A_323 : i32 to vector<16xi32>
        %add3A_325 = arith.addi %add3A_324, %shift_right_logical3A_8 : vector<16xi32>
        %gather3A_326 = tpu.vector_load_idx %arg12[%add3A_325] : memref<8192xf32, #tpu.memory_space<vmem>>[vector<16xi32>], vector<16xf32>,
        %mul3A_327 = arith.mulf %gather3A_326, %get3A_321 : vector<16xf32>
        %add3A_328 = arith.addf %add3A_313, %mul3A_327 : vector<16xf32>
        %add3A_329 = arith.constant 1024 : i32
        %add3A_330 = arith.addi %add3A_329, %add3A_296 : i32
        %mul3A_331 = arith.constant 4 : i32
        %mul3A_332 = arith.muli %add3A_330, %mul3A_331 : i32
        %add3A_333 = arith.constant 16384 : i32
        %add3A_334 = arith.addi %add3A_333, %mul3A_332 : i32
        %get3A_335 = arith.index_cast %add3A_334 : i32 to index
        %get3A_336 = tpu.vector_load %arg13[%get3A_335] {strides = array<i32>} : memref<32768xf32, #tpu.memory_space<vmem>>, vector<16xf32>,
        %add3A_337 = arith.constant 5120 : i32
        %add3A_338 = arith.addi %add3A_337, %add3A_296 : i32
        %add3A_339 = vector.broadcast %add3A_338 : i32 to vector<16xi32>
        %add3A_340 = arith.addi %add3A_339, %shift_right_logical3A_8 : vector<16xi32>
        %gather3A_341 = tpu.vector_load_idx %arg12[%add3A_340] : memref<8192xf32, #tpu.memory_space<vmem>>[vector<16xi32>], vector<16xf32>,
        %mul3A_342 = arith.mulf %gather3A_341, %get3A_336 : vector<16xf32>
        %add3A_343 = arith.addf %add3A_328, %mul3A_342 : vector<16xf32>
        %add3A_344 = arith.constant 1536 : i32
        %add3A_345 = arith.addi %add3A_344, %add3A_296 : i32
        %mul3A_346 = arith.constant 4 : i32
        %mul3A_347 = arith.muli %add3A_345, %mul3A_346 : i32
        %add3A_348 = arith.constant 16384 : i32
        %add3A_349 = arith.addi %add3A_348, %mul3A_347 : i32
        %get3A_350 = arith.index_cast %add3A_349 : i32 to index
        %get3A_351 = tpu.vector_load %arg13[%get3A_350] {strides = array<i32>} : memref<32768xf32, #tpu.memory_space<vmem>>, vector<16xf32>,
        %add3A_352 = arith.constant 5632 : i32
        %add3A_353 = arith.addi %add3A_352, %add3A_296 : i32
        %add3A_354 = vector.broadcast %add3A_353 : i32 to vector<16xi32>
        %add3A_355 = arith.addi %add3A_354, %shift_right_logical3A_8 : vector<16xi32>
        %gather3A_356 = tpu.vector_load_idx %arg12[%add3A_355] : memref<8192xf32, #tpu.memory_space<vmem>>[vector<16xi32>], vector<16xf32>,
        %mul3A_357 = arith.mulf %gather3A_356, %get3A_351 : vector<16xf32>
        %add3A_358 = arith.addf %add3A_343, %mul3A_357 : vector<16xf32>
        %add3A_359 = arith.constant 2048 : i32
        %add3A_360 = arith.addi %add3A_359, %add3A_296 : i32
        %mul3A_361 = arith.constant 4 : i32
        %mul3A_362 = arith.muli %add3A_360, %mul3A_361 : i32
        %add3A_363 = arith.constant 16384 : i32
        %add3A_364 = arith.addi %add3A_363, %mul3A_362 : i32
        %get3A_365 = arith.index_cast %add3A_364 : i32 to index
        %get3A_366 = tpu.vector_load %arg13[%get3A_365] {strides = array<i32>} : memref<32768xf32, #tpu.memory_space<vmem>>, vector<16xf32>,
        %add3A_367 = arith.constant 6144 : i32
        %add3A_368 = arith.addi %add3A_367, %add3A_296 : i32
        %add3A_369 = vector.broadcast %add3A_368 : i32 to vector<16xi32>
        %add3A_370 = arith.addi %add3A_369, %shift_right_logical3A_8 : vector<16xi32>
        %gather3A_371 = tpu.vector_load_idx %arg12[%add3A_370] : memref<8192xf32, #tpu.memory_space<vmem>>[vector<16xi32>], vector<16xf32>,
        %mul3A_372 = arith.mulf %gather3A_371, %get3A_366 : vector<16xf32>
        %add3A_373 = arith.addf %add3A_358, %mul3A_372 : vector<16xf32>
        %add3A_374 = arith.constant 2560 : i32
        %add3A_375 = arith.addi %add3A_374, %add3A_296 : i32
        %mul3A_376 = arith.constant 4 : i32
        %mul3A_377 = arith.muli %add3A_375, %mul3A_376 : i32
        %add3A_378 = arith.constant 16384 : i32
        %add3A_379 = arith.addi %add3A_378, %mul3A_377 : i32
        %get3A_380 = arith.index_cast %add3A_379 : i32 to index
        %get3A_381 = tpu.vector_load %arg13[%get3A_380] {strides = array<i32>} : memref<32768xf32, #tpu.memory_space<vmem>>, vector<16xf32>,
        %add3A_382 = arith.constant 6656 : i32
        %add3A_383 = arith.addi %add3A_382, %add3A_296 : i32
        %add3A_384 = vector.broadcast %add3A_383 : i32 to vector<16xi32>
        %add3A_385 = arith.addi %add3A_384, %shift_right_logical3A_8 : vector<16xi32>
        %gather3A_386 = tpu.vector_load_idx %arg12[%add3A_385] : memref<8192xf32, #tpu.memory_space<vmem>>[vector<16xi32>], vector<16xf32>,
        %mul3A_387 = arith.mulf %gather3A_386, %get3A_381 : vector<16xf32>
        %add3A_388 = arith.addf %add3A_373, %mul3A_387 : vector<16xf32>
        %add3A_389 = arith.constant 3072 : i32
        %add3A_390 = arith.addi %add3A_389, %add3A_296 : i32
        %mul3A_391 = arith.constant 4 : i32
        %mul3A_392 = arith.muli %add3A_390, %mul3A_391 : i32
        %add3A_393 = arith.constant 16384 : i32
        %add3A_394 = arith.addi %add3A_393, %mul3A_392 : i32
        %get3A_395 = arith.index_cast %add3A_394 : i32 to index
        %get3A_396 = tpu.vector_load %arg13[%get3A_395] {strides = array<i32>} : memref<32768xf32, #tpu.memory_space<vmem>>, vector<16xf32>,
        %add3A_397 = arith.constant 7168 : i32
        %add3A_398 = arith.addi %add3A_397, %add3A_296 : i32
        %add3A_399 = vector.broadcast %add3A_398 : i32 to vector<16xi32>
        %add3A_400 = arith.addi %add3A_399, %shift_right_logical3A_8 : vector<16xi32>
        %gather3A_401 = tpu.vector_load_idx %arg12[%add3A_400] : memref<8192xf32, #tpu.memory_space<vmem>>[vector<16xi32>], vector<16xf32>,
        %mul3A_402 = arith.mulf %gather3A_401, %get3A_396 : vector<16xf32>
        %add3A_403 = arith.addf %add3A_388, %mul3A_402 : vector<16xf32>
        %add3A_404 = arith.constant 3584 : i32
        %add3A_405 = arith.addi %add3A_404, %add3A_296 : i32
        %mul3A_406 = arith.constant 4 : i32
        %mul3A_407 = arith.muli %add3A_405, %mul3A_406 : i32
        %add3A_408 = arith.constant 16384 : i32
        %add3A_409 = arith.addi %add3A_408, %mul3A_407 : i32
        %get3A_410 = arith.index_cast %add3A_409 : i32 to index
        %get3A_411 = tpu.vector_load %arg13[%get3A_410] {strides = array<i32>} : memref<32768xf32, #tpu.memory_space<vmem>>, vector<16xf32>,
        %add3A_412 = arith.constant 7680 : i32
        %add3A_413 = arith.addi %add3A_412, %add3A_296 : i32
        %add3A_414 = vector.broadcast %add3A_413 : i32 to vector<16xi32>
        %add3A_415 = arith.addi %add3A_414, %shift_right_logical3A_8 : vector<16xi32>
        %gather3A_416 = tpu.vector_load_idx %arg12[%add3A_415] : memref<8192xf32, #tpu.memory_space<vmem>>[vector<16xi32>], vector<16xf32>,
        %mul3A_417 = arith.mulf %gather3A_416, %get3A_411 : vector<16xf32>
        %add3A_418 = arith.addf %add3A_403, %mul3A_417 : vector<16xf32>
        %mul3A_419 = arith.constant 4 : i32
        %mul3A_420 = arith.muli %mul3A_164, %mul3A_419 : i32
        %add3A_421 = arith.constant 2048 : i32
        %add3A_422 = arith.addi %add3A_421, %mul3A_420 : i32
        %add3A_423 = arith.constant 16 : i32
        %add3A_424 = arith.addi %add3A_422, %add3A_423 : i32
        %swap3A_425 = arith.index_cast %add3A_424 : i32 to index
        %swap3A_426 = tpu.vector_load %arg14[%swap3A_425] {strides = array<i32>} : memref<4096xf32, #tpu.memory_space<vmem>>, vector<16xf32>,
        tpu.vector_store %arg14[%swap3A_425], %add3A_418 {strides = array<i32>} : memref<4096xf32, #tpu.memory_space<vmem>>, vector<16xf32>,
        %add3A_427 = arith.constant 8 : i32
        %add3A_428 = arith.addi %mul3A_164, %add3A_427 : i32
        %broadcast_in_dim3A_429 = arith.constant 0.000000e+00 : f32
        %broadcast_in_dim3A_430 = vector.broadcast %broadcast_in_dim3A_429 : f32 to vector<16xf32>
        %add3A_431 = arith.constant 0 : i32
        %add3A_432 = arith.addi %add3A_431, %add3A_428 : i32
        %mul3A_433 = arith.constant 4 : i32
        %mul3A_434 = arith.muli %add3A_432, %mul3A_433 : i32
        %add3A_435 = arith.constant 16384 : i32
        %add3A_436 = arith.addi %add3A_435, %mul3A_434 : i32
        %get3A_437 = arith.index_cast %add3A_436 : i32 to index
        %get3A_438 = tpu.vector_load %arg13[%get3A_437] {strides = array<i32>} : memref<32768xf32, #tpu.memory_space<vmem>>, vector<16xf32>,
        %add3A_439 = arith.constant 4096 : i32
        %add3A_440 = arith.addi %add3A_439, %add3A_428 : i32
        %add3A_441 = vector.broadcast %add3A_440 : i32 to vector<16xi32>
        %add3A_442 = arith.addi %add3A_441, %shift_right_logical3A_8 : vector<16xi32>
        %gather3A_443 = tpu.vector_load_idx %arg12[%add3A_442] : memref<8192xf32, #tpu.memory_space<vmem>>[vector<16xi32>], vector<16xf32>,
        %mul3A_444 = arith.mulf %gather3A_443, %get3A_438 : vector<16xf32>
        %add3A_445 = arith.addf %broadcast_in_dim3A_430, %mul3A_444 : vector<16xf32>
        %add3A_446 = arith.constant 512 : i32
        %add3A_447 = arith.addi %add3A_446, %add3A_428 : i32
        %mul3A_448 = arith.constant 4 : i32
        %mul3A_449 = arith.muli %add3A_447, %mul3A_448 : i32
        %add3A_450 = arith.constant 16384 : i32
        %add3A_451 = arith.addi %add3A_450, %mul3A_449 : i32
        %get3A_452 = arith.index_cast %add3A_451 : i32 to index
        %get3A_453 = tpu.vector_load %arg13[%get3A_452] {strides = array<i32>} : memref<32768xf32, #tpu.memory_space<vmem>>, vector<16xf32>,
        %add3A_454 = arith.constant 4608 : i32
        %add3A_455 = arith.addi %add3A_454, %add3A_428 : i32
        %add3A_456 = vector.broadcast %add3A_455 : i32 to vector<16xi32>
        %add3A_457 = arith.addi %add3A_456, %shift_right_logical3A_8 : vector<16xi32>
        %gather3A_458 = tpu.vector_load_idx %arg12[%add3A_457] : memref<8192xf32, #tpu.memory_space<vmem>>[vector<16xi32>], vector<16xf32>,
        %mul3A_459 = arith.mulf %gather3A_458, %get3A_453 : vector<16xf32>
        %add3A_460 = arith.addf %add3A_445, %mul3A_459 : vector<16xf32>
        %add3A_461 = arith.constant 1024 : i32
        %add3A_462 = arith.addi %add3A_461, %add3A_428 : i32
        %mul3A_463 = arith.constant 4 : i32
        %mul3A_464 = arith.muli %add3A_462, %mul3A_463 : i32
        %add3A_465 = arith.constant 16384 : i32
        %add3A_466 = arith.addi %add3A_465, %mul3A_464 : i32
        %get3A_467 = arith.index_cast %add3A_466 : i32 to index
        %get3A_468 = tpu.vector_load %arg13[%get3A_467] {strides = array<i32>} : memref<32768xf32, #tpu.memory_space<vmem>>, vector<16xf32>,
        %add3A_469 = arith.constant 5120 : i32
        %add3A_470 = arith.addi %add3A_469, %add3A_428 : i32
        %add3A_471 = vector.broadcast %add3A_470 : i32 to vector<16xi32>
        %add3A_472 = arith.addi %add3A_471, %shift_right_logical3A_8 : vector<16xi32>
        %gather3A_473 = tpu.vector_load_idx %arg12[%add3A_472] : memref<8192xf32, #tpu.memory_space<vmem>>[vector<16xi32>], vector<16xf32>,
        %mul3A_474 = arith.mulf %gather3A_473, %get3A_468 : vector<16xf32>
        %add3A_475 = arith.addf %add3A_460, %mul3A_474 : vector<16xf32>
        %add3A_476 = arith.constant 1536 : i32
        %add3A_477 = arith.addi %add3A_476, %add3A_428 : i32
        %mul3A_478 = arith.constant 4 : i32
        %mul3A_479 = arith.muli %add3A_477, %mul3A_478 : i32
        %add3A_480 = arith.constant 16384 : i32
        %add3A_481 = arith.addi %add3A_480, %mul3A_479 : i32
        %get3A_482 = arith.index_cast %add3A_481 : i32 to index
        %get3A_483 = tpu.vector_load %arg13[%get3A_482] {strides = array<i32>} : memref<32768xf32, #tpu.memory_space<vmem>>, vector<16xf32>,
        %add3A_484 = arith.constant 5632 : i32
        %add3A_485 = arith.addi %add3A_484, %add3A_428 : i32
        %add3A_486 = vector.broadcast %add3A_485 : i32 to vector<16xi32>
        %add3A_487 = arith.addi %add3A_486, %shift_right_logical3A_8 : vector<16xi32>
        %gather3A_488 = tpu.vector_load_idx %arg12[%add3A_487] : memref<8192xf32, #tpu.memory_space<vmem>>[vector<16xi32>], vector<16xf32>,
        %mul3A_489 = arith.mulf %gather3A_488, %get3A_483 : vector<16xf32>
        %add3A_490 = arith.addf %add3A_475, %mul3A_489 : vector<16xf32>
        %add3A_491 = arith.constant 2048 : i32
        %add3A_492 = arith.addi %add3A_491, %add3A_428 : i32
        %mul3A_493 = arith.constant 4 : i32
        %mul3A_494 = arith.muli %add3A_492, %mul3A_493 : i32
        %add3A_495 = arith.constant 16384 : i32
        %add3A_496 = arith.addi %add3A_495, %mul3A_494 : i32
        %get3A_497 = arith.index_cast %add3A_496 : i32 to index
        %get3A_498 = tpu.vector_load %arg13[%get3A_497] {strides = array<i32>} : memref<32768xf32, #tpu.memory_space<vmem>>, vector<16xf32>,
        %add3A_499 = arith.constant 6144 : i32
        %add3A_500 = arith.addi %add3A_499, %add3A_428 : i32
        %add3A_501 = vector.broadcast %add3A_500 : i32 to vector<16xi32>
        %add3A_502 = arith.addi %add3A_501, %shift_right_logical3A_8 : vector<16xi32>
        %gather3A_503 = tpu.vector_load_idx %arg12[%add3A_502] : memref<8192xf32, #tpu.memory_space<vmem>>[vector<16xi32>], vector<16xf32>,
        %mul3A_504 = arith.mulf %gather3A_503, %get3A_498 : vector<16xf32>
        %add3A_505 = arith.addf %add3A_490, %mul3A_504 : vector<16xf32>
        %add3A_506 = arith.constant 2560 : i32
        %add3A_507 = arith.addi %add3A_506, %add3A_428 : i32
        %mul3A_508 = arith.constant 4 : i32
        %mul3A_509 = arith.muli %add3A_507, %mul3A_508 : i32
        %add3A_510 = arith.constant 16384 : i32
        %add3A_511 = arith.addi %add3A_510, %mul3A_509 : i32
        %get3A_512 = arith.index_cast %add3A_511 : i32 to index
        %get3A_513 = tpu.vector_load %arg13[%get3A_512] {strides = array<i32>} : memref<32768xf32, #tpu.memory_space<vmem>>, vector<16xf32>,
        %add3A_514 = arith.constant 6656 : i32
        %add3A_515 = arith.addi %add3A_514, %add3A_428 : i32
        %add3A_516 = vector.broadcast %add3A_515 : i32 to vector<16xi32>
        %add3A_517 = arith.addi %add3A_516, %shift_right_logical3A_8 : vector<16xi32>
        %gather3A_518 = tpu.vector_load_idx %arg12[%add3A_517] : memref<8192xf32, #tpu.memory_space<vmem>>[vector<16xi32>], vector<16xf32>,
        %mul3A_519 = arith.mulf %gather3A_518, %get3A_513 : vector<16xf32>
        %add3A_520 = arith.addf %add3A_505, %mul3A_519 : vector<16xf32>
        %add3A_521 = arith.constant 3072 : i32
        %add3A_522 = arith.addi %add3A_521, %add3A_428 : i32
        %mul3A_523 = arith.constant 4 : i32
        %mul3A_524 = arith.muli %add3A_522, %mul3A_523 : i32
        %add3A_525 = arith.constant 16384 : i32
        %add3A_526 = arith.addi %add3A_525, %mul3A_524 : i32
        %get3A_527 = arith.index_cast %add3A_526 : i32 to index
        %get3A_528 = tpu.vector_load %arg13[%get3A_527] {strides = array<i32>} : memref<32768xf32, #tpu.memory_space<vmem>>, vector<16xf32>,
        %add3A_529 = arith.constant 7168 : i32
        %add3A_530 = arith.addi %add3A_529, %add3A_428 : i32
        %add3A_531 = vector.broadcast %add3A_530 : i32 to vector<16xi32>
        %add3A_532 = arith.addi %add3A_531, %shift_right_logical3A_8 : vector<16xi32>
        %gather3A_533 = tpu.vector_load_idx %arg12[%add3A_532] : memref<8192xf32, #tpu.memory_space<vmem>>[vector<16xi32>], vector<16xf32>,
        %mul3A_534 = arith.mulf %gather3A_533, %get3A_528 : vector<16xf32>
        %add3A_535 = arith.addf %add3A_520, %mul3A_534 : vector<16xf32>
        %add3A_536 = arith.constant 3584 : i32
        %add3A_537 = arith.addi %add3A_536, %add3A_428 : i32
        %mul3A_538 = arith.constant 4 : i32
        %mul3A_539 = arith.muli %add3A_537, %mul3A_538 : i32
        %add3A_540 = arith.constant 16384 : i32
        %add3A_541 = arith.addi %add3A_540, %mul3A_539 : i32
        %get3A_542 = arith.index_cast %add3A_541 : i32 to index
        %get3A_543 = tpu.vector_load %arg13[%get3A_542] {strides = array<i32>} : memref<32768xf32, #tpu.memory_space<vmem>>, vector<16xf32>,
        %add3A_544 = arith.constant 7680 : i32
        %add3A_545 = arith.addi %add3A_544, %add3A_428 : i32
        %add3A_546 = vector.broadcast %add3A_545 : i32 to vector<16xi32>
        %add3A_547 = arith.addi %add3A_546, %shift_right_logical3A_8 : vector<16xi32>
        %gather3A_548 = tpu.vector_load_idx %arg12[%add3A_547] : memref<8192xf32, #tpu.memory_space<vmem>>[vector<16xi32>], vector<16xf32>,
        %mul3A_549 = arith.mulf %gather3A_548, %get3A_543 : vector<16xf32>
        %add3A_550 = arith.addf %add3A_535, %mul3A_549 : vector<16xf32>
        %mul3A_551 = arith.constant 4 : i32
        %mul3A_552 = arith.muli %mul3A_164, %mul3A_551 : i32
        %add3A_553 = arith.constant 2048 : i32
        %add3A_554 = arith.addi %add3A_553, %mul3A_552 : i32
        %add3A_555 = arith.constant 32 : i32
        %add3A_556 = arith.addi %add3A_554, %add3A_555 : i32
        %swap3A_557 = arith.index_cast %add3A_556 : i32 to index
        %swap3A_558 = tpu.vector_load %arg14[%swap3A_557] {strides = array<i32>} : memref<4096xf32, #tpu.memory_space<vmem>>, vector<16xf32>,
        tpu.vector_store %arg14[%swap3A_557], %add3A_550 {strides = array<i32>} : memref<4096xf32, #tpu.memory_space<vmem>>, vector<16xf32>,
        %add3A_559 = arith.constant 12 : i32
        %add3A_560 = arith.addi %mul3A_164, %add3A_559 : i32
        %broadcast_in_dim3A_561 = arith.constant 0.000000e+00 : f32
        %broadcast_in_dim3A_562 = vector.broadcast %broadcast_in_dim3A_561 : f32 to vector<16xf32>
        %add3A_563 = arith.constant 0 : i32
        %add3A_564 = arith.addi %add3A_563, %add3A_560 : i32
        %mul3A_565 = arith.constant 4 : i32
        %mul3A_566 = arith.muli %add3A_564, %mul3A_565 : i32
        %add3A_567 = arith.constant 16384 : i32
        %add3A_568 = arith.addi %add3A_567, %mul3A_566 : i32
        %get3A_569 = arith.index_cast %add3A_568 : i32 to index
        %get3A_570 = tpu.vector_load %arg13[%get3A_569] {strides = array<i32>} : memref<32768xf32, #tpu.memory_space<vmem>>, vector<16xf32>,
        %add3A_571 = arith.constant 4096 : i32
        %add3A_572 = arith.addi %add3A_571, %add3A_560 : i32
        %add3A_573 = vector.broadcast %add3A_572 : i32 to vector<16xi32>
        %add3A_574 = arith.addi %add3A_573, %shift_right_logical3A_8 : vector<16xi32>
        %gather3A_575 = tpu.vector_load_idx %arg12[%add3A_574] : memref<8192xf32, #tpu.memory_space<vmem>>[vector<16xi32>], vector<16xf32>,
        %mul3A_576 = arith.mulf %gather3A_575, %get3A_570 : vector<16xf32>
        %add3A_577 = arith.addf %broadcast_in_dim3A_562, %mul3A_576 : vector<16xf32>
        %add3A_578 = arith.constant 512 : i32
        %add3A_579 = arith.addi %add3A_578, %add3A_560 : i32
        %mul3A_580 = arith.constant 4 : i32
        %mul3A_581 = arith.muli %add3A_579, %mul3A_580 : i32
        %add3A_582 = arith.constant 16384 : i32
        %add3A_583 = arith.addi %add3A_582, %mul3A_581 : i32
        %get3A_584 = arith.index_cast %add3A_583 : i32 to index
        %get3A_585 = tpu.vector_load %arg13[%get3A_584] {strides = array<i32>} : memref<32768xf32, #tpu.memory_space<vmem>>, vector<16xf32>,
        %add3A_586 = arith.constant 4608 : i32
        %add3A_587 = arith.addi %add3A_586, %add3A_560 : i32
        %add3A_588 = vector.broadcast %add3A_587 : i32 to vector<16xi32>
        %add3A_589 = arith.addi %add3A_588, %shift_right_logical3A_8 : vector<16xi32>
        %gather3A_590 = tpu.vector_load_idx %arg12[%add3A_589] : memref<8192xf32, #tpu.memory_space<vmem>>[vector<16xi32>], vector<16xf32>,
        %mul3A_591 = arith.mulf %gather3A_590, %get3A_585 : vector<16xf32>
        %add3A_592 = arith.addf %add3A_577, %mul3A_591 : vector<16xf32>
        %add3A_593 = arith.constant 1024 : i32
        %add3A_594 = arith.addi %add3A_593, %add3A_560 : i32
        %mul3A_595 = arith.constant 4 : i32
        %mul3A_596 = arith.muli %add3A_594, %mul3A_595 : i32
        %add3A_597 = arith.constant 16384 : i32
        %add3A_598 = arith.addi %add3A_597, %mul3A_596 : i32
        %get3A_599 = arith.index_cast %add3A_598 : i32 to index
        %get3A_600 = tpu.vector_load %arg13[%get3A_599] {strides = array<i32>} : memref<32768xf32, #tpu.memory_space<vmem>>, vector<16xf32>,
        %add3A_601 = arith.constant 5120 : i32
        %add3A_602 = arith.addi %add3A_601, %add3A_560 : i32
        %add3A_603 = vector.broadcast %add3A_602 : i32 to vector<16xi32>
        %add3A_604 = arith.addi %add3A_603, %shift_right_logical3A_8 : vector<16xi32>
        %gather3A_605 = tpu.vector_load_idx %arg12[%add3A_604] : memref<8192xf32, #tpu.memory_space<vmem>>[vector<16xi32>], vector<16xf32>,
        %mul3A_606 = arith.mulf %gather3A_605, %get3A_600 : vector<16xf32>
        %add3A_607 = arith.addf %add3A_592, %mul3A_606 : vector<16xf32>
        %add3A_608 = arith.constant 1536 : i32
        %add3A_609 = arith.addi %add3A_608, %add3A_560 : i32
        %mul3A_610 = arith.constant 4 : i32
        %mul3A_611 = arith.muli %add3A_609, %mul3A_610 : i32
        %add3A_612 = arith.constant 16384 : i32
        %add3A_613 = arith.addi %add3A_612, %mul3A_611 : i32
        %get3A_614 = arith.index_cast %add3A_613 : i32 to index
        %get3A_615 = tpu.vector_load %arg13[%get3A_614] {strides = array<i32>} : memref<32768xf32, #tpu.memory_space<vmem>>, vector<16xf32>,
        %add3A_616 = arith.constant 5632 : i32
        %add3A_617 = arith.addi %add3A_616, %add3A_560 : i32
        %add3A_618 = vector.broadcast %add3A_617 : i32 to vector<16xi32>
        %add3A_619 = arith.addi %add3A_618, %shift_right_logical3A_8 : vector<16xi32>
        %gather3A_620 = tpu.vector_load_idx %arg12[%add3A_619] : memref<8192xf32, #tpu.memory_space<vmem>>[vector<16xi32>], vector<16xf32>,
        %mul3A_621 = arith.mulf %gather3A_620, %get3A_615 : vector<16xf32>
        %add3A_622 = arith.addf %add3A_607, %mul3A_621 : vector<16xf32>
        %add3A_623 = arith.constant 2048 : i32
        %add3A_624 = arith.addi %add3A_623, %add3A_560 : i32
        %mul3A_625 = arith.constant 4 : i32
        %mul3A_626 = arith.muli %add3A_624, %mul3A_625 : i32
        %add3A_627 = arith.constant 16384 : i32
        %add3A_628 = arith.addi %add3A_627, %mul3A_626 : i32
        %get3A_629 = arith.index_cast %add3A_628 : i32 to index
        %get3A_630 = tpu.vector_load %arg13[%get3A_629] {strides = array<i32>} : memref<32768xf32, #tpu.memory_space<vmem>>, vector<16xf32>,
        %add3A_631 = arith.constant 6144 : i32
        %add3A_632 = arith.addi %add3A_631, %add3A_560 : i32
        %add3A_633 = vector.broadcast %add3A_632 : i32 to vector<16xi32>
        %add3A_634 = arith.addi %add3A_633, %shift_right_logical3A_8 : vector<16xi32>
        %gather3A_635 = tpu.vector_load_idx %arg12[%add3A_634] : memref<8192xf32, #tpu.memory_space<vmem>>[vector<16xi32>], vector<16xf32>,
        %mul3A_636 = arith.mulf %gather3A_635, %get3A_630 : vector<16xf32>
        %add3A_637 = arith.addf %add3A_622, %mul3A_636 : vector<16xf32>
        %add3A_638 = arith.constant 2560 : i32
        %add3A_639 = arith.addi %add3A_638, %add3A_560 : i32
        %mul3A_640 = arith.constant 4 : i32
        %mul3A_641 = arith.muli %add3A_639, %mul3A_640 : i32
        %add3A_642 = arith.constant 16384 : i32
        %add3A_643 = arith.addi %add3A_642, %mul3A_641 : i32
        %get3A_644 = arith.index_cast %add3A_643 : i32 to index
        %get3A_645 = tpu.vector_load %arg13[%get3A_644] {strides = array<i32>} : memref<32768xf32, #tpu.memory_space<vmem>>, vector<16xf32>,
        %add3A_646 = arith.constant 6656 : i32
        %add3A_647 = arith.addi %add3A_646, %add3A_560 : i32
        %add3A_648 = vector.broadcast %add3A_647 : i32 to vector<16xi32>
        %add3A_649 = arith.addi %add3A_648, %shift_right_logical3A_8 : vector<16xi32>
        %gather3A_650 = tpu.vector_load_idx %arg12[%add3A_649] : memref<8192xf32, #tpu.memory_space<vmem>>[vector<16xi32>], vector<16xf32>,
        %mul3A_651 = arith.mulf %gather3A_650, %get3A_645 : vector<16xf32>
        %add3A_652 = arith.addf %add3A_637, %mul3A_651 : vector<16xf32>
        %add3A_653 = arith.constant 3072 : i32
        %add3A_654 = arith.addi %add3A_653, %add3A_560 : i32
        %mul3A_655 = arith.constant 4 : i32
        %mul3A_656 = arith.muli %add3A_654, %mul3A_655 : i32
        %add3A_657 = arith.constant 16384 : i32
        %add3A_658 = arith.addi %add3A_657, %mul3A_656 : i32
        %get3A_659 = arith.index_cast %add3A_658 : i32 to index
        %get3A_660 = tpu.vector_load %arg13[%get3A_659] {strides = array<i32>} : memref<32768xf32, #tpu.memory_space<vmem>>, vector<16xf32>,
        %add3A_661 = arith.constant 7168 : i32
        %add3A_662 = arith.addi %add3A_661, %add3A_560 : i32
        %add3A_663 = vector.broadcast %add3A_662 : i32 to vector<16xi32>
        %add3A_664 = arith.addi %add3A_663, %shift_right_logical3A_8 : vector<16xi32>
        %gather3A_665 = tpu.vector_load_idx %arg12[%add3A_664] : memref<8192xf32, #tpu.memory_space<vmem>>[vector<16xi32>], vector<16xf32>,
        %mul3A_666 = arith.mulf %gather3A_665, %get3A_660 : vector<16xf32>
        %add3A_667 = arith.addf %add3A_652, %mul3A_666 : vector<16xf32>
        %add3A_668 = arith.constant 3584 : i32
        %add3A_669 = arith.addi %add3A_668, %add3A_560 : i32
        %mul3A_670 = arith.constant 4 : i32
        %mul3A_671 = arith.muli %add3A_669, %mul3A_670 : i32
        %add3A_672 = arith.constant 16384 : i32
        %add3A_673 = arith.addi %add3A_672, %mul3A_671 : i32
        %get3A_674 = arith.index_cast %add3A_673 : i32 to index
        %get3A_675 = tpu.vector_load %arg13[%get3A_674] {strides = array<i32>} : memref<32768xf32, #tpu.memory_space<vmem>>, vector<16xf32>,
        %add3A_676 = arith.constant 7680 : i32
        %add3A_677 = arith.addi %add3A_676, %add3A_560 : i32
        %add3A_678 = vector.broadcast %add3A_677 : i32 to vector<16xi32>
        %add3A_679 = arith.addi %add3A_678, %shift_right_logical3A_8 : vector<16xi32>
        %gather3A_680 = tpu.vector_load_idx %arg12[%add3A_679] : memref<8192xf32, #tpu.memory_space<vmem>>[vector<16xi32>], vector<16xf32>,
        %mul3A_681 = arith.mulf %gather3A_680, %get3A_675 : vector<16xf32>
        %add3A_682 = arith.addf %add3A_667, %mul3A_681 : vector<16xf32>
        %mul3A_683 = arith.constant 4 : i32
        %mul3A_684 = arith.muli %mul3A_164, %mul3A_683 : i32
        %add3A_685 = arith.constant 2048 : i32
        %add3A_686 = arith.addi %add3A_685, %mul3A_684 : i32
        %add3A_687 = arith.constant 48 : i32
        %add3A_688 = arith.addi %add3A_686, %add3A_687 : i32
        %swap3A_689 = arith.index_cast %add3A_688 : i32 to index
        %swap3A_690 = tpu.vector_load %arg14[%swap3A_689] {strides = array<i32>} : memref<4096xf32, #tpu.memory_space<vmem>>, vector<16xf32>,
        tpu.vector_store %arg14[%swap3A_689], %add3A_682 {strides = array<i32>} : memref<4096xf32, #tpu.memory_space<vmem>>, vector<16xf32>,
      }
      %scan3A_155 = arith.constant 32 : i32
      %dma_start3A_156 = arith.constant 2048 : i32
      %dma_start3A_157 = tpu.memref_slice %arg14[%dma_start3A_156] : memref<4096xf32, #tpu.memory_space<vmem>> -> memref<2048xf32, #tpu.memory_space<vmem>>
      %dma_start3A_158 = tpu.memref_slice %arg5[%add3A_145] : memref<4194304xf32, #tpu.memory_space<hbm>> -> memref<2048xf32, #tpu.memory_space<hbm>>
      %dma_start3A_159 = tpu.memref_slice %arg5[%add3A_145] : memref<4194304xf32, #tpu.memory_space<hbm>> -> memref<2048xf32, #tpu.memory_space<hbm>>
      %dma_start3A_160 = arith.constant 2048 : i32
      %dma_start3A_161 = tpu.memref_slice %arg14[%dma_start3A_160] : memref<4096xf32, #tpu.memory_space<vmem>> -> memref<2048xf32, #tpu.memory_space<vmem>>
      tpu.enqueue_dma source(%dma_start3A_161 : memref<2048xf32, #tpu.memory_space<vmem>>) target(%dma_start3A_159 : memref<2048xf32, #tpu.memory_space<hbm>>) target_semaphore(%arg18 : memref<!tpu.dma_semaphore, #tpu.memory_space<semaphore_mem>>)
    }
    %scan3A_44 = arith.constant 32 : i32
    %dma_wait3A = arith.constant 0 : i32
    %dma_wait3A_45 = tpu.memref_slice %arg14[%dma_wait3A] : memref<4096xf32, #tpu.memory_space<vmem>> -> memref<2048xf32, #tpu.memory_space<vmem>>
    %dma_wait3A_46 = arith.constant 0 : i32
    %dma_wait3A_47 = tpu.memref_slice %arg5[%dma_wait3A_46] : memref<4194304xf32, #tpu.memory_space<hbm>> -> memref<2048xf32, #tpu.memory_space<hbm>>
    %dma_wait3A_48 = arith.constant 0 : i32
    %dma_wait3A_49 = tpu.memref_slice %arg5[%dma_wait3A_48] : memref<4194304xf32, #tpu.memory_space<hbm>> -> memref<2048xf32, #tpu.memory_space<hbm>>
    %dma_wait3A_50 = arith.constant 0 : i32
    %dma_wait3A_51 = tpu.memref_slice %arg14[%dma_wait3A_50] : memref<4096xf32, #tpu.memory_space<vmem>> -> memref<2048xf32, #tpu.memory_space<vmem>>
    tpu.wait_dma2 semaphore(%arg17 : memref<!tpu.dma_semaphore, #tpu.memory_space<semaphore_mem>>) src(%dma_wait3A_51 : memref<2048xf32, #tpu.memory_space<vmem>>) dst(%dma_wait3A_49 : memref<2048xf32, #tpu.memory_space<hbm>>)
    %dma_wait3A_52 = arith.constant 2048 : i32
    %dma_wait3A_53 = tpu.memref_slice %arg14[%dma_wait3A_52] : memref<4096xf32, #tpu.memory_space<vmem>> -> memref<2048xf32, #tpu.memory_space<vmem>>
    %dma_wait3A_54 = arith.constant 0 : i32
    %dma_wait3A_55 = tpu.memref_slice %arg5[%dma_wait3A_54] : memref<4194304xf32, #tpu.memory_space<hbm>> -> memref<2048xf32, #tpu.memory_space<hbm>>
    %dma_wait3A_56 = arith.constant 0 : i32
    %dma_wait3A_57 = tpu.memref_slice %arg5[%dma_wait3A_56] : memref<4194304xf32, #tpu.memory_space<hbm>> -> memref<2048xf32, #tpu.memory_space<hbm>>
    %dma_wait3A_58 = arith.constant 2048 : i32
    %dma_wait3A_59 = tpu.memref_slice %arg14[%dma_wait3A_58] : memref<4096xf32, #tpu.memory_space<vmem>> -> memref<2048xf32, #tpu.memory_space<vmem>>
    tpu.wait_dma2 semaphore(%arg18 : memref<!tpu.dma_semaphore, #tpu.memory_space<semaphore_mem>>) src(%dma_wait3A_59 : memref<2048xf32, #tpu.memory_space<vmem>>) dst(%dma_wait3A_57 : memref<2048xf32, #tpu.memory_space<hbm>>)
    return
  }
}

#map = affine_map<(d0, d1) -> (0)>
module attributes {stable_mosaic.version = 14 : i64} {
  func.func @_sc_dyn_body(%arg0: i32, %arg1: i32, %arg2: memref<393216xf32, #tpu.memory_space<hbm>>, %arg3: memref<16xf32, #tpu.memory_space<hbm>>, %arg4: memref<262144xf32, #tpu.memory_space<hbm>>, %arg5: memref<65536xf32, #tpu.memory_space<hbm>>, %arg6: memref<65536xf32, #tpu.memory_space<hbm>>, %arg7: memref<3145728xf32, #tpu.memory_space<hbm>>, %arg8: memref<4096xf32, #tpu.memory_space<vmem>>, %arg9: memref<4096xf32, #tpu.memory_space<vmem>>, %arg10: memref<4096xf32, #tpu.memory_space<vmem>>, %arg11: memref<16xf32, #tpu.memory_space<vmem>>, %arg12: memref<32768xf32, #tpu.memory_space<vmem>>, %arg13: memref<2048xf32, #tpu.memory_space<vmem>>) attributes {dimension_semantics = [#tpu.dimension_semantics<core_parallel>, #tpu.dimension_semantics<subcore_parallel>], iteration_bounds = array<i64: 2, 16>, scalar_prefetch = 0 : i64, scratch_operands = 6 : i64, tpu.core_type = #tpu.core_type<sc_vector_subcore>, window_params = [{transform_indices = #map}, {transform_indices = #map}, {transform_indices = #map}, {transform_indices = #map}, {transform_indices = #map}, {transform_indices = #map}]} {
    %mul3A = arith.constant 2 : i32
    %mul3A_0 = arith.muli %arg1, %mul3A : i32
    %add3A = arith.addi %mul3A_0, %arg0 : i32
    %mul3A_1 = arith.constant 4096 : i32
    %mul3A_2 = arith.muli %add3A, %mul3A_1 : i32
    "tpu.region"() ({
      %run_scoped3A = tpu.sem_alloc : memref<!tpu.dma_semaphore, #tpu.memory_space<semaphore_mem>>
      %dma_start3A = tpu.memref_slice %arg2[%mul3A_2] : memref<393216xf32, #tpu.memory_space<hbm>> -> memref<4096xf32, #tpu.memory_space<hbm>>
      %dma_start3A_21 = tpu.memref_slice %arg2[%mul3A_2] : memref<393216xf32, #tpu.memory_space<hbm>> -> memref<4096xf32, #tpu.memory_space<hbm>>
      tpu.enqueue_dma source(%dma_start3A_21 : memref<4096xf32, #tpu.memory_space<hbm>>) target(%arg8 : memref<4096xf32, #tpu.memory_space<vmem>>) target_semaphore(%run_scoped3A : memref<!tpu.dma_semaphore, #tpu.memory_space<semaphore_mem>>)
      %dma_wait3A = tpu.memref_slice %arg2[%mul3A_2] : memref<393216xf32, #tpu.memory_space<hbm>> -> memref<4096xf32, #tpu.memory_space<hbm>>
      %dma_wait3A_22 = tpu.memref_slice %arg2[%mul3A_2] : memref<393216xf32, #tpu.memory_space<hbm>> -> memref<4096xf32, #tpu.memory_space<hbm>>
      tpu.wait_dma2 semaphore(%run_scoped3A : memref<!tpu.dma_semaphore, #tpu.memory_space<semaphore_mem>>) src(%dma_wait3A_22 : memref<4096xf32, #tpu.memory_space<hbm>>) dst(%arg8 : memref<4096xf32, #tpu.memory_space<vmem>>)
      tpu.yield
    }) : () -> ()
    %add3A_3 = arith.constant 131072 : i32
    %add3A_4 = arith.addi %add3A_3, %mul3A_2 : i32
    "tpu.region"() ({
      %run_scoped3A = tpu.sem_alloc : memref<!tpu.dma_semaphore, #tpu.memory_space<semaphore_mem>>
      %dma_start3A = tpu.memref_slice %arg2[%add3A_4] : memref<393216xf32, #tpu.memory_space<hbm>> -> memref<4096xf32, #tpu.memory_space<hbm>>
      %dma_start3A_21 = tpu.memref_slice %arg2[%add3A_4] : memref<393216xf32, #tpu.memory_space<hbm>> -> memref<4096xf32, #tpu.memory_space<hbm>>
      tpu.enqueue_dma source(%dma_start3A_21 : memref<4096xf32, #tpu.memory_space<hbm>>) target(%arg9 : memref<4096xf32, #tpu.memory_space<vmem>>) target_semaphore(%run_scoped3A : memref<!tpu.dma_semaphore, #tpu.memory_space<semaphore_mem>>)
      %dma_wait3A = tpu.memref_slice %arg2[%add3A_4] : memref<393216xf32, #tpu.memory_space<hbm>> -> memref<4096xf32, #tpu.memory_space<hbm>>
      %dma_wait3A_22 = tpu.memref_slice %arg2[%add3A_4] : memref<393216xf32, #tpu.memory_space<hbm>> -> memref<4096xf32, #tpu.memory_space<hbm>>
      tpu.wait_dma2 semaphore(%run_scoped3A : memref<!tpu.dma_semaphore, #tpu.memory_space<semaphore_mem>>) src(%dma_wait3A_22 : memref<4096xf32, #tpu.memory_space<hbm>>) dst(%arg9 : memref<4096xf32, #tpu.memory_space<vmem>>)
      tpu.yield
    }) : () -> ()
    %add3A_5 = arith.constant 262144 : i32
    %add3A_6 = arith.addi %add3A_5, %mul3A_2 : i32
    "tpu.region"() ({
      %run_scoped3A = tpu.sem_alloc : memref<!tpu.dma_semaphore, #tpu.memory_space<semaphore_mem>>
      %dma_start3A = tpu.memref_slice %arg2[%add3A_6] : memref<393216xf32, #tpu.memory_space<hbm>> -> memref<4096xf32, #tpu.memory_space<hbm>>
      %dma_start3A_21 = tpu.memref_slice %arg2[%add3A_6] : memref<393216xf32, #tpu.memory_space<hbm>> -> memref<4096xf32, #tpu.memory_space<hbm>>
      tpu.enqueue_dma source(%dma_start3A_21 : memref<4096xf32, #tpu.memory_space<hbm>>) target(%arg10 : memref<4096xf32, #tpu.memory_space<vmem>>) target_semaphore(%run_scoped3A : memref<!tpu.dma_semaphore, #tpu.memory_space<semaphore_mem>>)
      %dma_wait3A = tpu.memref_slice %arg2[%add3A_6] : memref<393216xf32, #tpu.memory_space<hbm>> -> memref<4096xf32, #tpu.memory_space<hbm>>
      %dma_wait3A_22 = tpu.memref_slice %arg2[%add3A_6] : memref<393216xf32, #tpu.memory_space<hbm>> -> memref<4096xf32, #tpu.memory_space<hbm>>
      tpu.wait_dma2 semaphore(%run_scoped3A : memref<!tpu.dma_semaphore, #tpu.memory_space<semaphore_mem>>) src(%dma_wait3A_22 : memref<4096xf32, #tpu.memory_space<hbm>>) dst(%arg10 : memref<4096xf32, #tpu.memory_space<vmem>>)
      tpu.yield
    }) : () -> ()
    "tpu.region"() ({
      %run_scoped3A = tpu.sem_alloc : memref<!tpu.dma_semaphore, #tpu.memory_space<semaphore_mem>>
      tpu.enqueue_dma source(%arg3 : memref<16xf32, #tpu.memory_space<hbm>>) target(%arg11 : memref<16xf32, #tpu.memory_space<vmem>>) target_semaphore(%run_scoped3A : memref<!tpu.dma_semaphore, #tpu.memory_space<semaphore_mem>>)
      tpu.wait_dma2 semaphore(%run_scoped3A : memref<!tpu.dma_semaphore, #tpu.memory_space<semaphore_mem>>) src(%arg3 : memref<16xf32, #tpu.memory_space<hbm>>) dst(%arg11 : memref<16xf32, #tpu.memory_space<vmem>>)
      tpu.yield
    }) : () -> ()
    %scan3A = arith.constant 0 : i32
    %scan3A_7 = arith.constant 8 : i32
    %scan3A_8 = arith.addi %scan3A, %scan3A_7 : i32
    %scan3A_9 = arith.constant 1 : i32
    scf.for %scan3A_21 = %scan3A to %scan3A_8 step %scan3A_9  : i32 {
      %mul3A_22 = arith.constant 32768 : i32
      %mul3A_23 = arith.muli %scan3A_21, %mul3A_22 : i32
      "tpu.region"() ({
        %run_scoped3A = tpu.sem_alloc : memref<!tpu.dma_semaphore, #tpu.memory_space<semaphore_mem>>
        %dma_start3A = arith.constant 0 : i32
        %dma_start3A_48 = tpu.memref_slice %arg12[%dma_start3A] : memref<32768xf32, #tpu.memory_space<vmem>> -> memref<32768xf32, #tpu.memory_space<vmem>>
        %dma_start3A_49 = tpu.memref_slice %arg4[%mul3A_23] : memref<262144xf32, #tpu.memory_space<hbm>> -> memref<32768xf32, #tpu.memory_space<hbm>>
        %dma_start3A_50 = arith.constant 0 : i32
        %dma_start3A_51 = tpu.memref_slice %arg12[%dma_start3A_50] : memref<32768xf32, #tpu.memory_space<vmem>> -> memref<32768xf32, #tpu.memory_space<vmem>>
        %dma_start3A_52 = tpu.memref_slice %arg4[%mul3A_23] : memref<262144xf32, #tpu.memory_space<hbm>> -> memref<32768xf32, #tpu.memory_space<hbm>>
        tpu.enqueue_dma source(%dma_start3A_52 : memref<32768xf32, #tpu.memory_space<hbm>>) target(%dma_start3A_51 : memref<32768xf32, #tpu.memory_space<vmem>>) target_semaphore(%run_scoped3A : memref<!tpu.dma_semaphore, #tpu.memory_space<semaphore_mem>>)
        %dma_wait3A = arith.constant 0 : i32
        %dma_wait3A_53 = tpu.memref_slice %arg12[%dma_wait3A] : memref<32768xf32, #tpu.memory_space<vmem>> -> memref<32768xf32, #tpu.memory_space<vmem>>
        %dma_wait3A_54 = tpu.memref_slice %arg4[%mul3A_23] : memref<262144xf32, #tpu.memory_space<hbm>> -> memref<32768xf32, #tpu.memory_space<hbm>>
        %dma_wait3A_55 = arith.constant 0 : i32
        %dma_wait3A_56 = tpu.memref_slice %arg12[%dma_wait3A_55] : memref<32768xf32, #tpu.memory_space<vmem>> -> memref<32768xf32, #tpu.memory_space<vmem>>
        %dma_wait3A_57 = tpu.memref_slice %arg4[%mul3A_23] : memref<262144xf32, #tpu.memory_space<hbm>> -> memref<32768xf32, #tpu.memory_space<hbm>>
        tpu.wait_dma2 semaphore(%run_scoped3A : memref<!tpu.dma_semaphore, #tpu.memory_space<semaphore_mem>>) src(%dma_wait3A_57 : memref<32768xf32, #tpu.memory_space<hbm>>) dst(%dma_wait3A_56 : memref<32768xf32, #tpu.memory_space<vmem>>)
        tpu.yield
      }) : () -> ()
      %broadcast_in_dim3A = vector.broadcast %scan3A_21 : i32 to vector<16xi32>
      %gather3A = tpu.vector_load_idx %arg11[%broadcast_in_dim3A] : memref<16xf32, #tpu.memory_space<vmem>>[vector<16xi32>], vector<16xf32>,
      %scan3A_24 = arith.constant 0 : i32
      %scan3A_25 = arith.constant 128 : i32
      %scan3A_26 = arith.addi %scan3A_24, %scan3A_25 : i32
      %scan3A_27 = arith.constant 1 : i32
      scf.for %scan3A_48 = %scan3A_24 to %scan3A_26 step %scan3A_27  : i32 {
        %mul3A_49 = arith.constant 16 : i32
        %mul3A_50 = arith.muli %scan3A_48, %mul3A_49 : i32
        %add3A_51 = arith.constant 0 : i32
        %add3A_52 = arith.addi %add3A_51, %mul3A_50 : i32
        %get3A = arith.index_cast %add3A_52 : i32 to index
        %get3A_53 = tpu.vector_load %arg8[%get3A] {strides = array<i32>} : memref<4096xf32, #tpu.memory_space<vmem>>, vector<16xf32>,
        %mul3A_54 = arith.mulf %get3A_53, %gather3A : vector<16xf32>
        %add3A_55 = arith.constant 5.000000e-01 : f32
        %add3A_56 = vector.broadcast %add3A_55 : f32 to vector<16xf32>
        %add3A_57 = arith.addf %mul3A_54, %add3A_56 : vector<16xf32>
        %get3A_58 = arith.index_cast %add3A_52 : i32 to index
        %get3A_59 = tpu.vector_load %arg9[%get3A_58] {strides = array<i32>} : memref<4096xf32, #tpu.memory_space<vmem>>, vector<16xf32>,
        %mul3A_60 = arith.mulf %get3A_59, %gather3A : vector<16xf32>
        %add3A_61 = arith.constant 5.000000e-01 : f32
        %add3A_62 = vector.broadcast %add3A_61 : f32 to vector<16xf32>
        %add3A_63 = arith.addf %mul3A_60, %add3A_62 : vector<16xf32>
        %convert_element_type3A = arith.fptosi %add3A_57 : vector<16xf32> to vector<16xi32>
        %convert_element_type3A_64 = arith.fptosi %add3A_63 : vector<16xf32> to vector<16xi32>
        %convert_element_type3A_65 = arith.sitofp %convert_element_type3A : vector<16xi32> to vector<16xf32>
        %sub3A = arith.subf %add3A_57, %convert_element_type3A_65 : vector<16xf32>
        %convert_element_type3A_66 = arith.sitofp %convert_element_type3A_64 : vector<16xi32> to vector<16xf32>
        %sub3A_67 = arith.subf %add3A_63, %convert_element_type3A_66 : vector<16xf32>
        %sub3A_68 = arith.constant 1.000000e+00 : f32
        %sub3A_69 = vector.broadcast %sub3A_68 : f32 to vector<16xf32>
        %sub3A_70 = arith.subf %sub3A_69, %sub3A : vector<16xf32>
        %sub3A_71 = arith.constant 1.000000e+00 : f32
        %sub3A_72 = vector.broadcast %sub3A_71 : f32 to vector<16xf32>
        %sub3A_73 = arith.subf %sub3A_72, %sub3A_67 : vector<16xf32>
        %mul3A_74 = arith.constant -1640531535 : i32
        %mul3A_75 = vector.broadcast %mul3A_74 : i32 to vector<16xi32>
        %mul3A_76 = arith.muli %convert_element_type3A_64, %mul3A_75 : vector<16xi32>
        %add3A_77 = arith.constant -1640531535 : i32
        %add3A_78 = vector.broadcast %add3A_77 : i32 to vector<16xi32>
        %add3A_79 = arith.addi %mul3A_76, %add3A_78 : vector<16xi32>
        %add3A_80 = arith.constant 1 : i32
        %add3A_81 = vector.broadcast %add3A_80 : i32 to vector<16xi32>
        %add3A_82 = arith.addi %convert_element_type3A, %add3A_81 : vector<16xi32>
        %xor3A = arith.xori %convert_element_type3A, %mul3A_76 : vector<16xi32>
        %and3A = arith.constant 32767 : i32
        %and3A_83 = vector.broadcast %and3A : i32 to vector<16xi32>
        %and3A_84 = arith.andi %xor3A, %and3A_83 : vector<16xi32>
        %xor3A_85 = arith.xori %add3A_82, %mul3A_76 : vector<16xi32>
        %and3A_86 = arith.constant 32767 : i32
        %and3A_87 = vector.broadcast %and3A_86 : i32 to vector<16xi32>
        %and3A_88 = arith.andi %xor3A_85, %and3A_87 : vector<16xi32>
        %xor3A_89 = arith.xori %convert_element_type3A, %add3A_79 : vector<16xi32>
        %and3A_90 = arith.constant 32767 : i32
        %and3A_91 = vector.broadcast %and3A_90 : i32 to vector<16xi32>
        %and3A_92 = arith.andi %xor3A_89, %and3A_91 : vector<16xi32>
        %xor3A_93 = arith.xori %add3A_82, %add3A_79 : vector<16xi32>
        %and3A_94 = arith.constant 32767 : i32
        %and3A_95 = vector.broadcast %and3A_94 : i32 to vector<16xi32>
        %and3A_96 = arith.andi %xor3A_93, %and3A_95 : vector<16xi32>
        %mul3A_97 = arith.mulf %sub3A_70, %sub3A_73 : vector<16xf32>
        %gather3A_98 = tpu.vector_load_idx %arg12[%and3A_84] : memref<32768xf32, #tpu.memory_space<vmem>>[vector<16xi32>], vector<16xf32>,
        %mul3A_99 = arith.mulf %mul3A_97, %gather3A_98 : vector<16xf32>
        %mul3A_100 = arith.mulf %sub3A, %sub3A_73 : vector<16xf32>
        %gather3A_101 = tpu.vector_load_idx %arg12[%and3A_88] : memref<32768xf32, #tpu.memory_space<vmem>>[vector<16xi32>], vector<16xf32>,
        %mul3A_102 = arith.mulf %mul3A_100, %gather3A_101 : vector<16xf32>
        %add3A_103 = arith.addf %mul3A_99, %mul3A_102 : vector<16xf32>
        %mul3A_104 = arith.mulf %sub3A_70, %sub3A_67 : vector<16xf32>
        %gather3A_105 = tpu.vector_load_idx %arg12[%and3A_92] : memref<32768xf32, #tpu.memory_space<vmem>>[vector<16xi32>], vector<16xf32>,
        %mul3A_106 = arith.mulf %mul3A_104, %gather3A_105 : vector<16xf32>
        %add3A_107 = arith.addf %add3A_103, %mul3A_106 : vector<16xf32>
        %mul3A_108 = arith.mulf %sub3A, %sub3A_67 : vector<16xf32>
        %gather3A_109 = tpu.vector_load_idx %arg12[%and3A_96] : memref<32768xf32, #tpu.memory_space<vmem>>[vector<16xi32>], vector<16xf32>,
        %mul3A_110 = arith.mulf %mul3A_108, %gather3A_109 : vector<16xf32>
        %add3A_111 = arith.addf %add3A_107, %mul3A_110 : vector<16xf32>
        %mul3A_112 = arith.constant 16 : i32
        %mul3A_113 = arith.muli %scan3A_48, %mul3A_112 : i32
        %swap3A = arith.index_cast %mul3A_113 : i32 to index
        %swap3A_114 = tpu.vector_load %arg13[%swap3A] {strides = array<i32>} : memref<2048xf32, #tpu.memory_space<vmem>>, vector<16xf32>,
        tpu.vector_store %arg13[%swap3A], %add3A_111 {strides = array<i32>} : memref<2048xf32, #tpu.memory_space<vmem>>, vector<16xf32>,
      }
      %scan3A_28 = arith.constant 128 : i32
      %add3A_29 = arith.constant 0 : i32
      %add3A_30 = arith.addi %add3A_29, %scan3A_21 : i32
      %mul3A_31 = arith.constant 131072 : i32
      %mul3A_32 = arith.muli %add3A_30, %mul3A_31 : i32
      %add3A_33 = arith.addi %mul3A_32, %mul3A_2 : i32
      %add3A_34 = arith.constant 0 : i32
      %add3A_35 = arith.addi %add3A_33, %add3A_34 : i32
      "tpu.region"() ({
        %run_scoped3A = tpu.sem_alloc : memref<!tpu.dma_semaphore, #tpu.memory_space<semaphore_mem>>
        %dma_start3A = tpu.memref_slice %arg7[%add3A_35] : memref<3145728xf32, #tpu.memory_space<hbm>> -> memref<2048xf32, #tpu.memory_space<hbm>>
        %dma_start3A_48 = tpu.memref_slice %arg7[%add3A_35] : memref<3145728xf32, #tpu.memory_space<hbm>> -> memref<2048xf32, #tpu.memory_space<hbm>>
        tpu.enqueue_dma source(%arg13 : memref<2048xf32, #tpu.memory_space<vmem>>) target(%dma_start3A_48 : memref<2048xf32, #tpu.memory_space<hbm>>) target_semaphore(%run_scoped3A : memref<!tpu.dma_semaphore, #tpu.memory_space<semaphore_mem>>)
        %dma_wait3A = tpu.memref_slice %arg7[%add3A_35] : memref<3145728xf32, #tpu.memory_space<hbm>> -> memref<2048xf32, #tpu.memory_space<hbm>>
        %dma_wait3A_49 = tpu.memref_slice %arg7[%add3A_35] : memref<3145728xf32, #tpu.memory_space<hbm>> -> memref<2048xf32, #tpu.memory_space<hbm>>
        tpu.wait_dma2 semaphore(%run_scoped3A : memref<!tpu.dma_semaphore, #tpu.memory_space<semaphore_mem>>) src(%arg13 : memref<2048xf32, #tpu.memory_space<vmem>>) dst(%dma_wait3A_49 : memref<2048xf32, #tpu.memory_space<hbm>>)
        tpu.yield
      }) : () -> ()
      %scan3A_36 = arith.constant 0 : i32
      %scan3A_37 = arith.constant 128 : i32
      %scan3A_38 = arith.addi %scan3A_36, %scan3A_37 : i32
      %scan3A_39 = arith.constant 1 : i32
      scf.for %scan3A_48 = %scan3A_36 to %scan3A_38 step %scan3A_39  : i32 {
        %mul3A_49 = arith.constant 16 : i32
        %mul3A_50 = arith.muli %scan3A_48, %mul3A_49 : i32
        %add3A_51 = arith.constant 2048 : i32
        %add3A_52 = arith.addi %add3A_51, %mul3A_50 : i32
        %get3A = arith.index_cast %add3A_52 : i32 to index
        %get3A_53 = tpu.vector_load %arg8[%get3A] {strides = array<i32>} : memref<4096xf32, #tpu.memory_space<vmem>>, vector<16xf32>,
        %mul3A_54 = arith.mulf %get3A_53, %gather3A : vector<16xf32>
        %add3A_55 = arith.constant 5.000000e-01 : f32
        %add3A_56 = vector.broadcast %add3A_55 : f32 to vector<16xf32>
        %add3A_57 = arith.addf %mul3A_54, %add3A_56 : vector<16xf32>
        %get3A_58 = arith.index_cast %add3A_52 : i32 to index
        %get3A_59 = tpu.vector_load %arg9[%get3A_58] {strides = array<i32>} : memref<4096xf32, #tpu.memory_space<vmem>>, vector<16xf32>,
        %mul3A_60 = arith.mulf %get3A_59, %gather3A : vector<16xf32>
        %add3A_61 = arith.constant 5.000000e-01 : f32
        %add3A_62 = vector.broadcast %add3A_61 : f32 to vector<16xf32>
        %add3A_63 = arith.addf %mul3A_60, %add3A_62 : vector<16xf32>
        %convert_element_type3A = arith.fptosi %add3A_57 : vector<16xf32> to vector<16xi32>
        %convert_element_type3A_64 = arith.fptosi %add3A_63 : vector<16xf32> to vector<16xi32>
        %convert_element_type3A_65 = arith.sitofp %convert_element_type3A : vector<16xi32> to vector<16xf32>
        %sub3A = arith.subf %add3A_57, %convert_element_type3A_65 : vector<16xf32>
        %convert_element_type3A_66 = arith.sitofp %convert_element_type3A_64 : vector<16xi32> to vector<16xf32>
        %sub3A_67 = arith.subf %add3A_63, %convert_element_type3A_66 : vector<16xf32>
        %sub3A_68 = arith.constant 1.000000e+00 : f32
        %sub3A_69 = vector.broadcast %sub3A_68 : f32 to vector<16xf32>
        %sub3A_70 = arith.subf %sub3A_69, %sub3A : vector<16xf32>
        %sub3A_71 = arith.constant 1.000000e+00 : f32
        %sub3A_72 = vector.broadcast %sub3A_71 : f32 to vector<16xf32>
        %sub3A_73 = arith.subf %sub3A_72, %sub3A_67 : vector<16xf32>
        %mul3A_74 = arith.constant -1640531535 : i32
        %mul3A_75 = vector.broadcast %mul3A_74 : i32 to vector<16xi32>
        %mul3A_76 = arith.muli %convert_element_type3A_64, %mul3A_75 : vector<16xi32>
        %add3A_77 = arith.constant -1640531535 : i32
        %add3A_78 = vector.broadcast %add3A_77 : i32 to vector<16xi32>
        %add3A_79 = arith.addi %mul3A_76, %add3A_78 : vector<16xi32>
        %add3A_80 = arith.constant 1 : i32
        %add3A_81 = vector.broadcast %add3A_80 : i32 to vector<16xi32>
        %add3A_82 = arith.addi %convert_element_type3A, %add3A_81 : vector<16xi32>
        %xor3A = arith.xori %convert_element_type3A, %mul3A_76 : vector<16xi32>
        %and3A = arith.constant 32767 : i32
        %and3A_83 = vector.broadcast %and3A : i32 to vector<16xi32>
        %and3A_84 = arith.andi %xor3A, %and3A_83 : vector<16xi32>
        %xor3A_85 = arith.xori %add3A_82, %mul3A_76 : vector<16xi32>
        %and3A_86 = arith.constant 32767 : i32
        %and3A_87 = vector.broadcast %and3A_86 : i32 to vector<16xi32>
        %and3A_88 = arith.andi %xor3A_85, %and3A_87 : vector<16xi32>
        %xor3A_89 = arith.xori %convert_element_type3A, %add3A_79 : vector<16xi32>
        %and3A_90 = arith.constant 32767 : i32
        %and3A_91 = vector.broadcast %and3A_90 : i32 to vector<16xi32>
        %and3A_92 = arith.andi %xor3A_89, %and3A_91 : vector<16xi32>
        %xor3A_93 = arith.xori %add3A_82, %add3A_79 : vector<16xi32>
        %and3A_94 = arith.constant 32767 : i32
        %and3A_95 = vector.broadcast %and3A_94 : i32 to vector<16xi32>
        %and3A_96 = arith.andi %xor3A_93, %and3A_95 : vector<16xi32>
        %mul3A_97 = arith.mulf %sub3A_70, %sub3A_73 : vector<16xf32>
        %gather3A_98 = tpu.vector_load_idx %arg12[%and3A_84] : memref<32768xf32, #tpu.memory_space<vmem>>[vector<16xi32>], vector<16xf32>,
        %mul3A_99 = arith.mulf %mul3A_97, %gather3A_98 : vector<16xf32>
        %mul3A_100 = arith.mulf %sub3A, %sub3A_73 : vector<16xf32>
        %gather3A_101 = tpu.vector_load_idx %arg12[%and3A_88] : memref<32768xf32, #tpu.memory_space<vmem>>[vector<16xi32>], vector<16xf32>,
        %mul3A_102 = arith.mulf %mul3A_100, %gather3A_101 : vector<16xf32>
        %add3A_103 = arith.addf %mul3A_99, %mul3A_102 : vector<16xf32>
        %mul3A_104 = arith.mulf %sub3A_70, %sub3A_67 : vector<16xf32>
        %gather3A_105 = tpu.vector_load_idx %arg12[%and3A_92] : memref<32768xf32, #tpu.memory_space<vmem>>[vector<16xi32>], vector<16xf32>,
        %mul3A_106 = arith.mulf %mul3A_104, %gather3A_105 : vector<16xf32>
        %add3A_107 = arith.addf %add3A_103, %mul3A_106 : vector<16xf32>
        %mul3A_108 = arith.mulf %sub3A, %sub3A_67 : vector<16xf32>
        %gather3A_109 = tpu.vector_load_idx %arg12[%and3A_96] : memref<32768xf32, #tpu.memory_space<vmem>>[vector<16xi32>], vector<16xf32>,
        %mul3A_110 = arith.mulf %mul3A_108, %gather3A_109 : vector<16xf32>
        %add3A_111 = arith.addf %add3A_107, %mul3A_110 : vector<16xf32>
        %mul3A_112 = arith.constant 16 : i32
        %mul3A_113 = arith.muli %scan3A_48, %mul3A_112 : i32
        %swap3A = arith.index_cast %mul3A_113 : i32 to index
        %swap3A_114 = tpu.vector_load %arg13[%swap3A] {strides = array<i32>} : memref<2048xf32, #tpu.memory_space<vmem>>, vector<16xf32>,
        tpu.vector_store %arg13[%swap3A], %add3A_111 {strides = array<i32>} : memref<2048xf32, #tpu.memory_space<vmem>>, vector<16xf32>,
      }
      %scan3A_40 = arith.constant 128 : i32
      %add3A_41 = arith.constant 0 : i32
      %add3A_42 = arith.addi %add3A_41, %scan3A_21 : i32
      %mul3A_43 = arith.constant 131072 : i32
      %mul3A_44 = arith.muli %add3A_42, %mul3A_43 : i32
      %add3A_45 = arith.addi %mul3A_44, %mul3A_2 : i32
      %add3A_46 = arith.constant 2048 : i32
      %add3A_47 = arith.addi %add3A_45, %add3A_46 : i32
      "tpu.region"() ({
        %run_scoped3A = tpu.sem_alloc : memref<!tpu.dma_semaphore, #tpu.memory_space<semaphore_mem>>
        %dma_start3A = tpu.memref_slice %arg7[%add3A_47] : memref<3145728xf32, #tpu.memory_space<hbm>> -> memref<2048xf32, #tpu.memory_space<hbm>>
        %dma_start3A_48 = tpu.memref_slice %arg7[%add3A_47] : memref<3145728xf32, #tpu.memory_space<hbm>> -> memref<2048xf32, #tpu.memory_space<hbm>>
        tpu.enqueue_dma source(%arg13 : memref<2048xf32, #tpu.memory_space<vmem>>) target(%dma_start3A_48 : memref<2048xf32, #tpu.memory_space<hbm>>) target_semaphore(%run_scoped3A : memref<!tpu.dma_semaphore, #tpu.memory_space<semaphore_mem>>)
        %dma_wait3A = tpu.memref_slice %arg7[%add3A_47] : memref<3145728xf32, #tpu.memory_space<hbm>> -> memref<2048xf32, #tpu.memory_space<hbm>>
        %dma_wait3A_49 = tpu.memref_slice %arg7[%add3A_47] : memref<3145728xf32, #tpu.memory_space<hbm>> -> memref<2048xf32, #tpu.memory_space<hbm>>
        tpu.wait_dma2 semaphore(%run_scoped3A : memref<!tpu.dma_semaphore, #tpu.memory_space<semaphore_mem>>) src(%arg13 : memref<2048xf32, #tpu.memory_space<vmem>>) dst(%dma_wait3A_49 : memref<2048xf32, #tpu.memory_space<hbm>>)
        tpu.yield
      }) : () -> ()
    }
    %scan3A_10 = arith.constant 8 : i32
    %scan3A_11 = arith.constant 0 : i32
    %scan3A_12 = arith.constant 8 : i32
    %scan3A_13 = arith.addi %scan3A_11, %scan3A_12 : i32
    %scan3A_14 = arith.constant 1 : i32
    scf.for %scan3A_21 = %scan3A_11 to %scan3A_13 step %scan3A_14  : i32 {
      %mul3A_22 = arith.constant 8192 : i32
      %mul3A_23 = arith.muli %scan3A_21, %mul3A_22 : i32
      "tpu.region"() ({
        %run_scoped3A = tpu.sem_alloc : memref<!tpu.dma_semaphore, #tpu.memory_space<semaphore_mem>>
        %dma_start3A = arith.constant 0 : i32
        %dma_start3A_48 = tpu.memref_slice %arg12[%dma_start3A] : memref<32768xf32, #tpu.memory_space<vmem>> -> memref<8192xf32, #tpu.memory_space<vmem>>
        %dma_start3A_49 = tpu.memref_slice %arg5[%mul3A_23] : memref<65536xf32, #tpu.memory_space<hbm>> -> memref<8192xf32, #tpu.memory_space<hbm>>
        %dma_start3A_50 = arith.constant 0 : i32
        %dma_start3A_51 = tpu.memref_slice %arg12[%dma_start3A_50] : memref<32768xf32, #tpu.memory_space<vmem>> -> memref<8192xf32, #tpu.memory_space<vmem>>
        %dma_start3A_52 = tpu.memref_slice %arg5[%mul3A_23] : memref<65536xf32, #tpu.memory_space<hbm>> -> memref<8192xf32, #tpu.memory_space<hbm>>
        tpu.enqueue_dma source(%dma_start3A_52 : memref<8192xf32, #tpu.memory_space<hbm>>) target(%dma_start3A_51 : memref<8192xf32, #tpu.memory_space<vmem>>) target_semaphore(%run_scoped3A : memref<!tpu.dma_semaphore, #tpu.memory_space<semaphore_mem>>)
        %dma_wait3A = arith.constant 0 : i32
        %dma_wait3A_53 = tpu.memref_slice %arg12[%dma_wait3A] : memref<32768xf32, #tpu.memory_space<vmem>> -> memref<8192xf32, #tpu.memory_space<vmem>>
        %dma_wait3A_54 = tpu.memref_slice %arg5[%mul3A_23] : memref<65536xf32, #tpu.memory_space<hbm>> -> memref<8192xf32, #tpu.memory_space<hbm>>
        %dma_wait3A_55 = arith.constant 0 : i32
        %dma_wait3A_56 = tpu.memref_slice %arg12[%dma_wait3A_55] : memref<32768xf32, #tpu.memory_space<vmem>> -> memref<8192xf32, #tpu.memory_space<vmem>>
        %dma_wait3A_57 = tpu.memref_slice %arg5[%mul3A_23] : memref<65536xf32, #tpu.memory_space<hbm>> -> memref<8192xf32, #tpu.memory_space<hbm>>
        tpu.wait_dma2 semaphore(%run_scoped3A : memref<!tpu.dma_semaphore, #tpu.memory_space<semaphore_mem>>) src(%dma_wait3A_57 : memref<8192xf32, #tpu.memory_space<hbm>>) dst(%dma_wait3A_56 : memref<8192xf32, #tpu.memory_space<vmem>>)
        tpu.yield
      }) : () -> ()
      %broadcast_in_dim3A = vector.broadcast %scan3A_21 : i32 to vector<16xi32>
      %gather3A = tpu.vector_load_idx %arg11[%broadcast_in_dim3A] : memref<16xf32, #tpu.memory_space<vmem>>[vector<16xi32>], vector<16xf32>,
      %scan3A_24 = arith.constant 0 : i32
      %scan3A_25 = arith.constant 128 : i32
      %scan3A_26 = arith.addi %scan3A_24, %scan3A_25 : i32
      %scan3A_27 = arith.constant 1 : i32
      scf.for %scan3A_48 = %scan3A_24 to %scan3A_26 step %scan3A_27  : i32 {
        %mul3A_49 = arith.constant 16 : i32
        %mul3A_50 = arith.muli %scan3A_48, %mul3A_49 : i32
        %add3A_51 = arith.constant 0 : i32
        %add3A_52 = arith.addi %add3A_51, %mul3A_50 : i32
        %get3A = arith.index_cast %add3A_52 : i32 to index
        %get3A_53 = tpu.vector_load %arg8[%get3A] {strides = array<i32>} : memref<4096xf32, #tpu.memory_space<vmem>>, vector<16xf32>,
        %mul3A_54 = arith.mulf %get3A_53, %gather3A : vector<16xf32>
        %add3A_55 = arith.constant 5.000000e-01 : f32
        %add3A_56 = vector.broadcast %add3A_55 : f32 to vector<16xf32>
        %add3A_57 = arith.addf %mul3A_54, %add3A_56 : vector<16xf32>
        %get3A_58 = arith.index_cast %add3A_52 : i32 to index
        %get3A_59 = tpu.vector_load %arg10[%get3A_58] {strides = array<i32>} : memref<4096xf32, #tpu.memory_space<vmem>>, vector<16xf32>,
        %mul3A_60 = arith.mulf %get3A_59, %gather3A : vector<16xf32>
        %add3A_61 = arith.constant 5.000000e-01 : f32
        %add3A_62 = vector.broadcast %add3A_61 : f32 to vector<16xf32>
        %add3A_63 = arith.addf %mul3A_60, %add3A_62 : vector<16xf32>
        %convert_element_type3A = arith.fptosi %add3A_57 : vector<16xf32> to vector<16xi32>
        %convert_element_type3A_64 = arith.fptosi %add3A_63 : vector<16xf32> to vector<16xi32>
        %convert_element_type3A_65 = arith.sitofp %convert_element_type3A : vector<16xi32> to vector<16xf32>
        %sub3A = arith.subf %add3A_57, %convert_element_type3A_65 : vector<16xf32>
        %convert_element_type3A_66 = arith.sitofp %convert_element_type3A_64 : vector<16xi32> to vector<16xf32>
        %sub3A_67 = arith.subf %add3A_63, %convert_element_type3A_66 : vector<16xf32>
        %sub3A_68 = arith.constant 1.000000e+00 : f32
        %sub3A_69 = vector.broadcast %sub3A_68 : f32 to vector<16xf32>
        %sub3A_70 = arith.subf %sub3A_69, %sub3A : vector<16xf32>
        %sub3A_71 = arith.constant 1.000000e+00 : f32
        %sub3A_72 = vector.broadcast %sub3A_71 : f32 to vector<16xf32>
        %sub3A_73 = arith.subf %sub3A_72, %sub3A_67 : vector<16xf32>
        %mul3A_74 = arith.constant -1640531535 : i32
        %mul3A_75 = vector.broadcast %mul3A_74 : i32 to vector<16xi32>
        %mul3A_76 = arith.muli %convert_element_type3A_64, %mul3A_75 : vector<16xi32>
        %add3A_77 = arith.constant -1640531535 : i32
        %add3A_78 = vector.broadcast %add3A_77 : i32 to vector<16xi32>
        %add3A_79 = arith.addi %mul3A_76, %add3A_78 : vector<16xi32>
        %add3A_80 = arith.constant 1 : i32
        %add3A_81 = vector.broadcast %add3A_80 : i32 to vector<16xi32>
        %add3A_82 = arith.addi %convert_element_type3A, %add3A_81 : vector<16xi32>
        %xor3A = arith.xori %convert_element_type3A, %mul3A_76 : vector<16xi32>
        %and3A = arith.constant 8191 : i32
        %and3A_83 = vector.broadcast %and3A : i32 to vector<16xi32>
        %and3A_84 = arith.andi %xor3A, %and3A_83 : vector<16xi32>
        %xor3A_85 = arith.xori %add3A_82, %mul3A_76 : vector<16xi32>
        %and3A_86 = arith.constant 8191 : i32
        %and3A_87 = vector.broadcast %and3A_86 : i32 to vector<16xi32>
        %and3A_88 = arith.andi %xor3A_85, %and3A_87 : vector<16xi32>
        %xor3A_89 = arith.xori %convert_element_type3A, %add3A_79 : vector<16xi32>
        %and3A_90 = arith.constant 8191 : i32
        %and3A_91 = vector.broadcast %and3A_90 : i32 to vector<16xi32>
        %and3A_92 = arith.andi %xor3A_89, %and3A_91 : vector<16xi32>
        %xor3A_93 = arith.xori %add3A_82, %add3A_79 : vector<16xi32>
        %and3A_94 = arith.constant 8191 : i32
        %and3A_95 = vector.broadcast %and3A_94 : i32 to vector<16xi32>
        %and3A_96 = arith.andi %xor3A_93, %and3A_95 : vector<16xi32>
        %mul3A_97 = arith.mulf %sub3A_70, %sub3A_73 : vector<16xf32>
        %gather3A_98 = tpu.vector_load_idx %arg12[%and3A_84] : memref<32768xf32, #tpu.memory_space<vmem>>[vector<16xi32>], vector<16xf32>,
        %mul3A_99 = arith.mulf %mul3A_97, %gather3A_98 : vector<16xf32>
        %mul3A_100 = arith.mulf %sub3A, %sub3A_73 : vector<16xf32>
        %gather3A_101 = tpu.vector_load_idx %arg12[%and3A_88] : memref<32768xf32, #tpu.memory_space<vmem>>[vector<16xi32>], vector<16xf32>,
        %mul3A_102 = arith.mulf %mul3A_100, %gather3A_101 : vector<16xf32>
        %add3A_103 = arith.addf %mul3A_99, %mul3A_102 : vector<16xf32>
        %mul3A_104 = arith.mulf %sub3A_70, %sub3A_67 : vector<16xf32>
        %gather3A_105 = tpu.vector_load_idx %arg12[%and3A_92] : memref<32768xf32, #tpu.memory_space<vmem>>[vector<16xi32>], vector<16xf32>,
        %mul3A_106 = arith.mulf %mul3A_104, %gather3A_105 : vector<16xf32>
        %add3A_107 = arith.addf %add3A_103, %mul3A_106 : vector<16xf32>
        %mul3A_108 = arith.mulf %sub3A, %sub3A_67 : vector<16xf32>
        %gather3A_109 = tpu.vector_load_idx %arg12[%and3A_96] : memref<32768xf32, #tpu.memory_space<vmem>>[vector<16xi32>], vector<16xf32>,
        %mul3A_110 = arith.mulf %mul3A_108, %gather3A_109 : vector<16xf32>
        %add3A_111 = arith.addf %add3A_107, %mul3A_110 : vector<16xf32>
        %mul3A_112 = arith.constant 16 : i32
        %mul3A_113 = arith.muli %scan3A_48, %mul3A_112 : i32
        %swap3A = arith.index_cast %mul3A_113 : i32 to index
        %swap3A_114 = tpu.vector_load %arg13[%swap3A] {strides = array<i32>} : memref<2048xf32, #tpu.memory_space<vmem>>, vector<16xf32>,
        tpu.vector_store %arg13[%swap3A], %add3A_111 {strides = array<i32>} : memref<2048xf32, #tpu.memory_space<vmem>>, vector<16xf32>,
      }
      %scan3A_28 = arith.constant 128 : i32
      %add3A_29 = arith.constant 8 : i32
      %add3A_30 = arith.addi %add3A_29, %scan3A_21 : i32
      %mul3A_31 = arith.constant 131072 : i32
      %mul3A_32 = arith.muli %add3A_30, %mul3A_31 : i32
      %add3A_33 = arith.addi %mul3A_32, %mul3A_2 : i32
      %add3A_34 = arith.constant 0 : i32
      %add3A_35 = arith.addi %add3A_33, %add3A_34 : i32
      "tpu.region"() ({
        %run_scoped3A = tpu.sem_alloc : memref<!tpu.dma_semaphore, #tpu.memory_space<semaphore_mem>>
        %dma_start3A = tpu.memref_slice %arg7[%add3A_35] : memref<3145728xf32, #tpu.memory_space<hbm>> -> memref<2048xf32, #tpu.memory_space<hbm>>
        %dma_start3A_48 = tpu.memref_slice %arg7[%add3A_35] : memref<3145728xf32, #tpu.memory_space<hbm>> -> memref<2048xf32, #tpu.memory_space<hbm>>
        tpu.enqueue_dma source(%arg13 : memref<2048xf32, #tpu.memory_space<vmem>>) target(%dma_start3A_48 : memref<2048xf32, #tpu.memory_space<hbm>>) target_semaphore(%run_scoped3A : memref<!tpu.dma_semaphore, #tpu.memory_space<semaphore_mem>>)
        %dma_wait3A = tpu.memref_slice %arg7[%add3A_35] : memref<3145728xf32, #tpu.memory_space<hbm>> -> memref<2048xf32, #tpu.memory_space<hbm>>
        %dma_wait3A_49 = tpu.memref_slice %arg7[%add3A_35] : memref<3145728xf32, #tpu.memory_space<hbm>> -> memref<2048xf32, #tpu.memory_space<hbm>>
        tpu.wait_dma2 semaphore(%run_scoped3A : memref<!tpu.dma_semaphore, #tpu.memory_space<semaphore_mem>>) src(%arg13 : memref<2048xf32, #tpu.memory_space<vmem>>) dst(%dma_wait3A_49 : memref<2048xf32, #tpu.memory_space<hbm>>)
        tpu.yield
      }) : () -> ()
      %scan3A_36 = arith.constant 0 : i32
      %scan3A_37 = arith.constant 128 : i32
      %scan3A_38 = arith.addi %scan3A_36, %scan3A_37 : i32
      %scan3A_39 = arith.constant 1 : i32
      scf.for %scan3A_48 = %scan3A_36 to %scan3A_38 step %scan3A_39  : i32 {
        %mul3A_49 = arith.constant 16 : i32
        %mul3A_50 = arith.muli %scan3A_48, %mul3A_49 : i32
        %add3A_51 = arith.constant 2048 : i32
        %add3A_52 = arith.addi %add3A_51, %mul3A_50 : i32
        %get3A = arith.index_cast %add3A_52 : i32 to index
        %get3A_53 = tpu.vector_load %arg8[%get3A] {strides = array<i32>} : memref<4096xf32, #tpu.memory_space<vmem>>, vector<16xf32>,
        %mul3A_54 = arith.mulf %get3A_53, %gather3A : vector<16xf32>
        %add3A_55 = arith.constant 5.000000e-01 : f32
        %add3A_56 = vector.broadcast %add3A_55 : f32 to vector<16xf32>
        %add3A_57 = arith.addf %mul3A_54, %add3A_56 : vector<16xf32>
        %get3A_58 = arith.index_cast %add3A_52 : i32 to index
        %get3A_59 = tpu.vector_load %arg10[%get3A_58] {strides = array<i32>} : memref<4096xf32, #tpu.memory_space<vmem>>, vector<16xf32>,
        %mul3A_60 = arith.mulf %get3A_59, %gather3A : vector<16xf32>
        %add3A_61 = arith.constant 5.000000e-01 : f32
        %add3A_62 = vector.broadcast %add3A_61 : f32 to vector<16xf32>
        %add3A_63 = arith.addf %mul3A_60, %add3A_62 : vector<16xf32>
        %convert_element_type3A = arith.fptosi %add3A_57 : vector<16xf32> to vector<16xi32>
        %convert_element_type3A_64 = arith.fptosi %add3A_63 : vector<16xf32> to vector<16xi32>
        %convert_element_type3A_65 = arith.sitofp %convert_element_type3A : vector<16xi32> to vector<16xf32>
        %sub3A = arith.subf %add3A_57, %convert_element_type3A_65 : vector<16xf32>
        %convert_element_type3A_66 = arith.sitofp %convert_element_type3A_64 : vector<16xi32> to vector<16xf32>
        %sub3A_67 = arith.subf %add3A_63, %convert_element_type3A_66 : vector<16xf32>
        %sub3A_68 = arith.constant 1.000000e+00 : f32
        %sub3A_69 = vector.broadcast %sub3A_68 : f32 to vector<16xf32>
        %sub3A_70 = arith.subf %sub3A_69, %sub3A : vector<16xf32>
        %sub3A_71 = arith.constant 1.000000e+00 : f32
        %sub3A_72 = vector.broadcast %sub3A_71 : f32 to vector<16xf32>
        %sub3A_73 = arith.subf %sub3A_72, %sub3A_67 : vector<16xf32>
        %mul3A_74 = arith.constant -1640531535 : i32
        %mul3A_75 = vector.broadcast %mul3A_74 : i32 to vector<16xi32>
        %mul3A_76 = arith.muli %convert_element_type3A_64, %mul3A_75 : vector<16xi32>
        %add3A_77 = arith.constant -1640531535 : i32
        %add3A_78 = vector.broadcast %add3A_77 : i32 to vector<16xi32>
        %add3A_79 = arith.addi %mul3A_76, %add3A_78 : vector<16xi32>
        %add3A_80 = arith.constant 1 : i32
        %add3A_81 = vector.broadcast %add3A_80 : i32 to vector<16xi32>
        %add3A_82 = arith.addi %convert_element_type3A, %add3A_81 : vector<16xi32>
        %xor3A = arith.xori %convert_element_type3A, %mul3A_76 : vector<16xi32>
        %and3A = arith.constant 8191 : i32
        %and3A_83 = vector.broadcast %and3A : i32 to vector<16xi32>
        %and3A_84 = arith.andi %xor3A, %and3A_83 : vector<16xi32>
        %xor3A_85 = arith.xori %add3A_82, %mul3A_76 : vector<16xi32>
        %and3A_86 = arith.constant 8191 : i32
        %and3A_87 = vector.broadcast %and3A_86 : i32 to vector<16xi32>
        %and3A_88 = arith.andi %xor3A_85, %and3A_87 : vector<16xi32>
        %xor3A_89 = arith.xori %convert_element_type3A, %add3A_79 : vector<16xi32>
        %and3A_90 = arith.constant 8191 : i32
        %and3A_91 = vector.broadcast %and3A_90 : i32 to vector<16xi32>
        %and3A_92 = arith.andi %xor3A_89, %and3A_91 : vector<16xi32>
        %xor3A_93 = arith.xori %add3A_82, %add3A_79 : vector<16xi32>
        %and3A_94 = arith.constant 8191 : i32
        %and3A_95 = vector.broadcast %and3A_94 : i32 to vector<16xi32>
        %and3A_96 = arith.andi %xor3A_93, %and3A_95 : vector<16xi32>
        %mul3A_97 = arith.mulf %sub3A_70, %sub3A_73 : vector<16xf32>
        %gather3A_98 = tpu.vector_load_idx %arg12[%and3A_84] : memref<32768xf32, #tpu.memory_space<vmem>>[vector<16xi32>], vector<16xf32>,
        %mul3A_99 = arith.mulf %mul3A_97, %gather3A_98 : vector<16xf32>
        %mul3A_100 = arith.mulf %sub3A, %sub3A_73 : vector<16xf32>
        %gather3A_101 = tpu.vector_load_idx %arg12[%and3A_88] : memref<32768xf32, #tpu.memory_space<vmem>>[vector<16xi32>], vector<16xf32>,
        %mul3A_102 = arith.mulf %mul3A_100, %gather3A_101 : vector<16xf32>
        %add3A_103 = arith.addf %mul3A_99, %mul3A_102 : vector<16xf32>
        %mul3A_104 = arith.mulf %sub3A_70, %sub3A_67 : vector<16xf32>
        %gather3A_105 = tpu.vector_load_idx %arg12[%and3A_92] : memref<32768xf32, #tpu.memory_space<vmem>>[vector<16xi32>], vector<16xf32>,
        %mul3A_106 = arith.mulf %mul3A_104, %gather3A_105 : vector<16xf32>
        %add3A_107 = arith.addf %add3A_103, %mul3A_106 : vector<16xf32>
        %mul3A_108 = arith.mulf %sub3A, %sub3A_67 : vector<16xf32>
        %gather3A_109 = tpu.vector_load_idx %arg12[%and3A_96] : memref<32768xf32, #tpu.memory_space<vmem>>[vector<16xi32>], vector<16xf32>,
        %mul3A_110 = arith.mulf %mul3A_108, %gather3A_109 : vector<16xf32>
        %add3A_111 = arith.addf %add3A_107, %mul3A_110 : vector<16xf32>
        %mul3A_112 = arith.constant 16 : i32
        %mul3A_113 = arith.muli %scan3A_48, %mul3A_112 : i32
        %swap3A = arith.index_cast %mul3A_113 : i32 to index
        %swap3A_114 = tpu.vector_load %arg13[%swap3A] {strides = array<i32>} : memref<2048xf32, #tpu.memory_space<vmem>>, vector<16xf32>,
        tpu.vector_store %arg13[%swap3A], %add3A_111 {strides = array<i32>} : memref<2048xf32, #tpu.memory_space<vmem>>, vector<16xf32>,
      }
      %scan3A_40 = arith.constant 128 : i32
      %add3A_41 = arith.constant 8 : i32
      %add3A_42 = arith.addi %add3A_41, %scan3A_21 : i32
      %mul3A_43 = arith.constant 131072 : i32
      %mul3A_44 = arith.muli %add3A_42, %mul3A_43 : i32
      %add3A_45 = arith.addi %mul3A_44, %mul3A_2 : i32
      %add3A_46 = arith.constant 2048 : i32
      %add3A_47 = arith.addi %add3A_45, %add3A_46 : i32
      "tpu.region"() ({
        %run_scoped3A = tpu.sem_alloc : memref<!tpu.dma_semaphore, #tpu.memory_space<semaphore_mem>>
        %dma_start3A = tpu.memref_slice %arg7[%add3A_47] : memref<3145728xf32, #tpu.memory_space<hbm>> -> memref<2048xf32, #tpu.memory_space<hbm>>
        %dma_start3A_48 = tpu.memref_slice %arg7[%add3A_47] : memref<3145728xf32, #tpu.memory_space<hbm>> -> memref<2048xf32, #tpu.memory_space<hbm>>
        tpu.enqueue_dma source(%arg13 : memref<2048xf32, #tpu.memory_space<vmem>>) target(%dma_start3A_48 : memref<2048xf32, #tpu.memory_space<hbm>>) target_semaphore(%run_scoped3A : memref<!tpu.dma_semaphore, #tpu.memory_space<semaphore_mem>>)
        %dma_wait3A = tpu.memref_slice %arg7[%add3A_47] : memref<3145728xf32, #tpu.memory_space<hbm>> -> memref<2048xf32, #tpu.memory_space<hbm>>
        %dma_wait3A_49 = tpu.memref_slice %arg7[%add3A_47] : memref<3145728xf32, #tpu.memory_space<hbm>> -> memref<2048xf32, #tpu.memory_space<hbm>>
        tpu.wait_dma2 semaphore(%run_scoped3A : memref<!tpu.dma_semaphore, #tpu.memory_space<semaphore_mem>>) src(%arg13 : memref<2048xf32, #tpu.memory_space<vmem>>) dst(%dma_wait3A_49 : memref<2048xf32, #tpu.memory_space<hbm>>)
        tpu.yield
      }) : () -> ()
    }
    %scan3A_15 = arith.constant 8 : i32
    %scan3A_16 = arith.constant 0 : i32
    %scan3A_17 = arith.constant 8 : i32
    %scan3A_18 = arith.addi %scan3A_16, %scan3A_17 : i32
    %scan3A_19 = arith.constant 1 : i32
    scf.for %scan3A_21 = %scan3A_16 to %scan3A_18 step %scan3A_19  : i32 {
      %mul3A_22 = arith.constant 8192 : i32
      %mul3A_23 = arith.muli %scan3A_21, %mul3A_22 : i32
      "tpu.region"() ({
        %run_scoped3A = tpu.sem_alloc : memref<!tpu.dma_semaphore, #tpu.memory_space<semaphore_mem>>
        %dma_start3A = arith.constant 0 : i32
        %dma_start3A_48 = tpu.memref_slice %arg12[%dma_start3A] : memref<32768xf32, #tpu.memory_space<vmem>> -> memref<8192xf32, #tpu.memory_space<vmem>>
        %dma_start3A_49 = tpu.memref_slice %arg6[%mul3A_23] : memref<65536xf32, #tpu.memory_space<hbm>> -> memref<8192xf32, #tpu.memory_space<hbm>>
        %dma_start3A_50 = arith.constant 0 : i32
        %dma_start3A_51 = tpu.memref_slice %arg12[%dma_start3A_50] : memref<32768xf32, #tpu.memory_space<vmem>> -> memref<8192xf32, #tpu.memory_space<vmem>>
        %dma_start3A_52 = tpu.memref_slice %arg6[%mul3A_23] : memref<65536xf32, #tpu.memory_space<hbm>> -> memref<8192xf32, #tpu.memory_space<hbm>>
        tpu.enqueue_dma source(%dma_start3A_52 : memref<8192xf32, #tpu.memory_space<hbm>>) target(%dma_start3A_51 : memref<8192xf32, #tpu.memory_space<vmem>>) target_semaphore(%run_scoped3A : memref<!tpu.dma_semaphore, #tpu.memory_space<semaphore_mem>>)
        %dma_wait3A = arith.constant 0 : i32
        %dma_wait3A_53 = tpu.memref_slice %arg12[%dma_wait3A] : memref<32768xf32, #tpu.memory_space<vmem>> -> memref<8192xf32, #tpu.memory_space<vmem>>
        %dma_wait3A_54 = tpu.memref_slice %arg6[%mul3A_23] : memref<65536xf32, #tpu.memory_space<hbm>> -> memref<8192xf32, #tpu.memory_space<hbm>>
        %dma_wait3A_55 = arith.constant 0 : i32
        %dma_wait3A_56 = tpu.memref_slice %arg12[%dma_wait3A_55] : memref<32768xf32, #tpu.memory_space<vmem>> -> memref<8192xf32, #tpu.memory_space<vmem>>
        %dma_wait3A_57 = tpu.memref_slice %arg6[%mul3A_23] : memref<65536xf32, #tpu.memory_space<hbm>> -> memref<8192xf32, #tpu.memory_space<hbm>>
        tpu.wait_dma2 semaphore(%run_scoped3A : memref<!tpu.dma_semaphore, #tpu.memory_space<semaphore_mem>>) src(%dma_wait3A_57 : memref<8192xf32, #tpu.memory_space<hbm>>) dst(%dma_wait3A_56 : memref<8192xf32, #tpu.memory_space<vmem>>)
        tpu.yield
      }) : () -> ()
      %broadcast_in_dim3A = vector.broadcast %scan3A_21 : i32 to vector<16xi32>
      %gather3A = tpu.vector_load_idx %arg11[%broadcast_in_dim3A] : memref<16xf32, #tpu.memory_space<vmem>>[vector<16xi32>], vector<16xf32>,
      %scan3A_24 = arith.constant 0 : i32
      %scan3A_25 = arith.constant 128 : i32
      %scan3A_26 = arith.addi %scan3A_24, %scan3A_25 : i32
      %scan3A_27 = arith.constant 1 : i32
      scf.for %scan3A_48 = %scan3A_24 to %scan3A_26 step %scan3A_27  : i32 {
        %mul3A_49 = arith.constant 16 : i32
        %mul3A_50 = arith.muli %scan3A_48, %mul3A_49 : i32
        %add3A_51 = arith.constant 0 : i32
        %add3A_52 = arith.addi %add3A_51, %mul3A_50 : i32
        %get3A = arith.index_cast %add3A_52 : i32 to index
        %get3A_53 = tpu.vector_load %arg9[%get3A] {strides = array<i32>} : memref<4096xf32, #tpu.memory_space<vmem>>, vector<16xf32>,
        %mul3A_54 = arith.mulf %get3A_53, %gather3A : vector<16xf32>
        %add3A_55 = arith.constant 5.000000e-01 : f32
        %add3A_56 = vector.broadcast %add3A_55 : f32 to vector<16xf32>
        %add3A_57 = arith.addf %mul3A_54, %add3A_56 : vector<16xf32>
        %get3A_58 = arith.index_cast %add3A_52 : i32 to index
        %get3A_59 = tpu.vector_load %arg10[%get3A_58] {strides = array<i32>} : memref<4096xf32, #tpu.memory_space<vmem>>, vector<16xf32>,
        %mul3A_60 = arith.mulf %get3A_59, %gather3A : vector<16xf32>
        %add3A_61 = arith.constant 5.000000e-01 : f32
        %add3A_62 = vector.broadcast %add3A_61 : f32 to vector<16xf32>
        %add3A_63 = arith.addf %mul3A_60, %add3A_62 : vector<16xf32>
        %convert_element_type3A = arith.fptosi %add3A_57 : vector<16xf32> to vector<16xi32>
        %convert_element_type3A_64 = arith.fptosi %add3A_63 : vector<16xf32> to vector<16xi32>
        %convert_element_type3A_65 = arith.sitofp %convert_element_type3A : vector<16xi32> to vector<16xf32>
        %sub3A = arith.subf %add3A_57, %convert_element_type3A_65 : vector<16xf32>
        %convert_element_type3A_66 = arith.sitofp %convert_element_type3A_64 : vector<16xi32> to vector<16xf32>
        %sub3A_67 = arith.subf %add3A_63, %convert_element_type3A_66 : vector<16xf32>
        %sub3A_68 = arith.constant 1.000000e+00 : f32
        %sub3A_69 = vector.broadcast %sub3A_68 : f32 to vector<16xf32>
        %sub3A_70 = arith.subf %sub3A_69, %sub3A : vector<16xf32>
        %sub3A_71 = arith.constant 1.000000e+00 : f32
        %sub3A_72 = vector.broadcast %sub3A_71 : f32 to vector<16xf32>
        %sub3A_73 = arith.subf %sub3A_72, %sub3A_67 : vector<16xf32>
        %mul3A_74 = arith.constant -1640531535 : i32
        %mul3A_75 = vector.broadcast %mul3A_74 : i32 to vector<16xi32>
        %mul3A_76 = arith.muli %convert_element_type3A_64, %mul3A_75 : vector<16xi32>
        %add3A_77 = arith.constant -1640531535 : i32
        %add3A_78 = vector.broadcast %add3A_77 : i32 to vector<16xi32>
        %add3A_79 = arith.addi %mul3A_76, %add3A_78 : vector<16xi32>
        %add3A_80 = arith.constant 1 : i32
        %add3A_81 = vector.broadcast %add3A_80 : i32 to vector<16xi32>
        %add3A_82 = arith.addi %convert_element_type3A, %add3A_81 : vector<16xi32>
        %xor3A = arith.xori %convert_element_type3A, %mul3A_76 : vector<16xi32>
        %and3A = arith.constant 8191 : i32
        %and3A_83 = vector.broadcast %and3A : i32 to vector<16xi32>
        %and3A_84 = arith.andi %xor3A, %and3A_83 : vector<16xi32>
        %xor3A_85 = arith.xori %add3A_82, %mul3A_76 : vector<16xi32>
        %and3A_86 = arith.constant 8191 : i32
        %and3A_87 = vector.broadcast %and3A_86 : i32 to vector<16xi32>
        %and3A_88 = arith.andi %xor3A_85, %and3A_87 : vector<16xi32>
        %xor3A_89 = arith.xori %convert_element_type3A, %add3A_79 : vector<16xi32>
        %and3A_90 = arith.constant 8191 : i32
        %and3A_91 = vector.broadcast %and3A_90 : i32 to vector<16xi32>
        %and3A_92 = arith.andi %xor3A_89, %and3A_91 : vector<16xi32>
        %xor3A_93 = arith.xori %add3A_82, %add3A_79 : vector<16xi32>
        %and3A_94 = arith.constant 8191 : i32
        %and3A_95 = vector.broadcast %and3A_94 : i32 to vector<16xi32>
        %and3A_96 = arith.andi %xor3A_93, %and3A_95 : vector<16xi32>
        %mul3A_97 = arith.mulf %sub3A_70, %sub3A_73 : vector<16xf32>
        %gather3A_98 = tpu.vector_load_idx %arg12[%and3A_84] : memref<32768xf32, #tpu.memory_space<vmem>>[vector<16xi32>], vector<16xf32>,
        %mul3A_99 = arith.mulf %mul3A_97, %gather3A_98 : vector<16xf32>
        %mul3A_100 = arith.mulf %sub3A, %sub3A_73 : vector<16xf32>
        %gather3A_101 = tpu.vector_load_idx %arg12[%and3A_88] : memref<32768xf32, #tpu.memory_space<vmem>>[vector<16xi32>], vector<16xf32>,
        %mul3A_102 = arith.mulf %mul3A_100, %gather3A_101 : vector<16xf32>
        %add3A_103 = arith.addf %mul3A_99, %mul3A_102 : vector<16xf32>
        %mul3A_104 = arith.mulf %sub3A_70, %sub3A_67 : vector<16xf32>
        %gather3A_105 = tpu.vector_load_idx %arg12[%and3A_92] : memref<32768xf32, #tpu.memory_space<vmem>>[vector<16xi32>], vector<16xf32>,
        %mul3A_106 = arith.mulf %mul3A_104, %gather3A_105 : vector<16xf32>
        %add3A_107 = arith.addf %add3A_103, %mul3A_106 : vector<16xf32>
        %mul3A_108 = arith.mulf %sub3A, %sub3A_67 : vector<16xf32>
        %gather3A_109 = tpu.vector_load_idx %arg12[%and3A_96] : memref<32768xf32, #tpu.memory_space<vmem>>[vector<16xi32>], vector<16xf32>,
        %mul3A_110 = arith.mulf %mul3A_108, %gather3A_109 : vector<16xf32>
        %add3A_111 = arith.addf %add3A_107, %mul3A_110 : vector<16xf32>
        %mul3A_112 = arith.constant 16 : i32
        %mul3A_113 = arith.muli %scan3A_48, %mul3A_112 : i32
        %swap3A = arith.index_cast %mul3A_113 : i32 to index
        %swap3A_114 = tpu.vector_load %arg13[%swap3A] {strides = array<i32>} : memref<2048xf32, #tpu.memory_space<vmem>>, vector<16xf32>,
        tpu.vector_store %arg13[%swap3A], %add3A_111 {strides = array<i32>} : memref<2048xf32, #tpu.memory_space<vmem>>, vector<16xf32>,
      }
      %scan3A_28 = arith.constant 128 : i32
      %add3A_29 = arith.constant 16 : i32
      %add3A_30 = arith.addi %add3A_29, %scan3A_21 : i32
      %mul3A_31 = arith.constant 131072 : i32
      %mul3A_32 = arith.muli %add3A_30, %mul3A_31 : i32
      %add3A_33 = arith.addi %mul3A_32, %mul3A_2 : i32
      %add3A_34 = arith.constant 0 : i32
      %add3A_35 = arith.addi %add3A_33, %add3A_34 : i32
      "tpu.region"() ({
        %run_scoped3A = tpu.sem_alloc : memref<!tpu.dma_semaphore, #tpu.memory_space<semaphore_mem>>
        %dma_start3A = tpu.memref_slice %arg7[%add3A_35] : memref<3145728xf32, #tpu.memory_space<hbm>> -> memref<2048xf32, #tpu.memory_space<hbm>>
        %dma_start3A_48 = tpu.memref_slice %arg7[%add3A_35] : memref<3145728xf32, #tpu.memory_space<hbm>> -> memref<2048xf32, #tpu.memory_space<hbm>>
        tpu.enqueue_dma source(%arg13 : memref<2048xf32, #tpu.memory_space<vmem>>) target(%dma_start3A_48 : memref<2048xf32, #tpu.memory_space<hbm>>) target_semaphore(%run_scoped3A : memref<!tpu.dma_semaphore, #tpu.memory_space<semaphore_mem>>)
        %dma_wait3A = tpu.memref_slice %arg7[%add3A_35] : memref<3145728xf32, #tpu.memory_space<hbm>> -> memref<2048xf32, #tpu.memory_space<hbm>>
        %dma_wait3A_49 = tpu.memref_slice %arg7[%add3A_35] : memref<3145728xf32, #tpu.memory_space<hbm>> -> memref<2048xf32, #tpu.memory_space<hbm>>
        tpu.wait_dma2 semaphore(%run_scoped3A : memref<!tpu.dma_semaphore, #tpu.memory_space<semaphore_mem>>) src(%arg13 : memref<2048xf32, #tpu.memory_space<vmem>>) dst(%dma_wait3A_49 : memref<2048xf32, #tpu.memory_space<hbm>>)
        tpu.yield
      }) : () -> ()
      %scan3A_36 = arith.constant 0 : i32
      %scan3A_37 = arith.constant 128 : i32
      %scan3A_38 = arith.addi %scan3A_36, %scan3A_37 : i32
      %scan3A_39 = arith.constant 1 : i32
      scf.for %scan3A_48 = %scan3A_36 to %scan3A_38 step %scan3A_39  : i32 {
        %mul3A_49 = arith.constant 16 : i32
        %mul3A_50 = arith.muli %scan3A_48, %mul3A_49 : i32
        %add3A_51 = arith.constant 2048 : i32
        %add3A_52 = arith.addi %add3A_51, %mul3A_50 : i32
        %get3A = arith.index_cast %add3A_52 : i32 to index
        %get3A_53 = tpu.vector_load %arg9[%get3A] {strides = array<i32>} : memref<4096xf32, #tpu.memory_space<vmem>>, vector<16xf32>,
        %mul3A_54 = arith.mulf %get3A_53, %gather3A : vector<16xf32>
        %add3A_55 = arith.constant 5.000000e-01 : f32
        %add3A_56 = vector.broadcast %add3A_55 : f32 to vector<16xf32>
        %add3A_57 = arith.addf %mul3A_54, %add3A_56 : vector<16xf32>
        %get3A_58 = arith.index_cast %add3A_52 : i32 to index
        %get3A_59 = tpu.vector_load %arg10[%get3A_58] {strides = array<i32>} : memref<4096xf32, #tpu.memory_space<vmem>>, vector<16xf32>,
        %mul3A_60 = arith.mulf %get3A_59, %gather3A : vector<16xf32>
        %add3A_61 = arith.constant 5.000000e-01 : f32
        %add3A_62 = vector.broadcast %add3A_61 : f32 to vector<16xf32>
        %add3A_63 = arith.addf %mul3A_60, %add3A_62 : vector<16xf32>
        %convert_element_type3A = arith.fptosi %add3A_57 : vector<16xf32> to vector<16xi32>
        %convert_element_type3A_64 = arith.fptosi %add3A_63 : vector<16xf32> to vector<16xi32>
        %convert_element_type3A_65 = arith.sitofp %convert_element_type3A : vector<16xi32> to vector<16xf32>
        %sub3A = arith.subf %add3A_57, %convert_element_type3A_65 : vector<16xf32>
        %convert_element_type3A_66 = arith.sitofp %convert_element_type3A_64 : vector<16xi32> to vector<16xf32>
        %sub3A_67 = arith.subf %add3A_63, %convert_element_type3A_66 : vector<16xf32>
        %sub3A_68 = arith.constant 1.000000e+00 : f32
        %sub3A_69 = vector.broadcast %sub3A_68 : f32 to vector<16xf32>
        %sub3A_70 = arith.subf %sub3A_69, %sub3A : vector<16xf32>
        %sub3A_71 = arith.constant 1.000000e+00 : f32
        %sub3A_72 = vector.broadcast %sub3A_71 : f32 to vector<16xf32>
        %sub3A_73 = arith.subf %sub3A_72, %sub3A_67 : vector<16xf32>
        %mul3A_74 = arith.constant -1640531535 : i32
        %mul3A_75 = vector.broadcast %mul3A_74 : i32 to vector<16xi32>
        %mul3A_76 = arith.muli %convert_element_type3A_64, %mul3A_75 : vector<16xi32>
        %add3A_77 = arith.constant -1640531535 : i32
        %add3A_78 = vector.broadcast %add3A_77 : i32 to vector<16xi32>
        %add3A_79 = arith.addi %mul3A_76, %add3A_78 : vector<16xi32>
        %add3A_80 = arith.constant 1 : i32
        %add3A_81 = vector.broadcast %add3A_80 : i32 to vector<16xi32>
        %add3A_82 = arith.addi %convert_element_type3A, %add3A_81 : vector<16xi32>
        %xor3A = arith.xori %convert_element_type3A, %mul3A_76 : vector<16xi32>
        %and3A = arith.constant 8191 : i32
        %and3A_83 = vector.broadcast %and3A : i32 to vector<16xi32>
        %and3A_84 = arith.andi %xor3A, %and3A_83 : vector<16xi32>
        %xor3A_85 = arith.xori %add3A_82, %mul3A_76 : vector<16xi32>
        %and3A_86 = arith.constant 8191 : i32
        %and3A_87 = vector.broadcast %and3A_86 : i32 to vector<16xi32>
        %and3A_88 = arith.andi %xor3A_85, %and3A_87 : vector<16xi32>
        %xor3A_89 = arith.xori %convert_element_type3A, %add3A_79 : vector<16xi32>
        %and3A_90 = arith.constant 8191 : i32
        %and3A_91 = vector.broadcast %and3A_90 : i32 to vector<16xi32>
        %and3A_92 = arith.andi %xor3A_89, %and3A_91 : vector<16xi32>
        %xor3A_93 = arith.xori %add3A_82, %add3A_79 : vector<16xi32>
        %and3A_94 = arith.constant 8191 : i32
        %and3A_95 = vector.broadcast %and3A_94 : i32 to vector<16xi32>
        %and3A_96 = arith.andi %xor3A_93, %and3A_95 : vector<16xi32>
        %mul3A_97 = arith.mulf %sub3A_70, %sub3A_73 : vector<16xf32>
        %gather3A_98 = tpu.vector_load_idx %arg12[%and3A_84] : memref<32768xf32, #tpu.memory_space<vmem>>[vector<16xi32>], vector<16xf32>,
        %mul3A_99 = arith.mulf %mul3A_97, %gather3A_98 : vector<16xf32>
        %mul3A_100 = arith.mulf %sub3A, %sub3A_73 : vector<16xf32>
        %gather3A_101 = tpu.vector_load_idx %arg12[%and3A_88] : memref<32768xf32, #tpu.memory_space<vmem>>[vector<16xi32>], vector<16xf32>,
        %mul3A_102 = arith.mulf %mul3A_100, %gather3A_101 : vector<16xf32>
        %add3A_103 = arith.addf %mul3A_99, %mul3A_102 : vector<16xf32>
        %mul3A_104 = arith.mulf %sub3A_70, %sub3A_67 : vector<16xf32>
        %gather3A_105 = tpu.vector_load_idx %arg12[%and3A_92] : memref<32768xf32, #tpu.memory_space<vmem>>[vector<16xi32>], vector<16xf32>,
        %mul3A_106 = arith.mulf %mul3A_104, %gather3A_105 : vector<16xf32>
        %add3A_107 = arith.addf %add3A_103, %mul3A_106 : vector<16xf32>
        %mul3A_108 = arith.mulf %sub3A, %sub3A_67 : vector<16xf32>
        %gather3A_109 = tpu.vector_load_idx %arg12[%and3A_96] : memref<32768xf32, #tpu.memory_space<vmem>>[vector<16xi32>], vector<16xf32>,
        %mul3A_110 = arith.mulf %mul3A_108, %gather3A_109 : vector<16xf32>
        %add3A_111 = arith.addf %add3A_107, %mul3A_110 : vector<16xf32>
        %mul3A_112 = arith.constant 16 : i32
        %mul3A_113 = arith.muli %scan3A_48, %mul3A_112 : i32
        %swap3A = arith.index_cast %mul3A_113 : i32 to index
        %swap3A_114 = tpu.vector_load %arg13[%swap3A] {strides = array<i32>} : memref<2048xf32, #tpu.memory_space<vmem>>, vector<16xf32>,
        tpu.vector_store %arg13[%swap3A], %add3A_111 {strides = array<i32>} : memref<2048xf32, #tpu.memory_space<vmem>>, vector<16xf32>,
      }
      %scan3A_40 = arith.constant 128 : i32
      %add3A_41 = arith.constant 16 : i32
      %add3A_42 = arith.addi %add3A_41, %scan3A_21 : i32
      %mul3A_43 = arith.constant 131072 : i32
      %mul3A_44 = arith.muli %add3A_42, %mul3A_43 : i32
      %add3A_45 = arith.addi %mul3A_44, %mul3A_2 : i32
      %add3A_46 = arith.constant 2048 : i32
      %add3A_47 = arith.addi %add3A_45, %add3A_46 : i32
      "tpu.region"() ({
        %run_scoped3A = tpu.sem_alloc : memref<!tpu.dma_semaphore, #tpu.memory_space<semaphore_mem>>
        %dma_start3A = tpu.memref_slice %arg7[%add3A_47] : memref<3145728xf32, #tpu.memory_space<hbm>> -> memref<2048xf32, #tpu.memory_space<hbm>>
        %dma_start3A_48 = tpu.memref_slice %arg7[%add3A_47] : memref<3145728xf32, #tpu.memory_space<hbm>> -> memref<2048xf32, #tpu.memory_space<hbm>>
        tpu.enqueue_dma source(%arg13 : memref<2048xf32, #tpu.memory_space<vmem>>) target(%dma_start3A_48 : memref<2048xf32, #tpu.memory_space<hbm>>) target_semaphore(%run_scoped3A : memref<!tpu.dma_semaphore, #tpu.memory_space<semaphore_mem>>)
        %dma_wait3A = tpu.memref_slice %arg7[%add3A_47] : memref<3145728xf32, #tpu.memory_space<hbm>> -> memref<2048xf32, #tpu.memory_space<hbm>>
        %dma_wait3A_49 = tpu.memref_slice %arg7[%add3A_47] : memref<3145728xf32, #tpu.memory_space<hbm>> -> memref<2048xf32, #tpu.memory_space<hbm>>
        tpu.wait_dma2 semaphore(%run_scoped3A : memref<!tpu.dma_semaphore, #tpu.memory_space<semaphore_mem>>) src(%arg13 : memref<2048xf32, #tpu.memory_space<vmem>>) dst(%dma_wait3A_49 : memref<2048xf32, #tpu.memory_space<hbm>>)
        tpu.yield
      }) : () -> ()
    }
    %scan3A_20 = arith.constant 8 : i32
    return
  }
}

module attributes {stable_mosaic.version = 14 : i64} {
  func.func @_reduce_body(%arg0: i32, %arg1: memref<8xf32, #tpu.memory_space<smem>>, %arg2: memref<8x4x4096xf32, #tpu.memory_space<vmem>>, %arg3: memref<8x4x4096xf32, #tpu.memory_space<vmem>>, %arg4: memref<8x4096xf32, #tpu.memory_space<vmem>>) attributes {dimension_semantics = [#tpu.dimension_semantics<arbitrary>], iteration_bounds = array<i64: 8>, scalar_prefetch = 0 : i64, scratch_operands = 0 : i64, tpu.core_type = #tpu.core_type<tc>, window_params = [{transform_indices = @transform_0, window_bounds = array<i64: 8>}, {transform_indices = @transform_1, window_bounds = array<i64: 8, 4, 4096>}, {transform_indices = @transform_2, window_bounds = array<i64: 8, 4, 4096>}, {transform_indices = @transform_3, window_bounds = array<i64: 8, 4096>}]} {
    %get3A = arith.constant 0 : index
    %get3A_0 = arith.constant 0 : index
    %get3A_1 = arith.constant 0 : index
    %get3A_2 = vector.load %arg2[%get3A, %get3A_0, %get3A_1] : memref<8x4x4096xf32, #tpu.memory_space<vmem>>, vector<8x4x4096xf32>
    %get3A_3 = arith.constant 0 : index
    %get3A_4 = arith.constant 0 : index
    %get3A_5 = arith.constant 0 : index
    %get3A_6 = vector.load %arg3[%get3A_3, %get3A_4, %get3A_5] : memref<8x4x4096xf32, #tpu.memory_space<vmem>>, vector<8x4x4096xf32>
    %get3A_7 = arith.constant 0 : index
    %get3A_8 = memref.load %arg1[%get3A_7] : memref<8xf32, #tpu.memory_space<smem>>
    %slice3A = vector.extract_strided_slice %get3A_2 {offsets = [0, 0, 0], sizes = [8, 1, 4096], strides = [1, 1, 1]} : vector<8x4x4096xf32> to vector<8x1x4096xf32>
    %squeeze3A = vector.shape_cast %slice3A : vector<8x1x4096xf32> to vector<8x4096xf32>
    %mul3A = vector.broadcast %get3A_8 : f32 to vector<8x4096xf32>
    %mul3A_9 = arith.mulf %mul3A, %squeeze3A : vector<8x4096xf32>
    %get3A_10 = arith.constant 1 : index
    %get3A_11 = memref.load %arg1[%get3A_10] : memref<8xf32, #tpu.memory_space<smem>>
    %slice3A_12 = vector.extract_strided_slice %get3A_2 {offsets = [0, 1, 0], sizes = [8, 1, 4096], strides = [1, 1, 1]} : vector<8x4x4096xf32> to vector<8x1x4096xf32>
    %squeeze3A_13 = vector.shape_cast %slice3A_12 : vector<8x1x4096xf32> to vector<8x4096xf32>
    %mul3A_14 = vector.broadcast %get3A_11 : f32 to vector<8x4096xf32>
    %mul3A_15 = arith.mulf %mul3A_14, %squeeze3A_13 : vector<8x4096xf32>
    %add3A = arith.addf %mul3A_9, %mul3A_15 : vector<8x4096xf32>
    %get3A_16 = arith.constant 2 : index
    %get3A_17 = memref.load %arg1[%get3A_16] : memref<8xf32, #tpu.memory_space<smem>>
    %slice3A_18 = vector.extract_strided_slice %get3A_2 {offsets = [0, 2, 0], sizes = [8, 1, 4096], strides = [1, 1, 1]} : vector<8x4x4096xf32> to vector<8x1x4096xf32>
    %squeeze3A_19 = vector.shape_cast %slice3A_18 : vector<8x1x4096xf32> to vector<8x4096xf32>
    %mul3A_20 = vector.broadcast %get3A_17 : f32 to vector<8x4096xf32>
    %mul3A_21 = arith.mulf %mul3A_20, %squeeze3A_19 : vector<8x4096xf32>
    %add3A_22 = arith.addf %add3A, %mul3A_21 : vector<8x4096xf32>
    %get3A_23 = arith.constant 3 : index
    %get3A_24 = memref.load %arg1[%get3A_23] : memref<8xf32, #tpu.memory_space<smem>>
    %slice3A_25 = vector.extract_strided_slice %get3A_2 {offsets = [0, 3, 0], sizes = [8, 1, 4096], strides = [1, 1, 1]} : vector<8x4x4096xf32> to vector<8x1x4096xf32>
    %squeeze3A_26 = vector.shape_cast %slice3A_25 : vector<8x1x4096xf32> to vector<8x4096xf32>
    %mul3A_27 = vector.broadcast %get3A_24 : f32 to vector<8x4096xf32>
    %mul3A_28 = arith.mulf %mul3A_27, %squeeze3A_26 : vector<8x4096xf32>
    %add3A_29 = arith.addf %add3A_22, %mul3A_28 : vector<8x4096xf32>
    %get3A_30 = arith.constant 4 : index
    %get3A_31 = memref.load %arg1[%get3A_30] : memref<8xf32, #tpu.memory_space<smem>>
    %slice3A_32 = vector.extract_strided_slice %get3A_6 {offsets = [0, 0, 0], sizes = [8, 1, 4096], strides = [1, 1, 1]} : vector<8x4x4096xf32> to vector<8x1x4096xf32>
    %squeeze3A_33 = vector.shape_cast %slice3A_32 : vector<8x1x4096xf32> to vector<8x4096xf32>
    %mul3A_34 = vector.broadcast %get3A_31 : f32 to vector<8x4096xf32>
    %mul3A_35 = arith.mulf %mul3A_34, %squeeze3A_33 : vector<8x4096xf32>
    %add3A_36 = arith.addf %add3A_29, %mul3A_35 : vector<8x4096xf32>
    %get3A_37 = arith.constant 5 : index
    %get3A_38 = memref.load %arg1[%get3A_37] : memref<8xf32, #tpu.memory_space<smem>>
    %slice3A_39 = vector.extract_strided_slice %get3A_6 {offsets = [0, 1, 0], sizes = [8, 1, 4096], strides = [1, 1, 1]} : vector<8x4x4096xf32> to vector<8x1x4096xf32>
    %squeeze3A_40 = vector.shape_cast %slice3A_39 : vector<8x1x4096xf32> to vector<8x4096xf32>
    %mul3A_41 = vector.broadcast %get3A_38 : f32 to vector<8x4096xf32>
    %mul3A_42 = arith.mulf %mul3A_41, %squeeze3A_40 : vector<8x4096xf32>
    %add3A_43 = arith.addf %add3A_36, %mul3A_42 : vector<8x4096xf32>
    %get3A_44 = arith.constant 6 : index
    %get3A_45 = memref.load %arg1[%get3A_44] : memref<8xf32, #tpu.memory_space<smem>>
    %slice3A_46 = vector.extract_strided_slice %get3A_6 {offsets = [0, 2, 0], sizes = [8, 1, 4096], strides = [1, 1, 1]} : vector<8x4x4096xf32> to vector<8x1x4096xf32>
    %squeeze3A_47 = vector.shape_cast %slice3A_46 : vector<8x1x4096xf32> to vector<8x4096xf32>
    %mul3A_48 = vector.broadcast %get3A_45 : f32 to vector<8x4096xf32>
    %mul3A_49 = arith.mulf %mul3A_48, %squeeze3A_47 : vector<8x4096xf32>
    %add3A_50 = arith.addf %add3A_43, %mul3A_49 : vector<8x4096xf32>
    %get3A_51 = arith.constant 7 : index
    %get3A_52 = memref.load %arg1[%get3A_51] : memref<8xf32, #tpu.memory_space<smem>>
    %slice3A_53 = vector.extract_strided_slice %get3A_6 {offsets = [0, 3, 0], sizes = [8, 1, 4096], strides = [1, 1, 1]} : vector<8x4x4096xf32> to vector<8x1x4096xf32>
    %squeeze3A_54 = vector.shape_cast %slice3A_53 : vector<8x1x4096xf32> to vector<8x4096xf32>
    %mul3A_55 = vector.broadcast %get3A_52 : f32 to vector<8x4096xf32>
    %mul3A_56 = arith.mulf %mul3A_55, %squeeze3A_54 : vector<8x4096xf32>
    %add3A_57 = arith.addf %add3A_50, %mul3A_56 : vector<8x4096xf32>
    %swap3A = arith.constant 0 : index
    %swap3A_58 = arith.constant 0 : index
    %swap3A_59 = vector.load %arg4[%swap3A, %swap3A_58] : memref<8x4096xf32, #tpu.memory_space<vmem>>, vector<8x4096xf32>
    tpu.vector_store %arg4[%swap3A, %swap3A_58], %add3A_57 {strides = array<i32>} : memref<8x4096xf32, #tpu.memory_space<vmem>>, vector<8x4096xf32>,
    return
  }
  func.func @transform_0(%arg0: i32) -> i32 {
    %c0_i32 = arith.constant 0 : i32
    %c0_i32_0 = arith.constant 0 : i32
    return %c0_i32 : i32
  }
  func.func @transform_1(%arg0: i32) -> (i32, i32, i32) {
    %c0_i32 = arith.constant 0 : i32
    %c0_i32_0 = arith.constant 0 : i32
    %c0_i32_1 = arith.constant 0 : i32
    return %c0_i32, %c0_i32_0, %arg0 : i32, i32, i32
  }
  func.func @transform_2(%arg0: i32) -> (i32, i32, i32) {
    %c0_i32 = arith.constant 0 : i32
    %c0_i32_0 = arith.constant 0 : i32
    %c0_i32_1 = arith.constant 0 : i32
    return %c0_i32, %c0_i32_0, %arg0 : i32, i32, i32
  }
  func.func @transform_3(%arg0: i32) -> (i32, i32) {
    %c0_i32 = arith.constant 0 : i32
    %c0_i32_0 = arith.constant 0 : i32
    return %c0_i32, %arg0 : i32, i32
  }
}

module attributes {stable_mosaic.version = 14 : i64} {
  func.func @_reduce_body(%arg0: i32, %arg1: memref<8xf32, #tpu.memory_space<smem>>, %arg2: memref<8x4x4096xf32, #tpu.memory_space<vmem>>, %arg3: memref<8x4x4096xf32, #tpu.memory_space<vmem>>, %arg4: memref<8x4096xf32, #tpu.memory_space<vmem>>) attributes {dimension_semantics = [#tpu.dimension_semantics<arbitrary>], iteration_bounds = array<i64: 2>, scalar_prefetch = 0 : i64, scratch_operands = 0 : i64, tpu.core_type = #tpu.core_type<tc>, window_params = [{transform_indices = @transform_0, window_bounds = array<i64: 8>}, {transform_indices = @transform_1, window_bounds = array<i64: 8, 4, 4096>}, {transform_indices = @transform_2, window_bounds = array<i64: 8, 4, 4096>}, {transform_indices = @transform_3, window_bounds = array<i64: 8, 4096>}]} {
    %get3A = arith.constant 0 : index
    %get3A_0 = arith.constant 0 : index
    %get3A_1 = arith.constant 0 : index
    %get3A_2 = vector.load %arg2[%get3A, %get3A_0, %get3A_1] : memref<8x4x4096xf32, #tpu.memory_space<vmem>>, vector<8x4x4096xf32>
    %get3A_3 = arith.constant 0 : index
    %get3A_4 = arith.constant 0 : index
    %get3A_5 = arith.constant 0 : index
    %get3A_6 = vector.load %arg3[%get3A_3, %get3A_4, %get3A_5] : memref<8x4x4096xf32, #tpu.memory_space<vmem>>, vector<8x4x4096xf32>
    %get3A_7 = arith.constant 0 : index
    %get3A_8 = memref.load %arg1[%get3A_7] : memref<8xf32, #tpu.memory_space<smem>>
    %slice3A = vector.extract_strided_slice %get3A_2 {offsets = [0, 0, 0], sizes = [8, 1, 4096], strides = [1, 1, 1]} : vector<8x4x4096xf32> to vector<8x1x4096xf32>
    %squeeze3A = vector.shape_cast %slice3A : vector<8x1x4096xf32> to vector<8x4096xf32>
    %mul3A = vector.broadcast %get3A_8 : f32 to vector<8x4096xf32>
    %mul3A_9 = arith.mulf %mul3A, %squeeze3A : vector<8x4096xf32>
    %get3A_10 = arith.constant 1 : index
    %get3A_11 = memref.load %arg1[%get3A_10] : memref<8xf32, #tpu.memory_space<smem>>
    %slice3A_12 = vector.extract_strided_slice %get3A_2 {offsets = [0, 1, 0], sizes = [8, 1, 4096], strides = [1, 1, 1]} : vector<8x4x4096xf32> to vector<8x1x4096xf32>
    %squeeze3A_13 = vector.shape_cast %slice3A_12 : vector<8x1x4096xf32> to vector<8x4096xf32>
    %mul3A_14 = vector.broadcast %get3A_11 : f32 to vector<8x4096xf32>
    %mul3A_15 = arith.mulf %mul3A_14, %squeeze3A_13 : vector<8x4096xf32>
    %add3A = arith.addf %mul3A_9, %mul3A_15 : vector<8x4096xf32>
    %get3A_16 = arith.constant 2 : index
    %get3A_17 = memref.load %arg1[%get3A_16] : memref<8xf32, #tpu.memory_space<smem>>
    %slice3A_18 = vector.extract_strided_slice %get3A_2 {offsets = [0, 2, 0], sizes = [8, 1, 4096], strides = [1, 1, 1]} : vector<8x4x4096xf32> to vector<8x1x4096xf32>
    %squeeze3A_19 = vector.shape_cast %slice3A_18 : vector<8x1x4096xf32> to vector<8x4096xf32>
    %mul3A_20 = vector.broadcast %get3A_17 : f32 to vector<8x4096xf32>
    %mul3A_21 = arith.mulf %mul3A_20, %squeeze3A_19 : vector<8x4096xf32>
    %add3A_22 = arith.addf %add3A, %mul3A_21 : vector<8x4096xf32>
    %get3A_23 = arith.constant 3 : index
    %get3A_24 = memref.load %arg1[%get3A_23] : memref<8xf32, #tpu.memory_space<smem>>
    %slice3A_25 = vector.extract_strided_slice %get3A_2 {offsets = [0, 3, 0], sizes = [8, 1, 4096], strides = [1, 1, 1]} : vector<8x4x4096xf32> to vector<8x1x4096xf32>
    %squeeze3A_26 = vector.shape_cast %slice3A_25 : vector<8x1x4096xf32> to vector<8x4096xf32>
    %mul3A_27 = vector.broadcast %get3A_24 : f32 to vector<8x4096xf32>
    %mul3A_28 = arith.mulf %mul3A_27, %squeeze3A_26 : vector<8x4096xf32>
    %add3A_29 = arith.addf %add3A_22, %mul3A_28 : vector<8x4096xf32>
    %get3A_30 = arith.constant 4 : index
    %get3A_31 = memref.load %arg1[%get3A_30] : memref<8xf32, #tpu.memory_space<smem>>
    %slice3A_32 = vector.extract_strided_slice %get3A_6 {offsets = [0, 0, 0], sizes = [8, 1, 4096], strides = [1, 1, 1]} : vector<8x4x4096xf32> to vector<8x1x4096xf32>
    %squeeze3A_33 = vector.shape_cast %slice3A_32 : vector<8x1x4096xf32> to vector<8x4096xf32>
    %mul3A_34 = vector.broadcast %get3A_31 : f32 to vector<8x4096xf32>
    %mul3A_35 = arith.mulf %mul3A_34, %squeeze3A_33 : vector<8x4096xf32>
    %add3A_36 = arith.addf %add3A_29, %mul3A_35 : vector<8x4096xf32>
    %get3A_37 = arith.constant 5 : index
    %get3A_38 = memref.load %arg1[%get3A_37] : memref<8xf32, #tpu.memory_space<smem>>
    %slice3A_39 = vector.extract_strided_slice %get3A_6 {offsets = [0, 1, 0], sizes = [8, 1, 4096], strides = [1, 1, 1]} : vector<8x4x4096xf32> to vector<8x1x4096xf32>
    %squeeze3A_40 = vector.shape_cast %slice3A_39 : vector<8x1x4096xf32> to vector<8x4096xf32>
    %mul3A_41 = vector.broadcast %get3A_38 : f32 to vector<8x4096xf32>
    %mul3A_42 = arith.mulf %mul3A_41, %squeeze3A_40 : vector<8x4096xf32>
    %add3A_43 = arith.addf %add3A_36, %mul3A_42 : vector<8x4096xf32>
    %get3A_44 = arith.constant 6 : index
    %get3A_45 = memref.load %arg1[%get3A_44] : memref<8xf32, #tpu.memory_space<smem>>
    %slice3A_46 = vector.extract_strided_slice %get3A_6 {offsets = [0, 2, 0], sizes = [8, 1, 4096], strides = [1, 1, 1]} : vector<8x4x4096xf32> to vector<8x1x4096xf32>
    %squeeze3A_47 = vector.shape_cast %slice3A_46 : vector<8x1x4096xf32> to vector<8x4096xf32>
    %mul3A_48 = vector.broadcast %get3A_45 : f32 to vector<8x4096xf32>
    %mul3A_49 = arith.mulf %mul3A_48, %squeeze3A_47 : vector<8x4096xf32>
    %add3A_50 = arith.addf %add3A_43, %mul3A_49 : vector<8x4096xf32>
    %get3A_51 = arith.constant 7 : index
    %get3A_52 = memref.load %arg1[%get3A_51] : memref<8xf32, #tpu.memory_space<smem>>
    %slice3A_53 = vector.extract_strided_slice %get3A_6 {offsets = [0, 3, 0], sizes = [8, 1, 4096], strides = [1, 1, 1]} : vector<8x4x4096xf32> to vector<8x1x4096xf32>
    %squeeze3A_54 = vector.shape_cast %slice3A_53 : vector<8x1x4096xf32> to vector<8x4096xf32>
    %mul3A_55 = vector.broadcast %get3A_52 : f32 to vector<8x4096xf32>
    %mul3A_56 = arith.mulf %mul3A_55, %squeeze3A_54 : vector<8x4096xf32>
    %add3A_57 = arith.addf %add3A_50, %mul3A_56 : vector<8x4096xf32>
    %swap3A = arith.constant 0 : index
    %swap3A_58 = arith.constant 0 : index
    %swap3A_59 = vector.load %arg4[%swap3A, %swap3A_58] : memref<8x4096xf32, #tpu.memory_space<vmem>>, vector<8x4096xf32>
    tpu.vector_store %arg4[%swap3A, %swap3A_58], %add3A_57 {strides = array<i32>} : memref<8x4096xf32, #tpu.memory_space<vmem>>, vector<8x4096xf32>,
    return
  }
  func.func @transform_0(%arg0: i32) -> i32 {
    %c0_i32 = arith.constant 0 : i32
    %c0_i32_0 = arith.constant 0 : i32
    return %c0_i32 : i32
  }
  func.func @transform_1(%arg0: i32) -> (i32, i32, i32) {
    %c0_i32 = arith.constant 0 : i32
    %c0_i32_0 = arith.constant 0 : i32
    %c0_i32_1 = arith.constant 0 : i32
    return %c0_i32, %c0_i32_0, %arg0 : i32, i32, i32
  }
  func.func @transform_2(%arg0: i32) -> (i32, i32, i32) {
    %c0_i32 = arith.constant 0 : i32
    %c0_i32_0 = arith.constant 0 : i32
    %c0_i32_1 = arith.constant 0 : i32
    return %c0_i32, %c0_i32_0, %arg0 : i32, i32, i32
  }
  func.func @transform_3(%arg0: i32) -> (i32, i32) {
    %c0_i32 = arith.constant 0 : i32
    %c0_i32_0 = arith.constant 0 : i32
    return %c0_i32, %arg0 : i32, i32
  }
}

</mosaic_0001>

<sc_bundles>
// kernel: kernel.10.cloned.1.call-start
scs
__scs_entry_jumppad:
0x0: {  	(pc) =	sbr.rel $0x88, $3  }
0x1: {  	(tag) =	ssettag $0x0;
	lr =	simm.s32 $0x1  }
0x2: {  	[smem:$0x3F9B] =	sst lr;
	_ =	strace $0xD0000000  }
0x3: {  	_ = 	snop  }
0x4: {  	_ = 	snop  }
0x5: {  	_ = 	snop  }
0x6: {  	_ = 	snop  }
0x7: {  	_ = 	snop  }
__scs_overlays_trampoline_lowered:
0x8: {  	[smem:$0x3FAA] =	sst s0  }
0x9: {  	[smem:$0x3FAB] =	sst s1  }
0xa: {  	[smem:$0x3FAC] =	sst s2  }
0xb: {  	[smem:$0x3FAD] =	sst s3  }
0xc: {  	[smem:$0x3FAE] =	sst s4  }
0xd: {  	[smem:$0x3FAF] =	sst s5  }
0xe: {  	[smem:$0x3FB0] =	sst s6  }
0xf: {  	[smem:$0x3FB1] =	sst s7  }
0x10: {  	[smem:$0x3FB2] =	sst s8  }
0x11: {  	[smem:$0x3FB3] =	sst s9;
	s0 =	simm.s32 @!p0 $0x0  }
0x12: {  	s1 =	sld [smem:$0x3F99];
	s0 =	simm.s32 @p0 $0x1  }
0x13: {  	[smem:$0x3FB4] =	sst s0;
	s0 =	simm.s32 @!p1 $0x0  }
0x14: {  	s2 =	sld [smem:$0x3F98];
	s0 =	simm.s32 @p1 $0x1  }
0x15: {  	[smem:$0x3FB5] =	sst s0;
	s0 =	simm.s32 @!p2 $0x0  }
0x16: {  	s3 =	sld [smem:$0x3FDB];
	s0 =	simm.s32 @p2 $0x1  }
0x17: {  	s4 =	simm.s32 $0x1BF5;
	[smem:$0x3FB7] =	sst s0  }
0x18: {  	s0 =	sld [smem:$0x3F9A];
	_ =	swait.ge [sflag:s4], $0x0  }
0x19: {  	s7 =	sld [smem:$0x3F9B]  }
0x1a: {  	s8 =	sadd.s32 $0xFFFFE003, lr  }
0x1b: {  	s9 =	sadd.s32 $0xFFFFFEF7, lr;
	s5 =	simm.s32 $0xFFFFFFFF;
	p2 =	slt.u32 s8, $0xFFFFF086  }
0x1c: {  	p1 =	slt.u32 s9, $0xF7A;
	s5 =	simm.s32 @!p2 $0x0  }
0x1d: {  	s5 =	simm.s32 @p1 $0x1;
	p0 =	seq.s32 s7, s2  }
0x1e: {  	s7 =	smul.u32 @!p0 $0xF7A, s2;
	p2 =	seq.s32 @!p0 s5, $0x0  }
0x1f: {  	s9 =	smul.u32 $0xF7A, s1;
	s8 =	simm.s32 @!p0 $0x1BF5;
	p2 =	por !p2, p0  }
0x20: {  	[sflag:s8] =	ssyncset.s32 @!p0 $0xFFFFF086;
	s6 =	sadd.s32 @!p0 s3, s7;
	s7 =	simm.s32 @!p0 $0x108  }
0x21: {  	s3 =	sadd.s32 s3, s9;
	s6 =	sadd.s32 @!p0 $0x88, s6;
	s7 =	simm.s32 @p2 $0x1082  }
0x22: {  	[simem:s7], [sflag:s8] =	dma.local @!p0 [hbm:s6], $0xF7A  }
0x23: {  	s9 =	sor.u32 $0xD0000000, s2;
	s6 =	simm.s32 $0x108;
	_ =	swait.ge @!p0 [sflag:s8], $0x0  }
0x24: {  	s3 =	sadd.s32 $0x88, s3;
	s6 =	simm.s32 @!p1 $0x1082;
	[sflag:s4] =	ssyncset.s32 $0xFFFFF086  }
0x25: {  	[simem:s6], [sflag:s4] =	dma.local [hbm:s3], $0xF7A  }
0x26: {  	[smem:$0x3F9B] =	sst s1;
	(tag) =	ssettag s2;
	_ =	strace s9  }
0x27: {  	s1 =	sld [smem:$0x3FAB]  }
0x28: {  	s2 =	sld [smem:$0x3FAC]  }
0x29: {  	s4 =	sld [smem:$0x3FAE]  }
0x2a: {  	p0 =	seq.s32 s5, $0x0;
	s5 =	sld [smem:$0x3FAF]  }
0x2b: {  	s6 =	sld [smem:$0x3FB0]  }
0x2c: {  	s7 =	sld [smem:$0x3FB1]  }
0x2d: {  	s3 =	simm.s32 $0x108;
	s8 =	sld [smem:$0x3FB2]  }
0x2e: {  	s3 =	simm.s32 @!p0 $0x1082;
	s9 =	sld [smem:$0x3FB3]  }
0x2f: {  	lr =	sadd.s32 s0, s3;
	s0 =	sld [smem:$0x3FAA]  }
0x30: {  	s3 =	sld [smem:$0x3FAD]  }
0x31: {  	[smem:$0x3FB6] =	sst s10  }
0x32: {  	s10 =	sld [smem:$0x3FB4];
	_ =	sdelay $0x3  }
0x33: {  	p0 =	seq.s32 s10, $0x1;
	s10 =	sld [smem:$0x3FB6];
	_ =	sdelay $0x3  }
0x34: {  	[smem:$0x3FB6] =	sst s10  }
0x35: {  	s10 =	sld [smem:$0x3FB5];
	_ =	sdelay $0x3  }
0x36: {  	p1 =	seq.s32 s10, $0x1;
	s10 =	sld [smem:$0x3FB6];
	_ =	sdelay $0x3  }
0x37: {  	[smem:$0x3FB6] =	sst s10  }
0x38: {  	s10 =	sld [smem:$0x3FB7]  }
0x39: {  	_ = 	snop;
	(pc) =	sbr.ind lr, $3  }
0x3a: {  	_ = 	snop  }
0x3b: {  	_ = 	snop  }
0x3c: {  	p2 =	seq.s32 s10, $0x1;
	s10 =	sld [smem:$0x3FB6]  }
0x3d: {  	_ =	shalt  }
0x3e: {  	_ =	shalt  }
0x3f: {  	_ =	shalt  }
0x40: {  	_ =	shalt  }
0x41: {  	_ =	shalt  }
0x42: {  	_ =	shalt  }
0x43: {  	_ =	shalt  }
0x44: {  	_ =	shalt  }
0x45: {  	_ =	shalt  }
0x46: {  	_ =	shalt  }
0x47: {  	_ =	shalt  }
0x48: {  	_ =	shalt  }
0x49: {  	_ =	shalt  }
0x4a: {  	_ =	shalt  }
0x4b: {  	_ =	shalt  }
0x4c: {  	_ =	shalt  }
0x4d: {  	_ =	shalt  }
0x4e: {  	_ =	shalt  }
0x4f: {  	_ =	shalt  }
0x50: {  	_ =	shalt  }
0x51: {  	_ =	shalt  }
0x52: {  	_ =	shalt  }
0x53: {  	_ =	shalt  }
0x54: {  	_ =	shalt  }
0x55: {  	_ =	shalt  }
0x56: {  	_ =	shalt  }
0x57: {  	_ =	shalt  }
0x58: {  	_ =	shalt  }
0x59: {  	_ =	shalt  }
0x5a: {  	_ =	shalt  }
0x5b: {  	_ =	shalt  }
0x5c: {  	_ =	shalt  }
0x5d: {  	_ =	shalt  }
0x5e: {  	_ =	shalt  }
0x5f: {  	_ =	shalt  }
0x60: {  	_ =	shalt  }
0x61: {  	_ =	shalt  }
0x62: {  	_ =	shalt  }
0x63: {  	_ =	shalt  }
0x64: {  	_ =	shalt  }
0x65: {  	_ =	shalt  }
0x66: {  	_ =	shalt  }
0x67: {  	_ =	shalt  }
0x68: {  	_ =	shalt  }
0x69: {  	_ =	shalt  }
0x6a: {  	_ =	shalt  }
0x6b: {  	_ =	shalt  }
0x6c: {  	_ =	shalt  }
0x6d: {  	_ =	shalt  }
0x6e: {  	_ =	shalt  }
0x6f: {  	_ =	shalt  }
0x70: {  	_ =	shalt  }
0x71: {  	_ =	shalt  }
0x72: {  	_ =	shalt  }
0x73: {  	_ =	shalt  }
0x74: {  	_ =	shalt  }
0x75: {  	_ =	shalt  }
0x76: {  	_ =	shalt  }
0x77: {  	_ =	shalt  }
0x78: {  	_ =	shalt  }
0x79: {  	_ =	shalt  }
0x7a: {  	_ =	shalt  }
0x7b: {  	_ =	shalt  }
0x7c: {  	_ =	shalt  }
0x7d: {  	_ =	shalt  }
0x7e: {  	_ =	shalt  }
0x7f: {  	_ =	shalt  }
0x80: {  	_ =	shalt  }
0x81: {  	_ =	shalt  }
0x82: {  	_ =	shalt  }
0x83: {  	_ =	shalt  }
0x84: {  	_ =	shalt  }
0x85: {  	_ =	shalt  }
0x86: {  	_ =	shalt  }
0x87: {  	_ =	shalt  }
.Lfunc_end0:
.L_simem_size_0:
called_computation.2_lowered:
.L_overlay_start_0:
0x88: {  	s2 =	sld [smem:$0x3FD9]  }
0x89: {  	s3 =	sld [smem:$0x3FFE];
	_ =	sdelay $0x1  }
0x8a: {  	s1 =	srdreg.scid  }
0x8b: {  	s0 =	sand.u32 $0x1, s1  }
0x8c: {  	s15 =	sshll.u32 s0, $0xA;
	s2 =	sadd.s32 s3, s2  }
0x8d: {  	s2 =	sadd.s32 s2, s15  }
0x8e: {  	[smem:$0x3FC2] =	sst s2  }
0x8f: {  	_ = 	snop  }
0x90: {  	s2 =	sld [smem:$0x3FD0];
	_ =	sdelay $0x2  }
0x91: {  	s16 =	simm.s32 $0xB;
	s4 =	simm.s32 $0x10  }
0x92: {  	[smem:s4], [sflag:s16] =	dma.local [hbm:s2], $0x1  }
0x93: {  	_ =	swait.eq [sflag:s16], $0x1  }
0x94: {  	[sflag:s16] =	ssyncset.done $0x0  }
0x95: {  	[sflag:s16] =	ssyncadd.s32 $0xFFFFFFFF  }
0x96: {  	s17 =	sld [smem:$0x11];
	(tm) =	ssettm $0x1  }
0x97: {  	s18 =	sld [smem:$0x3FFB];
	_ =	sdelay $0x3  }
0x98: {  	_ =	strace s18  }
0x99: {  	s2 =	sld [smem:$0x3FFC];
	_ =	sdelay $0x3  }
0x9a: {  	_ =	strace s2  }
0x9b: {  	s2 =	sld [smem:$0x3FFD];
	_ =	sdelay $0x3  }
0x9c: {  	_ =	strace s2  }
0x9d: {  	_ =	strace $0x8FFFFFFF  }
0x9e: {  	s19 =	sld [smem:$0x3FDB];
	_ =	sdelay $0x1  }
0x9f: {  	s20 =	simm.s32 $_scs_section_size  }
0xa0: {  	s5 =	simm.s32 $_size__tile_overlayer_lowered;
	s6 =	simm.s32 $_tile_overlayer_lowered  }
0xa1: {  	s7 =	simm.s32 $0x1BFF;
	s21 =	sshll.u32 s6, $0x1;
	s4 =	sadd.s32 s20, s19  }
0xa2: {  	s22 =	simm.s32 $0x0;
	s5 =	sshll.u32 s5, $0x1;
	s6 =	sadd.s32 s21, s4  }
0xa3: {  	[timem:s22], [sflag:s7] =	dma.local [hbm:s6], s5  }
0xa4: {  	_ =	swait.ge [sflag:s7], s5  }
0xa5: {  	s5 =	ssub.s32 $0x0, s5;
	[sflag:s7] =	ssyncset.done $0x0  }
0xa6: {  	[sflag:s7] =	ssyncadd.s32 s5;
	_ =	sdelay $0x1  }
0xa7: {  	s23 =	simm.s32 $0x1B8B  }
0xa8: {  	_ =	swait.ge [sflag:s23], $0x1  }
0xa9: {  	[sflag:s23] =	ssyncset.done $0x0  }
0xaa: {  	[sflag:s23] =	ssyncadd.s32 $0xFFFFFFFF  }
0xab: {  	s5 =	sld [smem:$0x0]  }
0xac: {  	s6 =	sand.u32 $0xFFFFFFFE, s1  }
0xad: {  	p0 =	sne.s32 s1, s6  }
0xae: {  	s6 =	sshll.u32 @p0 s6, $0xE  }
0xaf: {  	s6 =	sadd.s32 @p0 $0x11B8D, s6;
	s7 =	sshll.u32 @p0 s5, $0x11  }
0xb0: {  	s6 =	sor.u32 @p0 s7, s6  }
0xb1: {  	[sflag:s6] =	ssyncadd.remote.s32 @p0 $0x1;
	_ =	sdelay $0x1  }
0xb2: {  	s6 =	simm.s32 @p0 $0x1B8D  }
0xb3: {  	_ =	swait.eq @p0 [sflag:s6], $0x1  }
0xb4: {  	[sflag:s6] =	ssyncadd.s32 @p0 $0xFFFFFFFF  }
0xb5: {  	s7 =	sshll.u32 @!p0 s1, $0xE  }
0xb6: {  	s7 =	sor.u32 @!p0 $0x4000, s7;
	s6 =	simm.s32 @!p0 $0x1B8D  }
0xb7: {  	s5 =	sshll.u32 @!p0 s5, $0x11;
	s7 =	sadd.s32 @!p0 $0x11B8D, s7;
	_ =	swait.eq @!p0 [sflag:s6], $0x1  }
0xb8: {  	s5 =	sor.u32 @!p0 s5, s7;
	[sflag:s6] =	ssyncadd.s32 @!p0 $0xFFFFFFFF  }
0xb9: {  	s25 =	simm.s32 $0x1B8E;
	s24 =	sld [smem:$0x3FFE];
	[sflag:s5] =	ssyncadd.remote.s32 @!p0 $0x1  }
0xba: {  	s26 =	simm.s32 $execute0_lowered;
	[smem:$0x3FD2] =	sst s25  }
0xbb: {  	s6 =	sshll.u32 s26, $0x1;
	_ =	strace $0x80000049;
	[dreg:$0x1] =	wrdreg $0xFFFFFFFF  }
0xbc: {  	s28 =	simm.s32 $_size_execute0_lowered;
	s4 =	sadd.s32 s4, s6;
	[dreg:$0x0] =	wrdreg $0x0  }
0xbd: {  	s6 =	sshll.u32 s28, $0x1;
	[dreg:$0x2] =	wrdreg s4  }
0xbe: {  	[dreg:$0x3] =	wrdreg s6  }
0xbf: {  	[dreg:$0x4] =	wrdreg $0xC0  }
0xc0: {  	_ =	task [dreg:s22], $0x5FFFF  }
0xc1: {  	[dreg:$0x1] =	wrdreg $0xFFFFFFFF  }
0xc2: {  	[dreg:$0x0] =	wrdreg $0x60  }
0xc3: {  	[dreg:$0x2] =	wrdreg s24  }
0xc4: {  	[dreg:$0x3] =	wrdreg s17  }
0xc5: {  	[dreg:$0x4] =	wrdreg $0x9  }
0xc6: {  	_ =	task.clear_ibuf [dreg:s22], $0x5FFFF;
	_ =	strace $0x90000049  }
0xc7: {  	s29 =	simm.s32 $0x9;
	_ =	strace $0x8000004B  }
0xc8: {  	_ =	swait.ge [sflag:s29], $0x1  }
0xc9: {  	[sflag:s29] =	ssyncadd.s32 $0xFFFFFFFF  }
0xca: {  	_ =	strace $0x9000004B  }
0xcb: {  	_ =	sfence  }
0xcc: {  	s30 =	sld [smem:$0x0];
	_ =	sdelay $0x2  }
0xcd: {  	s31 =	sshll.u32 s1, $0xD;
	s1 =	sshrl.u32 s1, $0x2  }
0xce: {  	s4 =	sand.u32 $0x4000, s31;
	s1 =	sadd.s32 s1, s30  }
0xcf: {  	s0 =	sor.u32 s4, s0;
	s1 =	sshll.u32 s1, $0x11  }
0xd0: {  	s0 =	sor.u32 s1, s0  }
0xd1: {  	s0 =	sadd.s32 $0x8F2B, s0  }
0xd2: {  	[sflag:s0] =	ssyncadd.remote.s32 $0x1  }
0xd3: {  	_ =	sfence.sel $0xFFFF  }
0xd4: {  	[dreg:$0x0] =	wrdreg $0xFFFFFFFF;
	(pc) =	sbr.abs _section_cstart, $3  }
0xd5: {  	[dreg:$0x1] =	wrdreg $0xFFFFFFFF  }
0xd6: {  	_ =	task.clear_ibuf [dreg:s22], $0x2FFFF;
	_ =	strace $0x9FFFFFFF  }
0xd7: {  	(tm) =	ssettm $0x7FFFFFFF  }
tec
execute0_lowered:
.L_overlay_start_1:
0x0: {  	(tag) =	ssettag $0x1  }
0x1: {  	s0 =	rddreg [dreg:$0x0]  }
0x2: {  	s2 =	rddreg [dreg:$0x1];
	s3 =	srdreg.scid  }
0x3: {  	s1 =	stileid.u32;
	s18 =	simm.s32 $0x1;
	s19 =	simm.s32 $0x1000  }
0x4: {  	s20 =	simm.s32 $0x2000;
	s21 =	simm.s32 $0x3000;
	s22 =	simm.s32 $0x3010  }
0x5: {  	s23 =	simm.s32 $0xB010;
	s24 =	simm.s32 $0x0;
	s6 =	sand.u32 $0x1, s3  }
0x6: {  	s4 =	sshll.u32 s1, $0xD;
	s7 =	sadd.s32 $0x210000, s0;
	s8 =	sadd.s32 $0x212000, s0  }
0x7: {  	s3 =	simm.s32 $0x0;
	s12 =	sadd.s32 $0x212100, s0;
	s14 =	sadd.s32 $0x232100, s0  }
0x8: {  	s13 =	sadd.s32 $0x232000, s0;
	s15 =	sadd.s32 $0x252000, s0;
	s16 =	sadd.s32 $0x252100, s0  }
0x9: {  	s5 =	sshll.u32 s6, $0xC;
	[smem:$0x7FF] =	sst s3;
	s9 =	ssub.s32 $0x2, s6  }
0xa: {  	s6 =	sadd.s32 $0x20E000, s0;
	s4 =	sor.u32 s5, s4;
	s10 =	sshrl.u32 s9, $0x1  }
0xb: {  	_ =	strace $0x8000004A;
	s5 =	sshrl.u32 s4, $0x3;
	s17 =	ssub.s32 s9, s10  }
0xc: {  	s11 =	sadd.s32 s5, s0;
	s5 =	sadd.s32 $0x201600, s0;
	s17 =	smax.u32 s17, $0x1  }
0xd: {  	s9 =	sadd.s32 $0x202000, s11;
	s10 =	sadd.s32 $0x206000, s11;
	s11 =	sadd.s32 $0x20A000, s11  }
.LBB2_1:
0xe: {  	[tilespmem:s3], [sflag:$0x1] =	stream.linear.gather [hbm4b:s9+s3], $0x1000, $0x38;
	[tilespmem:$0xB810] =	vst v63  }
0xf: {  	_ =	swait.ge [sflag:s18], $0x1000  }
0x10: {  	[sflag:s18] =	ssyncset.done $0x0  }
0x11: {  	[sflag:s18] =	ssyncadd.s32 $0xFFFFF000  }
0x12: {  	[tilespmem:s19], [sflag:$0x1] =	stream.linear.gather [hbm4b:s10+s3], $0x1000, $0x38;
	[tilespmem:$0xB810] =	vst v63  }
0x13: {  	_ =	swait.ge [sflag:s18], $0x1000  }
0x14: {  	[sflag:s18] =	ssyncset.done $0x0  }
0x15: {  	[sflag:s18] =	ssyncadd.s32 $0xFFFFF000  }
0x16: {  	[tilespmem:s20], [sflag:$0x1] =	stream.linear.gather [hbm4b:s11+s3], $0x1000, $0x38;
	[tilespmem:$0xB810] =	vst v63  }
0x17: {  	_ =	swait.ge [sflag:s18], $0x1000  }
0x18: {  	[sflag:s18] =	ssyncset.done $0x0  }
0x19: {  	[sflag:s18] =	ssyncadd.s32 $0xFFFFF000  }
0x1a: {  	[tilespmem:s21], [sflag:$0x1] =	stream.linear.gather [hbm4b:s5+s3], $0x10, $0x38;
	[tilespmem:$0xB810] =	vst v63  }
0x1b: {  	_ =	swait.ge [sflag:s18], $0x10  }
0x1c: {  	[sflag:s18] =	ssyncset.done $0x0  }
0x1d: {  	s26 =	simm.s32 $0x0;
	[sflag:s18] =	ssyncadd.s32 $0xFFFFFFF0  }
.LBB2_2:
0x1e: {  	s0 =	sshll.u32 s26, $0xC  }
0x1f: {  	s25 =	simm.s32 $0x0;
	v0 =	vmov s26;
	s0 =	sadd.s32 s2, s0  }
0x20: {  	[tilespmem:s22], [sflag:$0x1] =	stream.linear.gather [hbm4b:s0+s25], $0x8000, $0x38;
	[tilespmem:$0xB810] =	vst v63  }
0x21: {  	_ =	swait.ge [sflag:s18], $0x8000  }
0x22: {  	[sflag:s18] =	ssyncset.done $0x0  }
0x23: {  	[sflag:s18] =	ssyncadd.s32 $0xFFFF8000  }
0x24: {  	s28 =	simm.s32 $0x0;
	v0 =	vld.idx.msk [tilespmem:v0+s21+$0x0], $0xffff  }
0x25: {  	v1 =	vld [tilespmem:s28+$0x1000];
	_ =	sdelay $0x1  }
0x26: {  	v2 =	vld [tilespmem:s28+$0x0];
	_ =	sdelay $0x2  }
0x27: {  	v1 =	vmul.f32 v1, v0;
	_ =	sdelay $0x1  }
0x28: {  	v2 =	vmul.f32 v2, v0;
	v1 =	vadd.f32 $5.000000000e-01, v1;
	_ =	sdelay $0x1  }
0x29: {  	v2 =	vadd.f32 $5.000000000e-01, v2;
	v3 =	vtrunc.f32 v1  }
0x2a: {  	v3 =	vcvt.f32.s32 v3  }
0x2b: {  	s25 =	simm.s32 $0x10;
	v4 =	vtrunc.f32 v2  }
0x2c: {  	v6 =	vld [tilespmem:s25+$0x0];
	v4 =	vcvt.f32.s32 v4;
	v5 =	vmul.u32 $0x9E3779B1, v3;
	_ =	sdelay $0x1  }
0x2d: {  	v9 =	vld [tilespmem:s25+$0x1000];
	v7 =	vadd.s32 $0x1, v4;
	v8 =	vxor.u32 v4, v5  }
0x2e: {  	v10 =	vxor.u32 v7, v5;
	v8 =	vand.u32 $0x7FFF, v8  }
0x2f: {  	v5 =	vadd.s32 $0x9E3779B1, v5;
	v10 =	vand.u32 $0x7FFF, v10  }
0x30: {  	v6 =	vmul.f32 v6, v0;
	v3 =	vcvt.s32.f32 v3;
	v11 =	vxor.u32 v4, v5  }
0x31: {  	v4 =	vcvt.s32.f32 v4;
	v5 =	vxor.u32 v7, v5;
	v11 =	vand.u32 $0x7FFF, v11  }
0x32: {  	v9 =	vmul.f32 v9, v0;
	v12 =	vsub.f32 v1, v3;
	v3 =	vand.u32 $0x7FFF, v5  }
0x33: {  	v7 =	vld.idx.msk [tilespmem:v8+s22+$0x0], $0xffff;
	v8 =	vsub.f32 v2, v4  }
0x34: {  	v1 =	vadd.f32 $5.000000000e-01, v6;
	v5 =	vld.idx.msk [tilespmem:v10+s22+$0x0], $0xffff;
	v2 =	vadd.f32 $5.000000000e-01, v9  }
0x35: {  	v4 =	vsub.f32 $1.000000000e+00, v12;
	v6 =	vsub.f32 $1.000000000e+00, v8  }
0x36: {  	v9 =	vtrunc.f32 v1;
	v10 =	vld.idx.msk [tilespmem:v11+s22+$0x0], $0xffff;
	v11 =	vtrunc.f32 v2  }
0x37: {  	v15 =	vld.idx.msk [tilespmem:v3+s22+$0x0], $0xffff;
	v14 =	vmul.f32 v4, v8;
	v13 =	vmul.f32 v4, v6  }
0x38: {  	v4 =	vcvt.f32.s32 v11;
	v6 =	vmul.f32 v12, v6  }
0x39: {  	v5 =	vmul.f32 v14, v5;
	v7 =	vmul.f32 v13, v7  }
0x3a: {  	s29 =	simm.s32 $0x20;
	v3 =	vcvt.f32.s32 v9;
	v8 =	vmul.f32 v12, v8;
	v13 =	vmul.u32 $0x9E3779B1, v4  }
0x3b: {  	v9 =	vld [tilespmem:s29+$0x0];
	v10 =	vmul.f32 v6, v10;
	v7 =	vadd.f32 v5, v7  }
0x3c: {  	v12 =	vmul.f32 v8, v15;
	v5 =	vadd.s32 $0x1, v3;
	v6 =	vxor.u32 v3, v13  }
0x3d: {  	v14 =	vxor.u32 v5, v13;
	v6 =	vand.u32 $0x7FFF, v6;
	v11 =	vadd.f32 v7, v10;
	v7 =	vld [tilespmem:s29+$0x1000]  }
0x3e: {  	s30 =	simm.s32 $0xC0;
	v10 =	vadd.s32 $0x9E3779B1, v13;
	v8 =	vand.u32 $0x7FFF, v14  }
.LBB2_3:
0x3f: {  	p0 =	sne.s32 s30, $0x1FC0;
	v13 =	vxor.u32 v3, v10;
	v11 =	vadd.f32 v11, v12  }
0x40: {  	v9 =	vmul.f32 v9, v0;
	v12 =	vand.u32 $0x7FFF, v13  }
0x41: {  	v3 =	vcvt.s32.f32 v3;
	v4 =	vcvt.s32.f32 v4;
	v5 =	vxor.u32 v5, v10;
	[tilespmem:s28+$0xB010] =	vst v11;
	s28 =	smov.u32 s25;
	s25 =	smov.u32 s29  }
0x42: {  	v5 =	vand.u32 $0x7FFF, v5;
	v9 =	vadd.f32 $5.000000000e-01, v9;
	v7 =	vmul.f32 v7, v0;
	v6 =	vld.idx.msk [tilespmem:v6+s22+$0x0], $0xffff  }
0x43: {  	v10 =	vsub.f32 v1, v3;
	v11 =	vsub.f32 v2, v4;
	v8 =	vld.idx.msk [tilespmem:v8+s22+$0x0], $0xffff  }
0x44: {  	v2 =	vadd.f32 $5.000000000e-01, v7;
	v1 =	vmov v9  }
0x45: {  	v4 =	vsub.f32 $1.000000000e+00, v11;
	v7 =	vsub.f32 $1.000000000e+00, v10;
	v3 =	vtrunc.f32 v1;
	v12 =	vld.idx.msk [tilespmem:v12+s22+$0x0], $0xffff  }
0x46: {  	v3 =	vcvt.f32.s32 v3;
	v9 =	vtrunc.f32 v2  }
0x47: {  	v14 =	vmul.f32 v4, v10;
	v13 =	vmul.f32 v4, v7;
	v15 =	vld.idx.msk [tilespmem:v5+s22+$0x0], $0xffff  }
0x48: {  	v7 =	vmul.f32 v11, v7;
	v4 =	vcvt.f32.s32 v9  }
0x49: {  	v6 =	vmul.f32 v13, v6;
	v8 =	vmul.f32 v14, v8  }
.Ltmp0:
0x4a: {  	s29 =	sshra.s32 s30, $0x2;
	v5 =	vadd.s32 $0x1, v3;
	v13 =	vmul.u32 $0x9E3779B1, v4;
	(pc) =	sbr.rel @p0 .LBB2_3-.Ltmp0, $4  }
0x4b: {  	v10 =	vmul.f32 v11, v10;
	v8 =	vadd.f32 v8, v6;
	v12 =	vmul.f32 v7, v12;
	v9 =	vld [tilespmem:s29+$0x0]  }
0x4c: {  	v6 =	vxor.u32 v3, v13;
	v14 =	vxor.u32 v5, v13  }
0x4d: {  	v6 =	vand.u32 $0x7FFF, v6;
	v11 =	vadd.f32 v8, v12;
	v12 =	vmul.f32 v10, v15;
	v7 =	vld [tilespmem:s29+$0x1000]  }
0x4e: {  	s30 =	sadd.s32 $0x40, s30;
	v10 =	vadd.s32 $0x9E3779B1, v13;
	v8 =	vand.u32 $0x7FFF, v14  }
0x4f: {  	v13 =	vxor.u32 v3, v10  }
0x50: {  	v11 =	vadd.f32 v11, v12;
	v3 =	vcvt.s32.f32 v3;
	v4 =	vcvt.s32.f32 v4  }
0x51: {  	v5 =	vxor.u32 v5, v10;
	v9 =	vmul.f32 v9, v0;
	v12 =	vand.u32 $0x7FFF, v13  }
0x52: {  	v5 =	vand.u32 $0x7FFF, v5;
	[tilespmem:s28+$0xB010] =	vst v11;
	v1 =	vsub.f32 v1, v3;
	v2 =	vsub.f32 v2, v4  }
0x53: {  	v9 =	vadd.f32 $5.000000000e-01, v9;
	v7 =	vmul.f32 v7, v0;
	v6 =	vld.idx.msk [tilespmem:v6+s22+$0x0], $0xffff  }
0x54: {  	v3 =	vld.idx.msk [tilespmem:v8+s22+$0x0], $0xffff;
	v8 =	vsub.f32 $1.000000000e+00, v1;
	v10 =	vsub.f32 $1.000000000e+00, v2  }
0x55: {  	v4 =	vadd.f32 $5.000000000e-01, v7  }
0x56: {  	v7 =	vtrunc.f32 v9;
	v11 =	vld.idx.msk [tilespmem:v12+s22+$0x0], $0xffff;
	v13 =	vmul.f32 v10, v8  }
0x57: {  	v10 =	vmul.f32 v10, v1;
	v5 =	vld.idx.msk [tilespmem:v5+s22+$0x0], $0xffff;
	v12 =	vtrunc.f32 v4  }
0x58: {  	v8 =	vmul.f32 v2, v8;
	v12 =	vcvt.f32.s32 v12  }
0x59: {  	v6 =	vmul.f32 v13, v6;
	v3 =	vmul.f32 v10, v3  }
0x5a: {  	v7 =	vcvt.f32.s32 v7;
	v1 =	vmul.f32 v2, v1;
	v10 =	vmul.u32 $0x9E3779B1, v12  }
0x5b: {  	v3 =	vadd.f32 v3, v6;
	v6 =	vmul.f32 v8, v11  }
0x5c: {  	v13 =	vadd.s32 $0x1, v7;
	v1 =	vmul.f32 v1, v5;
	v2 =	vxor.u32 v7, v10  }
0x5d: {  	v8 =	vxor.u32 v13, v10;
	v2 =	vand.u32 $0x7FFF, v2;
	v3 =	vadd.f32 v3, v6  }
0x5e: {  	v5 =	vadd.s32 $0x9E3779B1, v10;
	v6 =	vand.u32 $0x7FFF, v8  }
0x5f: {  	v8 =	vxor.u32 v7, v5;
	v1 =	vadd.f32 v3, v1  }
0x60: {  	v7 =	vcvt.s32.f32 v7;
	v3 =	vand.u32 $0x7FFF, v8;
	v8 =	vcvt.s32.f32 v12  }
0x61: {  	v5 =	vxor.u32 v13, v5;
	[tilespmem:s25+$0xB010] =	vst v1  }
0x62: {  	v4 =	vsub.f32 v4, v8;
	v1 =	vld.idx.msk [tilespmem:v2+s22+$0x0], $0xffff;
	v2 =	vand.u32 $0x7FFF, v5;
	v5 =	vsub.f32 v9, v7  }
0x63: {  	v6 =	vld.idx.msk [tilespmem:v6+s22+$0x0], $0xffff  }
0x64: {  	v8 =	vsub.f32 $1.000000000e+00, v4;
	v7 =	vsub.f32 $1.000000000e+00, v5  }
0x65: {  	v3 =	vld.idx.msk [tilespmem:v3+s22+$0x0], $0xffff  }
0x66: {  	v9 =	vmul.f32 v8, v7;
	v8 =	vmul.f32 v8, v5  }
0x67: {  	v7 =	vmul.f32 v4, v7;
	v2 =	vld.idx.msk [tilespmem:v2+s22+$0x0], $0xffff  }
0x68: {  	v1 =	vmul.f32 v9, v1;
	v6 =	vmul.f32 v8, v6;
	_ =	sdelay $0x1  }
0x69: {  	v4 =	vmul.f32 v4, v5;
	v3 =	vmul.f32 v7, v3;
	v1 =	vadd.f32 v6, v1;
	_ =	sdelay $0x1  }
0x6a: {  	v1 =	vadd.f32 v1, v3;
	v2 =	vmul.f32 v4, v2  }
0x6b: {  	s0 =	sshll.u32 s26, $0x11  }
0x6c: {  	s0 =	sor.u32 s4, s0;
	v1 =	vadd.f32 v1, v2  }
0x6d: {  	s25 =	sshrl.u32 s0, $0x3  }
0x6e: {  	s28 =	simm.s32 $0x0;
	s0 =	sadd.s32 s8, s25;
	[tilespmem:s29+$0xB010] =	vst v1  }
0x6f: {  	[hbm4b:s0+s28] =	stream.linear.scatter [tilespmem:s23], [sflag:$0x1], $0x800, $0x38;
	[tilespmem:$0xB810] =	vst v63  }
0x70: {  	_ =	swait.ge [sflag:s18], $0x800  }
0x71: {  	[sflag:s18] =	ssyncset.done $0x0  }
0x72: {  	s29 =	simm.s32 $0x0;
	[sflag:s18] =	ssyncadd.s32 $0xFFFFF800  }
0x73: {  	v1 =	vld [tilespmem:s29+$0x1800];
	_ =	sdelay $0x1  }
0x74: {  	v2 =	vld [tilespmem:s29+$0x800];
	_ =	sdelay $0x2  }
0x75: {  	v1 =	vmul.f32 v1, v0;
	_ =	sdelay $0x1  }
0x76: {  	v2 =	vmul.f32 v2, v0;
	v1 =	vadd.f32 $5.000000000e-01, v1;
	_ =	sdelay $0x1  }
0x77: {  	v2 =	vadd.f32 $5.000000000e-01, v2;
	v3 =	vtrunc.f32 v1  }
0x78: {  	v3 =	vcvt.f32.s32 v3  }
0x79: {  	s28 =	simm.s32 $0x10;
	v4 =	vtrunc.f32 v2  }
0x7a: {  	v6 =	vld [tilespmem:s28+$0x800];
	v4 =	vcvt.f32.s32 v4;
	v5 =	vmul.u32 $0x9E3779B1, v3;
	_ =	sdelay $0x1  }
0x7b: {  	v9 =	vld [tilespmem:s28+$0x1800];
	v7 =	vadd.s32 $0x1, v4;
	v8 =	vxor.u32 v4, v5  }
0x7c: {  	v10 =	vxor.u32 v7, v5;
	v8 =	vand.u32 $0x7FFF, v8  }
0x7d: {  	v5 =	vadd.s32 $0x9E3779B1, v5;
	v10 =	vand.u32 $0x7FFF, v10  }
0x7e: {  	v6 =	vmul.f32 v6, v0;
	v3 =	vcvt.s32.f32 v3;
	v11 =	vxor.u32 v4, v5  }
0x7f: {  	v4 =	vcvt.s32.f32 v4;
	v5 =	vxor.u32 v7, v5;
	v11 =	vand.u32 $0x7FFF, v11  }
0x80: {  	v9 =	vmul.f32 v9, v0;
	v12 =	vsub.f32 v1, v3;
	v3 =	vand.u32 $0x7FFF, v5  }
0x81: {  	v7 =	vld.idx.msk [tilespmem:v8+s22+$0x0], $0xffff;
	v8 =	vsub.f32 v2, v4  }
0x82: {  	v1 =	vadd.f32 $5.000000000e-01, v6;
	v5 =	vld.idx.msk [tilespmem:v10+s22+$0x0], $0xffff;
	v2 =	vadd.f32 $5.000000000e-01, v9  }
0x83: {  	v4 =	vsub.f32 $1.000000000e+00, v12;
	v6 =	vsub.f32 $1.000000000e+00, v8  }
0x84: {  	v9 =	vtrunc.f32 v1;
	v10 =	vld.idx.msk [tilespmem:v11+s22+$0x0], $0xffff;
	v11 =	vtrunc.f32 v2  }
0x85: {  	v15 =	vld.idx.msk [tilespmem:v3+s22+$0x0], $0xffff;
	v14 =	vmul.f32 v4, v8;
	v13 =	vmul.f32 v4, v6  }
0x86: {  	v4 =	vcvt.f32.s32 v11;
	v6 =	vmul.f32 v12, v6  }
0x87: {  	v5 =	vmul.f32 v14, v5;
	v7 =	vmul.f32 v13, v7  }
0x88: {  	s30 =	simm.s32 $0x20;
	v3 =	vcvt.f32.s32 v9;
	v8 =	vmul.f32 v12, v8;
	v13 =	vmul.u32 $0x9E3779B1, v4  }
0x89: {  	v9 =	vld [tilespmem:s30+$0x800];
	v10 =	vmul.f32 v6, v10;
	v7 =	vadd.f32 v5, v7  }
0x8a: {  	v12 =	vmul.f32 v8, v15;
	v5 =	vadd.s32 $0x1, v3;
	v6 =	vxor.u32 v3, v13  }
0x8b: {  	v14 =	vxor.u32 v5, v13;
	v6 =	vand.u32 $0x7FFF, v6;
	v11 =	vadd.f32 v7, v10;
	v7 =	vld [tilespmem:s30+$0x1800]  }
0x8c: {  	s31 =	simm.s32 $0xC0;
	v10 =	vadd.s32 $0x9E3779B1, v13;
	v8 =	vand.u32 $0x7FFF, v14  }
.LBB2_5:
0x8d: {  	p0 =	sne.s32 s31, $0x1FC0;
	v13 =	vxor.u32 v3, v10;
	v11 =	vadd.f32 v11, v12  }
0x8e: {  	v9 =	vmul.f32 v9, v0;
	v12 =	vand.u32 $0x7FFF, v13  }
0x8f: {  	v3 =	vcvt.s32.f32 v3;
	v4 =	vcvt.s32.f32 v4;
	v5 =	vxor.u32 v5, v10;
	[tilespmem:s29+$0xB010] =	vst v11;
	s29 =	smov.u32 s28;
	s28 =	smov.u32 s30  }
0x90: {  	v5 =	vand.u32 $0x7FFF, v5;
	v9 =	vadd.f32 $5.000000000e-01, v9;
	v7 =	vmul.f32 v7, v0;
	v6 =	vld.idx.msk [tilespmem:v6+s22+$0x0], $0xffff  }
0x91: {  	v10 =	vsub.f32 v1, v3;
	v11 =	vsub.f32 v2, v4;
	v8 =	vld.idx.msk [tilespmem:v8+s22+$0x0], $0xffff  }
0x92: {  	v2 =	vadd.f32 $5.000000000e-01, v7;
	v1 =	vmov v9  }
0x93: {  	v4 =	vsub.f32 $1.000000000e+00, v11;
	v7 =	vsub.f32 $1.000000000e+00, v10;
	v3 =	vtrunc.f32 v1;
	v12 =	vld.idx.msk [tilespmem:v12+s22+$0x0], $0xffff  }
0x94: {  	v3 =	vcvt.f32.s32 v3;
	v9 =	vtrunc.f32 v2  }
0x95: {  	v14 =	vmul.f32 v4, v10;
	v13 =	vmul.f32 v4, v7;
	v15 =	vld.idx.msk [tilespmem:v5+s22+$0x0], $0xffff  }
0x96: {  	v7 =	vmul.f32 v11, v7;
	v4 =	vcvt.f32.s32 v9  }
0x97: {  	v6 =	vmul.f32 v13, v6;
	v8 =	vmul.f32 v14, v8  }
.Ltmp1:
0x98: {  	s30 =	sshra.s32 s31, $0x2;
	v5 =	vadd.s32 $0x1, v3;
	v13 =	vmul.u32 $0x9E3779B1, v4;
	(pc) =	sbr.rel @p0 .LBB2_5-.Ltmp1, $4  }
0x99: {  	v10 =	vmul.f32 v11, v10;
	v8 =	vadd.f32 v8, v6;
	v12 =	vmul.f32 v7, v12;
	v9 =	vld [tilespmem:s30+$0x800]  }
0x9a: {  	v6 =	vxor.u32 v3, v13;
	v14 =	vxor.u32 v5, v13  }
0x9b: {  	v6 =	vand.u32 $0x7FFF, v6;
	v11 =	vadd.f32 v8, v12;
	v12 =	vmul.f32 v10, v15;
	v7 =	vld [tilespmem:s30+$0x1800]  }
0x9c: {  	s31 =	sadd.s32 $0x40, s31;
	v10 =	vadd.s32 $0x9E3779B1, v13;
	v8 =	vand.u32 $0x7FFF, v14  }
0x9d: {  	v13 =	vxor.u32 v3, v10  }
0x9e: {  	v11 =	vadd.f32 v11, v12;
	v41 =	vcvt.s32.f32 v3;
	v4 =	vcvt.s32.f32 v4  }
0x9f: {  	v5 =	vxor.u32 v5, v10;
	v9 =	vmul.f32 v9, v0;
	v40 =	vand.u32 $0x7FFF, v13  }
0xa0: {  	v5 =	vand.u32 $0x7FFF, v5;
	[tilespmem:s29+$0xB010] =	vst v11;
	v1 =	vsub.f32 v1, v41;
	v2 =	vsub.f32 v2, v4  }
0xa1: {  	v9 =	vadd.f32 $5.000000000e-01, v9;
	v42 =	vmul.f32 v7, v0;
	v6 =	vld.idx.msk [tilespmem:v6+s22+$0x0], $0xffff  }
0xa2: {  	v43 =	vld.idx.msk [tilespmem:v8+s22+$0x0], $0xffff;
	v45 =	vsub.f32 $1.000000000e+00, v1;
	v46 =	vsub.f32 $1.000000000e+00, v2  }
0xa3: {  	v0 =	vadd.f32 $5.000000000e-01, v42  }
0xa4: {  	v44 =	vtrunc.f32 v9;
	v47 =	vld.idx.msk [tilespmem:v40+s22+$0x0], $0xffff;
	v49 =	vmul.f32 v46, v45  }
0xa5: {  	v8 =	vmul.f32 v46, v1;
	v5 =	vld.idx.msk [tilespmem:v5+s22+$0x0], $0xffff;
	v48 =	vtrunc.f32 v0  }
0xa6: {  	v7 =	vmul.f32 v2, v45;
	v11 =	vcvt.f32.s32 v48  }
0xa7: {  	v6 =	vmul.f32 v49, v6;
	v3 =	vmul.f32 v8, v43  }
0xa8: {  	v4 =	vcvt.f32.s32 v44;
	v1 =	vmul.f32 v2, v1;
	v50 =	vmul.u32 $0x9E3779B1, v11  }
0xa9: {  	v3 =	vadd.f32 v3, v6;
	v52 =	vmul.f32 v7, v47  }
0xaa: {  	v51 =	vadd.s32 $0x1, v4;
	v1 =	vmul.f32 v1, v5;
	v53 =	vxor.u32 v4, v50  }
0xab: {  	v54 =	vxor.u32 v51, v50;
	v2 =	vand.u32 $0x7FFF, v53;
	v3 =	vadd.f32 v3, v52  }
0xac: {  	v55 =	vadd.s32 $0x9E3779B1, v50;
	v56 =	vand.u32 $0x7FFF, v54  }
0xad: {  	v57 =	vxor.u32 v4, v55;
	v1 =	vadd.f32 v3, v1  }
0xae: {  	v59 =	vcvt.s32.f32 v11;
	v4 =	vcvt.s32.f32 v4;
	v58 =	vand.u32 $0x7FFF, v57  }
0xaf: {  	v5 =	vxor.u32 v51, v55;
	[tilespmem:s28+$0xB010] =	vst v1  }
0xb0: {  	v0 =	vsub.f32 v0, v59;
	v60 =	vand.u32 $0x7FFF, v5;
	v4 =	vsub.f32 v9, v4;
	v1 =	vld.idx.msk [tilespmem:v2+s22+$0x0], $0xffff  }
0xb1: {  	v61 =	vld.idx.msk [tilespmem:v56+s22+$0x0], $0xffff  }
0xb2: {  	v7 =	vsub.f32 $1.000000000e+00, v0;
	v62 =	vsub.f32 $1.000000000e+00, v4  }
0xb3: {  	v3 =	vld.idx.msk [tilespmem:v58+s22+$0x0], $0xffff  }
0xb4: {  	v63 =	vmul.f32 v7, v62;
	v7 =	vmul.f32 v7, v4  }
0xb5: {  	v2 =	vld.idx.msk [tilespmem:v60+s22+$0x0], $0xffff;
	v6 =	vmul.f32 v0, v62  }
0xb6: {  	v1 =	vmul.f32 v63, v1;
	v5 =	vmul.f32 v7, v61;
	_ =	sdelay $0x1  }
0xb7: {  	v0 =	vmul.f32 v0, v4;
	v3 =	vmul.f32 v6, v3;
	v1 =	vadd.f32 v5, v1;
	_ =	sdelay $0x1  }
0xb8: {  	v0 =	vmul.f32 v0, v2;
	v1 =	vadd.f32 v1, v3;
	_ =	sdelay $0x1  }
0xb9: {  	s26 =	sadd.s32 $0x1, s26;
	v0 =	vadd.f32 v1, v0  }
0xba: {  	p0 =	sne.s32 s26, $0x8  }
.Ltmp2:
0xbb: {  	s0 =	sadd.s32 s25, s12;
	s25 =	simm.s32 $0x0;
	[tilespmem:s30+$0xB010] =	vst v0;
	(pc) =	sbr.rel @p0 .LBB2_2-.Ltmp2, $4  }
0xbc: {  	[hbm4b:s0+s25] =	stream.linear.scatter [tilespmem:s23], [sflag:$0x1], $0x800, $0x38;
	[tilespmem:$0xB810] =	vst v63  }
0xbd: {  	_ =	swait.ge [sflag:s18], $0x800  }
0xbe: {  	[sflag:s18] =	ssyncset.done $0x0  }
0xbf: {  	[sflag:s18] =	ssyncadd.s32 $0xFFFFF800  }
0xc0: {  	s28 =	simm.s32 $0x0  }
.LBB2_8:
0xc1: {  	s0 =	sshll.u32 s28, $0xA  }
0xc2: {  	v0 =	vmov s28;
	s0 =	sadd.s32 s6, s0  }
0xc3: {  	[tilespmem:s22], [sflag:$0x1] =	stream.linear.gather [hbm4b:s0+s25], $0x2000, $0x38;
	[tilespmem:$0xB810] =	vst v63  }
0xc4: {  	_ =	swait.ge [sflag:s18], $0x2000  }
0xc5: {  	[sflag:s18] =	ssyncset.done $0x0  }
0xc6: {  	[sflag:s18] =	ssyncadd.s32 $0xFFFFE000  }
0xc7: {  	s29 =	simm.s32 $0x0;
	v0 =	vld.idx.msk [tilespmem:v0+s21+$0x0], $0xffff  }
0xc8: {  	v1 =	vld [tilespmem:s29+$0x2000];
	_ =	sdelay $0x1  }
0xc9: {  	v2 =	vld [tilespmem:s29+$0x0];
	_ =	sdelay $0x2  }
0xca: {  	v1 =	vmul.f32 v1, v0;
	_ =	sdelay $0x1  }
0xcb: {  	v2 =	vmul.f32 v2, v0;
	v1 =	vadd.f32 $5.000000000e-01, v1;
	_ =	sdelay $0x1  }
0xcc: {  	v2 =	vadd.f32 $5.000000000e-01, v2;
	v3 =	vtrunc.f32 v1  }
0xcd: {  	v3 =	vcvt.f32.s32 v3  }
0xce: {  	s26 =	simm.s32 $0x10;
	v4 =	vtrunc.f32 v2  }
0xcf: {  	v6 =	vld [tilespmem:s26+$0x0];
	v4 =	vcvt.f32.s32 v4;
	v5 =	vmul.u32 $0x9E3779B1, v3;
	_ =	sdelay $0x1  }
0xd0: {  	v9 =	vld [tilespmem:s26+$0x2000];
	v7 =	vadd.s32 $0x1, v4;
	v8 =	vxor.u32 v4, v5  }
0xd1: {  	v10 =	vxor.u32 v7, v5;
	v8 =	vand.u32 $0x1FFF, v8  }
0xd2: {  	v5 =	vadd.s32 $0x9E3779B1, v5;
	v10 =	vand.u32 $0x1FFF, v10  }
0xd3: {  	v6 =	vmul.f32 v6, v0;
	v3 =	vcvt.s32.f32 v3;
	v11 =	vxor.u32 v4, v5  }
0xd4: {  	v4 =	vcvt.s32.f32 v4;
	v5 =	vxor.u32 v7, v5;
	v11 =	vand.u32 $0x1FFF, v11  }
0xd5: {  	v9 =	vmul.f32 v9, v0;
	v12 =	vsub.f32 v1, v3;
	v3 =	vand.u32 $0x1FFF, v5  }
0xd6: {  	v7 =	vld.idx.msk [tilespmem:v8+s22+$0x0], $0xffff;
	v8 =	vsub.f32 v2, v4  }
0xd7: {  	v1 =	vadd.f32 $5.000000000e-01, v6;
	v5 =	vld.idx.msk [tilespmem:v10+s22+$0x0], $0xffff;
	v2 =	vadd.f32 $5.000000000e-01, v9  }
0xd8: {  	v4 =	vsub.f32 $1.000000000e+00, v12;
	v6 =	vsub.f32 $1.000000000e+00, v8  }
0xd9: {  	v9 =	vtrunc.f32 v1;
	v10 =	vld.idx.msk [tilespmem:v11+s22+$0x0], $0xffff;
	v11 =	vtrunc.f32 v2  }
0xda: {  	v15 =	vld.idx.msk [tilespmem:v3+s22+$0x0], $0xffff;
	v14 =	vmul.f32 v4, v8;
	v13 =	vmul.f32 v4, v6  }
0xdb: {  	v4 =	vcvt.f32.s32 v11;
	v6 =	vmul.f32 v12, v6  }
0xdc: {  	v5 =	vmul.f32 v14, v5;
	v7 =	vmul.f32 v13, v7  }
0xdd: {  	s30 =	simm.s32 $0x20;
	v3 =	vcvt.f32.s32 v9;
	v8 =	vmul.f32 v12, v8;
	v13 =	vmul.u32 $0x9E3779B1, v4  }
0xde: {  	v9 =	vld [tilespmem:s30+$0x0];
	v10 =	vmul.f32 v6, v10;
	v7 =	vadd.f32 v5, v7  }
0xdf: {  	v12 =	vmul.f32 v8, v15;
	v5 =	vadd.s32 $0x1, v3;
	v6 =	vxor.u32 v3, v13  }
0xe0: {  	v14 =	vxor.u32 v5, v13;
	v6 =	vand.u32 $0x1FFF, v6;
	v11 =	vadd.f32 v7, v10;
	v7 =	vld [tilespmem:s30+$0x2000]  }
0xe1: {  	s31 =	simm.s32 $0xC0;
	v10 =	vadd.s32 $0x9E3779B1, v13;
	v8 =	vand.u32 $0x1FFF, v14  }
.LBB2_9:
0xe2: {  	p0 =	sne.s32 s31, $0x1FC0;
	v13 =	vxor.u32 v3, v10;
	v11 =	vadd.f32 v11, v12  }
0xe3: {  	v9 =	vmul.f32 v9, v0;
	v12 =	vand.u32 $0x1FFF, v13  }
0xe4: {  	v3 =	vcvt.s32.f32 v3;
	v4 =	vcvt.s32.f32 v4;
	v5 =	vxor.u32 v5, v10;
	[tilespmem:s29+$0xB010] =	vst v11;
	s29 =	smov.u32 s26;
	s26 =	smov.u32 s30  }
0xe5: {  	v5 =	vand.u32 $0x1FFF, v5;
	v9 =	vadd.f32 $5.000000000e-01, v9;
	v7 =	vmul.f32 v7, v0;
	v6 =	vld.idx.msk [tilespmem:v6+s22+$0x0], $0xffff  }
0xe6: {  	v10 =	vsub.f32 v1, v3;
	v11 =	vsub.f32 v2, v4;
	v8 =	vld.idx.msk [tilespmem:v8+s22+$0x0], $0xffff  }
0xe7: {  	v2 =	vadd.f32 $5.000000000e-01, v7;
	v1 =	vmov v9  }
0xe8: {  	v4 =	vsub.f32 $1.000000000e+00, v11;
	v7 =	vsub.f32 $1.000000000e+00, v10;
	v3 =	vtrunc.f32 v1;
	v12 =	vld.idx.msk [tilespmem:v12+s22+$0x0], $0xffff  }
0xe9: {  	v3 =	vcvt.f32.s32 v3;
	v9 =	vtrunc.f32 v2  }
0xea: {  	v14 =	vmul.f32 v4, v10;
	v13 =	vmul.f32 v4, v7;
	v15 =	vld.idx.msk [tilespmem:v5+s22+$0x0], $0xffff  }
0xeb: {  	v7 =	vmul.f32 v11, v7;
	v4 =	vcvt.f32.s32 v9  }
0xec: {  	v6 =	vmul.f32 v13, v6;
	v8 =	vmul.f32 v14, v8  }
.Ltmp3:
0xed: {  	s30 =	sshra.s32 s31, $0x2;
	v5 =	vadd.s32 $0x1, v3;
	v13 =	vmul.u32 $0x9E3779B1, v4;
	(pc) =	sbr.rel @p0 .LBB2_9-.Ltmp3, $4  }
0xee: {  	v10 =	vmul.f32 v11, v10;
	v8 =	vadd.f32 v8, v6;
	v12 =	vmul.f32 v7, v12;
	v9 =	vld [tilespmem:s30+$0x0]  }
0xef: {  	v6 =	vxor.u32 v3, v13;
	v14 =	vxor.u32 v5, v13  }
0xf0: {  	v6 =	vand.u32 $0x1FFF, v6;
	v11 =	vadd.f32 v8, v12;
	v12 =	vmul.f32 v10, v15;
	v7 =	vld [tilespmem:s30+$0x2000]  }
0xf1: {  	s31 =	sadd.s32 $0x40, s31;
	v10 =	vadd.s32 $0x9E3779B1, v13;
	v8 =	vand.u32 $0x1FFF, v14  }
0xf2: {  	v13 =	vxor.u32 v3, v10  }
0xf3: {  	v11 =	vadd.f32 v11, v12;
	v3 =	vcvt.s32.f32 v3;
	v4 =	vcvt.s32.f32 v4  }
0xf4: {  	v5 =	vxor.u32 v5, v10;
	v9 =	vmul.f32 v9, v0;
	v12 =	vand.u32 $0x1FFF, v13  }
0xf5: {  	v5 =	vand.u32 $0x1FFF, v5;
	[tilespmem:s29+$0xB010] =	vst v11;
	v1 =	vsub.f32 v1, v3;
	v2 =	vsub.f32 v2, v4  }
0xf6: {  	v9 =	vadd.f32 $5.000000000e-01, v9;
	v7 =	vmul.f32 v7, v0;
	v6 =	vld.idx.msk [tilespmem:v6+s22+$0x0], $0xffff  }
0xf7: {  	v3 =	vld.idx.msk [tilespmem:v8+s22+$0x0], $0xffff;
	v8 =	vsub.f32 $1.000000000e+00, v1;
	v10 =	vsub.f32 $1.000000000e+00, v2  }
0xf8: {  	v4 =	vadd.f32 $5.000000000e-01, v7  }
0xf9: {  	v7 =	vtrunc.f32 v9;
	v11 =	vld.idx.msk [tilespmem:v12+s22+$0x0], $0xffff;
	v13 =	vmul.f32 v10, v8  }
0xfa: {  	v10 =	vmul.f32 v10, v1;
	v5 =	vld.idx.msk [tilespmem:v5+s22+$0x0], $0xffff;
	v12 =	vtrunc.f32 v4  }
0xfb: {  	v8 =	vmul.f32 v2, v8;
	v12 =	vcvt.f32.s32 v12  }
0xfc: {  	v6 =	vmul.f32 v13, v6;
	v3 =	vmul.f32 v10, v3  }
0xfd: {  	v7 =	vcvt.f32.s32 v7;
	v1 =	vmul.f32 v2, v1;
	v10 =	vmul.u32 $0x9E3779B1, v12  }
0xfe: {  	v3 =	vadd.f32 v3, v6;
	v6 =	vmul.f32 v8, v11  }
0xff: {  	v13 =	vadd.s32 $0x1, v7;
	v1 =	vmul.f32 v1, v5;
	v2 =	vxor.u32 v7, v10  }
0x100: {  	v8 =	vxor.u32 v13, v10;
	v2 =	vand.u32 $0x1FFF, v2;
	v3 =	vadd.f32 v3, v6  }
0x101: {  	v5 =	vadd.s32 $0x9E3779B1, v10;
	v6 =	vand.u32 $0x1FFF, v8  }
0x102: {  	v8 =	vxor.u32 v7, v5;
	v1 =	vadd.f32 v3, v1  }
0x103: {  	v7 =	vcvt.s32.f32 v7;
	v3 =	vand.u32 $0x1FFF, v8;
	v8 =	vcvt.s32.f32 v12  }
0x104: {  	v5 =	vxor.u32 v13, v5;
	[tilespmem:s26+$0xB010] =	vst v1  }
0x105: {  	v4 =	vsub.f32 v4, v8;
	v1 =	vld.idx.msk [tilespmem:v2+s22+$0x0], $0xffff;
	v2 =	vand.u32 $0x1FFF, v5;
	v5 =	vsub.f32 v9, v7  }
0x106: {  	v6 =	vld.idx.msk [tilespmem:v6+s22+$0x0], $0xffff  }
0x107: {  	v8 =	vsub.f32 $1.000000000e+00, v4;
	v7 =	vsub.f32 $1.000000000e+00, v5  }
0x108: {  	v3 =	vld.idx.msk [tilespmem:v3+s22+$0x0], $0xffff  }
0x109: {  	v9 =	vmul.f32 v8, v7;
	v8 =	vmul.f32 v8, v5  }
0x10a: {  	v7 =	vmul.f32 v4, v7;
	v2 =	vld.idx.msk [tilespmem:v2+s22+$0x0], $0xffff  }
0x10b: {  	v1 =	vmul.f32 v9, v1;
	v6 =	vmul.f32 v8, v6;
	_ =	sdelay $0x1  }
0x10c: {  	v4 =	vmul.f32 v4, v5;
	v3 =	vmul.f32 v7, v3;
	v1 =	vadd.f32 v6, v1;
	_ =	sdelay $0x1  }
0x10d: {  	v1 =	vadd.f32 v1, v3;
	v2 =	vmul.f32 v4, v2  }
0x10e: {  	s0 =	sshll.u32 s28, $0x11  }
0x10f: {  	s0 =	sor.u32 s4, s0;
	v1 =	vadd.f32 v1, v2  }
0x110: {  	s26 =	sshrl.u32 s0, $0x3  }
0x111: {  	s29 =	simm.s32 $0x0;
	s0 =	sadd.s32 s26, s13;
	[tilespmem:s30+$0xB010] =	vst v1  }
0x112: {  	[hbm4b:s0+s29] =	stream.linear.scatter [tilespmem:s23], [sflag:$0x1], $0x800, $0x38;
	[tilespmem:$0xB810] =	vst v63  }
0x113: {  	_ =	swait.ge [sflag:s18], $0x800  }
0x114: {  	[sflag:s18] =	ssyncset.done $0x0  }
0x115: {  	s30 =	simm.s32 $0x0;
	[sflag:s18] =	ssyncadd.s32 $0xFFFFF800  }
0x116: {  	v1 =	vld [tilespmem:s30+$0x2800];
	_ =	sdelay $0x1  }
0x117: {  	v2 =	vld [tilespmem:s30+$0x800];
	_ =	sdelay $0x2  }
0x118: {  	v1 =	vmul.f32 v1, v0;
	_ =	sdelay $0x1  }
0x119: {  	v2 =	vmul.f32 v2, v0;
	v1 =	vadd.f32 $5.000000000e-01, v1;
	_ =	sdelay $0x1  }
0x11a: {  	v2 =	vadd.f32 $5.000000000e-01, v2;
	v3 =	vtrunc.f32 v1  }
0x11b: {  	v3 =	vcvt.f32.s32 v3  }
0x11c: {  	s29 =	simm.s32 $0x10;
	v4 =	vtrunc.f32 v2  }
0x11d: {  	v6 =	vld [tilespmem:s29+$0x800];
	v4 =	vcvt.f32.s32 v4;
	v5 =	vmul.u32 $0x9E3779B1, v3;
	_ =	sdelay $0x1  }
0x11e: {  	v9 =	vld [tilespmem:s29+$0x2800];
	v7 =	vadd.s32 $0x1, v4;
	v8 =	vxor.u32 v4, v5  }
0x11f: {  	v10 =	vxor.u32 v7, v5;
	v8 =	vand.u32 $0x1FFF, v8  }
0x120: {  	v5 =	vadd.s32 $0x9E3779B1, v5;
	v10 =	vand.u32 $0x1FFF, v10  }
0x121: {  	v6 =	vmul.f32 v6, v0;
	v3 =	vcvt.s32.f32 v3;
	v11 =	vxor.u32 v4, v5  }
0x122: {  	v4 =	vcvt.s32.f32 v4;
	v5 =	vxor.u32 v7, v5;
	v11 =	vand.u32 $0x1FFF, v11  }
0x123: {  	v9 =	vmul.f32 v9, v0;
	v12 =	vsub.f32 v1, v3;
	v3 =	vand.u32 $0x1FFF, v5  }
0x124: {  	v7 =	vld.idx.msk [tilespmem:v8+s22+$0x0], $0xffff;
	v8 =	vsub.f32 v2, v4  }
0x125: {  	v1 =	vadd.f32 $5.000000000e-01, v6;
	v5 =	vld.idx.msk [tilespmem:v10+s22+$0x0], $0xffff;
	v2 =	vadd.f32 $5.000000000e-01, v9  }
0x126: {  	v4 =	vsub.f32 $1.000000000e+00, v12;
	v6 =	vsub.f32 $1.000000000e+00, v8  }
0x127: {  	v9 =	vtrunc.f32 v1;
	v10 =	vld.idx.msk [tilespmem:v11+s22+$0x0], $0xffff;
	v11 =	vtrunc.f32 v2  }
0x128: {  	v15 =	vld.idx.msk [tilespmem:v3+s22+$0x0], $0xffff;
	v14 =	vmul.f32 v4, v8;
	v13 =	vmul.f32 v4, v6  }
0x129: {  	v4 =	vcvt.f32.s32 v11;
	v6 =	vmul.f32 v12, v6  }
0x12a: {  	v5 =	vmul.f32 v14, v5;
	v7 =	vmul.f32 v13, v7  }
0x12b: {  	s31 =	simm.s32 $0x20;
	v3 =	vcvt.f32.s32 v9;
	v8 =	vmul.f32 v12, v8;
	v13 =	vmul.u32 $0x9E3779B1, v4  }
0x12c: {  	v9 =	vld [tilespmem:s31+$0x800];
	v10 =	vmul.f32 v6, v10;
	v7 =	vadd.f32 v5, v7  }
0x12d: {  	v12 =	vmul.f32 v8, v15;
	v5 =	vadd.s32 $0x1, v3;
	v6 =	vxor.u32 v3, v13  }
0x12e: {  	v14 =	vxor.u32 v5, v13;
	v6 =	vand.u32 $0x1FFF, v6;
	v11 =	vadd.f32 v7, v10;
	v7 =	vld [tilespmem:s31+$0x2800]  }
0x12f: {  	s0 =	simm.s32 $0xC0;
	v10 =	vadd.s32 $0x9E3779B1, v13;
	v8 =	vand.u32 $0x1FFF, v14  }
.LBB2_11:
0x130: {  	p0 =	sne.s32 s0, $0x1FC0;
	v13 =	vxor.u32 v3, v10;
	v11 =	vadd.f32 v11, v12  }
0x131: {  	v9 =	vmul.f32 v9, v0;
	v12 =	vand.u32 $0x1FFF, v13  }
0x132: {  	v3 =	vcvt.s32.f32 v3;
	v4 =	vcvt.s32.f32 v4;
	v5 =	vxor.u32 v5, v10;
	[tilespmem:s30+$0xB010] =	vst v11;
	s30 =	smov.u32 s29;
	s29 =	smov.u32 s31  }
0x133: {  	v5 =	vand.u32 $0x1FFF, v5;
	v9 =	vadd.f32 $5.000000000e-01, v9;
	v7 =	vmul.f32 v7, v0;
	v6 =	vld.idx.msk [tilespmem:v6+s22+$0x0], $0xffff  }
0x134: {  	v10 =	vsub.f32 v1, v3;
	v11 =	vsub.f32 v2, v4;
	v8 =	vld.idx.msk [tilespmem:v8+s22+$0x0], $0xffff  }
0x135: {  	v2 =	vadd.f32 $5.000000000e-01, v7;
	v1 =	vmov v9  }
0x136: {  	v4 =	vsub.f32 $1.000000000e+00, v11;
	v7 =	vsub.f32 $1.000000000e+00, v10;
	v3 =	vtrunc.f32 v1;
	v12 =	vld.idx.msk [tilespmem:v12+s22+$0x0], $0xffff  }
0x137: {  	v3 =	vcvt.f32.s32 v3;
	v9 =	vtrunc.f32 v2  }
0x138: {  	v14 =	vmul.f32 v4, v10;
	v13 =	vmul.f32 v4, v7;
	v15 =	vld.idx.msk [tilespmem:v5+s22+$0x0], $0xffff  }
0x139: {  	v7 =	vmul.f32 v11, v7;
	v4 =	vcvt.f32.s32 v9  }
0x13a: {  	v6 =	vmul.f32 v13, v6;
	v8 =	vmul.f32 v14, v8  }
.Ltmp4:
0x13b: {  	s31 =	sshra.s32 s0, $0x2;
	v5 =	vadd.s32 $0x1, v3;
	v13 =	vmul.u32 $0x9E3779B1, v4;
	(pc) =	sbr.rel @p0 .LBB2_11-.Ltmp4, $4  }
0x13c: {  	v10 =	vmul.f32 v11, v10;
	v8 =	vadd.f32 v8, v6;
	v12 =	vmul.f32 v7, v12;
	v9 =	vld [tilespmem:s31+$0x800]  }
0x13d: {  	v6 =	vxor.u32 v3, v13;
	v14 =	vxor.u32 v5, v13  }
0x13e: {  	v6 =	vand.u32 $0x1FFF, v6;
	v11 =	vadd.f32 v8, v12;
	v12 =	vmul.f32 v10, v15;
	v7 =	vld [tilespmem:s31+$0x2800]  }
0x13f: {  	s0 =	sadd.s32 $0x40, s0;
	v10 =	vadd.s32 $0x9E3779B1, v13;
	v8 =	vand.u32 $0x1FFF, v14  }
0x140: {  	v13 =	vxor.u32 v3, v10  }
0x141: {  	v11 =	vadd.f32 v11, v12;
	v41 =	vcvt.s32.f32 v3;
	v4 =	vcvt.s32.f32 v4  }
0x142: {  	v5 =	vxor.u32 v5, v10;
	v9 =	vmul.f32 v9, v0;
	v40 =	vand.u32 $0x1FFF, v13  }
0x143: {  	v5 =	vand.u32 $0x1FFF, v5;
	[tilespmem:s30+$0xB010] =	vst v11;
	v1 =	vsub.f32 v1, v41;
	v2 =	vsub.f32 v2, v4  }
0x144: {  	v9 =	vadd.f32 $5.000000000e-01, v9;
	v42 =	vmul.f32 v7, v0;
	v6 =	vld.idx.msk [tilespmem:v6+s22+$0x0], $0xffff  }
0x145: {  	v43 =	vld.idx.msk [tilespmem:v8+s22+$0x0], $0xffff;
	v45 =	vsub.f32 $1.000000000e+00, v1;
	v46 =	vsub.f32 $1.000000000e+00, v2  }
0x146: {  	v0 =	vadd.f32 $5.000000000e-01, v42  }
0x147: {  	v44 =	vtrunc.f32 v9;
	v47 =	vld.idx.msk [tilespmem:v40+s22+$0x0], $0xffff;
	v49 =	vmul.f32 v46, v45  }
0x148: {  	v8 =	vmul.f32 v46, v1;
	v5 =	vld.idx.msk [tilespmem:v5+s22+$0x0], $0xffff;
	v48 =	vtrunc.f32 v0  }
0x149: {  	v7 =	vmul.f32 v2, v45;
	v11 =	vcvt.f32.s32 v48  }
0x14a: {  	v6 =	vmul.f32 v49, v6;
	v3 =	vmul.f32 v8, v43  }
0x14b: {  	v4 =	vcvt.f32.s32 v44;
	v1 =	vmul.f32 v2, v1;
	v50 =	vmul.u32 $0x9E3779B1, v11  }
0x14c: {  	v3 =	vadd.f32 v3, v6;
	v52 =	vmul.f32 v7, v47  }
0x14d: {  	v51 =	vadd.s32 $0x1, v4;
	v1 =	vmul.f32 v1, v5;
	v53 =	vxor.u32 v4, v50  }
0x14e: {  	v54 =	vxor.u32 v51, v50;
	v2 =	vand.u32 $0x1FFF, v53;
	v3 =	vadd.f32 v3, v52  }
0x14f: {  	v55 =	vadd.s32 $0x9E3779B1, v50;
	v56 =	vand.u32 $0x1FFF, v54  }
0x150: {  	v57 =	vxor.u32 v4, v55;
	v1 =	vadd.f32 v3, v1  }
0x151: {  	v59 =	vcvt.s32.f32 v11;
	v4 =	vcvt.s32.f32 v4;
	v58 =	vand.u32 $0x1FFF, v57  }
0x152: {  	v5 =	vxor.u32 v51, v55;
	[tilespmem:s29+$0xB010] =	vst v1  }
0x153: {  	v0 =	vsub.f32 v0, v59;
	v60 =	vand.u32 $0x1FFF, v5;
	v4 =	vsub.f32 v9, v4;
	v1 =	vld.idx.msk [tilespmem:v2+s22+$0x0], $0xffff  }
0x154: {  	v61 =	vld.idx.msk [tilespmem:v56+s22+$0x0], $0xffff  }
0x155: {  	v7 =	vsub.f32 $1.000000000e+00, v0;
	v62 =	vsub.f32 $1.000000000e+00, v4  }
0x156: {  	v3 =	vld.idx.msk [tilespmem:v58+s22+$0x0], $0xffff  }
0x157: {  	v63 =	vmul.f32 v7, v62;
	v7 =	vmul.f32 v7, v4  }
0x158: {  	v2 =	vld.idx.msk [tilespmem:v60+s22+$0x0], $0xffff;
	v6 =	vmul.f32 v0, v62  }
0x159: {  	v1 =	vmul.f32 v63, v1;
	v5 =	vmul.f32 v7, v61;
	_ =	sdelay $0x1  }
0x15a: {  	v0 =	vmul.f32 v0, v4;
	v3 =	vmul.f32 v6, v3;
	v1 =	vadd.f32 v5, v1;
	_ =	sdelay $0x1  }
0x15b: {  	v0 =	vmul.f32 v0, v2;
	v1 =	vadd.f32 v1, v3;
	_ =	sdelay $0x1  }
0x15c: {  	s28 =	sadd.s32 $0x1, s28;
	v0 =	vadd.f32 v1, v0  }
0x15d: {  	p0 =	sne.s32 s28, $0x8  }
.Ltmp5:
0x15e: {  	s0 =	sadd.s32 s26, s14;
	s26 =	simm.s32 $0x0;
	[tilespmem:s31+$0xB010] =	vst v0;
	(pc) =	sbr.rel @p0 .LBB2_8-.Ltmp5, $4  }
0x15f: {  	[hbm4b:s0+s26] =	stream.linear.scatter [tilespmem:s23], [sflag:$0x1], $0x800, $0x38;
	[tilespmem:$0xB810] =	vst v63  }
0x160: {  	_ =	swait.ge [sflag:s18], $0x800  }
0x161: {  	[sflag:s18] =	ssyncset.done $0x0  }
0x162: {  	[sflag:s18] =	ssyncadd.s32 $0xFFFFF800  }
0x163: {  	s25 =	simm.s32 $0x0  }
.LBB2_14:
0x164: {  	s0 =	sshll.u32 s25, $0xA  }
0x165: {  	v0 =	vmov s25;
	s0 =	sadd.s32 s7, s0  }
0x166: {  	[tilespmem:s22], [sflag:$0x1] =	stream.linear.gather [hbm4b:s0+s26], $0x2000, $0x38;
	[tilespmem:$0xB810] =	vst v63  }
0x167: {  	_ =	swait.ge [sflag:s18], $0x2000  }
0x168: {  	[sflag:s18] =	ssyncset.done $0x0  }
0x169: {  	[sflag:s18] =	ssyncadd.s32 $0xFFFFE000  }
0x16a: {  	s29 =	simm.s32 $0x0;
	v0 =	vld.idx.msk [tilespmem:v0+s21+$0x0], $0xffff  }
0x16b: {  	v1 =	vld [tilespmem:s29+$0x2000];
	_ =	sdelay $0x1  }
0x16c: {  	v2 =	vld [tilespmem:s29+$0x1000];
	_ =	sdelay $0x2  }
0x16d: {  	v1 =	vmul.f32 v1, v0;
	_ =	sdelay $0x1  }
0x16e: {  	v2 =	vmul.f32 v2, v0;
	v1 =	vadd.f32 $5.000000000e-01, v1;
	_ =	sdelay $0x1  }
0x16f: {  	v2 =	vadd.f32 $5.000000000e-01, v2;
	v3 =	vtrunc.f32 v1  }
0x170: {  	v3 =	vcvt.f32.s32 v3  }
0x171: {  	s28 =	simm.s32 $0x10;
	v4 =	vtrunc.f32 v2  }
0x172: {  	v6 =	vld [tilespmem:s28+$0x1000];
	v4 =	vcvt.f32.s32 v4;
	v5 =	vmul.u32 $0x9E3779B1, v3;
	_ =	sdelay $0x1  }
0x173: {  	v9 =	vld [tilespmem:s28+$0x2000];
	v7 =	vadd.s32 $0x1, v4;
	v8 =	vxor.u32 v4, v5  }
0x174: {  	v10 =	vxor.u32 v7, v5;
	v8 =	vand.u32 $0x1FFF, v8  }
0x175: {  	v5 =	vadd.s32 $0x9E3779B1, v5;
	v10 =	vand.u32 $0x1FFF, v10  }
0x176: {  	v6 =	vmul.f32 v6, v0;
	v3 =	vcvt.s32.f32 v3;
	v11 =	vxor.u32 v4, v5  }
0x177: {  	v4 =	vcvt.s32.f32 v4;
	v5 =	vxor.u32 v7, v5;
	v11 =	vand.u32 $0x1FFF, v11  }
0x178: {  	v9 =	vmul.f32 v9, v0;
	v12 =	vsub.f32 v1, v3;
	v3 =	vand.u32 $0x1FFF, v5  }
0x179: {  	v7 =	vld.idx.msk [tilespmem:v8+s22+$0x0], $0xffff;
	v8 =	vsub.f32 v2, v4  }
0x17a: {  	v1 =	vadd.f32 $5.000000000e-01, v6;
	v5 =	vld.idx.msk [tilespmem:v10+s22+$0x0], $0xffff;
	v2 =	vadd.f32 $5.000000000e-01, v9  }
0x17b: {  	v4 =	vsub.f32 $1.000000000e+00, v12;
	v6 =	vsub.f32 $1.000000000e+00, v8  }
0x17c: {  	v9 =	vtrunc.f32 v1;
	v10 =	vld.idx.msk [tilespmem:v11+s22+$0x0], $0xffff;
	v11 =	vtrunc.f32 v2  }
0x17d: {  	v15 =	vld.idx.msk [tilespmem:v3+s22+$0x0], $0xffff;
	v14 =	vmul.f32 v4, v8;
	v13 =	vmul.f32 v4, v6  }
0x17e: {  	v4 =	vcvt.f32.s32 v11;
	v6 =	vmul.f32 v12, v6  }
0x17f: {  	v5 =	vmul.f32 v14, v5;
	v7 =	vmul.f32 v13, v7  }
0x180: {  	s30 =	simm.s32 $0x20;
	v3 =	vcvt.f32.s32 v9;
	v8 =	vmul.f32 v12, v8;
	v13 =	vmul.u32 $0x9E3779B1, v4  }
0x181: {  	v9 =	vld [tilespmem:s30+$0x1000];
	v10 =	vmul.f32 v6, v10;
	v7 =	vadd.f32 v5, v7  }
0x182: {  	v12 =	vmul.f32 v8, v15;
	v5 =	vadd.s32 $0x1, v3;
	v6 =	vxor.u32 v3, v13  }
0x183: {  	v14 =	vxor.u32 v5, v13;
	v6 =	vand.u32 $0x1FFF, v6;
	v11 =	vadd.f32 v7, v10;
	v7 =	vld [tilespmem:s30+$0x2000]  }
0x184: {  	s0 =	simm.s32 $0xC0;
	v10 =	vadd.s32 $0x9E3779B1, v13;
	v8 =	vand.u32 $0x1FFF, v14  }
.LBB2_15:
0x185: {  	p0 =	sne.s32 s0, $0x1FC0;
	v13 =	vxor.u32 v3, v10;
	v11 =	vadd.f32 v11, v12  }
0x186: {  	v9 =	vmul.f32 v9, v0;
	v12 =	vand.u32 $0x1FFF, v13  }
0x187: {  	v3 =	vcvt.s32.f32 v3;
	v4 =	vcvt.s32.f32 v4;
	v5 =	vxor.u32 v5, v10;
	[tilespmem:s29+$0xB010] =	vst v11;
	s29 =	smov.u32 s28;
	s28 =	smov.u32 s30  }
0x188: {  	v5 =	vand.u32 $0x1FFF, v5;
	v9 =	vadd.f32 $5.000000000e-01, v9;
	v7 =	vmul.f32 v7, v0;
	v6 =	vld.idx.msk [tilespmem:v6+s22+$0x0], $0xffff  }
0x189: {  	v10 =	vsub.f32 v1, v3;
	v11 =	vsub.f32 v2, v4;
	v8 =	vld.idx.msk [tilespmem:v8+s22+$0x0], $0xffff  }
0x18a: {  	v2 =	vadd.f32 $5.000000000e-01, v7;
	v1 =	vmov v9  }
0x18b: {  	v4 =	vsub.f32 $1.000000000e+00, v11;
	v7 =	vsub.f32 $1.000000000e+00, v10;
	v3 =	vtrunc.f32 v1;
	v12 =	vld.idx.msk [tilespmem:v12+s22+$0x0], $0xffff  }
0x18c: {  	v3 =	vcvt.f32.s32 v3;
	v9 =	vtrunc.f32 v2  }
0x18d: {  	v14 =	vmul.f32 v4, v10;
	v13 =	vmul.f32 v4, v7;
	v15 =	vld.idx.msk [tilespmem:v5+s22+$0x0], $0xffff  }
0x18e: {  	v7 =	vmul.f32 v11, v7;
	v4 =	vcvt.f32.s32 v9  }
0x18f: {  	v6 =	vmul.f32 v13, v6;
	v8 =	vmul.f32 v14, v8  }
.Ltmp6:
0x190: {  	s30 =	sshra.s32 s0, $0x2;
	v5 =	vadd.s32 $0x1, v3;
	v13 =	vmul.u32 $0x9E3779B1, v4;
	(pc) =	sbr.rel @p0 .LBB2_15-.Ltmp6, $4  }
0x191: {  	v10 =	vmul.f32 v11, v10;
	v8 =	vadd.f32 v8, v6;
	v12 =	vmul.f32 v7, v12;
	v9 =	vld [tilespmem:s30+$0x1000]  }
0x192: {  	v6 =	vxor.u32 v3, v13;
	v14 =	vxor.u32 v5, v13  }
0x193: {  	v6 =	vand.u32 $0x1FFF, v6;
	v11 =	vadd.f32 v8, v12;
	v12 =	vmul.f32 v10, v15;
	v7 =	vld [tilespmem:s30+$0x2000]  }
0x194: {  	s0 =	sadd.s32 $0x40, s0;
	v10 =	vadd.s32 $0x9E3779B1, v13;
	v8 =	vand.u32 $0x1FFF, v14  }
0x195: {  	v13 =	vxor.u32 v3, v10  }
0x196: {  	v11 =	vadd.f32 v11, v12;
	v3 =	vcvt.s32.f32 v3;
	v4 =	vcvt.s32.f32 v4  }
0x197: {  	v5 =	vxor.u32 v5, v10;
	v9 =	vmul.f32 v9, v0;
	v12 =	vand.u32 $0x1FFF, v13  }
0x198: {  	v5 =	vand.u32 $0x1FFF, v5;
	[tilespmem:s29+$0xB010] =	vst v11;
	v1 =	vsub.f32 v1, v3;
	v2 =	vsub.f32 v2, v4  }
0x199: {  	v9 =	vadd.f32 $5.000000000e-01, v9;
	v7 =	vmul.f32 v7, v0;
	v6 =	vld.idx.msk [tilespmem:v6+s22+$0x0], $0xffff  }
0x19a: {  	v3 =	vld.idx.msk [tilespmem:v8+s22+$0x0], $0xffff;
	v8 =	vsub.f32 $1.000000000e+00, v1;
	v10 =	vsub.f32 $1.000000000e+00, v2  }
0x19b: {  	v4 =	vadd.f32 $5.000000000e-01, v7  }
0x19c: {  	v7 =	vtrunc.f32 v9;
	v11 =	vld.idx.msk [tilespmem:v12+s22+$0x0], $0xffff;
	v13 =	vmul.f32 v10, v8  }
0x19d: {  	v10 =	vmul.f32 v10, v1;
	v5 =	vld.idx.msk [tilespmem:v5+s22+$0x0], $0xffff;
	v12 =	vtrunc.f32 v4  }
0x19e: {  	v8 =	vmul.f32 v2, v8;
	v12 =	vcvt.f32.s32 v12  }
0x19f: {  	v6 =	vmul.f32 v13, v6;
	v3 =	vmul.f32 v10, v3  }
0x1a0: {  	v7 =	vcvt.f32.s32 v7;
	v1 =	vmul.f32 v2, v1;
	v10 =	vmul.u32 $0x9E3779B1, v12  }
0x1a1: {  	v3 =	vadd.f32 v3, v6;
	v6 =	vmul.f32 v8, v11  }
0x1a2: {  	v13 =	vadd.s32 $0x1, v7;
	v1 =	vmul.f32 v1, v5;
	v2 =	vxor.u32 v7, v10  }
0x1a3: {  	v8 =	vxor.u32 v13, v10;
	v2 =	vand.u32 $0x1FFF, v2;
	v3 =	vadd.f32 v3, v6  }
0x1a4: {  	v5 =	vadd.s32 $0x9E3779B1, v10;
	v6 =	vand.u32 $0x1FFF, v8  }
0x1a5: {  	v8 =	vxor.u32 v7, v5;
	v1 =	vadd.f32 v3, v1  }
0x1a6: {  	v7 =	vcvt.s32.f32 v7;
	v3 =	vand.u32 $0x1FFF, v8;
	v8 =	vcvt.s32.f32 v12  }
0x1a7: {  	v5 =	vxor.u32 v13, v5;
	[tilespmem:s28+$0xB010] =	vst v1  }
0x1a8: {  	v4 =	vsub.f32 v4, v8;
	v1 =	vld.idx.msk [tilespmem:v2+s22+$0x0], $0xffff;
	v2 =	vand.u32 $0x1FFF, v5;
	v5 =	vsub.f32 v9, v7  }
0x1a9: {  	v6 =	vld.idx.msk [tilespmem:v6+s22+$0x0], $0xffff  }
0x1aa: {  	v8 =	vsub.f32 $1.000000000e+00, v4;
	v7 =	vsub.f32 $1.000000000e+00, v5  }
0x1ab: {  	v3 =	vld.idx.msk [tilespmem:v3+s22+$0x0], $0xffff  }
0x1ac: {  	v9 =	vmul.f32 v8, v7;
	v8 =	vmul.f32 v8, v5  }
0x1ad: {  	v7 =	vmul.f32 v4, v7;
	v2 =	vld.idx.msk [tilespmem:v2+s22+$0x0], $0xffff  }
0x1ae: {  	v1 =	vmul.f32 v9, v1;
	v6 =	vmul.f32 v8, v6;
	_ =	sdelay $0x1  }
0x1af: {  	v4 =	vmul.f32 v4, v5;
	v3 =	vmul.f32 v7, v3;
	v1 =	vadd.f32 v6, v1;
	_ =	sdelay $0x1  }
0x1b0: {  	v1 =	vadd.f32 v1, v3;
	v2 =	vmul.f32 v4, v2  }
0x1b1: {  	s0 =	sshll.u32 s25, $0x11  }
0x1b2: {  	s0 =	sor.u32 s4, s0;
	v1 =	vadd.f32 v1, v2  }
0x1b3: {  	s28 =	sshrl.u32 s0, $0x3  }
0x1b4: {  	s29 =	simm.s32 $0x0;
	s0 =	sadd.s32 s28, s15;
	[tilespmem:s30+$0xB010] =	vst v1  }
0x1b5: {  	[hbm4b:s0+s29] =	stream.linear.scatter [tilespmem:s23], [sflag:$0x1], $0x800, $0x38;
	[tilespmem:$0xB810] =	vst v63  }
0x1b6: {  	_ =	swait.ge [sflag:s18], $0x800  }
0x1b7: {  	[sflag:s18] =	ssyncset.done $0x0  }
0x1b8: {  	s30 =	simm.s32 $0x0;
	[sflag:s18] =	ssyncadd.s32 $0xFFFFF800  }
0x1b9: {  	v1 =	vld [tilespmem:s30+$0x2800];
	_ =	sdelay $0x1  }
0x1ba: {  	v2 =	vld [tilespmem:s30+$0x1800];
	_ =	sdelay $0x2  }
0x1bb: {  	v1 =	vmul.f32 v1, v0;
	_ =	sdelay $0x1  }
0x1bc: {  	v2 =	vmul.f32 v2, v0;
	v1 =	vadd.f32 $5.000000000e-01, v1;
	_ =	sdelay $0x1  }
0x1bd: {  	v2 =	vadd.f32 $5.000000000e-01, v2;
	v3 =	vtrunc.f32 v1  }
0x1be: {  	v3 =	vcvt.f32.s32 v3  }
0x1bf: {  	s29 =	simm.s32 $0x10;
	v4 =	vtrunc.f32 v2  }
0x1c0: {  	v6 =	vld [tilespmem:s29+$0x1800];
	v4 =	vcvt.f32.s32 v4;
	v5 =	vmul.u32 $0x9E3779B1, v3;
	_ =	sdelay $0x1  }
0x1c1: {  	v9 =	vld [tilespmem:s29+$0x2800];
	v7 =	vadd.s32 $0x1, v4;
	v8 =	vxor.u32 v4, v5  }
0x1c2: {  	v10 =	vxor.u32 v7, v5;
	v8 =	vand.u32 $0x1FFF, v8  }
0x1c3: {  	v5 =	vadd.s32 $0x9E3779B1, v5;
	v10 =	vand.u32 $0x1FFF, v10  }
0x1c4: {  	v6 =	vmul.f32 v6, v0;
	v3 =	vcvt.s32.f32 v3;
	v11 =	vxor.u32 v4, v5  }
0x1c5: {  	v4 =	vcvt.s32.f32 v4;
	v5 =	vxor.u32 v7, v5;
	v11 =	vand.u32 $0x1FFF, v11  }
0x1c6: {  	v9 =	vmul.f32 v9, v0;
	v12 =	vsub.f32 v1, v3;
	v3 =	vand.u32 $0x1FFF, v5  }
0x1c7: {  	v7 =	vld.idx.msk [tilespmem:v8+s22+$0x0], $0xffff;
	v8 =	vsub.f32 v2, v4  }
0x1c8: {  	v1 =	vadd.f32 $5.000000000e-01, v6;
	v5 =	vld.idx.msk [tilespmem:v10+s22+$0x0], $0xffff;
	v2 =	vadd.f32 $5.000000000e-01, v9  }
0x1c9: {  	v4 =	vsub.f32 $1.000000000e+00, v12;
	v6 =	vsub.f32 $1.000000000e+00, v8  }
0x1ca: {  	v9 =	vtrunc.f32 v1;
	v10 =	vld.idx.msk [tilespmem:v11+s22+$0x0], $0xffff;
	v11 =	vtrunc.f32 v2  }
0x1cb: {  	v15 =	vld.idx.msk [tilespmem:v3+s22+$0x0], $0xffff;
	v14 =	vmul.f32 v4, v8;
	v13 =	vmul.f32 v4, v6  }
0x1cc: {  	v4 =	vcvt.f32.s32 v11;
	v6 =	vmul.f32 v12, v6  }
0x1cd: {  	v5 =	vmul.f32 v14, v5;
	v7 =	vmul.f32 v13, v7  }
0x1ce: {  	s31 =	simm.s32 $0x20;
	v3 =	vcvt.f32.s32 v9;
	v8 =	vmul.f32 v12, v8;
	v13 =	vmul.u32 $0x9E3779B1, v4  }
0x1cf: {  	v9 =	vld [tilespmem:s31+$0x1800];
	v10 =	vmul.f32 v6, v10;
	v7 =	vadd.f32 v5, v7  }
0x1d0: {  	v12 =	vmul.f32 v8, v15;
	v5 =	vadd.s32 $0x1, v3;
	v6 =	vxor.u32 v3, v13  }
0x1d1: {  	v14 =	vxor.u32 v5, v13;
	v6 =	vand.u32 $0x1FFF, v6;
	v11 =	vadd.f32 v7, v10;
	v7 =	vld [tilespmem:s31+$0x2800]  }
0x1d2: {  	s0 =	simm.s32 $0xC0;
	v10 =	vadd.s32 $0x9E3779B1, v13;
	v8 =	vand.u32 $0x1FFF, v14  }
.LBB2_17:
0x1d3: {  	p0 =	sne.s32 s0, $0x1FC0;
	v13 =	vxor.u32 v3, v10;
	v11 =	vadd.f32 v11, v12  }
0x1d4: {  	v9 =	vmul.f32 v9, v0;
	v12 =	vand.u32 $0x1FFF, v13  }
0x1d5: {  	v3 =	vcvt.s32.f32 v3;
	v4 =	vcvt.s32.f32 v4;
	v5 =	vxor.u32 v5, v10;
	[tilespmem:s30+$0xB010] =	vst v11;
	s30 =	smov.u32 s29;
	s29 =	smov.u32 s31  }
0x1d6: {  	v5 =	vand.u32 $0x1FFF, v5;
	v9 =	vadd.f32 $5.000000000e-01, v9;
	v7 =	vmul.f32 v7, v0;
	v6 =	vld.idx.msk [tilespmem:v6+s22+$0x0], $0xffff  }
0x1d7: {  	v10 =	vsub.f32 v1, v3;
	v11 =	vsub.f32 v2, v4;
	v8 =	vld.idx.msk [tilespmem:v8+s22+$0x0], $0xffff  }
0x1d8: {  	v2 =	vadd.f32 $5.000000000e-01, v7;
	v1 =	vmov v9  }
0x1d9: {  	v4 =	vsub.f32 $1.000000000e+00, v11;
	v7 =	vsub.f32 $1.000000000e+00, v10;
	v3 =	vtrunc.f32 v1;
	v12 =	vld.idx.msk [tilespmem:v12+s22+$0x0], $0xffff  }
0x1da: {  	v3 =	vcvt.f32.s32 v3;
	v9 =	vtrunc.f32 v2  }
0x1db: {  	v14 =	vmul.f32 v4, v10;
	v13 =	vmul.f32 v4, v7;
	v15 =	vld.idx.msk [tilespmem:v5+s22+$0x0], $0xffff  }
0x1dc: {  	v7 =	vmul.f32 v11, v7;
	v4 =	vcvt.f32.s32 v9  }
0x1dd: {  	v6 =	vmul.f32 v13, v6;
	v8 =	vmul.f32 v14, v8  }
.Ltmp7:
0x1de: {  	s31 =	sshra.s32 s0, $0x2;
	v5 =	vadd.s32 $0x1, v3;
	v13 =	vmul.u32 $0x9E3779B1, v4;
	(pc) =	sbr.rel @p0 .LBB2_17-.Ltmp7, $4  }
0x1df: {  	v10 =	vmul.f32 v11, v10;
	v8 =	vadd.f32 v8, v6;
	v12 =	vmul.f32 v7, v12;
	v9 =	vld [tilespmem:s31+$0x1800]  }
0x1e0: {  	v6 =	vxor.u32 v3, v13;
	v14 =	vxor.u32 v5, v13  }
0x1e1: {  	v6 =	vand.u32 $0x1FFF, v6;
	v11 =	vadd.f32 v8, v12;
	v12 =	vmul.f32 v10, v15;
	v7 =	vld [tilespmem:s31+$0x2800]  }
0x1e2: {  	s0 =	sadd.s32 $0x40, s0;
	v10 =	vadd.s32 $0x9E3779B1, v13;
	v8 =	vand.u32 $0x1FFF, v14  }
0x1e3: {  	v13 =	vxor.u32 v3, v10  }
0x1e4: {  	v11 =	vadd.f32 v11, v12;
	v41 =	vcvt.s32.f32 v3;
	v4 =	vcvt.s32.f32 v4  }
0x1e5: {  	v5 =	vxor.u32 v5, v10;
	v9 =	vmul.f32 v9, v0;
	v40 =	vand.u32 $0x1FFF, v13  }
0x1e6: {  	v5 =	vand.u32 $0x1FFF, v5;
	[tilespmem:s30+$0xB010] =	vst v11;
	v1 =	vsub.f32 v1, v41;
	v2 =	vsub.f32 v2, v4  }
0x1e7: {  	v9 =	vadd.f32 $5.000000000e-01, v9;
	v42 =	vmul.f32 v7, v0;
	v6 =	vld.idx.msk [tilespmem:v6+s22+$0x0], $0xffff  }
0x1e8: {  	v43 =	vld.idx.msk [tilespmem:v8+s22+$0x0], $0xffff;
	v45 =	vsub.f32 $1.000000000e+00, v1;
	v46 =	vsub.f32 $1.000000000e+00, v2  }
0x1e9: {  	v0 =	vadd.f32 $5.000000000e-01, v42  }
0x1ea: {  	v44 =	vtrunc.f32 v9;
	v47 =	vld.idx.msk [tilespmem:v40+s22+$0x0], $0xffff;
	v49 =	vmul.f32 v46, v45  }
0x1eb: {  	v8 =	vmul.f32 v46, v1;
	v5 =	vld.idx.msk [tilespmem:v5+s22+$0x0], $0xffff;
	v48 =	vtrunc.f32 v0  }
0x1ec: {  	v7 =	vmul.f32 v2, v45;
	v11 =	vcvt.f32.s32 v48  }
0x1ed: {  	v6 =	vmul.f32 v49, v6;
	v3 =	vmul.f32 v8, v43  }
0x1ee: {  	v4 =	vcvt.f32.s32 v44;
	v1 =	vmul.f32 v2, v1;
	v50 =	vmul.u32 $0x9E3779B1, v11  }
0x1ef: {  	v3 =	vadd.f32 v3, v6;
	v52 =	vmul.f32 v7, v47  }
0x1f0: {  	v51 =	vadd.s32 $0x1, v4;
	v1 =	vmul.f32 v1, v5;
	v53 =	vxor.u32 v4, v50  }
0x1f1: {  	v54 =	vxor.u32 v51, v50;
	v2 =	vand.u32 $0x1FFF, v53;
	v3 =	vadd.f32 v3, v52  }
0x1f2: {  	v55 =	vadd.s32 $0x9E3779B1, v50;
	v56 =	vand.u32 $0x1FFF, v54  }
0x1f3: {  	v57 =	vxor.u32 v4, v55;
	v1 =	vadd.f32 v3, v1  }
0x1f4: {  	v59 =	vcvt.s32.f32 v11;
	v4 =	vcvt.s32.f32 v4;
	v58 =	vand.u32 $0x1FFF, v57  }
0x1f5: {  	v5 =	vxor.u32 v51, v55;
	[tilespmem:s29+$0xB010] =	vst v1  }
0x1f6: {  	v0 =	vsub.f32 v0, v59;
	v60 =	vand.u32 $0x1FFF, v5;
	v4 =	vsub.f32 v9, v4;
	v1 =	vld.idx.msk [tilespmem:v2+s22+$0x0], $0xffff  }
0x1f7: {  	v61 =	vld.idx.msk [tilespmem:v56+s22+$0x0], $0xffff  }
0x1f8: {  	v7 =	vsub.f32 $1.000000000e+00, v0;
	v62 =	vsub.f32 $1.000000000e+00, v4  }
0x1f9: {  	v3 =	vld.idx.msk [tilespmem:v58+s22+$0x0], $0xffff  }
0x1fa: {  	v63 =	vmul.f32 v7, v62;
	v7 =	vmul.f32 v7, v4  }
0x1fb: {  	v2 =	vld.idx.msk [tilespmem:v60+s22+$0x0], $0xffff;
	v6 =	vmul.f32 v0, v62  }
0x1fc: {  	v1 =	vmul.f32 v63, v1;
	v5 =	vmul.f32 v7, v61;
	_ =	sdelay $0x1  }
0x1fd: {  	v0 =	vmul.f32 v0, v4;
	v3 =	vmul.f32 v6, v3;
	v1 =	vadd.f32 v5, v1;
	_ =	sdelay $0x1  }
0x1fe: {  	v0 =	vmul.f32 v0, v2;
	v1 =	vadd.f32 v1, v3;
	_ =	sdelay $0x1  }
0x1ff: {  	s25 =	sadd.s32 $0x1, s25;
	v0 =	vadd.f32 v1, v0  }
0x200: {  	p0 =	sne.s32 s25, $0x8  }
.Ltmp8:
0x201: {  	s0 =	sadd.s32 s28, s16;
	[tilespmem:s31+$0xB010] =	vst v0;
	(pc) =	sbr.rel @p0 .LBB2_14-.Ltmp8, $4  }
0x202: {  	[hbm4b:s0+s3] =	stream.linear.scatter [tilespmem:s23], [sflag:$0x1], $0x800, $0x38;
	[tilespmem:$0xB810] =	vst v63  }
0x203: {  	_ =	swait.ge [sflag:s18], $0x800  }
0x204: {  	[sflag:s18] =	ssyncset.done $0x0  }
0x205: {  	[sflag:s18] =	ssyncadd.s32 $0xFFFFF800  }
0x206: {  	s24 =	sadd.s32 $0x1, s24  }
0x207: {  	p0 =	sne.s32 s24, s17  }
.Ltmp9:
0x208: {  	_ = 	snop;
	(pc) =	sbr.rel @p0 .LBB2_1-.Ltmp9, $1  }
0x209: {  	_ =	sdelay $0x3  }
0x20a: {  	_ =	sfence.sel $0x180000  }
0x20b: {  	[bflag:$0x0] =	sbarrier.arrive $0xFFFF  }
0x20c: {  	_ =	strace $0x9000004A  }
0x20d: {  	[bflag:$0x2] =	sbarrier.arrive $0xFFFF  }
0x20e: {  	p0 =	sne.s32 s1, $0x0;
	s0 =	rddreg [dreg:$0x2]  }
0x20f: {  	s0 =	sadd.s32 @!p0 $0x100000, s0  }
0x210: {  	[sflag:s0] =	ssyncadd.tile.s32 @!p0 $0x1;
	_ =	shalt  }
.Lfunc_end2:
_tile_overlayer_lowered:
.L_overlay_start_2:
0x211: {  	(tag) =	ssettag $0x2  }
0x212: {  	s0 =	rddreg [dreg:$0x0];
	s2 =	stileid.u32  }
0x213: {  	s1 =	rddreg [dreg:$0x1];
	p0 =	sne.s32 s2, $0x0  }
0x214: {  	s3 =	rddreg [dreg:$0x2];
	[bflag:$0x3] =	sbarrier.arrive $0xFFFF;
	s2 =	simm.s32 @!p0 $0x1C01  }
0x215: {  	[timem:s3], [sflag:s2] =	dma.local @!p0 [hbm:s0], s1  }
0x216: {  	s0 =	simm.s32 @!p0 $0x1  }
0x217: {  	_ =	swait.ge @!p0 [sflag:s0], s1  }
0x218: {  	s1 =	ssub.s32 @!p0 $0x0, s1;
	[sflag:s0] =	ssyncset.done @!p0 $0x0  }
0x219: {  	[sflag:s0] =	ssyncadd.s32 @!p0 s1  }
0x21a: {  	[bflag:$0x3] =	sbarrier.arrive $0xFFFF  }
0x21b: {  	_ =	shalt  }

// kernel: kernel.7.cloned.1.call-start
scs
__scs_entry_jumppad:
0x0: {  	(pc) =	sbr.rel $0x88, $3  }
0x1: {  	(tag) =	ssettag $0x0;
	lr =	simm.s32 $0x1  }
0x2: {  	[smem:$0x3F9B] =	sst lr;
	_ =	strace $0xD0000000  }
0x3: {  	_ = 	snop  }
0x4: {  	_ = 	snop  }
0x5: {  	_ = 	snop  }
0x6: {  	_ = 	snop  }
0x7: {  	_ = 	snop  }
__scs_overlays_trampoline_lowered:
0x8: {  	[smem:$0x3FAA] =	sst s0  }
0x9: {  	[smem:$0x3FAB] =	sst s1  }
0xa: {  	[smem:$0x3FAC] =	sst s2  }
0xb: {  	[smem:$0x3FAD] =	sst s3  }
0xc: {  	[smem:$0x3FAE] =	sst s4  }
0xd: {  	[smem:$0x3FAF] =	sst s5  }
0xe: {  	[smem:$0x3FB0] =	sst s6  }
0xf: {  	[smem:$0x3FB1] =	sst s7  }
0x10: {  	[smem:$0x3FB2] =	sst s8  }
0x11: {  	[smem:$0x3FB3] =	sst s9;
	s0 =	simm.s32 @!p0 $0x0  }
0x12: {  	s1 =	sld [smem:$0x3F99];
	s0 =	simm.s32 @p0 $0x1  }
0x13: {  	[smem:$0x3FB4] =	sst s0;
	s0 =	simm.s32 @!p1 $0x0  }
0x14: {  	s2 =	sld [smem:$0x3F98];
	s0 =	simm.s32 @p1 $0x1  }
0x15: {  	[smem:$0x3FB5] =	sst s0;
	s0 =	simm.s32 @!p2 $0x0  }
0x16: {  	s3 =	sld [smem:$0x3FDB];
	s0 =	simm.s32 @p2 $0x1  }
0x17: {  	s4 =	simm.s32 $0x1BF5;
	[smem:$0x3FB7] =	sst s0  }
0x18: {  	s0 =	sld [smem:$0x3F9A];
	_ =	swait.ge [sflag:s4], $0x0  }
0x19: {  	s7 =	sld [smem:$0x3F9B]  }
0x1a: {  	s8 =	sadd.s32 $0xFFFFE003, lr  }
0x1b: {  	s9 =	sadd.s32 $0xFFFFFEF7, lr;
	s5 =	simm.s32 $0xFFFFFFFF;
	p2 =	slt.u32 s8, $0xFFFFF086  }
0x1c: {  	p1 =	slt.u32 s9, $0xF7A;
	s5 =	simm.s32 @!p2 $0x0  }
0x1d: {  	s5 =	simm.s32 @p1 $0x1;
	p0 =	seq.s32 s7, s2  }
0x1e: {  	s7 =	smul.u32 @!p0 $0xF7A, s2;
	p2 =	seq.s32 @!p0 s5, $0x0  }
0x1f: {  	s9 =	smul.u32 $0xF7A, s1;
	s8 =	simm.s32 @!p0 $0x1BF5;
	p2 =	por !p2, p0  }
0x20: {  	[sflag:s8] =	ssyncset.s32 @!p0 $0xFFFFF086;
	s6 =	sadd.s32 @!p0 s3, s7;
	s7 =	simm.s32 @!p0 $0x108  }
0x21: {  	s3 =	sadd.s32 s3, s9;
	s6 =	sadd.s32 @!p0 $0x88, s6;
	s7 =	simm.s32 @p2 $0x1082  }
0x22: {  	[simem:s7], [sflag:s8] =	dma.local @!p0 [hbm:s6], $0xF7A  }
0x23: {  	s9 =	sor.u32 $0xD0000000, s2;
	s6 =	simm.s32 $0x108;
	_ =	swait.ge @!p0 [sflag:s8], $0x0  }
0x24: {  	s3 =	sadd.s32 $0x88, s3;
	s6 =	simm.s32 @!p1 $0x1082;
	[sflag:s4] =	ssyncset.s32 $0xFFFFF086  }
0x25: {  	[simem:s6], [sflag:s4] =	dma.local [hbm:s3], $0xF7A  }
0x26: {  	[smem:$0x3F9B] =	sst s1;
	(tag) =	ssettag s2;
	_ =	strace s9  }
0x27: {  	s1 =	sld [smem:$0x3FAB]  }
0x28: {  	s2 =	sld [smem:$0x3FAC]  }
0x29: {  	s4 =	sld [smem:$0x3FAE]  }
0x2a: {  	p0 =	seq.s32 s5, $0x0;
	s5 =	sld [smem:$0x3FAF]  }
0x2b: {  	s6 =	sld [smem:$0x3FB0]  }
0x2c: {  	s7 =	sld [smem:$0x3FB1]  }
0x2d: {  	s3 =	simm.s32 $0x108;
	s8 =	sld [smem:$0x3FB2]  }
0x2e: {  	s3 =	simm.s32 @!p0 $0x1082;
	s9 =	sld [smem:$0x3FB3]  }
0x2f: {  	lr =	sadd.s32 s0, s3;
	s0 =	sld [smem:$0x3FAA]  }
0x30: {  	s3 =	sld [smem:$0x3FAD]  }
0x31: {  	[smem:$0x3FB6] =	sst s10  }
0x32: {  	s10 =	sld [smem:$0x3FB4];
	_ =	sdelay $0x3  }
0x33: {  	p0 =	seq.s32 s10, $0x1;
	s10 =	sld [smem:$0x3FB6];
	_ =	sdelay $0x3  }
0x34: {  	[smem:$0x3FB6] =	sst s10  }
0x35: {  	s10 =	sld [smem:$0x3FB5];
	_ =	sdelay $0x3  }
0x36: {  	p1 =	seq.s32 s10, $0x1;
	s10 =	sld [smem:$0x3FB6];
	_ =	sdelay $0x3  }
0x37: {  	[smem:$0x3FB6] =	sst s10  }
0x38: {  	s10 =	sld [smem:$0x3FB7]  }
0x39: {  	_ = 	snop;
	(pc) =	sbr.ind lr, $3  }
0x3a: {  	_ = 	snop  }
0x3b: {  	_ = 	snop  }
0x3c: {  	p2 =	seq.s32 s10, $0x1;
	s10 =	sld [smem:$0x3FB6]  }
0x3d: {  	_ =	shalt  }
0x3e: {  	_ =	shalt  }
0x3f: {  	_ =	shalt  }
0x40: {  	_ =	shalt  }
0x41: {  	_ =	shalt  }
0x42: {  	_ =	shalt  }
0x43: {  	_ =	shalt  }
0x44: {  	_ =	shalt  }
0x45: {  	_ =	shalt  }
0x46: {  	_ =	shalt  }
0x47: {  	_ =	shalt  }
0x48: {  	_ =	shalt  }
0x49: {  	_ =	shalt  }
0x4a: {  	_ =	shalt  }
0x4b: {  	_ =	shalt  }
0x4c: {  	_ =	shalt  }
0x4d: {  	_ =	shalt  }
0x4e: {  	_ =	shalt  }
0x4f: {  	_ =	shalt  }
0x50: {  	_ =	shalt  }
0x51: {  	_ =	shalt  }
0x52: {  	_ =	shalt  }
0x53: {  	_ =	shalt  }
0x54: {  	_ =	shalt  }
0x55: {  	_ =	shalt  }
0x56: {  	_ =	shalt  }
0x57: {  	_ =	shalt  }
0x58: {  	_ =	shalt  }
0x59: {  	_ =	shalt  }
0x5a: {  	_ =	shalt  }
0x5b: {  	_ =	shalt  }
0x5c: {  	_ =	shalt  }
0x5d: {  	_ =	shalt  }
0x5e: {  	_ =	shalt  }
0x5f: {  	_ =	shalt  }
0x60: {  	_ =	shalt  }
0x61: {  	_ =	shalt  }
0x62: {  	_ =	shalt  }
0x63: {  	_ =	shalt  }
0x64: {  	_ =	shalt  }
0x65: {  	_ =	shalt  }
0x66: {  	_ =	shalt  }
0x67: {  	_ =	shalt  }
0x68: {  	_ =	shalt  }
0x69: {  	_ =	shalt  }
0x6a: {  	_ =	shalt  }
0x6b: {  	_ =	shalt  }
0x6c: {  	_ =	shalt  }
0x6d: {  	_ =	shalt  }
0x6e: {  	_ =	shalt  }
0x6f: {  	_ =	shalt  }
0x70: {  	_ =	shalt  }
0x71: {  	_ =	shalt  }
0x72: {  	_ =	shalt  }
0x73: {  	_ =	shalt  }
0x74: {  	_ =	shalt  }
0x75: {  	_ =	shalt  }
0x76: {  	_ =	shalt  }
0x77: {  	_ =	shalt  }
0x78: {  	_ =	shalt  }
0x79: {  	_ =	shalt  }
0x7a: {  	_ =	shalt  }
0x7b: {  	_ =	shalt  }
0x7c: {  	_ =	shalt  }
0x7d: {  	_ =	shalt  }
0x7e: {  	_ =	shalt  }
0x7f: {  	_ =	shalt  }
0x80: {  	_ =	shalt  }
0x81: {  	_ =	shalt  }
0x82: {  	_ =	shalt  }
0x83: {  	_ =	shalt  }
0x84: {  	_ =	shalt  }
0x85: {  	_ =	shalt  }
0x86: {  	_ =	shalt  }
0x87: {  	_ =	shalt  }
.Lfunc_end0:
.L_simem_size_0:
called_computation.1_lowered:
.L_overlay_start_0:
0x88: {  	s2 =	sld [smem:$0x3FD9]  }
0x89: {  	s3 =	sld [smem:$0x3FFE];
	_ =	sdelay $0x1  }
0x8a: {  	s1 =	srdreg.scid  }
0x8b: {  	s0 =	sand.u32 $0x1, s1  }
0x8c: {  	s15 =	sshll.u32 s0, $0xA;
	s2 =	sadd.s32 s3, s2  }
0x8d: {  	s2 =	sadd.s32 s2, s15  }
0x8e: {  	[smem:$0x3FC2] =	sst s2  }
0x8f: {  	_ = 	snop  }
0x90: {  	s2 =	sld [smem:$0x3FD0];
	_ =	sdelay $0x2  }
0x91: {  	s16 =	simm.s32 $0xB;
	s4 =	simm.s32 $0x10  }
0x92: {  	[smem:s4], [sflag:s16] =	dma.local [hbm:s2], $0x1  }
0x93: {  	_ =	swait.eq [sflag:s16], $0x1  }
0x94: {  	[sflag:s16] =	ssyncset.done $0x0  }
0x95: {  	[sflag:s16] =	ssyncadd.s32 $0xFFFFFFFF  }
0x96: {  	s17 =	sld [smem:$0x10];
	(tm) =	ssettm $0x1  }
0x97: {  	s18 =	sld [smem:$0x3FFB];
	_ =	sdelay $0x3  }
0x98: {  	_ =	strace s18  }
0x99: {  	s2 =	sld [smem:$0x3FFC];
	_ =	sdelay $0x3  }
0x9a: {  	_ =	strace s2  }
0x9b: {  	s2 =	sld [smem:$0x3FFD];
	_ =	sdelay $0x3  }
0x9c: {  	_ =	strace s2  }
0x9d: {  	_ =	strace $0x8FFFFFFF  }
0x9e: {  	s19 =	sld [smem:$0x3FDB];
	_ =	sdelay $0x1  }
0x9f: {  	s20 =	simm.s32 $_scs_section_size  }
0xa0: {  	s5 =	simm.s32 $_size__tile_overlayer_lowered;
	s6 =	simm.s32 $_tile_overlayer_lowered  }
0xa1: {  	s7 =	simm.s32 $0x1BFF;
	s21 =	sshll.u32 s6, $0x1;
	s4 =	sadd.s32 s20, s19  }
0xa2: {  	s22 =	simm.s32 $0x0;
	s5 =	sshll.u32 s5, $0x1;
	s6 =	sadd.s32 s21, s4  }
0xa3: {  	[timem:s22], [sflag:s7] =	dma.local [hbm:s6], s5  }
0xa4: {  	_ =	swait.ge [sflag:s7], s5  }
0xa5: {  	s5 =	ssub.s32 $0x0, s5;
	[sflag:s7] =	ssyncset.done $0x0  }
0xa6: {  	[sflag:s7] =	ssyncadd.s32 s5;
	_ =	sdelay $0x1  }
0xa7: {  	s23 =	simm.s32 $0x1B8B  }
0xa8: {  	_ =	swait.ge [sflag:s23], $0x1  }
0xa9: {  	[sflag:s23] =	ssyncset.done $0x0  }
0xaa: {  	[sflag:s23] =	ssyncadd.s32 $0xFFFFFFFF  }
0xab: {  	s5 =	sld [smem:$0x0]  }
0xac: {  	s6 =	sand.u32 $0xFFFFFFFE, s1  }
0xad: {  	p0 =	sne.s32 s1, s6  }
0xae: {  	s6 =	sshll.u32 @p0 s6, $0xE  }
0xaf: {  	s6 =	sadd.s32 @p0 $0x11B8D, s6;
	s7 =	sshll.u32 @p0 s5, $0x11  }
0xb0: {  	s6 =	sor.u32 @p0 s7, s6  }
0xb1: {  	[sflag:s6] =	ssyncadd.remote.s32 @p0 $0x1;
	_ =	sdelay $0x1  }
0xb2: {  	s6 =	simm.s32 @p0 $0x1B8D  }
0xb3: {  	_ =	swait.eq @p0 [sflag:s6], $0x1  }
0xb4: {  	[sflag:s6] =	ssyncadd.s32 @p0 $0xFFFFFFFF  }
0xb5: {  	s7 =	sshll.u32 @!p0 s1, $0xE  }
0xb6: {  	s7 =	sor.u32 @!p0 $0x4000, s7;
	s6 =	simm.s32 @!p0 $0x1B8D  }
0xb7: {  	s5 =	sshll.u32 @!p0 s5, $0x11;
	s7 =	sadd.s32 @!p0 $0x11B8D, s7;
	_ =	swait.eq @!p0 [sflag:s6], $0x1  }
0xb8: {  	s5 =	sor.u32 @!p0 s5, s7;
	[sflag:s6] =	ssyncadd.s32 @!p0 $0xFFFFFFFF  }
0xb9: {  	s25 =	simm.s32 $0x1B8E;
	s24 =	sld [smem:$0x3FFE];
	[sflag:s5] =	ssyncadd.remote.s32 @!p0 $0x1  }
0xba: {  	s26 =	simm.s32 $execute0_lowered;
	[smem:$0x3FD2] =	sst s25  }
0xbb: {  	s6 =	sshll.u32 s26, $0x1;
	_ =	strace $0x8000004C;
	[dreg:$0x1] =	wrdreg $0xFFFFFFFF  }
0xbc: {  	s28 =	simm.s32 $_size_execute0_lowered;
	s4 =	sadd.s32 s4, s6;
	[dreg:$0x0] =	wrdreg $0x0  }
0xbd: {  	s6 =	sshll.u32 s28, $0x1;
	[dreg:$0x2] =	wrdreg s4  }
0xbe: {  	[dreg:$0x3] =	wrdreg s6  }
0xbf: {  	[dreg:$0x4] =	wrdreg $0xC0  }
0xc0: {  	_ =	task [dreg:s22], $0x5FFFF  }
0xc1: {  	[dreg:$0x1] =	wrdreg $0xFFFFFFFF  }
0xc2: {  	[dreg:$0x0] =	wrdreg $0x60  }
0xc3: {  	[dreg:$0x2] =	wrdreg s24  }
0xc4: {  	[dreg:$0x3] =	wrdreg s17  }
0xc5: {  	[dreg:$0x4] =	wrdreg $0xA  }
0xc6: {  	_ =	task.clear_ibuf [dreg:s22], $0x5FFFF;
	_ =	strace $0x9000004C  }
0xc7: {  	s29 =	simm.s32 $0xA;
	_ =	strace $0x8000004E  }
0xc8: {  	_ =	swait.ge [sflag:s29], $0x1  }
0xc9: {  	[sflag:s29] =	ssyncadd.s32 $0xFFFFFFFF  }
0xca: {  	_ =	strace $0x9000004E  }
0xcb: {  	_ =	sfence  }
0xcc: {  	s30 =	sld [smem:$0x0];
	_ =	sdelay $0x2  }
0xcd: {  	s31 =	sshll.u32 s1, $0xD;
	s1 =	sshrl.u32 s1, $0x2  }
0xce: {  	s4 =	sand.u32 $0x4000, s31;
	s1 =	sadd.s32 s1, s30  }
0xcf: {  	s0 =	sor.u32 s4, s0;
	s1 =	sshll.u32 s1, $0x11  }
0xd0: {  	s0 =	sor.u32 s1, s0  }
0xd1: {  	s0 =	sadd.s32 $0x8F2B, s0  }
0xd2: {  	[sflag:s0] =	ssyncadd.remote.s32 $0x1  }
0xd3: {  	_ =	sfence.sel $0xFFFF  }
0xd4: {  	[dreg:$0x0] =	wrdreg $0xFFFFFFFF;
	(pc) =	sbr.abs _section_cstart, $3  }
0xd5: {  	[dreg:$0x1] =	wrdreg $0xFFFFFFFF  }
0xd6: {  	_ =	task.clear_ibuf [dreg:s22], $0x2FFFF;
	_ =	strace $0x9FFFFFFF  }
0xd7: {  	(tm) =	ssettm $0x7FFFFFFF  }
tec
execute0_lowered:
.L_overlay_start_1:
0x0: {  	(tag) =	ssettag $0x1  }
0x1: {  	s0 =	rddreg [dreg:$0x0]  }
0x2: {  	s2 =	rddreg [dreg:$0x1]  }
0x3: {  	s1 =	srdreg.scid;
	s4 =	stileid.u32;
	s3 =	simm.s32 $0x0  }
0x4: {  	s14 =	simm.s32 $0x3000;
	s15 =	simm.s32 $0x3010;
	s16 =	simm.s32 $0x4000  }
0x5: {  	s1 =	sand.u32 $0x1, s1;
	s4 =	sshll.u32 s4, $0xD;
	[smem:$0x7FF] =	sst s3  }
0x6: {  	s6 =	sadd.s32 $0x201400, s0;
	s5 =	sshll.u32 s1, $0xC;
	s1 =	ssub.s32 $0x2, s1  }
0x7: {  	_ =	strace $0x8000004D;
	s4 =	sor.u32 s5, s4;
	s7 =	sshrl.u32 s1, $0x1  }
0x8: {  	[dreg:$0x3] =	wrdreg s6;
	s5 =	sshrl.u32 s4, $0x3;
	s28 =	ssub.s32 s1, s7  }
0x9: {  	s6 =	sadd.s32 $0x1400, s0;
	s5 =	sadd.s32 s5, s0;
	s0 =	smax.u32 s28, $0x1  }
0xa: {  	v2 =	vlaneseq.u32;
	s21 =	simm.s32 $0x1;
	s29 =	sadd.s32 $0x202000, s5;
	[dreg:$0x7] =	wrdreg s0  }
0xb: {  	s22 =	simm.s32 $0xC010;
	v0 =	vshrl.u32 v2, $0x2;
	v2 =	vand.u32 $0x3, v2;
	s30 =	sadd.s32 $0x206000, s5;
	[dreg:$0x4] =	wrdreg s29  }
0xc: {  	v1 =	vimm.s32 $0x0;
	vm0 =	vcmask $0x300;
	s24 =	simm.s32 $0x2;
	v2 =	vmul.u32 $0x80000, v2;
	s31 =	sadd.s32 $0x20A000, s5;
	[dreg:$0x5] =	wrdreg s30  }
0xd: {  	s25 =	simm.s32 $0x16810;
	v1 =	vsel vm0, $0x3, v1;
	v3 =	vor.u32 $0x4, v0;
	s5 =	simm.s32 $0x0;
	[dreg:$0x6] =	wrdreg s31  }
.LBB2_1:
0xe: {  	[dreg:$0x8] =	wrdreg s5  }
0xf: {  	s0 =	rddreg [dreg:$0x4];
	s1 =	simm.s32 $0x5  }
0x10: {  	[tilespmem:s3], [sflag:$0x5] =	stream.linear.gather [hbm4b:s0+s3], $0x1000, $0x38;
	[tilespmem:$0x17010] =	vst v63  }
0x11: {  	_ =	swait.ge [sflag:s1], $0x1000  }
0x12: {  	[sflag:s1] =	ssyncset.done $0x0  }
0x13: {  	s28 =	simm.s32 $0x1000;
	s26 =	rddreg [dreg:$0x5];
	[sflag:s1] =	ssyncadd.s32 $0xFFFFF000  }
0x14: {  	[tilespmem:s28], [sflag:$0x5] =	stream.linear.gather [hbm4b:s26+s3], $0x1000, $0x38;
	[tilespmem:$0x17010] =	vst v63  }
0x15: {  	_ =	swait.ge [sflag:s1], $0x1000  }
0x16: {  	[sflag:s1] =	ssyncset.done $0x0  }
0x17: {  	s30 =	simm.s32 $0x2000;
	s29 =	rddreg [dreg:$0x6];
	[sflag:s1] =	ssyncadd.s32 $0xFFFFF000  }
0x18: {  	[tilespmem:s30], [sflag:$0x5] =	stream.linear.gather [hbm4b:s29+s3], $0x1000, $0x38;
	[tilespmem:$0x17010] =	vst v63  }
0x19: {  	_ =	swait.ge [sflag:s1], $0x1000  }
0x1a: {  	[sflag:s1] =	ssyncset.done $0x0  }
0x1b: {  	s31 =	rddreg [dreg:$0x3];
	[sflag:s1] =	ssyncadd.s32 $0xFFFFF000  }
0x1c: {  	[tilespmem:s14], [sflag:$0x5] =	stream.linear.gather [hbm4b:s31+s3], $0x10, $0x38;
	[tilespmem:$0x17010] =	vst v63  }
0x1d: {  	_ =	swait.ge [sflag:s1], $0x10  }
0x1e: {  	[sflag:s1] =	ssyncset.done $0x0  }
0x1f: {  	[sflag:s1] =	ssyncadd.s32 $0xFFFFFFF0;
	s1 =	simm.s32 $0x0  }
0x20: {  	v4 =	vld [tilespmem:s1+$0x0]  }
0x21: {  	v5 =	vld [tilespmem:s1+$0x1000]  }
0x22: {  	v6 =	vld [tilespmem:s1+$0x2000];
	_ =	sdelay $0x2  }
0x23: {  	v4 =	vmul.f32 $5.110000000e+02, v4;
	_ =	sdelay $0x1  }
0x24: {  	v5 =	vmul.f32 $5.110000000e+02, v5;
	v6 =	vmul.f32 $5.110000000e+02, v6;
	v4 =	vadd.f32 $5.000000000e-01, v4;
	_ =	sdelay $0x1  }
0x25: {  	v5 =	vadd.f32 $5.000000000e-01, v5;
	v6 =	vadd.f32 $5.000000000e-01, v6;
	v7 =	vtrunc.f32 v4  }
0x26: {  	v8 =	vcvt.f32.s32 v7  }
0x27: {  	v10 =	vtrunc.f32 v6;
	v7 =	vtrunc.f32 v5  }
0x28: {  	v9 =	vcvt.f32.s32 v7;
	v7 =	vcvt.s32.f32 v8  }
0x29: {  	v12 =	vcvt.f32.s32 v10  }
0x2a: {  	v10 =	vsub.f32 v4, v7;
	v4 =	vcvt.s32.f32 v9  }
0x2b: {  	v13 =	vcvt.s32.f32 v12;
	v11 =	vmul.u32 $0x9E3779B1, v9  }
0x2c: {  	v7 =	vadd.s32 $0x1, v8;
	v9 =	vsub.f32 v5, v4;
	v14 =	vsub.f32 $1.000000000e+00, v10  }
0x2d: {  	v6 =	vsub.f32 v6, v13;
	v16 =	vadd.s32 $0x9E3779B1, v11;
	v5 =	vmul.u32 $0x30025795, v12  }
0x2e: {  	v4 =	vxor.u32 v8, v11;
	v15 =	vsub.f32 $1.000000000e+00, v9;
	v13 =	vmul.f32 v9, v14  }
0x2f: {  	s5 =	simm.s32 $0x80;
	s0 =	simm.s32 $0x10;
	v12 =	vxor.u32 v8, v16;
	v8 =	vxor.u32 v7, v16;
	v9 =	vmul.f32 v9, v10  }
.LBB2_2:
0x30: {  	p0 =	sne.s32 s5, $0x7C0;
	v16 =	vld [tilespmem:s0+$0x0];
	v17 =	vsub.f32 $1.000000000e+00, v6;
	v14 =	vmul.f32 v15, v14;
	v18 =	vmul.f32 v6, v13  }
0x31: {  	v19 =	vadd.s32 $0x30025795, v5;
	v7 =	vxor.u32 v7, v11;
	v10 =	vmul.f32 v15, v10  }
0x32: {  	v20 =	vxor.u32 v5, v12;
	v11 =	vld [tilespmem:s0+$0x1000];
	v15 =	vmul.f32 v17, v14;
	v13 =	vmul.f32 v17, v13;
	[tilespmem:s1+$0xCC10] =	vst v18  }
0x33: {  	v21 =	vxor.u32 v5, v8;
	v18 =	vmul.f32 v17, v10;
	v14 =	vmul.f32 v14, v6  }
0x34: {  	v12 =	vxor.u32 v19, v12;
	v10 =	vmul.f32 v10, v6;
	v22 =	vld [tilespmem:s0+$0x2000];
	[tilespmem:s1+$0xC010] =	vst v15;
	v15 =	vmul.f32 v17, v9  }
0x35: {  	v8 =	vxor.u32 v19, v8;
	v6 =	vmul.f32 v6, v9;
	v16 =	vmul.f32 $5.110000000e+02, v16;
	[tilespmem:s1+$0xC210] =	vst v18  }
0x36: {  	v9 =	vxor.u32 v5, v4;
	v5 =	vxor.u32 v5, v7;
	v4 =	vxor.u32 v4, v19;
	[tilespmem:s1+$0xC410] =	vst v13  }
0x37: {  	v13 =	vadd.f32 $5.000000000e-01, v16;
	v11 =	vmul.f32 $5.110000000e+02, v11;
	[tilespmem:s1+$0xC810] =	vst v14;
	v14 =	vxor.u32 v7, v19  }
0x38: {  	v7 =	vand.u32 $0x7FFFF, v20;
	v16 =	vand.u32 $0x7FFFF, v21;
	[tilespmem:s1+$0xCA10] =	vst v10;
	v10 =	vand.u32 $0x7FFFF, v12  }
0x39: {  	v12 =	vadd.f32 $5.000000000e-01, v11;
	v11 =	vmul.f32 $5.110000000e+02, v22;
	v17 =	vtrunc.f32 v13;
	[tilespmem:s1+$0xC610] =	vst v15  }
0x3a: {  	v8 =	vand.u32 $0x7FFFF, v8;
	v9 =	vand.u32 $0x7FFFF, v9;
	v17 =	vcvt.f32.s32 v17;
	[tilespmem:s1+$0xCE10] =	vst v6  }
0x3b: {  	v5 =	vand.u32 $0x7FFFF, v5;
	v6 =	vadd.f32 $5.000000000e-01, v11;
	v11 =	vtrunc.f32 v12;
	[tilespmem:s1+$0x3410] =	vst v7  }
0x3c: {  	v11 =	vcvt.f32.s32 v11;
	v15 =	vcvt.s32.f32 v17;
	v7 =	vadd.s32 $0x1, v17;
	[tilespmem:s1+$0x3610] =	vst v16  }
0x3d: {  	v18 =	vand.u32 $0x7FFFF, v4;
	v19 =	vand.u32 $0x7FFFF, v14;
	v16 =	vtrunc.f32 v6;
	[tilespmem:s1+$0x3C10] =	vst v10  }
0x3e: {  	v4 =	vcvt.f32.s32 v16;
	v10 =	vsub.f32 v13, v15;
	v13 =	vcvt.s32.f32 v11;
	[tilespmem:s1+$0x3E10] =	vst v8  }
.Ltmp0:
0x3f: {  	v11 =	vmul.u32 $0x9E3779B1, v11;
	[tilespmem:s1+$0x3010] =	vst v9;
	(pc) =	sbr.rel @p0 .LBB2_2-.Ltmp0, $4  }
0x40: {  	v9 =	vsub.f32 v12, v13;
	v8 =	vcvt.s32.f32 v4;
	v14 =	vsub.f32 $1.000000000e+00, v10;
	[tilespmem:s1+$0x3210] =	vst v5  }
0x41: {  	v16 =	vadd.s32 $0x9E3779B1, v11;
	v5 =	vmul.u32 $0x30025795, v4;
	v4 =	vxor.u32 v17, v11;
	[tilespmem:s1+$0x3810] =	vst v18  }
0x42: {  	v6 =	vsub.f32 v6, v8;
	v15 =	vsub.f32 $1.000000000e+00, v9;
	v13 =	vmul.f32 v9, v14;
	[tilespmem:s1+$0x3A10] =	vst v19;
	s1 =	smov.u32 s0  }
0x43: {  	v12 =	vxor.u32 v17, v16;
	s0 =	sshra.s32 s5, $0x2;
	s5 =	sadd.s32 $0x40, s5;
	v8 =	vxor.u32 v7, v16;
	v9 =	vmul.f32 v9, v10  }
0x44: {  	v16 =	vld [tilespmem:s0+$0x0];
	v17 =	vmul.f32 v6, v13;
	v19 =	vsub.f32 $1.000000000e+00, v6;
	v14 =	vmul.f32 v15, v14  }
0x45: {  	v18 =	vld [tilespmem:s0+$0x1000];
	v20 =	vadd.s32 $0x30025795, v5;
	v10 =	vmul.f32 v15, v10;
	v7 =	vxor.u32 v7, v11  }
0x46: {  	v38 =	vxor.u32 v5, v12;
	v22 =	vxor.u32 v5, v8;
	v45 =	vxor.u32 v5, v4;
	[tilespmem:s1+$0xCC10] =	vst v17  }
0x47: {  	v40 =	vxor.u32 v20, v12;
	v8 =	vxor.u32 v20, v8;
	v5 =	vxor.u32 v5, v7;
	v17 =	vld [tilespmem:s0+$0x2000]  }
0x48: {  	v49 =	vand.u32 $0x7FFFF, v22;
	v35 =	vmul.f32 v19, v14;
	v36 =	vmul.f32 v19, v13  }
0x49: {  	v4 =	vxor.u32 v4, v20;
	v21 =	vmul.f32 v19, v10;
	v37 =	vmul.f32 $5.110000000e+02, v16  }
0x4a: {  	v7 =	vxor.u32 v7, v20;
	v14 =	vmul.f32 v14, v6;
	v18 =	vmul.f32 $5.110000000e+02, v18  }
0x4b: {  	v10 =	vmul.f32 v10, v6;
	v12 =	vand.u32 $0x7FFFF, v40;
	[tilespmem:s1+$0x3610] =	vst v49;
	v13 =	vadd.f32 $5.000000000e-01, v37  }
0x4c: {  	v8 =	vand.u32 $0x7FFFF, v8;
	[tilespmem:s1+$0x3C10] =	vst v12;
	v18 =	vadd.f32 $5.000000000e-01, v18;
	v17 =	vmul.f32 $5.110000000e+02, v17  }
0x4d: {  	v5 =	vand.u32 $0x7FFFF, v5;
	v4 =	vand.u32 $0x7FFFF, v4;
	[tilespmem:s1+$0x3E10] =	vst v8;
	v41 =	vtrunc.f32 v13  }
0x4e: {  	[tilespmem:s1+$0x3210] =	vst v5;
	v43 =	vtrunc.f32 v18;
	v11 =	vcvt.f32.s32 v41;
	v42 =	vadd.f32 $5.000000000e-01, v17  }
0x4f: {  	v6 =	vmul.f32 v6, v9;
	v7 =	vand.u32 $0x7FFFF, v7;
	[tilespmem:s1+$0x3810] =	vst v4;
	v44 =	vcvt.f32.s32 v43  }
0x50: {  	[tilespmem:s1+$0x3A10] =	vst v7;
	v46 =	vcvt.s32.f32 v11;
	v47 =	vtrunc.f32 v42  }
0x51: {  	[tilespmem:s1+$0xCE10] =	vst v6;
	v48 =	vcvt.s32.f32 v44;
	v6 =	vcvt.f32.s32 v47  }
0x52: {  	[tilespmem:s1+$0xC010] =	vst v35;
	v13 =	vsub.f32 v13, v46  }
0x53: {  	[tilespmem:s1+$0xC210] =	vst v21;
	v50 =	vsub.f32 v18, v48;
	v51 =	vcvt.s32.f32 v6  }
0x54: {  	[tilespmem:s1+$0xC410] =	vst v36;
	v52 =	vsub.f32 $1.000000000e+00, v13  }
0x55: {  	v39 =	vmul.f32 v19, v9;
	[tilespmem:s1+$0xC810] =	vst v14;
	v53 =	vsub.f32 $1.000000000e+00, v50;
	v8 =	vsub.f32 v42, v51  }
0x56: {  	[tilespmem:s1+$0xCA10] =	vst v10;
	v54 =	vmul.f32 v50, v52  }
0x57: {  	[tilespmem:s1+$0xC610] =	vst v39;
	v10 =	vand.u32 $0x7FFFF, v45;
	v12 =	vmul.f32 v53, v52;
	v5 =	vsub.f32 $1.000000000e+00, v8  }
0x58: {  	v16 =	vand.u32 $0x7FFFF, v38;
	[tilespmem:s1+$0x3010] =	vst v10;
	v4 =	vmul.f32 v8, v54  }
0x59: {  	[tilespmem:s1+$0x3410] =	vst v16;
	v7 =	vmul.f32 v5, v12  }
0x5a: {  	v9 =	vmul.u32 $0x9E3779B1, v44;
	v14 =	vmul.f32 v53, v13;
	v10 =	vmul.f32 v5, v54;
	[tilespmem:s0+$0xCC10] =	vst v4  }
0x5b: {  	v6 =	vmul.u32 $0x30025795, v6;
	v12 =	vmul.f32 v12, v8;
	[tilespmem:s0+$0xC010] =	vst v7  }
0x5c: {  	v56 =	vxor.u32 v11, v9;
	v4 =	vmul.f32 v5, v14;
	v7 =	vmul.f32 v50, v13;
	[tilespmem:s0+$0xC410] =	vst v10  }
0x5d: {  	v55 =	vadd.s32 $0x9E3779B1, v9;
	v61 =	vxor.u32 v6, v56;
	v14 =	vmul.f32 v14, v8;
	[tilespmem:s0+$0xC810] =	vst v12  }
0x5e: {  	[tilespmem:s0+$0xC210] =	vst v4;
	v4 =	vadd.s32 $0x1, v11;
	v11 =	vxor.u32 v11, v55;
	v5 =	vmul.f32 v5, v7  }
0x5f: {  	s29 =	simm.s32 $0x0;
	[tilespmem:s0+$0xCA10] =	vst v14;
	v57 =	vxor.u32 v4, v55;
	v7 =	vmul.f32 v8, v7;
	v8 =	vadd.s32 $0x30025795, v6  }
0x60: {  	v58 =	vxor.u32 v6, v11;
	v4 =	vxor.u32 v4, v9;
	[tilespmem:s0+$0xC610] =	vst v5;
	v5 =	vmov s29  }
0x61: {  	v59 =	vxor.u32 v6, v57;
	v13 =	vand.u32 $0x7FFFF, v58;
	[tilespmem:s0+$0xCE10] =	vst v7;
	v5 =	vshrl.u32 v5, $0x3  }
0x62: {  	v12 =	vxor.u32 v8, v57;
	v60 =	vand.u32 $0x7FFFF, v59;
	[tilespmem:s0+$0x3410] =	vst v13;
	v5 =	vshll.u32 v5, v1  }
0x63: {  	v6 =	vxor.u32 v6, v4;
	v62 =	vand.u32 $0x7FFFF, v12;
	[tilespmem:s0+$0x3610] =	vst v60;
	v5 =	vbroadcast v5, $0x0  }
0x64: {  	v4 =	vxor.u32 v4, v8;
	v6 =	vand.u32 $0x7FFFF, v6;
	[tilespmem:s0+$0x3E10] =	vst v62  }
0x65: {  	v7 =	vxor.u32 v8, v11;
	v4 =	vand.u32 $0x7FFFF, v4;
	[tilespmem:s0+$0x3210] =	vst v6;
	v63 =	vor.u32 v0, v5  }
0x66: {  	v7 =	vand.u32 $0x7FFFF, v7;
	[tilespmem:s0+$0x3A10] =	vst v4  }
0x67: {  	v10 =	vxor.u32 v56, v8;
	[tilespmem:s0+$0x3C10] =	vst v7;
	v7 =	vand.u32 $0x7FFFF, v61  }
0x68: {  	[tilespmem:s0+$0x3010] =	vst v7;
	v7 =	vand.u32 $0x7FFFF, v10  }
0x69: {  	[tilespmem:s0+$0x3810] =	vst v7  }
0x6a: {  	v4 =	vld.idx.msk [tilespmem:v63+s15+$0x0], $0xffff;
	_ =	sdelay $0x1  }
0x6b: {  	v5 =	vor.u32 v3, v5  }
0x6c: {  	s30 =	simm.s32 $0x8  }
0x6d: {  	v6 =	vmov s30  }
0x6e: {  	v6 =	vshrl.u32 v6, $0x3;
	s0 =	simm.s32 $0x4030;
	v4 =	vadd.s32 v2, v4  }
0x6f: {  	[tilespmem:s0+$0xFFFFFFE0] =	vst v4;
	v4 =	vshll.u32 v6, v1  }
0x70: {  	v5 =	vld.idx.msk [tilespmem:v5+s15+$0x0], $0xffff;
	v4 =	vbroadcast v4, $0x0;
	_ =	sdelay $0x1  }
0x71: {  	v4 =	vor.u32 v0, v4;
	_ =	sdelay $0x2  }
0x72: {  	s31 =	simm.s32 $0xC;
	v5 =	vadd.s32 v2, v5  }
0x73: {  	[tilespmem:s0+$0xFFFFFFF0] =	vst v5;
	v5 =	vmov s31  }
0x74: {  	v6 =	vld.idx.msk [tilespmem:v4+s15+$0x0], $0xffff;
	v4 =	vshrl.u32 v5, $0x3  }
0x75: {  	v4 =	vshll.u32 v4, v1  }
0x76: {  	v4 =	vbroadcast v4, $0x0;
	_ =	sdelay $0x1  }
0x77: {  	v4 =	vor.u32 v3, v4;
	_ =	sdelay $0x1  }
0x78: {  	s1 =	simm.s32 $0x10  }
0x79: {  	s5 =	simm.s32 $0x20;
	v5 =	vmov s1;
	v6 =	vadd.s32 v2, v6  }
.LBB2_4:
0x7a: {  	p0 =	sne.s32 s5, $0xFF0;
	v5 =	vshrl.u32 v5, $0x3;
	[tilespmem:s0+$0x0] =	vst v6  }
0x7b: {  	v5 =	vshll.u32 v5, v1;
	v4 =	vld.idx.msk [tilespmem:v4+s15+$0x0], $0xffff  }
0x7c: {  	v5 =	vbroadcast v5, $0x0;
	_ =	sdelay $0x1  }
0x7d: {  	v6 =	vor.u32 v0, v5;
	_ =	sdelay $0x2  }
0x7e: {  	v4 =	vadd.s32 v2, v4  }
0x7f: {  	[tilespmem:s0+$0x10] =	vst v4  }
0x80: {  	v4 =	vld.idx.msk [tilespmem:v6+s15+$0x0], $0xffff;
	_ =	sdelay $0x2  }
0x81: {  	v5 =	vor.u32 v3, v5;
	_ =	sdelay $0x1  }
0x82: {  	s7 =	sadd.s32 $0x8, s1  }
0x83: {  	s0 =	sadd.s32 $0x40, s0;
	v6 =	vmov s7;
	v4 =	vadd.s32 v2, v4  }
0x84: {  	[tilespmem:s0+$0xFFFFFFE0] =	vst v4;
	v4 =	vshrl.u32 v6, $0x3  }
0x85: {  	v5 =	vld.idx.msk [tilespmem:v5+s15+$0x0], $0xffff;
	v4 =	vshll.u32 v4, v1  }
0x86: {  	v4 =	vbroadcast v4, $0x0;
	_ =	sdelay $0x1  }
0x87: {  	v4 =	vor.u32 v0, v4;
	_ =	sdelay $0x1  }
0x88: {  	s7 =	sadd.s32 $0xC, s1;
	s1 =	smov.u32 s5  }
0x89: {  	v6 =	vmov s7;
	v5 =	vadd.s32 v2, v5  }
0x8a: {  	[tilespmem:s0+$0xFFFFFFF0] =	vst v5;
	v5 =	vshrl.u32 v6, $0x3  }
0x8b: {  	v6 =	vld.idx.msk [tilespmem:v4+s15+$0x0], $0xffff;
	v4 =	vshll.u32 v5, v1  }
0x8c: {  	v4 =	vbroadcast v4, $0x0  }
.Ltmp1:
0x8d: {  	(pc) =	sbr.rel @p0 .LBB2_4-.Ltmp1, $2  }
0x8e: {  	v4 =	vor.u32 v3, v4;
	_ =	sdelay $0x2  }
0x8f: {  	s5 =	sadd.s32 $0x10, s5;
	v5 =	vmov s1;
	v6 =	vadd.s32 v2, v6  }
0x90: {  	_ =	sdelay $0x1  }
0x91: {  	v5 =	vshrl.u32 v5, $0x3  }
0x92: {  	[tilespmem:s0+$0x0] =	vst v6;
	v5 =	vshll.u32 v5, v1  }
0x93: {  	v4 =	vld.idx.msk [tilespmem:v4+s15+$0x0], $0xffff;
	v5 =	vbroadcast v5, $0x0;
	_ =	sdelay $0x1  }
0x94: {  	v61 =	vor.u32 v0, v5;
	_ =	sdelay $0x2  }
0x95: {  	v4 =	vadd.s32 v2, v4  }
0x96: {  	[tilespmem:s0+$0x10] =	vst v4  }
0x97: {  	v4 =	vld.idx.msk [tilespmem:v61+s15+$0x0], $0xffff;
	_ =	sdelay $0x1  }
0x98: {  	v5 =	vor.u32 v3, v5  }
0x99: {  	s5 =	sadd.s32 $0x8, s1  }
0x9a: {  	v62 =	vmov s5  }
0x9b: {  	s23 =	sadd.s32 $0x40, s0;
	v6 =	vshrl.u32 v62, $0x3;
	v4 =	vadd.s32 v2, v4  }
0x9c: {  	[tilespmem:s23+$0xFFFFFFE0] =	vst v4;
	v4 =	vshll.u32 v6, v1  }
0x9d: {  	v5 =	vld.idx.msk [tilespmem:v5+s15+$0x0], $0xffff;
	v4 =	vbroadcast v4, $0x0;
	_ =	sdelay $0x1  }
0x9e: {  	v4 =	vor.u32 v0, v4  }
0x9f: {  	s26 =	sadd.s32 $0xC, s1  }
0xa0: {  	v63 =	vmov s26  }
0xa1: {  	v6 =	vshrl.u32 v63, $0x3;
	v5 =	vadd.s32 v2, v5  }
0xa2: {  	[tilespmem:s23+$0xFFFFFFF0] =	vst v5;
	v5 =	vshll.u32 v6, v1  }
0xa3: {  	v4 =	vld.idx.msk [tilespmem:v4+s15+$0x0], $0xffff;
	v5 =	vbroadcast v5, $0x0;
	_ =	sdelay $0x1  }
0xa4: {  	v5 =	vor.u32 v3, v5;
	_ =	sdelay $0x2  }
0xa5: {  	v4 =	vadd.s32 v2, v4  }
0xa6: {  	[tilespmem:s23+$0x0] =	vst v4  }
0xa7: {  	v4 =	vld.idx.msk [tilespmem:v5+s15+$0x0], $0xffff;
	_ =	sdelay $0x4  }
0xa8: {  	s28 =	simm.s32 $0x4010;
	s29 =	simm.s32 $0xE010;
	v4 =	vadd.s32 v2, v4  }
0xa9: {  	s30 =	simm.s32 $0x0;
	s31 =	simm.s32 $0x1;
	s0 =	simm.s32 $0x0;
	[tilespmem:s23+$0x10] =	vst v4  }
0xaa: {  	[tilespmem:s29], [sflag:$0x1] =	stream.indirect.gather [hbm4b:s6+s16], $0x1, s28, s16, $0xb8;
	[tilespmem:$0x17010] =	vst v63  }
.LBB2_6:
0xab: {  	s1 =	sshrl.u32 s0, $0x2  }
0xac: {  	v4 =	vmov s1  }
0xad: {  	s5 =	sshll.u32 s30, $0xA;
	v4 =	vand.u32 $0x1FFFFFFF, v4  }
0xae: {  	s5 =	sand.u32 $0xC00, s5;
	v4 =	vbroadcast v4, $0x0  }
0xaf: {  	s7 =	sor.u32 $0x200, s5  }
0xb0: {  	s8 =	sor.u32 $0x1200, s5;
	v5 =	vmov s7  }
0xb1: {  	s5 =	sor.u32 $0x2200, s5;
	v6 =	vmov s8  }
0xb2: {  	v7 =	vmov s5;
	_ =	sdelay $0x1  }
0xb3: {  	s9 =	simm.s32 $0x0;
	v8 =	vld.idx.msk [tilespmem:v4+s14+$0x0], $0xffff  }
0xb4: {  	v4 =	vld.idx.msk [tilespmem:v5+s9+$0x0 ss:$0x1], $0xffff  }
0xb5: {  	v9 =	vld.idx.msk [tilespmem:v6+s9+$0x0 ss:$0x1], $0xffff  }
0xb6: {  	v10 =	vld.idx.msk [tilespmem:v7+s9+$0x0 ss:$0x1], $0xffff;
	_ =	sdelay $0x2  }
0xb7: {  	v4 =	vmul.f32 v4, v8  }
0xb8: {  	v9 =	vmul.f32 v9, v8  }
0xb9: {  	v11 =	vadd.f32 $5.000000000e-01, v4;
	v4 =	vmul.f32 v10, v8  }
0xba: {  	v10 =	vadd.f32 $5.000000000e-01, v9  }
0xbb: {  	v12 =	vadd.f32 $5.000000000e-01, v4;
	v4 =	vtrunc.f32 v11  }
0xbc: {  	v13 =	vcvt.f32.s32 v4;
	v4 =	vtrunc.f32 v10  }
0xbd: {  	s26 =	sshll.u32 s1, $0x15;
	v9 =	vcvt.f32.s32 v4;
	v14 =	vtrunc.f32 v12  }
0xbe: {  	v4 =	vmov s26;
	v14 =	vcvt.f32.s32 v14;
	v15 =	vcvt.s32.f32 v13  }
0xbf: {  	v19 =	vadd.s32 $0x1, v13;
	v16 =	vcvt.s32.f32 v9;
	v17 =	vmul.u32 $0x9E3779B1, v9  }
0xc0: {  	v15 =	vsub.f32 v11, v15;
	v11 =	vcvt.s32.f32 v14;
	v9 =	vmul.u32 $0x30025795, v14  }
0xc1: {  	v20 =	vsub.f32 v10, v16;
	v22 =	vadd.s32 $0x9E3779B1, v17;
	v14 =	vxor.u32 v19, v17  }
0xc2: {  	v11 =	vsub.f32 v12, v11;
	v21 =	vsub.f32 $1.000000000e+00, v15;
	v23 =	vxor.u32 v9, v14  }
0xc3: {  	v16 =	vxor.u32 v19, v22;
	v18 =	vsub.f32 $1.000000000e+00, v20;
	v12 =	vmul.f32 v20, v15  }
0xc4: {  	v19 =	vxor.u32 v13, v17;
	v10 =	vsub.f32 $1.000000000e+00, v11;
	v26 =	vmul.f32 v20, v21  }
0xc5: {  	s28 =	sshll.u32 s31, $0xA;
	s29 =	sshll.u32 s0, $0xA;
	v13 =	vxor.u32 v13, v22;
	v21 =	vmul.f32 v18, v21;
	v27 =	vmul.f32 v11, v12  }
0xc6: {  	s10 =	simm.s32 $0x40;
	s13 =	sand.u32 $0xC00, s28;
	s8 =	sand.u32 $0xC00, s29;
	v17 =	vadd.s32 $0x30025795, v9;
	v22 =	vxor.u32 v9, v16;
	v24 =	vmul.f32 v10, v26  }
0xc7: {  	s5 =	sor.u32 $0x1000, s13;
	s7 =	sor.u32 $0x2000, s13;
	s12 =	sor.u32 $0x200, s8;
	v25 =	vand.u32 $0x7FFFF, v23;
	v23 =	vmul.f32 v11, v26;
	v20 =	vmul.f32 v10, v21;
	[tilespmem:s9+$0xDE10] =	vst v27  }
.LBB2_7:
0xc8: {  	p0 =	sne.s32 s10, $0x7C0;
	v26 =	vxor.u32 v9, v19;
	v25 =	vor.u32 v4, v25;
	[tilespmem:s9+$0xD410] =	vst v24;
	v21 =	vmul.f32 v21, v11;
	s11 =	smov.u32 s10;
	s10 =	sadd.s32 $0x40, s10  }
0xc9: {  	v15 =	vmul.f32 v18, v15;
	v18 =	vand.u32 $0x7FFFF, v22;
	v24 =	vand.u32 $0x7FFFF, v26;
	[tilespmem:s9+$0x3210] =	vst v25  }
0xca: {  	v19 =	vxor.u32 v19, v17;
	v14 =	vxor.u32 v14, v17;
	v18 =	vor.u32 v4, v18;
	[tilespmem:s9+$0xDC10] =	vst v23  }
0xcb: {  	v22 =	vor.u32 v4, v24;
	v23 =	vmul.f32 v10, v15;
	[tilespmem:s9+$0x3610] =	vst v18;
	v18 =	vand.u32 $0x7FFFF, v19  }
0xcc: {  	v16 =	vxor.u32 v17, v16;
	v14 =	vand.u32 $0x7FFFF, v14;
	v19 =	vxor.u32 v17, v13;
	[tilespmem:s9+$0x3010] =	vst v22  }
0xcd: {  	v16 =	vand.u32 $0x7FFFF, v16;
	v14 =	vor.u32 v4, v14;
	v17 =	vor.u32 v4, v18;
	[tilespmem:s9+$0xD010] =	vst v20  }
0xce: {  	v11 =	vmul.f32 v15, v11;
	v16 =	vor.u32 v4, v16;
	v15 =	vand.u32 $0x7FFFF, v19;
	[tilespmem:s9+$0xD810] =	vst v21  }
0xcf: {  	v9 =	vxor.u32 v9, v13;
	v10 =	vmul.f32 v10, v12;
	v12 =	vor.u32 v4, v15;
	[tilespmem:s9+$0x3810] =	vst v17  }
0xd0: {  	v9 =	vand.u32 $0x7FFFF, v9;
	[tilespmem:s9+$0x3E10] =	vst v16  }
0xd1: {  	v9 =	vor.u32 v4, v9;
	[tilespmem:s9+$0xDA10] =	vst v11  }
0xd2: {  	[tilespmem:s9+$0xD610] =	vst v10  }
0xd3: {  	[tilespmem:s9+$0x3A10] =	vst v14  }
0xd4: {  	[tilespmem:s9+$0x3410] =	vst v9  }
0xd5: {  	[tilespmem:s9+$0xD210] =	vst v23  }
0xd6: {  	[tilespmem:s9+$0x3C10] =	vst v12;
	s9 =	sshra.s32 s11, $0x2  }
0xd7: {  	v9 =	vld.idx.msk [tilespmem:v5+s9+$0x0 ss:$0x1], $0xffff  }
0xd8: {  	v10 =	vld.idx.msk [tilespmem:v6+s9+$0x0 ss:$0x1], $0xffff  }
0xd9: {  	v11 =	vld.idx.msk [tilespmem:v7+s9+$0x0 ss:$0x1], $0xffff;
	_ =	sdelay $0x3  }
0xda: {  	v9 =	vmul.f32 v9, v8  }
0xdb: {  	v10 =	vmul.f32 v10, v8  }
0xdc: {  	v9 =	vadd.f32 $5.000000000e-01, v9;
	v11 =	vmul.f32 v11, v8  }
0xdd: {  	v10 =	vadd.f32 $5.000000000e-01, v10  }
0xde: {  	v11 =	vadd.f32 $5.000000000e-01, v11;
	v12 =	vtrunc.f32 v9  }
0xdf: {  	v13 =	vcvt.f32.s32 v12;
	v12 =	vtrunc.f32 v10  }
0xe0: {  	v12 =	vcvt.f32.s32 v12;
	v14 =	vtrunc.f32 v11  }
0xe1: {  	v14 =	vcvt.f32.s32 v14;
	v15 =	vcvt.s32.f32 v13  }
0xe2: {  	v16 =	vcvt.s32.f32 v12;
	v17 =	vmul.u32 $0x9E3779B1, v12;
	v12 =	vadd.s32 $0x1, v13  }
0xe3: {  	v15 =	vsub.f32 v9, v15;
	v18 =	vcvt.s32.f32 v14;
	v9 =	vmul.u32 $0x30025795, v14  }
0xe4: {  	v20 =	vsub.f32 v10, v16;
	v22 =	vadd.s32 $0x9E3779B1, v17;
	v14 =	vxor.u32 v12, v17  }
0xe5: {  	v11 =	vsub.f32 v11, v18;
	v21 =	vsub.f32 $1.000000000e+00, v15;
	v23 =	vxor.u32 v9, v14  }
.Ltmp2:
0xe6: {  	v16 =	vxor.u32 v12, v22;
	v18 =	vsub.f32 $1.000000000e+00, v20;
	v12 =	vmul.f32 v20, v15;
	(pc) =	sbr.rel @p0 .LBB2_7-.Ltmp2, $4  }
0xe7: {  	v19 =	vxor.u32 v13, v17;
	v10 =	vsub.f32 $1.000000000e+00, v11;
	v26 =	vmul.f32 v20, v21  }
0xe8: {  	v13 =	vxor.u32 v13, v22;
	v21 =	vmul.f32 v18, v21;
	v27 =	vmul.f32 v11, v12  }
0xe9: {  	v17 =	vadd.s32 $0x30025795, v9;
	v22 =	vxor.u32 v9, v16;
	v24 =	vmul.f32 v10, v26  }
0xea: {  	v25 =	vand.u32 $0x7FFFF, v23;
	v23 =	vmul.f32 v11, v26;
	v20 =	vmul.f32 v10, v21;
	[tilespmem:s9+$0xDE10] =	vst v27  }
0xeb: {  	v5 =	vor.u32 v4, v25;
	[tilespmem:s9+$0xD410] =	vst v24  }
0xec: {  	[tilespmem:s9+$0x3210] =	vst v5  }
0xed: {  	v5 =	vand.u32 $0x7FFFF, v22;
	[tilespmem:s9+$0xDC10] =	vst v23  }
0xee: {  	v12 =	vmul.f32 v10, v12;
	[tilespmem:s9+$0xD010] =	vst v20;
	v5 =	vor.u32 v4, v5  }
0xef: {  	v6 =	vxor.u32 v9, v19;
	v7 =	vmul.f32 v18, v15;
	s10 =	simm.s32 $0x0;
	[tilespmem:s9+$0x3610] =	vst v5;
	v5 =	vmul.f32 v21, v11  }
0xf0: {  	v8 =	vxor.u32 v19, v17;
	v6 =	vand.u32 $0x7FFFF, v6;
	v59 =	vmov s10;
	[tilespmem:s9+$0xD610] =	vst v12  }
0xf1: {  	v6 =	vor.u32 v4, v6;
	v60 =	vmul.f32 v7, v11;
	[tilespmem:s9+$0xD810] =	vst v5;
	v5 =	vshrl.u32 v59, $0x3  }
0xf2: {  	v58 =	vxor.u32 v17, v16;
	[tilespmem:s9+$0x3010] =	vst v6;
	v6 =	vand.u32 $0x7FFFF, v8;
	v5 =	vshll.u32 v5, v1  }
0xf3: {  	v7 =	vmul.f32 v10, v7;
	v6 =	vor.u32 v4, v6;
	[tilespmem:s9+$0xDA10] =	vst v60;
	v5 =	vbroadcast v5, $0x0  }
0xf4: {  	v61 =	vxor.u32 v9, v13;
	v8 =	vand.u32 $0x7FFFF, v58;
	[tilespmem:s9+$0x3810] =	vst v6;
	v6 =	vxor.u32 v14, v17  }
0xf5: {  	v8 =	vor.u32 v4, v8;
	[tilespmem:s9+$0xD210] =	vst v7;
	v6 =	vand.u32 $0x7FFFF, v6;
	v62 =	vor.u32 v0, v5  }
0xf6: {  	v63 =	vxor.u32 v17, v13;
	[tilespmem:s9+$0x3E10] =	vst v8;
	v8 =	vand.u32 $0x7FFFF, v61;
	v6 =	vor.u32 v4, v6  }
0xf7: {  	v8 =	vor.u32 v4, v8;
	[tilespmem:s9+$0x3A10] =	vst v6;
	v6 =	vand.u32 $0x7FFFF, v63  }
0xf8: {  	[tilespmem:s9+$0x3410] =	vst v8;
	v4 =	vor.u32 v4, v6  }
0xf9: {  	[tilespmem:s9+$0x3C10] =	vst v4  }
0xfa: {  	v4 =	vld.idx.msk [tilespmem:v62+s15+$0x0], $0xffff;
	_ =	sdelay $0x1  }
0xfb: {  	v5 =	vor.u32 v3, v5  }
0xfc: {  	s28 =	simm.s32 $0x8  }
0xfd: {  	v6 =	vmov s28  }
0xfe: {  	s11 =	simm.s32 $0x0;
	v6 =	vshrl.u32 v6, $0x3;
	v4 =	vadd.s32 v2, v4  }
0xff: {  	[tilespmem:s11+$0x8010] =	vst v4;
	v4 =	vshll.u32 v6, v1  }
0x100: {  	v5 =	vld.idx.msk [tilespmem:v5+s15+$0x0], $0xffff;
	v4 =	vbroadcast v4, $0x0;
	_ =	sdelay $0x1  }
0x101: {  	v4 =	vor.u32 v0, v4  }
0x102: {  	s29 =	simm.s32 $0xC  }
0x103: {  	v6 =	vmov s29  }
0x104: {  	v6 =	vshrl.u32 v6, $0x3;
	v5 =	vadd.s32 v2, v5  }
0x105: {  	v6 =	vshll.u32 v6, v1;
	[tilespmem:s11+$0x8020] =	vst v5  }
0x106: {  	v6 =	vbroadcast v6, $0x0;
	v5 =	vld.idx.msk [tilespmem:v4+s15+$0x0], $0xffff;
	_ =	sdelay $0x1  }
0x107: {  	v4 =	vor.u32 v3, v6  }
0x108: {  	s18 =	simm.s32 $0x10  }
0x109: {  	s17 =	simm.s32 $0x200;
	s10 =	simm.s32 $0x100;
	s9 =	simm.s32 $0x1C  }
.LBB2_9:
0x10a: {  	p0 =	sne.s32 s17, $0xFF00;
	v6 =	vmov s18;
	v5 =	vadd.s32 v2, v5  }
0x10b: {  	v6 =	vshrl.u32 v6, $0x3;
	[tilespmem:s11+$0x8030] =	vst v5  }
0x10c: {  	v5 =	vshll.u32 v6, v1;
	v4 =	vld.idx.msk [tilespmem:v4+s15+$0x0], $0xffff  }
0x10d: {  	v5 =	vbroadcast v5, $0x0;
	_ =	sdelay $0x1  }
0x10e: {  	v6 =	vor.u32 v0, v5;
	_ =	sdelay $0x2  }
0x10f: {  	v4 =	vadd.s32 v2, v4  }
0x110: {  	[tilespmem:s11+$0x8040] =	vst v4  }
0x111: {  	v4 =	vld.idx.msk [tilespmem:v6+s15+$0x0], $0xffff;
	_ =	sdelay $0x2  }
0x112: {  	v5 =	vor.u32 v3, v5;
	_ =	sdelay $0x1  }
0x113: {  	s18 =	sadd.s32 $0xFFFFFFFC, s9  }
0x114: {  	s11 =	sshra.s32 s10, $0x2;
	s10 =	smov.u32 s17;
	v6 =	vmov s18;
	v4 =	vadd.s32 v2, v4  }
0x115: {  	[tilespmem:s11+$0x8010] =	vst v4;
	v4 =	vshrl.u32 v6, $0x3  }
0x116: {  	v5 =	vld.idx.msk [tilespmem:v5+s15+$0x0], $0xffff;
	v4 =	vshll.u32 v4, v1  }
0x117: {  	v4 =	vbroadcast v4, $0x0;
	_ =	sdelay $0x1  }
0x118: {  	v4 =	vor.u32 v0, v4;
	_ =	sdelay $0x2  }
0x119: {  	v6 =	vmov s9;
	v5 =	vadd.s32 v2, v5  }
0x11a: {  	v6 =	vshrl.u32 v6, $0x3;
	[tilespmem:s11+$0x8020] =	vst v5  }
0x11b: {  	v5 =	vld.idx.msk [tilespmem:v4+s15+$0x0], $0xffff;
	v4 =	vshll.u32 v6, v1  }
.Ltmp3:
0x11c: {  	v4 =	vbroadcast v4, $0x0;
	(pc) =	sbr.rel @p0 .LBB2_9-.Ltmp3, $4  }
0x11d: {  	_ = 	snop  }
0x11e: {  	v4 =	vor.u32 v3, v4  }
0x11f: {  	s9 =	sadd.s32 $0x10, s9  }
0x120: {  	s17 =	sadd.s32 $0x100, s17;
	s18 =	sadd.s32 $0xFFFFFFF4, s9  }
0x121: {  	_ = 	snop  }
0x122: {  	v6 =	vmov s18  }
0x123: {  	v5 =	vadd.s32 v2, v5;
	v6 =	vshrl.u32 v6, $0x3  }
0x124: {  	[tilespmem:s11+$0x8030] =	vst v5;
	v5 =	vshll.u32 v6, v1  }
0x125: {  	v4 =	vld.idx.msk [tilespmem:v4+s15+$0x0], $0xffff;
	v5 =	vbroadcast v5, $0x0;
	_ =	sdelay $0x1  }
0x126: {  	v6 =	vor.u32 v0, v5;
	_ =	sdelay $0x2  }
0x127: {  	v4 =	vadd.s32 v2, v4  }
0x128: {  	[tilespmem:s11+$0x8040] =	vst v4  }
0x129: {  	v4 =	vld.idx.msk [tilespmem:v6+s15+$0x0], $0xffff;
	_ =	sdelay $0x1  }
0x12a: {  	v5 =	vor.u32 v3, v5  }
0x12b: {  	s23 =	sadd.s32 $0xFFFFFFFC, s9  }
0x12c: {  	v6 =	vmov s23  }
0x12d: {  	s10 =	sshra.s32 s10, $0x2;
	v6 =	vshrl.u32 v6, $0x3;
	v4 =	vadd.s32 v2, v4  }
0x12e: {  	[tilespmem:s10+$0x8010] =	vst v4;
	v4 =	vshll.u32 v6, v1  }
0x12f: {  	v5 =	vld.idx.msk [tilespmem:v5+s15+$0x0], $0xffff;
	v4 =	vbroadcast v4, $0x0;
	_ =	sdelay $0x1  }
0x130: {  	v4 =	vor.u32 v0, v4;
	_ =	sdelay $0x1  }
0x131: {  	v6 =	vmov s9  }
0x132: {  	v6 =	vshrl.u32 v6, $0x3;
	v5 =	vadd.s32 v2, v5  }
0x133: {  	[tilespmem:s10+$0x8020] =	vst v5;
	v5 =	vshll.u32 v6, v1  }
0x134: {  	v4 =	vld.idx.msk [tilespmem:v4+s15+$0x0], $0xffff;
	v5 =	vbroadcast v5, $0x0;
	_ =	sdelay $0x1  }
0x135: {  	v5 =	vor.u32 v3, v5;
	_ =	sdelay $0x2  }
0x136: {  	v4 =	vadd.s32 v2, v4  }
0x137: {  	[tilespmem:s10+$0x8030] =	vst v4  }
0x138: {  	v4 =	vld.idx.msk [tilespmem:v5+s15+$0x0], $0xffff;
	_ =	sdelay $0x4  }
0x139: {  	s26 =	simm.s32 $0x0;
	v4 =	vadd.s32 v2, v4  }
0x13a: {  	s17 =	simm.s32 $0x12010;
	[tilespmem:s10+$0x8040] =	vst v4;
	v4 =	vmov s26  }
0x13b: {  	s18 =	simm.s32 $0x200;
	s19 =	simm.s32 $0x400;
	s11 =	simm.s32 $0x8010;
	v4 =	vshrl.u32 v4, $0x3  }
0x13c: {  	v5 =	vmov s18;
	[tilespmem:s17], [sflag:$0x2] =	stream.indirect.gather [hbm4b:s6+s16], $0x1, s11, s16, $0xb8;
	v4 =	vshll.u32 v4, v1;
	[tilespmem:$0x17010] =	vst v63  }
0x13d: {  	v6 =	vmov s19;
	v5 =	vshrl.u32 v5, $0x3;
	_ =	swait.ge [sflag:s21], $0x4000;
	v4 =	vbroadcast v4, $0x0  }
0x13e: {  	p0 =	seq.s32 s0, $0x0;
	v6 =	vshrl.u32 v6, $0x3;
	v5 =	vshll.u32 v5, v1;
	[sflag:s21] =	ssyncset.done $0x0  }
0x13f: {  	s20 =	simm.s32 $0x600;
	s9 =	simm.s32 @!p0 $0x3;
	v6 =	vshll.u32 v6, v1;
	v5 =	vbroadcast v5, $0x0;
	[sflag:s21] =	ssyncadd.s32 $0xFFFFC000;
	v4 =	vor.u32 v0, v4  }
0x140: {  	v7 =	vmov s20;
	s23 =	simm.s32 $0x800;
	v6 =	vbroadcast v6, $0x0;
	_ =	swait.ge @!p0 [sflag:s9], $0x800  }
0x141: {  	v7 =	vshrl.u32 v7, $0x3;
	v8 =	vmov s23;
	v5 =	vor.u32 v0, v5;
	[sflag:s9] =	ssyncset.done @!p0 $0x0  }
0x142: {  	v7 =	vshll.u32 v7, v1;
	v8 =	vshrl.u32 v8, $0x3;
	v6 =	vor.u32 v0, v6;
	s26 =	simm.s32 $0xA00;
	s11 =	simm.s32 $0x10010;
	[sflag:s9] =	ssyncadd.s32 @!p0 $0xFFFFF800  }
0x143: {  	v7 =	vbroadcast v7, $0x0;
	v8 =	vshll.u32 v8, v1;
	v9 =	vmov s26;
	v10 =	vld [tilespmem:s11+$0xFFFFE000]  }
0x144: {  	v8 =	vbroadcast v8, $0x0;
	s10 =	simm.s32 $0xC00;
	v9 =	vshrl.u32 v9, $0x3;
	v4 =	vld.idx.msk [tilespmem:v4+s22+$0x0], $0xffff  }
0x145: {  	v7 =	vor.u32 v0, v7;
	v11 =	vmov s10;
	v9 =	vshll.u32 v9, v1;
	v12 =	vld [tilespmem:s11+$0xFFFFE800]  }
0x146: {  	v8 =	vor.u32 v0, v8;
	s17 =	simm.s32 $0xE00;
	v11 =	vshrl.u32 v11, $0x3;
	v9 =	vbroadcast v9, $0x0;
	v5 =	vld.idx.msk [tilespmem:v5+s22+$0x0], $0xffff  }
0x147: {  	v13 =	vmov s17;
	v11 =	vshll.u32 v11, v1;
	v6 =	vld.idx.msk [tilespmem:v6+s22+$0x0], $0xffff  }
0x148: {  	v13 =	vshrl.u32 v13, $0x3;
	v11 =	vbroadcast v11, $0x0;
	v9 =	vor.u32 v0, v9;
	v14 =	vld [tilespmem:s11+$0xFFFFF000]  }
0x149: {  	v13 =	vshll.u32 v13, v1;
	v15 =	vld [tilespmem:s11+$0xFFFFF800];
	v4 =	vmul.f32 v4, v10  }
0x14a: {  	v11 =	vor.u32 v0, v11;
	v7 =	vld.idx.msk [tilespmem:v7+s22+$0x0], $0xffff;
	v10 =	vbroadcast v13, $0x0  }
0x14b: {  	v8 =	vld.idx.msk [tilespmem:v8+s22+$0x0], $0xffff;
	v5 =	vmul.f32 v5, v12;
	v4 =	vadd.f32 $0.0e+00, v4  }
0x14c: {  	v12 =	vld [tilespmem:s11+$0x0];
	v10 =	vor.u32 v0, v10  }
0x14d: {  	v6 =	vmul.f32 v6, v14;
	v4 =	vadd.f32 v5, v4;
	v5 =	vld.idx.msk [tilespmem:v9+s22+$0x0], $0xffff  }
0x14e: {  	v9 =	vld [tilespmem:s11+$0x800]  }
0x14f: {  	v7 =	vmul.f32 v7, v15;
	v4 =	vadd.f32 v6, v4;
	v6 =	vld.idx.msk [tilespmem:v11+s22+$0x0], $0xffff  }
0x150: {  	v11 =	vld [tilespmem:s11+$0x1000]  }
0x151: {  	v8 =	vmul.f32 v8, v12;
	v4 =	vadd.f32 v7, v4;
	v7 =	vld.idx.msk [tilespmem:v10+s22+$0x0], $0xffff  }
0x152: {  	s18 =	simm.s32 $0x4;
	v10 =	vld [tilespmem:s11+$0x1800]  }
0x153: {  	v12 =	vmov s18;
	v5 =	vmul.f32 v5, v9;
	v4 =	vadd.f32 v8, v4  }
0x154: {  	v8 =	vshrl.u32 v12, $0x3  }
0x155: {  	s20 =	simm.s32 $0x404;
	s19 =	simm.s32 $0x204;
	v8 =	vshll.u32 v8, v1;
	v4 =	vadd.f32 v5, v4;
	v5 =	vmul.f32 v6, v11  }
0x156: {  	v9 =	vmov s19;
	v12 =	vmov s20;
	v8 =	vbroadcast v8, $0x0  }
0x157: {  	v9 =	vshrl.u32 v9, $0x3;
	v4 =	vadd.f32 v5, v4;
	v5 =	vmul.f32 v7, v10  }
0x158: {  	v6 =	vshrl.u32 v12, $0x3;
	v7 =	vor.u32 v3, v8;
	v8 =	vshll.u32 v9, v1  }
0x159: {  	s23 =	simm.s32 $0x604;
	s10 =	simm.s32 $0xA04;
	v6 =	vshll.u32 v6, v1;
	v4 =	vadd.f32 v5, v4;
	v5 =	vbroadcast v8, $0x0  }
0x15a: {  	s29 =	simm.s32 $0x16030;
	s26 =	simm.s32 $0x804;
	v6 =	vbroadcast v6, $0x0;
	v9 =	vmov s23;
	v10 =	vmov s10  }
0x15b: {  	v8 =	vshrl.u32 v9, $0x3;
	v9 =	vmov s26;
	[tilespmem:s29+$0xFFFFFFE0] =	vst v4;
	v4 =	vor.u32 v3, v5  }
0x15c: {  	v10 =	vshrl.u32 v10, $0x3;
	v5 =	vshll.u32 v8, v1;
	v8 =	vshrl.u32 v9, $0x3;
	v9 =	vld [tilespmem:s11+$0xFFFFE010]  }
0x15d: {  	s17 =	simm.s32 $0xC04;
	v6 =	vor.u32 v3, v6;
	v10 =	vshll.u32 v10, v1;
	v5 =	vbroadcast v5, $0x0;
	v7 =	vld.idx.msk [tilespmem:v7+s22+$0x0], $0xffff  }
0x15e: {  	v11 =	vmov s17;
	v10 =	vbroadcast v10, $0x0;
	v8 =	vshll.u32 v8, v1;
	v12 =	vld [tilespmem:s11+$0xFFFFE810]  }
0x15f: {  	s18 =	simm.s32 $0xE04;
	v11 =	vshrl.u32 v11, $0x3;
	v14 =	vld [tilespmem:s11+$0xFFFFF010];
	v8 =	vbroadcast v8, $0x0;
	v5 =	vor.u32 v3, v5  }
0x160: {  	v13 =	vmov s18;
	v11 =	vshll.u32 v11, v1;
	v10 =	vor.u32 v3, v10;
	v4 =	vld.idx.msk [tilespmem:v4+s22+$0x0], $0xffff  }
0x161: {  	v13 =	vshrl.u32 v13, $0x3;
	v11 =	vbroadcast v11, $0x0;
	v15 =	vld [tilespmem:s11+$0xFFFFF810];
	v8 =	vor.u32 v3, v8  }
0x162: {  	v13 =	vshll.u32 v13, v1;
	v6 =	vld.idx.msk [tilespmem:v6+s22+$0x0], $0xffff  }
0x163: {  	v7 =	vmul.f32 v7, v9;
	v9 =	vor.u32 v3, v11;
	v11 =	vbroadcast v13, $0x0;
	v13 =	vld [tilespmem:s11+$0x10]  }
0x164: {  	v5 =	vld.idx.msk [tilespmem:v5+s22+$0x0], $0xffff  }
0x165: {  	v10 =	vld.idx.msk [tilespmem:v10+s22+$0x0], $0xffff;
	v11 =	vor.u32 v3, v11;
	v7 =	vadd.f32 $0.0e+00, v7;
	v4 =	vmul.f32 v4, v12  }
0x166: {  	v8 =	vld.idx.msk [tilespmem:v8+s22+$0x0], $0xffff  }
0x167: {  	v6 =	vmul.f32 v6, v14;
	v12 =	vld [tilespmem:s11+$0x810];
	v4 =	vadd.f32 v4, v7  }
0x168: {  	v7 =	vld.idx.msk [tilespmem:v9+s22+$0x0], $0xffff  }
0x169: {  	v9 =	vld [tilespmem:s11+$0x1010];
	v5 =	vmul.f32 v5, v15;
	v4 =	vadd.f32 v6, v4  }
0x16a: {  	v6 =	vld.idx.msk [tilespmem:v11+s22+$0x0], $0xffff  }
0x16b: {  	s19 =	simm.s32 $0x8;
	v8 =	vmul.f32 v8, v13;
	v11 =	vld [tilespmem:s11+$0x1810];
	v4 =	vadd.f32 v5, v4  }
0x16c: {  	v5 =	vmov s19  }
0x16d: {  	v10 =	vmul.f32 v10, v12;
	v5 =	vshrl.u32 v5, $0x3;
	v4 =	vadd.f32 v8, v4  }
0x16e: {  	v5 =	vshll.u32 v5, v1  }
0x16f: {  	s20 =	simm.s32 $0x208;
	s23 =	simm.s32 $0x408;
	v7 =	vmul.f32 v7, v9;
	v5 =	vbroadcast v5, $0x0;
	v4 =	vadd.f32 v10, v4  }
0x170: {  	v9 =	vmov s23;
	v8 =	vmov s20;
	v6 =	vmul.f32 v6, v11  }
0x171: {  	s18 =	simm.s32 $0xC08;
	v8 =	vshrl.u32 v8, $0x3;
	v5 =	vor.u32 v0, v5;
	v4 =	vadd.f32 v7, v4  }
0x172: {  	s26 =	simm.s32 $0x608;
	v12 =	vmov s18;
	v7 =	vshll.u32 v8, v1;
	v8 =	vshrl.u32 v9, $0x3  }
0x173: {  	v9 =	vmov s26;
	v7 =	vbroadcast v7, $0x0;
	v4 =	vadd.f32 v6, v4  }
0x174: {  	v12 =	vshrl.u32 v12, $0x3;
	v6 =	vshll.u32 v8, v1;
	v8 =	vshrl.u32 v9, $0x3  }
0x175: {  	s10 =	simm.s32 $0x808;
	v7 =	vor.u32 v0, v7;
	v6 =	vbroadcast v6, $0x0;
	v8 =	vshll.u32 v8, v1;
	[tilespmem:s29+$0xFFFFFFF0] =	vst v4  }
0x176: {  	s17 =	simm.s32 $0xA08;
	v12 =	vshll.u32 v12, v1;
	v4 =	vbroadcast v8, $0x0;
	v8 =	vmov s10;
	v5 =	vld.idx.msk [tilespmem:v5+s22+$0x0], $0xffff  }
0x177: {  	v9 =	vmov s17;
	v6 =	vor.u32 v0, v6;
	v8 =	vshrl.u32 v8, $0x3;
	v10 =	vld [tilespmem:s11+$0xFFFFE020]  }
0x178: {  	v12 =	vbroadcast v12, $0x0;
	v9 =	vshrl.u32 v9, $0x3;
	v11 =	vld [tilespmem:s11+$0xFFFFE820];
	v8 =	vshll.u32 v8, v1  }
0x179: {  	s19 =	simm.s32 $0xE08;
	v9 =	vshll.u32 v9, v1;
	v13 =	vld [tilespmem:s11+$0xFFFFF020];
	v4 =	vor.u32 v0, v4;
	v8 =	vbroadcast v8, $0x0  }
0x17a: {  	v14 =	vmov s19;
	v12 =	vor.u32 v0, v12;
	v9 =	vbroadcast v9, $0x0;
	v7 =	vld.idx.msk [tilespmem:v7+s22+$0x0], $0xffff  }
0x17b: {  	v14 =	vshrl.u32 v14, $0x3;
	v15 =	vld [tilespmem:s11+$0x20];
	v8 =	vor.u32 v0, v8  }
0x17c: {  	v14 =	vshll.u32 v14, v1;
	v9 =	vor.u32 v0, v9;
	v6 =	vld.idx.msk [tilespmem:v6+s22+$0x0], $0xffff  }
0x17d: {  	v14 =	vbroadcast v14, $0x0;
	v5 =	vmul.f32 v5, v10;
	v10 =	vld [tilespmem:s11+$0xFFFFF820]  }
0x17e: {  	v4 =	vld.idx.msk [tilespmem:v4+s22+$0x0], $0xffff  }
0x17f: {  	v12 =	vld.idx.msk [tilespmem:v12+s22+$0x0], $0xffff;
	v5 =	vadd.f32 $0.0e+00, v5;
	v7 =	vmul.f32 v7, v11;
	v11 =	vor.u32 v0, v14  }
0x180: {  	v8 =	vld.idx.msk [tilespmem:v8+s22+$0x0], $0xffff  }
0x181: {  	v9 =	vld.idx.msk [tilespmem:v9+s22+$0x0], $0xffff;
	v5 =	vadd.f32 v7, v5;
	v6 =	vmul.f32 v6, v13  }
0x182: {  	v7 =	vld [tilespmem:s11+$0x820]  }
0x183: {  	v4 =	vmul.f32 v4, v10;
	v5 =	vadd.f32 v6, v5;
	v6 =	vld [tilespmem:s11+$0x1020]  }
0x184: {  	v10 =	vld.idx.msk [tilespmem:v11+s22+$0x0], $0xffff  }
0x185: {  	s20 =	simm.s32 $0xC;
	v4 =	vadd.f32 v4, v5;
	v5 =	vmul.f32 v8, v15;
	v8 =	vld [tilespmem:s11+$0x1820]  }
0x186: {  	v11 =	vmov s20  }
0x187: {  	s23 =	simm.s32 $0x20C;
	v7 =	vmul.f32 v9, v7;
	v4 =	vadd.f32 v5, v4;
	v5 =	vshrl.u32 v11, $0x3  }
0x188: {  	v9 =	vmov s23;
	v6 =	vmul.f32 v12, v6;
	v5 =	vshll.u32 v5, v1  }
0x189: {  	s26 =	simm.s32 $0x40C;
	v4 =	vadd.f32 v7, v4;
	v5 =	vbroadcast v5, $0x0;
	v7 =	vshrl.u32 v9, $0x3  }
0x18a: {  	v9 =	vmov s26;
	v8 =	vmul.f32 v10, v8;
	v7 =	vshll.u32 v7, v1  }
0x18b: {  	v4 =	vadd.f32 v6, v4;
	v5 =	vor.u32 v3, v5;
	v6 =	vbroadcast v7, $0x0  }
0x18c: {  	v7 =	vshrl.u32 v9, $0x3  }
0x18d: {  	s10 =	simm.s32 $0x60C;
	v7 =	vshll.u32 v7, v1;
	v4 =	vadd.f32 v8, v4;
	v6 =	vor.u32 v3, v6  }
0x18e: {  	s17 =	simm.s32 $0x80C;
	v9 =	vmov s10;
	v8 =	vbroadcast v7, $0x0  }
0x18f: {  	v7 =	vshrl.u32 v9, $0x3;
	v9 =	vmov s17;
	[tilespmem:s29+$0x0] =	vst v4  }
0x190: {  	s18 =	simm.s32 $0xA0C;
	v9 =	vshrl.u32 v9, $0x3;
	v4 =	vshll.u32 v7, v1;
	v8 =	vor.u32 v3, v8;
	v7 =	vld.idx.msk [tilespmem:v5+s22+$0x0], $0xffff  }
0x191: {  	s19 =	simm.s32 $0xC0C;
	v12 =	vmov s18;
	v5 =	vbroadcast v4, $0x0;
	v4 =	vshll.u32 v9, v1;
	v10 =	vld [tilespmem:s11+$0xFFFFE030]  }
0x192: {  	s8 =	sor.u32 s4, s8;
	s28 =	simm.s32 $0xE1C;
	v12 =	vshrl.u32 v12, $0x3;
	v11 =	vbroadcast v4, $0x0;
	v4 =	vld.idx.msk [tilespmem:v6+s22+$0x0], $0xffff;
	v6 =	vmov s19  }
0x193: {  	s23 =	sshll.u32 s8, $0x2;
	s26 =	simm.s32 $0xE0C;
	v12 =	vshll.u32 v12, v1;
	s17 =	sshll.u32 s0, $0x11;
	v9 =	vor.u32 v3, v5;
	v5 =	vld [tilespmem:s11+$0xFFFFE830];
	v13 =	vshrl.u32 v6, $0x3  }
0x194: {  	s8 =	sshll.u32 s0, $0x1;
	v15 =	vmov s26;
	s26 =	simm.s32 $0x10050;
	s20 =	sand.u32 $0x380000, s17;
	v11 =	vor.u32 v3, v11;
	v6 =	vld [tilespmem:s11+$0xFFFFF030];
	v14 =	vshll.u32 v13, v1  }
0x195: {  	s10 =	simm.s32 $0x16070;
	s17 =	simm.s32 $0xE2C;
	s9 =	sor.u32 s20, s23;
	v13 =	vbroadcast v12, $0x0;
	v8 =	vld.idx.msk [tilespmem:v8+s22+$0x0], $0xffff;
	v12 =	vbroadcast v14, $0x0;
	v14 =	vshrl.u32 v15, $0x3  }
.LBB2_11:
0x196: {  	s20 =	sadd.s32 $0xFFFFF1F4, s28  }
0x197: {  	s23 =	sadd.s32 $0xFFFFF5F4, s28;
	v7 =	vmul.f32 v7, v10;
	v10 =	vld [tilespmem:s11+$0xFFFFF830];
	v13 =	vor.u32 v3, v13;
	v14 =	vshll.u32 v14, v1;
	s18 =	smov.u32 s17;
	s19 =	sadd.s32 $0x10, s17  }
0x198: {  	p1 =	sne.s32 s17, $0xFFC;
	v15 =	vmov s20;
	v16 =	vmov s23;
	v9 =	vld.idx.msk [tilespmem:v9+s22+$0x0], $0xffff;
	v14 =	vbroadcast v14, $0x0  }
0x199: {  	s17 =	sadd.s32 $0xFFFFF3F4, s28;
	s20 =	sadd.s32 $0xFFFFF9F4, s28;
	v12 =	vor.u32 v3, v12;
	v15 =	vshrl.u32 v15, $0x3;
	v16 =	vshrl.u32 v16, $0x3;
	v11 =	vld.idx.msk [tilespmem:v11+s22+$0x0], $0xffff  }
0x19a: {  	v17 =	vmov s17;
	v15 =	vshll.u32 v15, v1;
	v18 =	vld [tilespmem:s11+$0x30];
	v14 =	vor.u32 v3, v14  }
0x19b: {  	v17 =	vshrl.u32 v17, $0x3;
	v7 =	vadd.f32 $0.0e+00, v7;
	v15 =	vbroadcast v15, $0x0;
	v19 =	vld [tilespmem:s11+$0x830]  }
0x19c: {  	v4 =	vmul.f32 v4, v5;
	v17 =	vshll.u32 v17, v1;
	v16 =	vshll.u32 v16, v1;
	v5 =	vld.idx.msk [tilespmem:v13+s22+$0x0], $0xffff  }
0x19d: {  	s17 =	sadd.s32 $0xFFFFFFF4, s28;
	v6 =	vmul.f32 v8, v6;
	v13 =	vor.u32 v0, v15;
	v15 =	vbroadcast v17, $0x0;
	v8 =	vld [tilespmem:s11+$0x1030]  }
0x19e: {  	v16 =	vbroadcast v16, $0x0;
	v4 =	vadd.f32 v4, v7;
	v17 =	vmov s20;
	v7 =	vld.idx.msk [tilespmem:v12+s22+$0x0], $0xffff  }
0x19f: {  	v9 =	vmul.f32 v9, v10;
	v12 =	vor.u32 v0, v15;
	v15 =	vmov s17;
	v10 =	vld.idx.msk [tilespmem:v14+s22+$0x0], $0xffff  }
0x1a0: {  	v4 =	vadd.f32 v6, v4;
	v14 =	vor.u32 v0, v16;
	v16 =	vshrl.u32 v17, $0x3;
	v6 =	vld [tilespmem:s11+$0x1830];
	s11 =	smov.u32 s26  }
0x1a1: {  	s17 =	sadd.s32 $0xFFFFFDF4, s28;
	v11 =	vmul.f32 v11, v18;
	v16 =	vshll.u32 v16, v1;
	v15 =	vshrl.u32 v15, $0x3  }
0x1a2: {  	s20 =	sadd.s32 $0xFFFFFBF4, s28;
	v4 =	vadd.f32 v9, v4;
	v16 =	vbroadcast v16, $0x0;
	v15 =	vshll.u32 v15, v1  }
0x1a3: {  	v9 =	vmov s17;
	v5 =	vmul.f32 v5, v19;
	v15 =	vbroadcast v15, $0x0  }
0x1a4: {  	v17 =	vmov s20;
	v9 =	vshrl.u32 v9, $0x3;
	v4 =	vadd.f32 v11, v4  }
0x1a5: {  	v11 =	vshrl.u32 v17, $0x3;
	v9 =	vshll.u32 v9, v1;
	v7 =	vmul.f32 v7, v8  }
0x1a6: {  	v8 =	vshll.u32 v11, v1;
	v9 =	vbroadcast v9, $0x0;
	v4 =	vadd.f32 v5, v4  }
0x1a7: {  	v5 =	vbroadcast v8, $0x0;
	v6 =	vmul.f32 v10, v6  }
0x1a8: {  	s17 =	sadd.s32 $0xFFFFF7F4, s28;
	v8 =	vor.u32 v0, v9;
	v4 =	vadd.f32 v7, v4  }
0x1a9: {  	v7 =	vmov s17;
	v5 =	vor.u32 v0, v5  }
0x1aa: {  	v7 =	vshrl.u32 v7, $0x3;
	v4 =	vadd.f32 v6, v4  }
0x1ab: {  	v6 =	vshll.u32 v7, v1  }
0x1ac: {  	v6 =	vbroadcast v6, $0x0;
	[tilespmem:s29+$0x10] =	vst v4;
	s29 =	smov.u32 s10  }
0x1ad: {  	v4 =	vld [tilespmem:s26+$0xFFFFF800]  }
0x1ae: {  	v6 =	vor.u32 v0, v6;
	v7 =	vld [tilespmem:s26+$0xFFFFE800]  }
0x1af: {  	v9 =	vld [tilespmem:s26+$0xFFFFE000]  }
0x1b0: {  	v10 =	vld.idx.msk [tilespmem:v13+s22+$0x0], $0xffff  }
0x1b1: {  	v11 =	vld.idx.msk [tilespmem:v12+s22+$0x0], $0xffff  }
0x1b2: {  	v13 =	vor.u32 v0, v16;
	v12 =	vld.idx.msk [tilespmem:v14+s22+$0x0], $0xffff  }
0x1b3: {  	v6 =	vld.idx.msk [tilespmem:v6+s22+$0x0], $0xffff  }
0x1b4: {  	v14 =	vld [tilespmem:s26+$0xFFFFF000];
	_ =	sdelay $0x2  }
0x1b5: {  	v9 =	vmul.f32 v10, v9;
	v7 =	vmul.f32 v11, v7;
	v10 =	vld.idx.msk [tilespmem:v13+s22+$0x0], $0xffff  }
0x1b6: {  	v11 =	vld [tilespmem:s26+$0x0]  }
0x1b7: {  	v9 =	vadd.f32 $0.0e+00, v9;
	v4 =	vmul.f32 v6, v4;
	v12 =	vmul.f32 v12, v14  }
0x1b8: {  	v6 =	vor.u32 v0, v15  }
0x1b9: {  	v7 =	vadd.f32 v7, v9;
	v5 =	vld.idx.msk [tilespmem:v5+s22+$0x0], $0xffff  }
0x1ba: {  	v9 =	vld [tilespmem:s26+$0x800]  }
0x1bb: {  	v7 =	vadd.f32 v12, v7;
	v10 =	vmul.f32 v10, v11;
	v8 =	vld.idx.msk [tilespmem:v8+s22+$0x0], $0xffff  }
0x1bc: {  	v11 =	vld [tilespmem:s26+$0x1000]  }
0x1bd: {  	s17 =	sadd.s32 $0xFFFFF1F8, s28;
	v4 =	vadd.f32 v4, v7;
	v6 =	vld.idx.msk [tilespmem:v6+s22+$0x0], $0xffff  }
0x1be: {  	v12 =	vmov s17;
	v7 =	vld [tilespmem:s26+$0x1800]  }
0x1bf: {  	s20 =	sadd.s32 $0xFFFFF5F8, s28;
	s17 =	sadd.s32 $0xFFFFF3F8, s28;
	v4 =	vadd.f32 v10, v4;
	v5 =	vmul.f32 v5, v9;
	v9 =	vshrl.u32 v12, $0x3  }
0x1c0: {  	v10 =	vmov s17;
	v12 =	vmov s20;
	v9 =	vshll.u32 v9, v1  }
0x1c1: {  	v4 =	vadd.f32 v5, v4;
	v5 =	vmul.f32 v8, v11;
	v8 =	vshrl.u32 v12, $0x3  }
0x1c2: {  	v10 =	vshrl.u32 v10, $0x3;
	v9 =	vbroadcast v9, $0x0;
	v8 =	vshll.u32 v8, v1  }
0x1c3: {  	s17 =	sadd.s32 $0xFFFFF7F8, s28;
	v4 =	vadd.f32 v5, v4;
	v5 =	vmul.f32 v6, v7;
	v6 =	vbroadcast v8, $0x0  }
0x1c4: {  	v7 =	vor.u32 v3, v9;
	v8 =	vshll.u32 v10, v1;
	v9 =	vmov s17  }
0x1c5: {  	s17 =	sadd.s32 $0xFFFFF9F8, s28;
	v4 =	vadd.f32 v5, v4;
	v5 =	vbroadcast v8, $0x0;
	v6 =	vor.u32 v3, v6  }
0x1c6: {  	v8 =	vshrl.u32 v9, $0x3;
	v9 =	vmov s17  }
0x1c7: {  	s17 =	sadd.s32 $0xFFFFFBF8, s28;
	[tilespmem:s10+$0xFFFFFFE0] =	vst v4;
	v4 =	vor.u32 v3, v5;
	v5 =	vshll.u32 v8, v1;
	v8 =	vshrl.u32 v9, $0x3  }
0x1c8: {  	v10 =	vmov s17;
	v9 =	vld [tilespmem:s26+$0xFFFFE010];
	v5 =	vbroadcast v5, $0x0;
	v8 =	vshll.u32 v8, v1  }
0x1c9: {  	s17 =	sadd.s32 $0xFFFFFDF8, s28;
	v10 =	vshrl.u32 v10, $0x3;
	v7 =	vld.idx.msk [tilespmem:v7+s22+$0x0], $0xffff;
	v8 =	vbroadcast v8, $0x0  }
0x1ca: {  	v11 =	vmov s17;
	v10 =	vshll.u32 v10, v1;
	v6 =	vld.idx.msk [tilespmem:v6+s22+$0x0], $0xffff;
	v5 =	vor.u32 v3, v5  }
0x1cb: {  	s17 =	sadd.s32 $0xFFFFFFF8, s28;
	v11 =	vshrl.u32 v11, $0x3;
	v10 =	vbroadcast v10, $0x0;
	v12 =	vld [tilespmem:s26+$0xFFFFE810];
	v8 =	vor.u32 v3, v8  }
0x1cc: {  	v13 =	vmov s17;
	v11 =	vshll.u32 v11, v1;
	v4 =	vld.idx.msk [tilespmem:v4+s22+$0x0], $0xffff  }
0x1cd: {  	v13 =	vshrl.u32 v13, $0x3;
	v11 =	vbroadcast v11, $0x0;
	v10 =	vor.u32 v3, v10;
	v14 =	vld [tilespmem:s26+$0xFFFFF010]  }
0x1ce: {  	v13 =	vshll.u32 v13, v1;
	v15 =	vld [tilespmem:s26+$0xFFFFF810]  }
0x1cf: {  	v7 =	vmul.f32 v7, v9;
	v9 =	vor.u32 v3, v11;
	v11 =	vbroadcast v13, $0x0;
	v5 =	vld.idx.msk [tilespmem:v5+s22+$0x0], $0xffff  }
0x1d0: {  	v8 =	vld.idx.msk [tilespmem:v8+s22+$0x0], $0xffff  }
0x1d1: {  	v11 =	vor.u32 v3, v11;
	v13 =	vld [tilespmem:s26+$0x10]  }
0x1d2: {  	v7 =	vadd.f32 $0.0e+00, v7;
	v4 =	vmul.f32 v4, v12;
	v6 =	vmul.f32 v6, v14;
	v10 =	vld.idx.msk [tilespmem:v10+s22+$0x0], $0xffff  }
0x1d3: {  	v12 =	vld [tilespmem:s26+$0x810]  }
0x1d4: {  	v4 =	vadd.f32 v4, v7;
	v7 =	vld.idx.msk [tilespmem:v9+s22+$0x0], $0xffff  }
0x1d5: {  	v9 =	vld [tilespmem:s26+$0x1010]  }
0x1d6: {  	v5 =	vmul.f32 v5, v15;
	v4 =	vadd.f32 v6, v4;
	v6 =	vmul.f32 v8, v13;
	v8 =	vld.idx.msk [tilespmem:v11+s22+$0x0], $0xffff  }
0x1d7: {  	v11 =	vld [tilespmem:s26+$0x1810]  }
0x1d8: {  	s17 =	sadd.s32 $0xFFFFF1FC, s28;
	v4 =	vadd.f32 v5, v4;
	v5 =	vmul.f32 v10, v12  }
0x1d9: {  	v10 =	vmov s17  }
0x1da: {  	s17 =	sadd.s32 $0xFFFFF3FC, s28;
	v4 =	vadd.f32 v6, v4;
	v6 =	vmul.f32 v7, v9;
	v7 =	vshrl.u32 v10, $0x3  }
0x1db: {  	v9 =	vmov s17;
	v7 =	vshll.u32 v7, v1  }
0x1dc: {  	s17 =	sadd.s32 $0xFFFFF5FC, s28;
	v4 =	vadd.f32 v5, v4;
	v5 =	vmul.f32 v8, v11;
	v7 =	vbroadcast v7, $0x0  }
0x1dd: {  	v8 =	vshrl.u32 v9, $0x3;
	v9 =	vmov s17  }
0x1de: {  	s17 =	sadd.s32 $0xFFFFF7FC, s28;
	v4 =	vadd.f32 v6, v4;
	v6 =	vor.u32 v0, v7;
	v7 =	vshll.u32 v8, v1  }
0x1df: {  	v8 =	vshrl.u32 v9, $0x3;
	v9 =	vmov s17;
	v7 =	vbroadcast v7, $0x0  }
0x1e0: {  	s17 =	sadd.s32 $0xFFFFF9FC, s28;
	v4 =	vadd.f32 v5, v4;
	v5 =	vshll.u32 v8, v1;
	v8 =	vshrl.u32 v9, $0x3  }
0x1e1: {  	v5 =	vbroadcast v5, $0x0;
	v8 =	vshll.u32 v8, v1;
	v7 =	vor.u32 v0, v7  }
0x1e2: {  	[tilespmem:s10+$0xFFFFFFF0] =	vst v4;
	v4 =	vbroadcast v8, $0x0;
	v8 =	vmov s17;
	s17 =	sadd.s32 $0xFFFFFBFC, s28  }
0x1e3: {  	v5 =	vor.u32 v0, v5;
	v6 =	vld.idx.msk [tilespmem:v6+s22+$0x0], $0xffff;
	v8 =	vshrl.u32 v8, $0x3;
	v9 =	vmov s17  }
0x1e4: {  	s17 =	sadd.s32 $0xFFFFFDFC, s28;
	v10 =	vld [tilespmem:s26+$0xFFFFE020];
	v4 =	vor.u32 v0, v4;
	v8 =	vshll.u32 v8, v1;
	v9 =	vshrl.u32 v9, $0x3  }
0x1e5: {  	v12 =	vmov s17;
	v11 =	vld [tilespmem:s26+$0xFFFFE820];
	v8 =	vbroadcast v8, $0x0;
	v9 =	vshll.u32 v9, v1  }
0x1e6: {  	s17 =	sadd.s32 $0xFFFFFFFC, s28;
	v12 =	vshrl.u32 v12, $0x3;
	v7 =	vld.idx.msk [tilespmem:v7+s22+$0x0], $0xffff;
	v9 =	vbroadcast v9, $0x0  }
0x1e7: {  	v14 =	vmov s17;
	v12 =	vshll.u32 v12, v1;
	v13 =	vld [tilespmem:s26+$0xFFFFF020];
	v8 =	vor.u32 v0, v8  }
0x1e8: {  	v14 =	vshrl.u32 v14, $0x3;
	v12 =	vbroadcast v12, $0x0;
	v5 =	vld.idx.msk [tilespmem:v5+s22+$0x0], $0xffff;
	v9 =	vor.u32 v0, v9  }
0x1e9: {  	v6 =	vmul.f32 v6, v10;
	v4 =	vld.idx.msk [tilespmem:v4+s22+$0x0], $0xffff;
	v10 =	vshll.u32 v14, v1  }
0x1ea: {  	v12 =	vor.u32 v0, v12;
	v14 =	vld [tilespmem:s26+$0xFFFFF820];
	v10 =	vbroadcast v10, $0x0  }
0x1eb: {  	v15 =	vld [tilespmem:s26+$0x20]  }
0x1ec: {  	v6 =	vadd.f32 $0.0e+00, v6;
	v7 =	vmul.f32 v7, v11;
	v8 =	vld.idx.msk [tilespmem:v8+s22+$0x0], $0xffff;
	v10 =	vor.u32 v0, v10  }
0x1ed: {  	v9 =	vld.idx.msk [tilespmem:v9+s22+$0x0], $0xffff  }
0x1ee: {  	v6 =	vadd.f32 v7, v6;
	v5 =	vmul.f32 v5, v13;
	v7 =	vld [tilespmem:s26+$0x820]  }
0x1ef: {  	v4 =	vmul.f32 v4, v14;
	v11 =	vld.idx.msk [tilespmem:v12+s22+$0x0], $0xffff  }
0x1f0: {  	v5 =	vadd.f32 v5, v6;
	v6 =	vld [tilespmem:s26+$0x1020]  }
0x1f1: {  	v10 =	vld.idx.msk [tilespmem:v10+s22+$0x0], $0xffff  }
0x1f2: {  	s17 =	sadd.s32 $0xFFFFF200, s28;
	v4 =	vadd.f32 v4, v5;
	v5 =	vmul.f32 v8, v15;
	v8 =	vld [tilespmem:s26+$0x1820]  }
0x1f3: {  	v7 =	vmul.f32 v9, v7;
	v9 =	vmov s17  }
0x1f4: {  	v4 =	vadd.f32 v5, v4;
	s17 =	sadd.s32 $0xFFFFF400, s28;
	v5 =	vshrl.u32 v9, $0x3  }
0x1f5: {  	v9 =	vmov s17;
	v6 =	vmul.f32 v11, v6;
	v5 =	vshll.u32 v5, v1  }
0x1f6: {  	s17 =	sadd.s32 $0xFFFFF600, s28;
	v4 =	vadd.f32 v7, v4;
	v7 =	vshrl.u32 v9, $0x3;
	v5 =	vbroadcast v5, $0x0  }
0x1f7: {  	v9 =	vmov s17;
	v7 =	vshll.u32 v7, v1;
	v8 =	vmul.f32 v10, v8  }
0x1f8: {  	s17 =	sadd.s32 $0xFFFFF800, s28;
	v4 =	vadd.f32 v6, v4;
	v6 =	vbroadcast v7, $0x0;
	v5 =	vor.u32 v3, v5  }
0x1f9: {  	v7 =	vshrl.u32 v9, $0x3;
	v9 =	vmov s17  }
0x1fa: {  	s17 =	sadd.s32 $0xFFFFFA00, s28;
	v7 =	vshll.u32 v7, v1;
	v4 =	vadd.f32 v8, v4;
	v6 =	vor.u32 v3, v6  }
0x1fb: {  	v8 =	vbroadcast v7, $0x0;
	v7 =	vshrl.u32 v9, $0x3;
	v9 =	vmov s17  }
0x1fc: {  	s17 =	sadd.s32 $0xFFFFFC00, s28;
	v9 =	vshrl.u32 v9, $0x3;
	[tilespmem:s10+$0x0] =	vst v4;
	v4 =	vshll.u32 v7, v1  }
0x1fd: {  	v8 =	vor.u32 v3, v8;
	v7 =	vld.idx.msk [tilespmem:v5+s22+$0x0], $0xffff;
	v5 =	vbroadcast v4, $0x0;
	v4 =	vshll.u32 v9, v1  }
.Ltmp4:
0x1fe: {  	v12 =	vmov s17;
	s17 =	sadd.s32 $0xFFFFFE00, s28;
	v10 =	vld [tilespmem:s26+$0xFFFFE030];
	v11 =	vbroadcast v4, $0x0;
	(pc) =	sbr.rel @p1 .LBB2_11-.Ltmp4, $4  }
0x1ff: {  	v4 =	vld.idx.msk [tilespmem:v6+s22+$0x0], $0xffff;
	v9 =	vor.u32 v3, v5;
	v6 =	vshrl.u32 v12, $0x3;
	v12 =	vmov s17  }
0x200: {  	v5 =	vld [tilespmem:s26+$0xFFFFE830];
	v11 =	vor.u32 v3, v11;
	v13 =	vshll.u32 v6, v1;
	v12 =	vshrl.u32 v12, $0x3  }
0x201: {  	v14 =	vmov s28;
	s28 =	smov.u32 s18;
	v6 =	vld [tilespmem:s26+$0xFFFFF030];
	v13 =	vbroadcast v13, $0x0;
	v12 =	vshll.u32 v12, v1  }
0x202: {  	v14 =	vshrl.u32 v14, $0x3;
	s10 =	sadd.s32 $0x40, s10;
	s17 =	smov.u32 s19;
	s26 =	sadd.s32 $0x40, s26;
	v8 =	vld.idx.msk [tilespmem:v8+s22+$0x0], $0xffff;
	v12 =	vbroadcast v12, $0x0  }
0x203: {  	_ =	sdelay $0x2  }
0x204: {  	v7 =	vmul.f32 v7, v10;
	v61 =	vld [tilespmem:s11+$0xFFFFF830];
	v13 =	vor.u32 v3, v13;
	v14 =	vshll.u32 v14, v1  }
0x205: {  	v9 =	vld.idx.msk [tilespmem:v9+s22+$0x0], $0xffff;
	v14 =	vbroadcast v14, $0x0  }
0x206: {  	v11 =	vld.idx.msk [tilespmem:v11+s22+$0x0], $0xffff;
	v12 =	vor.u32 v3, v12;
	v7 =	vadd.f32 $0.0e+00, v7;
	v4 =	vmul.f32 v4, v5  }
0x207: {  	v5 =	vld [tilespmem:s11+$0x30]  }
0x208: {  	v15 =	vld [tilespmem:s11+$0x830];
	v14 =	vor.u32 v3, v14;
	v6 =	vmul.f32 v8, v6;
	v4 =	vadd.f32 v4, v7  }
0x209: {  	v62 =	vld.idx.msk [tilespmem:v13+s22+$0x0], $0xffff  }
0x20a: {  	v63 =	vld [tilespmem:s11+$0x1030];
	v9 =	vmul.f32 v9, v61;
	v4 =	vadd.f32 v6, v4  }
0x20b: {  	v16 =	vld.idx.msk [tilespmem:v12+s22+$0x0], $0xffff  }
0x20c: {  	s17 =	sadd.s32 $0xFFFFF1F4, s28;
	v19 =	vld [tilespmem:s11+$0x1830];
	v5 =	vmul.f32 v11, v5;
	v4 =	vadd.f32 v9, v4  }
0x20d: {  	v18 =	vmov s17;
	s17 =	sadd.s32 $0xFFFFF3F4, s28;
	v17 =	vld.idx.msk [tilespmem:v14+s22+$0x0], $0xffff  }
0x20e: {  	v20 =	vmov s17;
	v7 =	vmul.f32 v62, v15;
	v4 =	vadd.f32 v5, v4  }
0x20f: {  	v22 =	vshrl.u32 v20, $0x3;
	v9 =	vshrl.u32 v18, $0x3  }
0x210: {  	s18 =	sadd.s32 $0xFFFFF7F4, s28;
	v9 =	vshll.u32 v9, v1;
	v6 =	vmul.f32 v16, v63;
	v4 =	vadd.f32 v7, v4  }
0x211: {  	s23 =	sadd.s32 $0xFFFFF5F4, s28;
	v26 =	vmov s18;
	v8 =	vshll.u32 v22, v1;
	v21 =	vbroadcast v9, $0x0  }
0x212: {  	v5 =	vmov s23;
	v23 =	vmul.f32 v17, v19;
	v4 =	vadd.f32 v6, v4  }
0x213: {  	v25 =	vbroadcast v8, $0x0;
	v5 =	vshrl.u32 v5, $0x3;
	v24 =	vor.u32 v0, v21  }
0x214: {  	v8 =	vshrl.u32 v26, $0x3;
	v5 =	vshll.u32 v5, v1;
	v4 =	vadd.f32 v23, v4  }
0x215: {  	s19 =	sadd.s32 $0xFFFFF9F4, s28;
	v8 =	vshll.u32 v8, v1;
	v7 =	vor.u32 v0, v25;
	v5 =	vbroadcast v5, $0x0  }
0x216: {  	v27 =	vmov s19;
	v8 =	vbroadcast v8, $0x0;
	[tilespmem:s29+$0x10] =	vst v4  }
0x217: {  	s20 =	sadd.s32 $0xFFFFFBF4, s28;
	v9 =	vshrl.u32 v27, $0x3;
	v5 =	vor.u32 v0, v5;
	v29 =	vld [tilespmem:s26+$0xFFFFE000]  }
0x218: {  	v28 =	vmov s20;
	v8 =	vor.u32 v0, v8;
	s23 =	sadd.s32 $0xFFFFFDF4, s28;
	v4 =	vshll.u32 v9, v1;
	v6 =	vld.idx.msk [tilespmem:v24+s22+$0x0], $0xffff  }
0x219: {  	v30 =	vmov s23;
	v9 =	vshrl.u32 v28, $0x3;
	v4 =	vbroadcast v4, $0x0;
	v31 =	vld [tilespmem:s26+$0xFFFFE800]  }
0x21a: {  	v11 =	vshrl.u32 v30, $0x3;
	v9 =	vshll.u32 v9, v1;
	v7 =	vld.idx.msk [tilespmem:v7+s22+$0x0], $0xffff  }
0x21b: {  	v11 =	vshll.u32 v11, v1;
	s29 =	sadd.s32 $0xFFFFFFF4, s28;
	v33 =	vld [tilespmem:s26+$0xFFFFF000];
	v9 =	vbroadcast v9, $0x0;
	v4 =	vor.u32 v0, v4  }
0x21c: {  	v11 =	vbroadcast v11, $0x0;
	v32 =	vmov s29;
	v5 =	vld.idx.msk [tilespmem:v5+s22+$0x0], $0xffff  }
0x21d: {  	v34 =	vld [tilespmem:s26+$0xFFFFF800];
	v13 =	vshrl.u32 v32, $0x3;
	v9 =	vor.u32 v0, v9;
	v6 =	vmul.f32 v6, v29  }
0x21e: {  	v11 =	vor.u32 v0, v11;
	v8 =	vld.idx.msk [tilespmem:v8+s22+$0x0], $0xffff;
	v13 =	vshll.u32 v13, v1  }
0x21f: {  	v36 =	vld [tilespmem:s26+$0x0];
	v35 =	vbroadcast v13, $0x0;
	v7 =	vmul.f32 v7, v31;
	v6 =	vadd.f32 $0.0e+00, v6  }
0x220: {  	v4 =	vld.idx.msk [tilespmem:v4+s22+$0x0], $0xffff  }
0x221: {  	v38 =	vld [tilespmem:s26+$0x800];
	v10 =	vor.u32 v0, v35;
	v5 =	vmul.f32 v5, v33;
	v6 =	vadd.f32 v7, v6  }
0x222: {  	v37 =	vld.idx.msk [tilespmem:v9+s22+$0x0], $0xffff  }
0x223: {  	v40 =	vld [tilespmem:s26+$0x1000];
	v8 =	vmul.f32 v8, v34;
	v5 =	vadd.f32 v5, v6  }
0x224: {  	v39 =	vld.idx.msk [tilespmem:v11+s22+$0x0], $0xffff  }
0x225: {  	s19 =	sadd.s32 $0xFFFFF5F8, s28;
	v42 =	vld [tilespmem:s26+$0x1800];
	v4 =	vmul.f32 v4, v36;
	v5 =	vadd.f32 v8, v5  }
0x226: {  	s17 =	sadd.s32 $0xFFFFF1F8, s28;
	v46 =	vmov s19;
	v41 =	vld.idx.msk [tilespmem:v10+s22+$0x0], $0xffff  }
0x227: {  	s18 =	sadd.s32 $0xFFFFF3F8, s28;
	v43 =	vmov s17;
	v4 =	vadd.f32 v4, v5;
	v5 =	vmul.f32 v37, v38  }
0x228: {  	v45 =	vmov s18;
	v47 =	vshrl.u32 v46, $0x3;
	v44 =	vshrl.u32 v43, $0x3  }
0x229: {  	v7 =	vshll.u32 v44, v1;
	v4 =	vadd.f32 v5, v4;
	v5 =	vmul.f32 v39, v40  }
0x22a: {  	v9 =	vshrl.u32 v45, $0x3;
	v7 =	vbroadcast v7, $0x0;
	v6 =	vshll.u32 v47, v1  }
0x22b: {  	s23 =	sadd.s32 $0xFFFFF9F8, s28;
	v6 =	vbroadcast v6, $0x0;
	v4 =	vadd.f32 v5, v4;
	v5 =	vmul.f32 v41, v42  }
0x22c: {  	v51 =	vmov s23;
	v48 =	vshll.u32 v9, v1;
	v7 =	vor.u32 v3, v7  }
0x22d: {  	s20 =	sadd.s32 $0xFFFFF7F8, s28;
	v6 =	vor.u32 v3, v6;
	v4 =	vadd.f32 v5, v4;
	v5 =	vbroadcast v48, $0x0  }
0x22e: {  	v49 =	vmov s20;
	v52 =	vshrl.u32 v51, $0x3  }
0x22f: {  	v50 =	vshrl.u32 v49, $0x3;
	s29 =	sadd.s32 $0xFFFFFBF8, s28;
	v8 =	vshll.u32 v52, v1;
	[tilespmem:s10+$0xFFFFFFE0] =	vst v4;
	v4 =	vor.u32 v3, v5  }
0x230: {  	v54 =	vmov s29;
	v8 =	vbroadcast v8, $0x0;
	v5 =	vshll.u32 v50, v1;
	v53 =	vld [tilespmem:s26+$0xFFFFE010]  }
0x231: {  	s17 =	sadd.s32 $0xFFFFFDF8, s28;
	v10 =	vshrl.u32 v54, $0x3;
	v5 =	vbroadcast v5, $0x0;
	v7 =	vld.idx.msk [tilespmem:v7+s22+$0x0], $0xffff  }
0x232: {  	v55 =	vmov s17;
	v10 =	vshll.u32 v10, v1;
	v8 =	vor.u32 v3, v8;
	v6 =	vld.idx.msk [tilespmem:v6+s22+$0x0], $0xffff  }
0x233: {  	s18 =	sadd.s32 $0xFFFFFFF8, s28;
	v11 =	vshrl.u32 v55, $0x3;
	v10 =	vbroadcast v10, $0x0;
	v56 =	vld [tilespmem:s26+$0xFFFFE810];
	v5 =	vor.u32 v3, v5  }
0x234: {  	v57 =	vmov s18;
	v11 =	vshll.u32 v11, v1;
	v4 =	vld.idx.msk [tilespmem:v4+s22+$0x0], $0xffff  }
0x235: {  	v13 =	vshrl.u32 v57, $0x3;
	v11 =	vbroadcast v11, $0x0;
	v10 =	vor.u32 v3, v10;
	v58 =	vld [tilespmem:s26+$0xFFFFF010]  }
0x236: {  	v13 =	vshll.u32 v13, v1;
	v59 =	vld [tilespmem:s26+$0xFFFFF810]  }
0x237: {  	v61 =	vbroadcast v13, $0x0;
	v60 =	vor.u32 v3, v11;
	v8 =	vld.idx.msk [tilespmem:v8+s22+$0x0], $0xffff;
	v7 =	vmul.f32 v7, v53  }
0x238: {  	v5 =	vld.idx.msk [tilespmem:v5+s22+$0x0], $0xffff  }
0x239: {  	v11 =	vor.u32 v3, v61;
	v62 =	vld [tilespmem:s26+$0x10];
	v7 =	vadd.f32 $0.0e+00, v7;
	v4 =	vmul.f32 v4, v56  }
0x23a: {  	v10 =	vld.idx.msk [tilespmem:v10+s22+$0x0], $0xffff  }
0x23b: {  	v63 =	vld [tilespmem:s26+$0x810];
	v6 =	vmul.f32 v6, v58;
	v4 =	vadd.f32 v4, v7  }
0x23c: {  	v16 =	vld.idx.msk [tilespmem:v60+s22+$0x0], $0xffff  }
0x23d: {  	v17 =	vld [tilespmem:s26+$0x1010];
	v5 =	vmul.f32 v5, v59;
	v4 =	vadd.f32 v6, v4  }
0x23e: {  	v18 =	vld.idx.msk [tilespmem:v11+s22+$0x0], $0xffff  }
0x23f: {  	s19 =	sadd.s32 $0xFFFFF1FC, s28;
	v19 =	vld [tilespmem:s26+$0x1810];
	v8 =	vmul.f32 v8, v62;
	v4 =	vadd.f32 v5, v4  }
0x240: {  	v5 =	vmov s19  }
0x241: {  	v10 =	vmul.f32 v10, v63;
	v5 =	vshrl.u32 v5, $0x3;
	v4 =	vadd.f32 v8, v4  }
0x242: {  	v5 =	vshll.u32 v5, v1  }
0x243: {  	s20 =	sadd.s32 $0xFFFFF3FC, s28;
	s23 =	sadd.s32 $0xFFFFF5FC, s28;
	v7 =	vmul.f32 v16, v17;
	v5 =	vbroadcast v5, $0x0;
	v4 =	vadd.f32 v10, v4  }
0x244: {  	v20 =	vmov s20;
	v21 =	vmov s23;
	v6 =	vmul.f32 v18, v19  }
0x245: {  	v8 =	vshrl.u32 v20, $0x3;
	v5 =	vor.u32 v0, v5;
	v4 =	vadd.f32 v7, v4  }
0x246: {  	v23 =	vshrl.u32 v21, $0x3;
	s29 =	sadd.s32 $0xFFFFF7FC, s28;
	v22 =	vshll.u32 v8, v1  }
0x247: {  	s18 =	sadd.s32 $0xFFFFFBFC, s28;
	v24 =	vmov s29;
	v7 =	vbroadcast v22, $0x0;
	v4 =	vadd.f32 v6, v4  }
0x248: {  	v25 =	vshll.u32 v23, v1;
	v28 =	vmov s18;
	v26 =	vshrl.u32 v24, $0x3  }
0x249: {  	s17 =	sadd.s32 $0xFFFFF9FC, s28;
	v9 =	vshrl.u32 v28, $0x3;
	v7 =	vor.u32 v0, v7;
	v6 =	vbroadcast v25, $0x0;
	[tilespmem:s10+$0xFFFFFFF0] =	vst v4  }
0x24a: {  	v27 =	vmov s17;
	v9 =	vshll.u32 v9, v1;
	v8 =	vshll.u32 v26, v1;
	v5 =	vld.idx.msk [tilespmem:v5+s22+$0x0], $0xffff  }
0x24b: {  	s19 =	sadd.s32 $0xFFFFFDFC, s28;
	v4 =	vbroadcast v8, $0x0;
	v6 =	vor.u32 v0, v6;
	v8 =	vshrl.u32 v27, $0x3;
	v29 =	vld [tilespmem:s26+$0xFFFFE020]  }
0x24c: {  	v9 =	vbroadcast v9, $0x0;
	v31 =	vmov s19;
	v8 =	vshll.u32 v8, v1;
	v30 =	vld [tilespmem:s26+$0xFFFFE820]  }
0x24d: {  	s20 =	sadd.s32 $0xFFFFFFFC, s28;
	v12 =	vshrl.u32 v31, $0x3;
	v32 =	vld [tilespmem:s26+$0xFFFFF020];
	v4 =	vor.u32 v0, v4;
	v8 =	vbroadcast v8, $0x0  }
0x24e: {  	v33 =	vmov s20;
	v9 =	vor.u32 v0, v9;
	v12 =	vshll.u32 v12, v1;
	v7 =	vld.idx.msk [tilespmem:v7+s22+$0x0], $0xffff  }
0x24f: {  	v14 =	vshrl.u32 v33, $0x3;
	v12 =	vbroadcast v12, $0x0;
	v34 =	vld [tilespmem:s26+$0xFFFFF820];
	v8 =	vor.u32 v0, v8  }
0x250: {  	v14 =	vshll.u32 v14, v1;
	v6 =	vld.idx.msk [tilespmem:v6+s22+$0x0], $0xffff  }
0x251: {  	v14 =	vbroadcast v14, $0x0;
	v12 =	vor.u32 v0, v12;
	v35 =	vld [tilespmem:s26+$0x20];
	v5 =	vmul.f32 v5, v29  }
0x252: {  	v4 =	vld.idx.msk [tilespmem:v4+s22+$0x0], $0xffff  }
0x253: {  	v36 =	vor.u32 v0, v14;
	v9 =	vld.idx.msk [tilespmem:v9+s22+$0x0], $0xffff;
	v5 =	vadd.f32 $0.0e+00, v5;
	v7 =	vmul.f32 v7, v30  }
0x254: {  	v8 =	vld.idx.msk [tilespmem:v8+s22+$0x0], $0xffff  }
0x255: {  	v37 =	vld [tilespmem:s26+$0x820];
	v5 =	vadd.f32 v7, v5;
	v6 =	vmul.f32 v6, v32  }
0x256: {  	v12 =	vld.idx.msk [tilespmem:v12+s22+$0x0], $0xffff  }
0x257: {  	v38 =	vld [tilespmem:s26+$0x1020];
	v4 =	vmul.f32 v4, v34;
	v5 =	vadd.f32 v6, v5  }
0x258: {  	v39 =	vld.idx.msk [tilespmem:v36+s22+$0x0], $0xffff  }
0x259: {  	s23 =	sadd.s32 $0xFFFFF200, s28;
	v40 =	vld [tilespmem:s26+$0x1820];
	v4 =	vadd.f32 v4, v5;
	v5 =	vmul.f32 v8, v35  }
0x25a: {  	v41 =	vmov s23  }
0x25b: {  	s29 =	sadd.s32 $0xFFFFF400, s28;
	v7 =	vmul.f32 v9, v37;
	v4 =	vadd.f32 v5, v4;
	v5 =	vshrl.u32 v41, $0x3  }
0x25c: {  	v42 =	vmov s29;
	v5 =	vshll.u32 v5, v1  }
0x25d: {  	s17 =	sadd.s32 $0xFFFFF600, s28;
	v6 =	vmul.f32 v12, v38;
	v4 =	vadd.f32 v7, v4;
	v5 =	vbroadcast v5, $0x0  }
0x25e: {  	v44 =	vmov s17;
	v43 =	vshrl.u32 v42, $0x3;
	v8 =	vmul.f32 v39, v40  }
0x25f: {  	v7 =	vshll.u32 v43, v1;
	v4 =	vadd.f32 v6, v4;
	v5 =	vor.u32 v3, v5  }
0x260: {  	s18 =	sadd.s32 $0xFFFFF800, s28;
	v46 =	vshrl.u32 v44, $0x3;
	v45 =	vbroadcast v7, $0x0  }
0x261: {  	v47 =	vmov s18;
	v7 =	vshll.u32 v46, v1;
	v4 =	vadd.f32 v8, v4  }
0x262: {  	s23 =	sadd.s32 $0xFFFFFE00, s28;
	v48 =	vshrl.u32 v47, $0x3;
	s19 =	sadd.s32 $0xFFFFFA00, s28;
	v7 =	vbroadcast v7, $0x0;
	v6 =	vor.u32 v3, v45  }
0x263: {  	v53 =	vmov s23;
	v49 =	vmov s19;
	[tilespmem:s10+$0x0] =	vst v4;
	v4 =	vshll.u32 v48, v1  }
0x264: {  	s20 =	sadd.s32 $0xFFFFFC00, s28;
	v50 =	vshrl.u32 v49, $0x3;
	v7 =	vor.u32 v3, v7;
	v5 =	vld.idx.msk [tilespmem:v5+s22+$0x0], $0xffff;
	v4 =	vbroadcast v4, $0x0  }
0x265: {  	v52 =	vmov s20;
	v11 =	vshrl.u32 v53, $0x3;
	v8 =	vshll.u32 v50, v1;
	v51 =	vld [tilespmem:s26+$0xFFFFE030]  }
0x266: {  	v10 =	vshrl.u32 v52, $0x3;
	v8 =	vbroadcast v8, $0x0;
	v54 =	vld [tilespmem:s26+$0xFFFFE830];
	v4 =	vor.u32 v3, v4  }
0x267: {  	v11 =	vshll.u32 v11, v1;
	v10 =	vshll.u32 v10, v1;
	v6 =	vld.idx.msk [tilespmem:v6+s22+$0x0], $0xffff  }
0x268: {  	v56 =	vmov s28;
	v10 =	vbroadcast v10, $0x0;
	v8 =	vor.u32 v3, v8;
	v55 =	vld [tilespmem:s26+$0xFFFFF030]  }
0x269: {  	v11 =	vbroadcast v11, $0x0;
	v14 =	vshrl.u32 v56, $0x3;
	v7 =	vld.idx.msk [tilespmem:v7+s22+$0x0], $0xffff  }
0x26a: {  	v14 =	vshll.u32 v14, v1;
	v10 =	vor.u32 v3, v10;
	v57 =	vld [tilespmem:s26+$0xFFFFF830];
	v5 =	vmul.f32 v5, v51  }
0x26b: {  	v14 =	vbroadcast v14, $0x0;
	v4 =	vld.idx.msk [tilespmem:v4+s22+$0x0], $0xffff  }
0x26c: {  	v11 =	vor.u32 v3, v11;
	v58 =	vld [tilespmem:s26+$0x30];
	v6 =	vmul.f32 v6, v54;
	v5 =	vadd.f32 $0.0e+00, v5  }
0x26d: {  	v14 =	vor.u32 v3, v14;
	v8 =	vld.idx.msk [tilespmem:v8+s22+$0x0], $0xffff  }
0x26e: {  	v59 =	vld [tilespmem:s26+$0x830];
	v7 =	vmul.f32 v7, v55;
	v5 =	vadd.f32 v6, v5  }
0x26f: {  	v60 =	vld.idx.msk [tilespmem:v10+s22+$0x0], $0xffff  }
0x270: {  	v61 =	vld [tilespmem:s26+$0x1030];
	v5 =	vadd.f32 v7, v5;
	v4 =	vmul.f32 v4, v57  }
0x271: {  	v62 =	vld.idx.msk [tilespmem:v11+s22+$0x0], $0xffff  }
0x272: {  	v63 =	vld.idx.msk [tilespmem:v14+s22+$0x0], $0xffff;
	v8 =	vmul.f32 v8, v58;
	v4 =	vadd.f32 v4, v5  }
0x273: {  	v5 =	vld [tilespmem:s26+$0x1830]  }
0x274: {  	v6 =	vmul.f32 v60, v59;
	v4 =	vadd.f32 v8, v4;
	_ =	sdelay $0x1  }
0x275: {  	v7 =	vmul.f32 v62, v61;
	v4 =	vadd.f32 v6, v4;
	_ =	sdelay $0x1  }
0x276: {  	p1 =	seq.s32 s0, $0x1F;
	v5 =	vmul.f32 v63, v5;
	v4 =	vadd.f32 v7, v4  }
.Ltmp5:
0x277: {  	_ = 	snop;
	(pc) =	sbr.rel @p1 .LBB2_18-.Ltmp5, $4  }
0x278: {  	v4 =	vadd.f32 v5, v4  }
0x279: {  	s9 =	sshrl.u32 s9, $0x3  }
0x27a: {  	s9 =	sadd.s32 s2, s9;
	s29 =	simm.s32 $0x16010;
	[tilespmem:s10+$0x10] =	vst v4  }
0x27b: {  	[hbm4b:s9+s3] =	stream.linear.scatter [tilespmem:s29], [sflag:$0x3], $0x800, $0x38;
	[tilespmem:$0x17010] =	vst v63  }
0x27c: {  	s8 =	sadd.s32 $0x2, s8  }
0x27d: {  	s8 =	sshrl.u32 s8, $0x3  }
0x27e: {  	v4 =	vmov s8  }
0x27f: {  	v4 =	vbroadcast v4, $0x0;
	_ =	sdelay $0x1  }
0x280: {  	v5 =	vmov s13  }
0x281: {  	v6 =	vmov s5  }
0x282: {  	v7 =	vmov s7;
	_ =	sdelay $0x1  }
0x283: {  	s5 =	simm.s32 $0x0;
	v8 =	vld.idx.msk [tilespmem:v4+s14+$0x0], $0xffff  }
0x284: {  	v4 =	vld.idx.msk [tilespmem:v5+s5+$0x0 ss:$0x1], $0xffff  }
0x285: {  	v9 =	vld.idx.msk [tilespmem:v6+s5+$0x0 ss:$0x1], $0xffff  }
0x286: {  	v10 =	vld.idx.msk [tilespmem:v7+s5+$0x0 ss:$0x1], $0xffff;
	_ =	sdelay $0x2  }
0x287: {  	v4 =	vmul.f32 v4, v8  }
0x288: {  	v9 =	vmul.f32 v9, v8  }
0x289: {  	v11 =	vadd.f32 $5.000000000e-01, v4;
	v4 =	vmul.f32 v10, v8  }
0x28a: {  	v10 =	vadd.f32 $5.000000000e-01, v9  }
0x28b: {  	v12 =	vadd.f32 $5.000000000e-01, v4;
	v4 =	vtrunc.f32 v11  }
0x28c: {  	v13 =	vcvt.f32.s32 v4;
	v4 =	vtrunc.f32 v10  }
0x28d: {  	s29 =	sshll.u32 s8, $0x15;
	v9 =	vcvt.f32.s32 v4;
	v14 =	vtrunc.f32 v12  }
0x28e: {  	v4 =	vmov s29;
	v14 =	vcvt.f32.s32 v14;
	v15 =	vcvt.s32.f32 v13  }
0x28f: {  	v20 =	vadd.s32 $0x1, v13;
	v17 =	vcvt.s32.f32 v9;
	v19 =	vmul.u32 $0x9E3779B1, v9  }
0x290: {  	v16 =	vsub.f32 v11, v15;
	v11 =	vcvt.s32.f32 v14;
	v9 =	vmul.u32 $0x30025795, v14  }
0x291: {  	v15 =	vsub.f32 v10, v17;
	v22 =	vadd.s32 $0x9E3779B1, v19;
	v14 =	vxor.u32 v20, v19  }
0x292: {  	v19 =	vxor.u32 v13, v19;
	v11 =	vsub.f32 v12, v11;
	v21 =	vsub.f32 $1.000000000e+00, v16  }
0x293: {  	v23 =	vxor.u32 v9, v14;
	v18 =	vsub.f32 $1.000000000e+00, v15;
	v12 =	vmul.f32 v15, v16  }
0x294: {  	v17 =	vxor.u32 v20, v22;
	v10 =	vsub.f32 $1.000000000e+00, v11;
	v26 =	vmul.f32 v15, v21  }
0x295: {  	v13 =	vxor.u32 v13, v22;
	v21 =	vmul.f32 v18, v21;
	v27 =	vmul.f32 v11, v12  }
0x296: {  	v22 =	vxor.u32 v9, v17;
	v25 =	vand.u32 $0x7FFFF, v23;
	v24 =	vmul.f32 v10, v26  }
0x297: {  	s7 =	simm.s32 $0x0;
	s8 =	simm.s32 $0x40;
	v15 =	vadd.s32 $0x30025795, v9;
	v23 =	vmul.f32 v11, v26;
	v20 =	vmul.f32 v10, v21;
	[tilespmem:s5+$0xCE10] =	vst v27  }
.LBB2_14:
0x298: {  	p1 =	sne.s32 s8, $0x7C0;
	v26 =	vxor.u32 v9, v19;
	v25 =	vor.u32 v4, v25;
	[tilespmem:s5+$0xC410] =	vst v24;
	v21 =	vmul.f32 v21, v11;
	s9 =	smov.u32 s8;
	s8 =	sadd.s32 $0x40, s8  }
0x299: {  	v16 =	vmul.f32 v18, v16;
	v18 =	vand.u32 $0x7FFFF, v22;
	v24 =	vand.u32 $0x7FFFF, v26;
	[tilespmem:s5+$0x3210] =	vst v25  }
0x29a: {  	v19 =	vxor.u32 v19, v15;
	v14 =	vxor.u32 v14, v15;
	v18 =	vor.u32 v4, v18;
	[tilespmem:s5+$0xCC10] =	vst v23  }
0x29b: {  	v22 =	vor.u32 v4, v24;
	v23 =	vmul.f32 v10, v16;
	[tilespmem:s5+$0x3610] =	vst v18;
	v18 =	vand.u32 $0x7FFFF, v19  }
0x29c: {  	v14 =	vand.u32 $0x7FFFF, v14;
	v19 =	vxor.u32 v15, v13;
	v15 =	vxor.u32 v15, v17;
	[tilespmem:s5+$0x3010] =	vst v22  }
0x29d: {  	v14 =	vor.u32 v4, v14;
	v17 =	vor.u32 v4, v18;
	v15 =	vand.u32 $0x7FFFF, v15;
	[tilespmem:s5+$0xC010] =	vst v20  }
0x29e: {  	v11 =	vmul.f32 v16, v11;
	v16 =	vand.u32 $0x7FFFF, v19;
	v15 =	vor.u32 v4, v15;
	[tilespmem:s5+$0xC810] =	vst v21  }
0x29f: {  	v9 =	vxor.u32 v9, v13;
	v10 =	vmul.f32 v10, v12;
	v12 =	vor.u32 v4, v16;
	[tilespmem:s5+$0x3810] =	vst v17  }
0x2a0: {  	v9 =	vand.u32 $0x7FFFF, v9;
	[tilespmem:s5+$0x3E10] =	vst v15  }
0x2a1: {  	v9 =	vor.u32 v4, v9;
	[tilespmem:s5+$0xCA10] =	vst v11  }
0x2a2: {  	[tilespmem:s5+$0xC610] =	vst v10  }
0x2a3: {  	[tilespmem:s5+$0x3A10] =	vst v14  }
0x2a4: {  	[tilespmem:s5+$0x3410] =	vst v9  }
0x2a5: {  	[tilespmem:s5+$0xC210] =	vst v23  }
0x2a6: {  	[tilespmem:s5+$0x3C10] =	vst v12;
	s5 =	sshra.s32 s9, $0x2  }
0x2a7: {  	v9 =	vld.idx.msk [tilespmem:v5+s5+$0x0 ss:$0x1], $0xffff  }
0x2a8: {  	v10 =	vld.idx.msk [tilespmem:v6+s5+$0x0 ss:$0x1], $0xffff  }
0x2a9: {  	v11 =	vld.idx.msk [tilespmem:v7+s5+$0x0 ss:$0x1], $0xffff;
	_ =	sdelay $0x3  }
0x2aa: {  	v9 =	vmul.f32 v9, v8  }
0x2ab: {  	v10 =	vmul.f32 v10, v8  }
0x2ac: {  	v9 =	vadd.f32 $5.000000000e-01, v9;
	v11 =	vmul.f32 v11, v8  }
0x2ad: {  	v10 =	vadd.f32 $5.000000000e-01, v10  }
0x2ae: {  	v11 =	vadd.f32 $5.000000000e-01, v11;
	v12 =	vtrunc.f32 v9  }
0x2af: {  	v13 =	vcvt.f32.s32 v12;
	v12 =	vtrunc.f32 v10  }
0x2b0: {  	v12 =	vcvt.f32.s32 v12;
	v14 =	vtrunc.f32 v11  }
0x2b1: {  	v14 =	vcvt.f32.s32 v14;
	v15 =	vcvt.s32.f32 v13  }
0x2b2: {  	v17 =	vcvt.s32.f32 v12;
	v19 =	vmul.u32 $0x9E3779B1, v12;
	v12 =	vadd.s32 $0x1, v13  }
0x2b3: {  	v16 =	vsub.f32 v9, v15;
	v15 =	vcvt.s32.f32 v14;
	v9 =	vmul.u32 $0x30025795, v14  }
0x2b4: {  	v20 =	vsub.f32 v10, v17;
	v22 =	vadd.s32 $0x9E3779B1, v19;
	v14 =	vxor.u32 v12, v19  }
0x2b5: {  	v11 =	vsub.f32 v11, v15;
	v15 =	vsub.f32 $1.000000000e+00, v16;
	v23 =	vxor.u32 v9, v14  }
.Ltmp6:
0x2b6: {  	v17 =	vxor.u32 v12, v22;
	v18 =	vsub.f32 $1.000000000e+00, v20;
	v12 =	vmul.f32 v20, v16;
	(pc) =	sbr.rel @p1 .LBB2_14-.Ltmp6, $4  }
0x2b7: {  	v19 =	vxor.u32 v13, v19;
	v10 =	vsub.f32 $1.000000000e+00, v11;
	v26 =	vmul.f32 v20, v15  }
0x2b8: {  	v13 =	vxor.u32 v13, v22;
	v21 =	vmul.f32 v18, v15;
	v27 =	vmul.f32 v11, v12  }
0x2b9: {  	v22 =	vxor.u32 v9, v17;
	v15 =	vadd.s32 $0x30025795, v9;
	v24 =	vmul.f32 v10, v26  }
0x2ba: {  	v25 =	vand.u32 $0x7FFFF, v23;
	v23 =	vmul.f32 v11, v26;
	v20 =	vmul.f32 v10, v21;
	[tilespmem:s5+$0xCE10] =	vst v27  }
0x2bb: {  	v5 =	vor.u32 v4, v25;
	[tilespmem:s5+$0xC410] =	vst v24  }
0x2bc: {  	[tilespmem:s5+$0x3210] =	vst v5  }
0x2bd: {  	v5 =	vand.u32 $0x7FFFF, v22;
	[tilespmem:s5+$0xCC10] =	vst v23  }
0x2be: {  	v12 =	vmul.f32 v10, v12;
	[tilespmem:s5+$0xC010] =	vst v20;
	v5 =	vor.u32 v4, v5  }
0x2bf: {  	v6 =	vxor.u32 v9, v19;
	v7 =	vmul.f32 v18, v16;
	[tilespmem:s5+$0x3610] =	vst v5;
	v5 =	vmul.f32 v21, v11  }
0x2c0: {  	v8 =	vxor.u32 v19, v15;
	v60 =	vmov s7;
	v6 =	vand.u32 $0x7FFFF, v6;
	[tilespmem:s5+$0xC610] =	vst v12  }
0x2c1: {  	v6 =	vor.u32 v4, v6;
	v61 =	vmul.f32 v7, v11;
	[tilespmem:s5+$0xC810] =	vst v5;
	v5 =	vshrl.u32 v60, $0x3  }
0x2c2: {  	[tilespmem:s5+$0x3010] =	vst v6;
	v6 =	vand.u32 $0x7FFFF, v8;
	v8 =	vxor.u32 v15, v17;
	v5 =	vshll.u32 v5, v1  }
0x2c3: {  	v6 =	vor.u32 v4, v6;
	v8 =	vand.u32 $0x7FFFF, v8;
	[tilespmem:s5+$0xCA10] =	vst v61;
	v5 =	vbroadcast v5, $0x0  }
0x2c4: {  	v7 =	vmul.f32 v10, v7;
	v8 =	vor.u32 v4, v8;
	[tilespmem:s5+$0x3810] =	vst v6;
	v6 =	vxor.u32 v14, v15  }
0x2c5: {  	[tilespmem:s5+$0x3E10] =	vst v8;
	v6 =	vand.u32 $0x7FFFF, v6;
	v8 =	vxor.u32 v9, v13;
	v62 =	vor.u32 v0, v5  }
0x2c6: {  	v63 =	vxor.u32 v15, v13;
	[tilespmem:s5+$0xC210] =	vst v7;
	v6 =	vor.u32 v4, v6;
	v8 =	vand.u32 $0x7FFFF, v8  }
0x2c7: {  	v8 =	vor.u32 v4, v8;
	[tilespmem:s5+$0x3A10] =	vst v6;
	v6 =	vand.u32 $0x7FFFF, v63  }
0x2c8: {  	[tilespmem:s5+$0x3410] =	vst v8;
	v4 =	vor.u32 v4, v6  }
0x2c9: {  	[tilespmem:s5+$0x3C10] =	vst v4  }
0x2ca: {  	v4 =	vld.idx.msk [tilespmem:v62+s15+$0x0], $0xffff;
	_ =	sdelay $0x1  }
0x2cb: {  	v5 =	vor.u32 v3, v5  }
0x2cc: {  	s28 =	simm.s32 $0x8  }
0x2cd: {  	v6 =	vmov s28  }
0x2ce: {  	s5 =	simm.s32 $0x4030;
	v6 =	vshrl.u32 v6, $0x3;
	v4 =	vadd.s32 v2, v4  }
0x2cf: {  	[tilespmem:s5+$0xFFFFFFE0] =	vst v4;
	v4 =	vshll.u32 v6, v1  }
0x2d0: {  	v5 =	vld.idx.msk [tilespmem:v5+s15+$0x0], $0xffff;
	v4 =	vbroadcast v4, $0x0;
	_ =	sdelay $0x1  }
0x2d1: {  	v4 =	vor.u32 v0, v4;
	_ =	sdelay $0x2  }
0x2d2: {  	s29 =	simm.s32 $0xC;
	v5 =	vadd.s32 v2, v5  }
0x2d3: {  	[tilespmem:s5+$0xFFFFFFF0] =	vst v5;
	v5 =	vmov s29  }
0x2d4: {  	v6 =	vld.idx.msk [tilespmem:v4+s15+$0x0], $0xffff;
	v4 =	vshrl.u32 v5, $0x3  }
0x2d5: {  	v4 =	vshll.u32 v4, v1  }
0x2d6: {  	v4 =	vbroadcast v4, $0x0;
	_ =	sdelay $0x1  }
0x2d7: {  	v4 =	vor.u32 v3, v4;
	_ =	sdelay $0x1  }
0x2d8: {  	s7 =	simm.s32 $0x10  }
0x2d9: {  	s8 =	simm.s32 $0x20;
	v5 =	vmov s7;
	v6 =	vadd.s32 v2, v6  }
.LBB2_16:
0x2da: {  	p1 =	sne.s32 s8, $0xFF0;
	v5 =	vshrl.u32 v5, $0x3;
	[tilespmem:s5+$0x0] =	vst v6  }
0x2db: {  	v5 =	vshll.u32 v5, v1;
	v4 =	vld.idx.msk [tilespmem:v4+s15+$0x0], $0xffff  }
0x2dc: {  	v5 =	vbroadcast v5, $0x0;
	_ =	sdelay $0x1  }
0x2dd: {  	v6 =	vor.u32 v0, v5;
	_ =	sdelay $0x2  }
0x2de: {  	v4 =	vadd.s32 v2, v4  }
0x2df: {  	[tilespmem:s5+$0x10] =	vst v4  }
0x2e0: {  	v4 =	vld.idx.msk [tilespmem:v6+s15+$0x0], $0xffff;
	_ =	sdelay $0x2  }
0x2e1: {  	v5 =	vor.u32 v3, v5;
	_ =	sdelay $0x1  }
0x2e2: {  	s9 =	sadd.s32 $0x8, s7  }
0x2e3: {  	s5 =	sadd.s32 $0x40, s5;
	v6 =	vmov s9;
	v4 =	vadd.s32 v2, v4  }
0x2e4: {  	[tilespmem:s5+$0xFFFFFFE0] =	vst v4;
	v4 =	vshrl.u32 v6, $0x3  }
0x2e5: {  	v5 =	vld.idx.msk [tilespmem:v5+s15+$0x0], $0xffff;
	v4 =	vshll.u32 v4, v1  }
0x2e6: {  	v4 =	vbroadcast v4, $0x0;
	_ =	sdelay $0x1  }
0x2e7: {  	v4 =	vor.u32 v0, v4;
	_ =	sdelay $0x1  }
0x2e8: {  	s9 =	sadd.s32 $0xC, s7;
	s7 =	smov.u32 s8  }
0x2e9: {  	v6 =	vmov s9;
	v5 =	vadd.s32 v2, v5  }
0x2ea: {  	[tilespmem:s5+$0xFFFFFFF0] =	vst v5;
	v5 =	vshrl.u32 v6, $0x3  }
0x2eb: {  	v6 =	vld.idx.msk [tilespmem:v4+s15+$0x0], $0xffff;
	v4 =	vshll.u32 v5, v1  }
0x2ec: {  	v4 =	vbroadcast v4, $0x0  }
.Ltmp7:
0x2ed: {  	(pc) =	sbr.rel @p1 .LBB2_16-.Ltmp7, $2  }
0x2ee: {  	v4 =	vor.u32 v3, v4;
	_ =	sdelay $0x2  }
0x2ef: {  	s8 =	sadd.s32 $0x10, s8;
	v5 =	vmov s7;
	v6 =	vadd.s32 v2, v6  }
0x2f0: {  	_ =	sdelay $0x1  }
0x2f1: {  	v5 =	vshrl.u32 v5, $0x3  }
0x2f2: {  	[tilespmem:s5+$0x0] =	vst v6;
	v5 =	vshll.u32 v5, v1  }
0x2f3: {  	v4 =	vld.idx.msk [tilespmem:v4+s15+$0x0], $0xffff;
	v5 =	vbroadcast v5, $0x0;
	_ =	sdelay $0x1  }
0x2f4: {  	v61 =	vor.u32 v0, v5;
	_ =	sdelay $0x2  }
0x2f5: {  	v4 =	vadd.s32 v2, v4  }
0x2f6: {  	[tilespmem:s5+$0x10] =	vst v4  }
0x2f7: {  	v4 =	vld.idx.msk [tilespmem:v61+s15+$0x0], $0xffff;
	_ =	sdelay $0x1  }
0x2f8: {  	v5 =	vor.u32 v3, v5  }
0x2f9: {  	s8 =	sadd.s32 $0x8, s7  }
0x2fa: {  	v62 =	vmov s8  }
0x2fb: {  	s23 =	sadd.s32 $0x40, s5;
	v6 =	vshrl.u32 v62, $0x3;
	v4 =	vadd.s32 v2, v4  }
0x2fc: {  	[tilespmem:s23+$0xFFFFFFE0] =	vst v4;
	v4 =	vshll.u32 v6, v1  }
0x2fd: {  	v5 =	vld.idx.msk [tilespmem:v5+s15+$0x0], $0xffff;
	v4 =	vbroadcast v4, $0x0;
	_ =	sdelay $0x1  }
0x2fe: {  	v4 =	vor.u32 v0, v4  }
0x2ff: {  	s26 =	sadd.s32 $0xC, s7  }
0x300: {  	v63 =	vmov s26  }
0x301: {  	v6 =	vshrl.u32 v63, $0x3;
	v5 =	vadd.s32 v2, v5  }
0x302: {  	[tilespmem:s23+$0xFFFFFFF0] =	vst v5;
	v5 =	vshll.u32 v6, v1  }
0x303: {  	v4 =	vld.idx.msk [tilespmem:v4+s15+$0x0], $0xffff;
	v5 =	vbroadcast v5, $0x0;
	_ =	sdelay $0x1  }
0x304: {  	v5 =	vor.u32 v3, v5;
	_ =	sdelay $0x2  }
0x305: {  	v4 =	vadd.s32 v2, v4  }
0x306: {  	[tilespmem:s23+$0x0] =	vst v4  }
0x307: {  	v4 =	vld.idx.msk [tilespmem:v5+s15+$0x0], $0xffff;
	_ =	sdelay $0x4  }
0x308: {  	v4 =	vadd.s32 v2, v4  }
0x309: {  	s28 =	simm.s32 $0x4010;
	s29 =	simm.s32 $0xE010;
	[tilespmem:s23+$0x10] =	vst v4  }
0x30a: {  	[tilespmem:s29], [sflag:$0x1] =	stream.indirect.gather [hbm4b:s6+s16], $0x1, s28, s16, $0xb8;
	[tilespmem:$0x17010] =	vst v63  }
.LBB2_18:
0x30b: {  	s5 =	simm.s32 $0x1000  }
0x30c: {  	v4 =	vmov s5  }
0x30d: {  	s19 =	simm.s32 $0x1200;
	v4 =	vshrl.u32 v4, $0x3  }
0x30e: {  	v5 =	vmov s19;
	v4 =	vshll.u32 v4, v1  }
0x30f: {  	_ =	swait.ge [sflag:s24], $0x4000;
	s20 =	simm.s32 $0x1400;
	s23 =	simm.s32 $0x1600;
	v5 =	vshrl.u32 v5, $0x3;
	v4 =	vbroadcast v4, $0x0  }
0x310: {  	[sflag:s24] =	ssyncset.done $0x0;
	v6 =	vmov s20;
	v7 =	vmov s23;
	v5 =	vshll.u32 v5, v1  }
0x311: {  	s7 =	simm.s32 @!p0 $0x4;
	s26 =	simm.s32 $0x1800;
	[sflag:s24] =	ssyncadd.s32 $0xFFFFC000;
	v6 =	vshrl.u32 v6, $0x3;
	v5 =	vbroadcast v5, $0x0;
	v4 =	vor.u32 v0, v4  }
0x312: {  	v8 =	vmov s26;
	v7 =	vshrl.u32 v7, $0x3;
	_ =	swait.ge @!p0 [sflag:s7], $0x800;
	v6 =	vshll.u32 v6, v1  }
0x313: {  	v7 =	vshll.u32 v7, v1;
	[sflag:s7] =	ssyncset.done @!p0 $0x0;
	v6 =	vbroadcast v6, $0x0;
	v5 =	vor.u32 v0, v5  }
0x314: {  	s5 =	simm.s32 $0x0;
	v8 =	vshrl.u32 v8, $0x3;
	v7 =	vbroadcast v7, $0x0;
	[sflag:s7] =	ssyncadd.s32 @!p0 $0xFFFFF800  }
0x315: {  	s28 =	simm.s32 $0x1A00;
	v8 =	vshll.u32 v8, v1;
	v9 =	vld [tilespmem:s5+$0x12010];
	v6 =	vor.u32 v0, v6  }
0x316: {  	s29 =	simm.s32 $0x1C00;
	v10 =	vmov s28;
	v8 =	vbroadcast v8, $0x0;
	v7 =	vor.u32 v0, v7;
	v4 =	vld.idx.msk [tilespmem:v4+s22+$0x0], $0xffff  }
0x317: {  	v11 =	vmov s29;
	v10 =	vshrl.u32 v10, $0x3;
	v12 =	vld [tilespmem:s5+$0x12810]  }
0x318: {  	s8 =	simm.s32 $0x1E00;
	v11 =	vshrl.u32 v11, $0x3;
	v10 =	vshll.u32 v10, v1;
	v8 =	vor.u32 v0, v8;
	v5 =	vld.idx.msk [tilespmem:v5+s22+$0x0], $0xffff  }
0x319: {  	v14 =	vmov s8;
	v11 =	vshll.u32 v11, v1;
	v10 =	vbroadcast v10, $0x0;
	v13 =	vld [tilespmem:s5+$0x13010]  }
0x31a: {  	v14 =	vshrl.u32 v14, $0x3;
	v11 =	vbroadcast v11, $0x0;
	v6 =	vld.idx.msk [tilespmem:v6+s22+$0x0], $0xffff  }
0x31b: {  	v14 =	vshll.u32 v14, v1;
	v10 =	vor.u32 v0, v10;
	v7 =	vld.idx.msk [tilespmem:v7+s22+$0x0], $0xffff;
	v4 =	vmul.f32 v4, v9  }
0x31c: {  	v11 =	vor.u32 v0, v11;
	v9 =	vbroadcast v14, $0x0;
	v14 =	vld [tilespmem:s5+$0x13810]  }
0x31d: {  	v8 =	vld.idx.msk [tilespmem:v8+s22+$0x0], $0xffff;
	v5 =	vmul.f32 v5, v12;
	v4 =	vadd.f32 $0.0e+00, v4  }
0x31e: {  	v12 =	vld [tilespmem:s5+$0x14010];
	v9 =	vor.u32 v0, v9  }
0x31f: {  	v15 =	vld [tilespmem:s5+$0x14810];
	v6 =	vmul.f32 v6, v13;
	v4 =	vadd.f32 v5, v4  }
0x320: {  	v5 =	vld.idx.msk [tilespmem:v10+s22+$0x0], $0xffff  }
0x321: {  	s9 =	simm.s32 $0x1004;
	v11 =	vld.idx.msk [tilespmem:v11+s22+$0x0], $0xffff;
	v7 =	vmul.f32 v7, v14;
	v4 =	vadd.f32 v6, v4  }
0x322: {  	v10 =	vld [tilespmem:s5+$0x15010];
	v6 =	vmov s9  }
0x323: {  	v6 =	vshrl.u32 v6, $0x3;
	v4 =	vadd.f32 v7, v4;
	v7 =	vmul.f32 v8, v12;
	v8 =	vld.idx.msk [tilespmem:v9+s22+$0x0], $0xffff  }
0x324: {  	s10 =	simm.s32 $0x1204;
	v6 =	vshll.u32 v6, v1;
	v9 =	vld [tilespmem:s5+$0x15810]  }
0x325: {  	s11 =	simm.s32 $0x1404;
	v12 =	vmov s10;
	v5 =	vmul.f32 v5, v15;
	v4 =	vadd.f32 v7, v4  }
0x326: {  	v6 =	vbroadcast v6, $0x0;
	v7 =	vshrl.u32 v12, $0x3;
	v12 =	vmov s11  }
0x327: {  	v7 =	vshll.u32 v7, v1;
	v4 =	vadd.f32 v5, v4;
	v5 =	vmul.f32 v11, v10  }
0x328: {  	v6 =	vor.u32 v3, v6;
	v10 =	vshrl.u32 v12, $0x3;
	v7 =	vbroadcast v7, $0x0  }
0x329: {  	s13 =	simm.s32 $0x1604;
	s17 =	simm.s32 $0x1804;
	v10 =	vshll.u32 v10, v1;
	v4 =	vadd.f32 v5, v4;
	v5 =	vmul.f32 v8, v9  }
0x32a: {  	v15 =	vmov s17;
	v8 =	vbroadcast v10, $0x0;
	v9 =	vmov s13  }
0x32b: {  	v7 =	vor.u32 v3, v7;
	v9 =	vshrl.u32 v9, $0x3;
	v4 =	vadd.f32 v5, v4  }
0x32c: {  	v13 =	vld [tilespmem:s5+$0x12020];
	v5 =	vshll.u32 v9, v1;
	v9 =	vshrl.u32 v15, $0x3  }
0x32d: {  	s18 =	simm.s32 $0x1A04;
	v14 =	vld [tilespmem:s5+$0x13820];
	v8 =	vor.u32 v3, v8;
	v5 =	vbroadcast v5, $0x0;
	v9 =	vshll.u32 v9, v1;
	[tilespmem:s5+$0x16810] =	vst v4  }
0x32e: {  	s19 =	simm.s32 $0x1C04;
	v4 =	vmov s18;
	v9 =	vbroadcast v9, $0x0;
	v6 =	vld.idx.msk [tilespmem:v6+s22+$0x0], $0xffff  }
0x32f: {  	v16 =	vmov s19;
	v12 =	vld [tilespmem:s5+$0x12820];
	v4 =	vshrl.u32 v4, $0x3;
	v5 =	vor.u32 v3, v5  }
0x330: {  	s20 =	simm.s32 $0x1E04;
	v16 =	vshrl.u32 v16, $0x3;
	v7 =	vld.idx.msk [tilespmem:v7+s22+$0x0], $0xffff;
	v4 =	vshll.u32 v4, v1;
	v9 =	vor.u32 v3, v9  }
0x331: {  	v17 =	vmov s20;
	v16 =	vshll.u32 v16, v1;
	v10 =	vld [tilespmem:s5+$0x13020];
	v4 =	vbroadcast v4, $0x0  }
0x332: {  	v17 =	vshrl.u32 v17, $0x3;
	v16 =	vbroadcast v16, $0x0;
	v8 =	vld.idx.msk [tilespmem:v8+s22+$0x0], $0xffff  }
0x333: {  	v17 =	vshll.u32 v17, v1;
	v11 =	vld [tilespmem:s5+$0x14820];
	v4 =	vor.u32 v3, v4;
	v6 =	vmul.f32 v6, v13  }
0x334: {  	v16 =	vor.u32 v3, v16;
	v13 =	vbroadcast v17, $0x0;
	v5 =	vld.idx.msk [tilespmem:v5+s22+$0x0], $0xffff  }
0x335: {  	v7 =	vmul.f32 v7, v12;
	v9 =	vld.idx.msk [tilespmem:v9+s22+$0x0], $0xffff;
	v6 =	vadd.f32 $0.0e+00, v6  }
0x336: {  	v12 =	vor.u32 v3, v13;
	v13 =	vld [tilespmem:s5+$0x14020]  }
0x337: {  	v15 =	vld [tilespmem:s5+$0x15020];
	v8 =	vmul.f32 v8, v10;
	v6 =	vadd.f32 v7, v6  }
0x338: {  	v4 =	vld.idx.msk [tilespmem:v4+s22+$0x0], $0xffff  }
0x339: {  	v7 =	vld.idx.msk [tilespmem:v16+s22+$0x0], $0xffff;
	v5 =	vmul.f32 v5, v14;
	v6 =	vadd.f32 v8, v6  }
0x33a: {  	s23 =	simm.s32 $0x1008  }
0x33b: {  	s26 =	simm.s32 $0x1208;
	s8 =	simm.s32 $0x1408;
	v8 =	vmov s23;
	v5 =	vadd.f32 v5, v6;
	v6 =	vmul.f32 v9, v13;
	v9 =	vld.idx.msk [tilespmem:v12+s22+$0x0], $0xffff  }
0x33c: {  	v10 =	vmov s26;
	v8 =	vshrl.u32 v8, $0x3;
	v12 =	vmov s8;
	v13 =	vld [tilespmem:s5+$0x15820]  }
0x33d: {  	v8 =	vshll.u32 v8, v1;
	v4 =	vmul.f32 v4, v11;
	v5 =	vadd.f32 v6, v5  }
0x33e: {  	v8 =	vbroadcast v8, $0x0;
	v7 =	vmul.f32 v7, v15;
	v6 =	vshrl.u32 v10, $0x3  }
0x33f: {  	v10 =	vshrl.u32 v12, $0x3;
	v6 =	vshll.u32 v6, v1;
	v4 =	vadd.f32 v4, v5  }
0x340: {  	s28 =	simm.s32 $0x1608;
	v8 =	vor.u32 v0, v8;
	v5 =	vshll.u32 v10, v1;
	v6 =	vbroadcast v6, $0x0  }
0x341: {  	v10 =	vmov s28;
	v4 =	vadd.f32 v7, v4;
	v7 =	vmul.f32 v9, v13  }
0x342: {  	v5 =	vbroadcast v5, $0x0;
	v9 =	vshrl.u32 v10, $0x3  }
0x343: {  	s29 =	simm.s32 $0x1808;
	v6 =	vor.u32 v0, v6;
	v9 =	vshll.u32 v9, v1;
	v4 =	vadd.f32 v7, v4  }
0x344: {  	v7 =	vmov s29;
	v9 =	vbroadcast v9, $0x0  }
0x345: {  	s8 =	simm.s32 $0x1A08;
	v10 =	vld [tilespmem:s5+$0x12030];
	v5 =	vor.u32 v0, v5;
	v7 =	vshrl.u32 v7, $0x3;
	[tilespmem:s5+$0x16820] =	vst v4  }
0x346: {  	s9 =	simm.s32 $0x1C08;
	v14 =	vmov s8;
	v4 =	vshll.u32 v7, v1;
	v7 =	vor.u32 v0, v9;
	v8 =	vld.idx.msk [tilespmem:v8+s22+$0x0], $0xffff  }
0x347: {  	s10 =	simm.s32 $0x1E08;
	v11 =	vld [tilespmem:s5+$0x12830];
	v9 =	vshrl.u32 v14, $0x3;
	v14 =	vmov s9;
	v4 =	vbroadcast v4, $0x0  }
0x348: {  	v15 =	vmov s10;
	v9 =	vshll.u32 v9, v1;
	v14 =	vshrl.u32 v14, $0x3;
	v6 =	vld.idx.msk [tilespmem:v6+s22+$0x0], $0xffff  }
0x349: {  	v12 =	vld [tilespmem:s5+$0x13030];
	v9 =	vbroadcast v9, $0x0;
	v14 =	vshll.u32 v14, v1;
	v4 =	vor.u32 v0, v4  }
0x34a: {  	v15 =	vshrl.u32 v15, $0x3;
	v5 =	vld.idx.msk [tilespmem:v5+s22+$0x0], $0xffff;
	v14 =	vbroadcast v14, $0x0  }
0x34b: {  	v15 =	vshll.u32 v15, v1;
	v13 =	vld [tilespmem:s5+$0x13830];
	v9 =	vor.u32 v0, v9;
	v8 =	vmul.f32 v8, v10  }
0x34c: {  	v7 =	vld.idx.msk [tilespmem:v7+s22+$0x0], $0xffff;
	v10 =	vor.u32 v0, v14;
	v14 =	vbroadcast v15, $0x0  }
0x34d: {  	v15 =	vld [tilespmem:s5+$0x14030];
	v6 =	vmul.f32 v6, v11;
	v8 =	vadd.f32 $0.0e+00, v8  }
0x34e: {  	v11 =	vor.u32 v0, v14;
	v4 =	vld.idx.msk [tilespmem:v4+s22+$0x0], $0xffff  }
0x34f: {  	s11 =	simm.s32 $0x100C;
	s13 =	simm.s32 $0x160C;
	v5 =	vmul.f32 v5, v12;
	v12 =	vld [tilespmem:s5+$0x14830];
	v6 =	vadd.f32 v6, v8  }
0x350: {  	s9 =	simm.s32 $0x120C;
	v14 =	vmov s13;
	v8 =	vld.idx.msk [tilespmem:v9+s22+$0x0], $0xffff;
	v9 =	vmov s11  }
0x351: {  	s17 =	simm.s32 $0x180C;
	v16 =	vld [tilespmem:s5+$0x15030];
	v7 =	vmul.f32 v7, v13;
	v13 =	vmov s9;
	v5 =	vadd.f32 v5, v6  }
0x352: {  	v10 =	vld.idx.msk [tilespmem:v10+s22+$0x0], $0xffff;
	v9 =	vshrl.u32 v9, $0x3;
	v13 =	vshrl.u32 v13, $0x3;
	v6 =	vmov s17  }
0x353: {  	s18 =	simm.s32 $0x140C;
	v9 =	vshll.u32 v9, v1;
	v11 =	vld.idx.msk [tilespmem:v11+s22+$0x0], $0xffff;
	v4 =	vmul.f32 v4, v15;
	v5 =	vadd.f32 v7, v5  }
0x354: {  	v6 =	vshrl.u32 v6, $0x3;
	v15 =	vld [tilespmem:s5+$0x15830];
	v9 =	vbroadcast v9, $0x0;
	v7 =	vmov s18  }
0x355: {  	v6 =	vshll.u32 v6, v1;
	v4 =	vadd.f32 v4, v5;
	v5 =	vmul.f32 v8, v12  }
0x356: {  	v7 =	vshrl.u32 v7, $0x3;
	v8 =	vshrl.u32 v14, $0x3;
	v12 =	vshll.u32 v13, v1  }
0x357: {  	v10 =	vmul.f32 v10, v16;
	v7 =	vshll.u32 v7, v1;
	v5 =	vadd.f32 v5, v4  }
0x358: {  	v12 =	vbroadcast v12, $0x0;
	v8 =	vshll.u32 v8, v1;
	v13 =	vbroadcast v7, $0x0  }
0x359: {  	v8 =	vbroadcast v8, $0x0;
	v5 =	vadd.f32 v10, v5;
	v10 =	vmul.f32 v11, v15  }
0x35a: {  	s19 =	simm.s32 $0x1A0C;
	v9 =	vor.u32 v3, v9;
	v7 =	vld [tilespmem:s5+$0x12040];
	v12 =	vor.u32 v3, v12;
	v16 =	vor.u32 v3, v13  }
0x35b: {  	s23 =	simm.s32 $0x1E0C;
	v4 =	vld [tilespmem:s5+$0x13040];
	v19 =	vor.u32 v3, v8;
	v8 =	vadd.f32 v10, v5;
	v10 =	vmov s19  }
0x35c: {  	s20 =	simm.s32 $0x1C0C;
	v13 =	vmov s23;
	v11 =	vbroadcast v6, $0x0;
	v6 =	vld [tilespmem:s5+$0x12840];
	v10 =	vshrl.u32 v10, $0x3  }
0x35d: {  	v14 =	vmov s20;
	v13 =	vshrl.u32 v13, $0x3;
	v5 =	vld [tilespmem:s5+$0x15040];
	v10 =	vshll.u32 v10, v1  }
0x35e: {  	v14 =	vshrl.u32 v14, $0x3;
	v13 =	vshll.u32 v13, v1;
	[tilespmem:s5+$0x16830] =	vst v8;
	v8 =	vld [tilespmem:s5+$0x13840];
	v17 =	vbroadcast v10, $0x0  }
0x35f: {  	s26 =	sor.u32 s4, s12;
	s28 =	simm.s32 $0x1010;
	v14 =	vshll.u32 v14, v1;
	v15 =	vor.u32 v3, v11;
	v11 =	vbroadcast v13, $0x0;
	v10 =	vld.idx.msk [tilespmem:v9+s22+$0x0], $0xffff  }
0x360: {  	s1 =	sshll.u32 s1, $0x13;
	s7 =	sshll.u32 s26, $0x2;
	v18 =	vmov s28;
	v9 =	vbroadcast v14, $0x0;
	v13 =	vld.idx.msk [tilespmem:v12+s22+$0x0], $0xffff;
	v14 =	vor.u32 v3, v17  }
0x361: {  	s1 =	sor.u32 s1, s7;
	s29 =	simm.s32 $0x1210;
	v12 =	vld.idx.msk [tilespmem:v16+s22+$0x0], $0xffff;
	v16 =	vor.u32 v3, v11;
	v17 =	vshrl.u32 v18, $0x3  }
0x362: {  	s7 =	simm.s32 $0x1E1C;
	s8 =	simm.s32 $0x0;
	s11 =	simm.s32 $0x1E2C;
	v11 =	vld.idx.msk [tilespmem:v19+s22+$0x0], $0xffff;
	v9 =	vor.u32 v3, v9;
	v18 =	vshll.u32 v17, v1;
	v17 =	vmov s29  }
.LBB2_19:
0x363: {  	s12 =	sadd.s32 $0xFFFFF5F4, s7  }
0x364: {  	v18 =	vbroadcast v18, $0x0;
	v17 =	vshrl.u32 v17, $0x3;
	v15 =	vld.idx.msk [tilespmem:v15+s22+$0x0], $0xffff;
	s8 =	sadd.s32 $0x100, s8;
	s10 =	smov.u32 s11;
	s9 =	sadd.s32 $0x10, s11  }
0x365: {  	p0 =	sne.s32 s11, $0x1FFC;
	v17 =	vshll.u32 v17, v1;
	v19 =	vmov s12;
	v14 =	vld.idx.msk [tilespmem:v14+s22+$0x0], $0xffff  }
0x366: {  	s11 =	sadd.s32 $0xFFFFF7F4, s7;
	v7 =	vmul.f32 v10, v7;
	v18 =	vor.u32 v0, v18;
	v17 =	vbroadcast v17, $0x0  }
0x367: {  	v10 =	vshrl.u32 v19, $0x3;
	v19 =	vmov s11;
	v6 =	vmul.f32 v13, v6;
	v13 =	vld.idx.msk [tilespmem:v16+s22+$0x0], $0xffff  }
0x368: {  	s11 =	sadd.s32 $0xFFFFF9F4, s7;
	v7 =	vadd.f32 $0.0e+00, v7;
	v16 =	vor.u32 v0, v17;
	v17 =	vshrl.u32 v19, $0x3;
	v19 =	vld [tilespmem:s5+$0x14840]  }
0x369: {  	v20 =	vmov s11;
	v4 =	vmul.f32 v12, v4;
	v17 =	vshll.u32 v17, v1;
	v9 =	vld.idx.msk [tilespmem:v9+s22+$0x0], $0xffff  }
0x36a: {  	s11 =	sadd.s32 $0xFFFFFBF4, s7;
	v6 =	vadd.f32 v6, v7;
	v12 =	vbroadcast v17, $0x0;
	v17 =	vshrl.u32 v20, $0x3;
	v7 =	vld [tilespmem:s5+$0x14040]  }
0x36b: {  	s12 =	sshra.s32 s8, $0x2;
	v8 =	vmul.f32 v11, v8;
	v20 =	vmov s11;
	v17 =	vshll.u32 v17, v1  }
0x36c: {  	s11 =	sadd.s32 $0xFFFFFDF4, s7;
	v4 =	vadd.f32 v4, v6;
	v11 =	vld [tilespmem:s12+$0x12010];
	v12 =	vor.u32 v0, v12;
	v17 =	vbroadcast v17, $0x0  }
0x36d: {  	v6 =	vshrl.u32 v20, $0x3;
	v20 =	vmov s11;
	v14 =	vmul.f32 v14, v19  }
0x36e: {  	s11 =	sadd.s32 $0xFFFFFFF4, s7;
	v19 =	vshrl.u32 v20, $0x3;
	v4 =	vadd.f32 v8, v4;
	v17 =	vor.u32 v0, v17  }
0x36f: {  	v20 =	vmov s11;
	v19 =	vshll.u32 v19, v1;
	v8 =	vld [tilespmem:s12+$0x13010];
	v7 =	vmul.f32 v15, v7  }
0x370: {  	v10 =	vshll.u32 v10, v1;
	v15 =	vbroadcast v19, $0x0;
	v19 =	vshrl.u32 v20, $0x3;
	v20 =	vld [tilespmem:s5+$0x15840]  }
0x371: {  	v10 =	vbroadcast v10, $0x0;
	v19 =	vshll.u32 v19, v1;
	v4 =	vadd.f32 v7, v4  }
0x372: {  	v5 =	vmul.f32 v9, v5;
	v7 =	vor.u32 v0, v15;
	v15 =	vbroadcast v19, $0x0  }
0x373: {  	v6 =	vshll.u32 v6, v1;
	v4 =	vadd.f32 v14, v4  }
0x374: {  	v6 =	vbroadcast v6, $0x0;
	v9 =	vor.u32 v0, v15  }
0x375: {  	v4 =	vadd.f32 v5, v4;
	v5 =	vmul.f32 v13, v20  }
0x376: {  	v10 =	vor.u32 v0, v10  }
0x377: {  	v4 =	vadd.f32 v5, v4;
	_ =	sdelay $0x1  }
0x378: {  	s11 =	sadd.s32 $0xFFFFF1F8, s7;
	[tilespmem:s5+$0x16840] =	vst v4;
	s5 =	smov.u32 s12  }
0x379: {  	v4 =	vmov s11  }
0x37a: {  	s11 =	sadd.s32 $0xFFFFF3F8, s7;
	v4 =	vshrl.u32 v4, $0x3;
	v5 =	vld [tilespmem:s5+$0x15010]  }
0x37b: {  	v14 =	vmov s11;
	v4 =	vshll.u32 v4, v1;
	v13 =	vld.idx.msk [tilespmem:v16+s22+$0x0], $0xffff  }
0x37c: {  	v4 =	vbroadcast v4, $0x0;
	v15 =	vld.idx.msk [tilespmem:v18+s22+$0x0], $0xffff  }
0x37d: {  	s11 =	sadd.s32 $0xFFFFF5F8, s7;
	v14 =	vshrl.u32 v14, $0x3;
	v10 =	vld.idx.msk [tilespmem:v10+s22+$0x0], $0xffff  }
0x37e: {  	v18 =	vmov s11;
	v16 =	vld [tilespmem:s5+$0x14810]  }
0x37f: {  	s11 =	sadd.s32 $0xFFFFF7F8, s7;
	v19 =	vor.u32 v3, v4;
	v4 =	vshll.u32 v14, v1;
	v14 =	vshrl.u32 v18, $0x3;
	v12 =	vld.idx.msk [tilespmem:v12+s22+$0x0], $0xffff  }
0x380: {  	v4 =	vbroadcast v4, $0x0;
	v14 =	vshll.u32 v14, v1;
	v18 =	vld [tilespmem:s5+$0x12810]  }
0x381: {  	v6 =	vor.u32 v0, v6;
	v21 =	vmov s11;
	s11 =	sadd.s32 $0xFFFFF9F8, s7;
	v14 =	vbroadcast v14, $0x0;
	v20 =	vld [tilespmem:s5+$0x13810]  }
0x382: {  	v11 =	vmul.f32 v15, v11;
	v15 =	vld.idx.msk [tilespmem:v17+s22+$0x0], $0xffff;
	v17 =	vor.u32 v3, v4;
	v4 =	vshrl.u32 v21, $0x3  }
0x383: {  	s12 =	sadd.s32 $0xFFFFFBF8, s7;
	v14 =	vor.u32 v3, v14;
	v8 =	vmul.f32 v10, v8;
	v10 =	vld [tilespmem:s5+$0x12020];
	v4 =	vshll.u32 v4, v1  }
0x384: {  	v23 =	vmov s12;
	s12 =	sadd.s32 $0xFFFFFDF8, s7;
	v11 =	vadd.f32 $0.0e+00, v11;
	v21 =	vld [tilespmem:s5+$0x14010];
	v22 =	vbroadcast v4, $0x0  }
0x385: {  	v13 =	vmul.f32 v13, v18;
	v4 =	vld [tilespmem:s5+$0x14820];
	v18 =	vshrl.u32 v23, $0x3;
	v23 =	vmov s12  }
0x386: {  	v24 =	vld [tilespmem:s5+$0x12820];
	v22 =	vor.u32 v3, v22;
	v18 =	vshll.u32 v18, v1;
	v23 =	vshrl.u32 v23, $0x3  }
0x387: {  	s12 =	sadd.s32 $0xFFFFFFF8, s7;
	v11 =	vadd.f32 v13, v11;
	v6 =	vld.idx.msk [tilespmem:v6+s22+$0x0], $0xffff;
	v13 =	vbroadcast v18, $0x0;
	v18 =	vshll.u32 v23, v1  }
0x388: {  	v12 =	vmul.f32 v12, v20;
	v20 =	vmov s12;
	v7 =	vld.idx.msk [tilespmem:v7+s22+$0x0], $0xffff;
	v18 =	vbroadcast v18, $0x0  }
0x389: {  	v20 =	vshrl.u32 v20, $0x3;
	v8 =	vadd.f32 v8, v11;
	v11 =	vld [tilespmem:s5+$0x13020];
	v13 =	vor.u32 v3, v13  }
0x38a: {  	v25 =	vmov s11;
	v20 =	vshll.u32 v20, v1;
	v23 =	vld [tilespmem:s5+$0x13820];
	v18 =	vor.u32 v3, v18  }
0x38b: {  	v8 =	vadd.f32 v12, v8;
	v12 =	vmul.f32 v15, v21;
	v9 =	vld.idx.msk [tilespmem:v9+s22+$0x0], $0xffff;
	v15 =	vbroadcast v20, $0x0  }
0x38c: {  	v21 =	vshrl.u32 v25, $0x3;
	v20 =	vld [tilespmem:s5+$0x15810]  }
0x38d: {  	v6 =	vmul.f32 v6, v16;
	v8 =	vadd.f32 v12, v8;
	v12 =	vor.u32 v3, v15  }
0x38e: {  	v15 =	vshll.u32 v21, v1  }
0x38f: {  	v5 =	vmul.f32 v7, v5;
	v7 =	vbroadcast v15, $0x0;
	v6 =	vadd.f32 v6, v8  }
0x390: {  	v8 =	vld [tilespmem:s5+$0x15020]  }
0x391: {  	v5 =	vadd.f32 v5, v6;
	v6 =	vmul.f32 v9, v20;
	_ =	sdelay $0x1  }
0x392: {  	s11 =	sadd.s32 $0xFFFFF1FC, s7;
	v5 =	vadd.f32 v6, v5  }
0x393: {  	s12 =	sadd.s32 $0xFFFFF5FC, s7;
	v6 =	vmov s11;
	s11 =	sadd.s32 $0xFFFFF3FC, s7  }
0x394: {  	[tilespmem:s5+$0x16810] =	vst v5;
	v5 =	vmov s11  }
0x395: {  	v15 =	vmov s12;
	v6 =	vshrl.u32 v6, $0x3;
	v9 =	vld.idx.msk [tilespmem:v19+s22+$0x0], $0xffff;
	v5 =	vshrl.u32 v5, $0x3  }
0x396: {  	v15 =	vshrl.u32 v15, $0x3;
	v6 =	vshll.u32 v6, v1;
	v16 =	vld.idx.msk [tilespmem:v17+s22+$0x0], $0xffff  }
0x397: {  	v15 =	vshll.u32 v15, v1;
	v6 =	vbroadcast v6, $0x0  }
0x398: {  	v7 =	vor.u32 v3, v7;
	v15 =	vbroadcast v15, $0x0;
	v5 =	vshll.u32 v5, v1;
	v14 =	vld.idx.msk [tilespmem:v14+s22+$0x0], $0xffff  }
0x399: {  	s11 =	sadd.s32 $0xFFFFF7FC, s7;
	v6 =	vor.u32 v0, v6;
	v5 =	vbroadcast v5, $0x0  }
0x39a: {  	v15 =	vor.u32 v0, v15;
	v19 =	vmov s11;
	v17 =	vld.idx.msk [tilespmem:v22+s22+$0x0], $0xffff  }
0x39b: {  	s11 =	sadd.s32 $0xFFFFF9FC, s7;
	v19 =	vshrl.u32 v19, $0x3;
	v5 =	vor.u32 v0, v5;
	v9 =	vmul.f32 v9, v10;
	v10 =	vld [tilespmem:s5+$0x12830]  }
0x39c: {  	v21 =	vmov s11;
	v19 =	vshll.u32 v19, v1;
	v16 =	vmul.f32 v16, v24;
	v20 =	vld [tilespmem:s5+$0x12030]  }
0x39d: {  	s11 =	sadd.s32 $0xFFFFFBFC, s7;
	v21 =	vshrl.u32 v21, $0x3;
	v19 =	vbroadcast v19, $0x0;
	v9 =	vadd.f32 $0.0e+00, v9;
	v7 =	vld.idx.msk [tilespmem:v7+s22+$0x0], $0xffff  }
0x39e: {  	v11 =	vmul.f32 v14, v11;
	v14 =	vshll.u32 v21, v1;
	v21 =	vmov s11;
	s11 =	sadd.s32 $0xFFFFFDFC, s7  }
0x39f: {  	v19 =	vor.u32 v0, v19;
	v9 =	vadd.f32 v16, v9;
	v14 =	vbroadcast v14, $0x0;
	v16 =	vld [tilespmem:s5+$0x14020]  }
0x3a0: {  	v21 =	vshrl.u32 v21, $0x3;
	v22 =	vmov s11;
	v17 =	vmul.f32 v17, v23;
	v13 =	vld.idx.msk [tilespmem:v13+s22+$0x0], $0xffff  }
0x3a1: {  	s11 =	sadd.s32 $0xFFFFFFFC, s7;
	v9 =	vadd.f32 v11, v9;
	v14 =	vor.u32 v0, v14;
	v11 =	vld.idx.msk [tilespmem:v18+s22+$0x0], $0xffff;
	v18 =	vshrl.u32 v22, $0x3  }
0x3a2: {  	v21 =	vshll.u32 v21, v1;
	v23 =	vmov s11;
	v22 =	vld [tilespmem:s5+$0x13030];
	v18 =	vshll.u32 v18, v1  }
0x3a3: {  	v23 =	vshrl.u32 v23, $0x3;
	v9 =	vadd.f32 v17, v9;
	v17 =	vld [tilespmem:s5+$0x13830];
	v18 =	vbroadcast v18, $0x0  }
0x3a4: {  	v7 =	vmul.f32 v7, v16;
	v12 =	vld.idx.msk [tilespmem:v12+s22+$0x0], $0xffff;
	v16 =	vbroadcast v21, $0x0;
	v21 =	vshll.u32 v23, v1  }
0x3a5: {  	v23 =	vld [tilespmem:s5+$0x15820];
	v18 =	vor.u32 v0, v18;
	v21 =	vbroadcast v21, $0x0  }
0x3a6: {  	v4 =	vmul.f32 v13, v4;
	v7 =	vadd.f32 v7, v9  }
0x3a7: {  	v8 =	vmul.f32 v11, v8;
	v9 =	vor.u32 v0, v21  }
0x3a8: {  	v4 =	vadd.f32 v4, v7;
	_ =	sdelay $0x1  }
0x3a9: {  	v4 =	vadd.f32 v8, v4;
	v7 =	vmul.f32 v12, v23;
	_ =	sdelay $0x1  }
0x3aa: {  	s13 =	sadd.s32 $0xFFFFFA00, s7;
	s12 =	sadd.s32 $0xFFFFF800, s7;
	s11 =	sadd.s32 $0xFFFFF200, s7;
	v4 =	vadd.f32 v7, v4  }
0x3ab: {  	s17 =	sadd.s32 $0xFFFFF600, s7;
	v8 =	vmov s12;
	v7 =	vmov s11;
	s11 =	sadd.s32 $0xFFFFF400, s7  }
0x3ac: {  	[tilespmem:s5+$0x16820] =	vst v4;
	v11 =	vld [tilespmem:s5+$0x14030];
	v4 =	vmov s13  }
0x3ad: {  	v12 =	vld.idx.msk [tilespmem:v6+s22+$0x0], $0xffff;
	v6 =	vshrl.u32 v7, $0x3;
	v7 =	vmov s11;
	v4 =	vshrl.u32 v4, $0x3  }
0x3ae: {  	v13 =	vmov s17;
	v5 =	vld.idx.msk [tilespmem:v5+s22+$0x0], $0xffff;
	v4 =	vshll.u32 v4, v1  }
0x3af: {  	v6 =	vshll.u32 v6, v1;
	v7 =	vshrl.u32 v7, $0x3;
	v15 =	vld.idx.msk [tilespmem:v15+s22+$0x0], $0xffff;
	v21 =	vbroadcast v4, $0x0  }
0x3b0: {  	v16 =	vor.u32 v0, v16;
	v13 =	vshrl.u32 v13, $0x3;
	v8 =	vshrl.u32 v8, $0x3;
	v19 =	vld.idx.msk [tilespmem:v19+s22+$0x0], $0xffff  }
0x3b1: {  	v13 =	vshll.u32 v13, v1;
	v23 =	vbroadcast v6, $0x0;
	v7 =	vshll.u32 v7, v1;
	v4 =	vld [tilespmem:s5+$0x13040]  }
0x3b2: {  	v13 =	vbroadcast v13, $0x0;
	v8 =	vshll.u32 v8, v1;
	v24 =	vbroadcast v7, $0x0;
	v6 =	vld [tilespmem:s5+$0x12840]  }
0x3b3: {  	v8 =	vbroadcast v8, $0x0;
	v12 =	vmul.f32 v12, v20;
	v20 =	vor.u32 v3, v23;
	v7 =	vld [tilespmem:s5+$0x12040]  }
0x3b4: {  	v23 =	vor.u32 v3, v24;
	v5 =	vmul.f32 v5, v10;
	v10 =	vld.idx.msk [tilespmem:v14+s22+$0x0], $0xffff  }
0x3b5: {  	v12 =	vadd.f32 $0.0e+00, v12;
	v14 =	vmul.f32 v15, v22;
	v22 =	vor.u32 v3, v8;
	v15 =	vld.idx.msk [tilespmem:v18+s22+$0x0], $0xffff  }
0x3b6: {  	v8 =	vmul.f32 v19, v17;
	v9 =	vld.idx.msk [tilespmem:v9+s22+$0x0], $0xffff  }
0x3b7: {  	v5 =	vadd.f32 v5, v12;
	v12 =	vld.idx.msk [tilespmem:v16+s22+$0x0], $0xffff  }
0x3b8: {  	v16 =	vld [tilespmem:s5+$0x14830]  }
0x3b9: {  	v5 =	vadd.f32 v14, v5  }
0x3ba: {  	v14 =	vld [tilespmem:s5+$0x15030]  }
0x3bb: {  	v5 =	vadd.f32 v8, v5;
	v8 =	vmul.f32 v10, v11  }
0x3bc: {  	v10 =	vld [tilespmem:s5+$0x15830]  }
0x3bd: {  	v5 =	vadd.f32 v8, v5;
	v8 =	vmul.f32 v12, v16;
	_ =	sdelay $0x1  }
0x3be: {  	v5 =	vadd.f32 v8, v5;
	v8 =	vmul.f32 v15, v14  }
0x3bf: {  	s11 =	sadd.s32 $0xFFFFFC00, s7  }
0x3c0: {  	v8 =	vadd.f32 v8, v5;
	v9 =	vmul.f32 v9, v10;
	v10 =	vmov s11;
	v5 =	vld [tilespmem:s5+$0x15040];
	s11 =	sadd.s32 $0xFFFFFE00, s7  }
0x3c1: {  	v12 =	vmov s7;
	s7 =	smov.u32 s10;
	v10 =	vshrl.u32 v10, $0x3;
	v11 =	vmov s11  }
0x3c2: {  	v8 =	vadd.f32 v9, v8;
	v9 =	vor.u32 v3, v13;
	v10 =	vshll.u32 v10, v1  }
0x3c3: {  	v13 =	vbroadcast v10, $0x0;
	v10 =	vshrl.u32 v11, $0x3;
	v11 =	vshrl.u32 v12, $0x3  }
.Ltmp8:
0x3c4: {  	v15 =	vor.u32 v3, v21;
	[tilespmem:s5+$0x16830] =	vst v8;
	v8 =	vld [tilespmem:s5+$0x13840];
	v12 =	vshll.u32 v10, v1;
	v11 =	vshll.u32 v11, v1;
	(pc) =	sbr.rel @p0 .LBB2_19-.Ltmp8, $4  }
0x3c5: {  	s10 =	sadd.s32 $0xFFFFF1F4, s7;
	v10 =	vld.idx.msk [tilespmem:v20+s22+$0x0], $0xffff;
	v14 =	vor.u32 v3, v13;
	v16 =	vbroadcast v12, $0x0;
	v11 =	vbroadcast v11, $0x0  }
0x3c6: {  	v12 =	vmov s10;
	v13 =	vld.idx.msk [tilespmem:v23+s22+$0x0], $0xffff  }
0x3c7: {  	s10 =	sadd.s32 $0xFFFFF3F4, s7;
	v17 =	vshrl.u32 v12, $0x3;
	v12 =	vld.idx.msk [tilespmem:v9+s22+$0x0], $0xffff;
	v9 =	vor.u32 v3, v16;
	v16 =	vor.u32 v3, v11  }
0x3c8: {  	s11 =	smov.u32 s9;
	v18 =	vshll.u32 v17, v1;
	v17 =	vmov s10;
	v11 =	vld.idx.msk [tilespmem:v22+s22+$0x0], $0xffff  }
0x3c9: {  	_ =	sdelay $0x1  }
0x3ca: {  	v7 =	vmul.f32 v10, v7;
	_ =	sdelay $0x1  }
0x3cb: {  	v57 =	vld.idx.msk [tilespmem:v15+s22+$0x0], $0xffff;
	v6 =	vmul.f32 v13, v6;
	v7 =	vadd.f32 $0.0e+00, v7  }
0x3cc: {  	v58 =	vld [tilespmem:s5+$0x14040]  }
0x3cd: {  	v14 =	vld.idx.msk [tilespmem:v14+s22+$0x0], $0xffff;
	v4 =	vmul.f32 v12, v4;
	v6 =	vadd.f32 v6, v7  }
0x3ce: {  	v59 =	vld [tilespmem:s5+$0x14840]  }
0x3cf: {  	v8 =	vmul.f32 v11, v8;
	v4 =	vadd.f32 v4, v6  }
0x3d0: {  	v60 =	vld.idx.msk [tilespmem:v9+s22+$0x0], $0xffff  }
0x3d1: {  	v61 =	vld.idx.msk [tilespmem:v16+s22+$0x0], $0xffff;
	v62 =	vmul.f32 v57, v58;
	v4 =	vadd.f32 v8, v4  }
0x3d2: {  	v16 =	vld [tilespmem:s5+$0x15840]  }
0x3d3: {  	v7 =	vmul.f32 v14, v59;
	v4 =	vadd.f32 v62, v4  }
0x3d4: {  	v63 =	vbroadcast v18, $0x0;
	v17 =	vshrl.u32 v17, $0x3  }
0x3d5: {  	s9 =	sadd.s32 $0xFFFFF5F4, s7;
	v18 =	vshll.u32 v17, v1;
	v5 =	vmul.f32 v60, v5;
	v4 =	vadd.f32 v7, v4  }
0x3d6: {  	v19 =	vmov s9;
	v10 =	vor.u32 v0, v63;
	v20 =	vbroadcast v18, $0x0  }
0x3d7: {  	s26 =	sadd.s32 $0xFFFFF7F4, s7;
	v21 =	vshrl.u32 v19, $0x3;
	v4 =	vadd.f32 v5, v4;
	v5 =	vmul.f32 v61, v16  }
0x3d8: {  	s8 =	sadd.s32 $0x100, s8;
	v22 =	vmov s26;
	v6 =	vor.u32 v0, v20;
	v7 =	vshll.u32 v21, v1  }
0x3d9: {  	s28 =	sadd.s32 $0xFFFFF9F4, s7;
	s8 =	sshra.s32 s8, $0x2;
	v8 =	vshrl.u32 v22, $0x3;
	v7 =	vbroadcast v7, $0x0;
	v4 =	vadd.f32 v5, v4  }
0x3da: {  	v23 =	vmov s28;
	v24 =	vld [tilespmem:s8+$0x12010];
	v8 =	vshll.u32 v8, v1  }
0x3db: {  	s29 =	sadd.s32 $0xFFFFFBF4, s7;
	s9 =	sadd.s32 $0xFFFFFDF4, s7;
	v25 =	vshrl.u32 v23, $0x3;
	v26 =	vld [tilespmem:s8+$0x13010];
	v7 =	vor.u32 v0, v7;
	v5 =	vbroadcast v8, $0x0;
	[tilespmem:s5+$0x16840] =	vst v4  }
0x3dc: {  	v27 =	vmov s9;
	v8 =	vshll.u32 v25, v1;
	v4 =	vmov s29;
	v10 =	vld.idx.msk [tilespmem:v10+s22+$0x0], $0xffff  }
0x3dd: {  	s10 =	sadd.s32 $0xFFFFFFF4, s7;
	v8 =	vbroadcast v8, $0x0;
	v5 =	vor.u32 v0, v5;
	v4 =	vshrl.u32 v4, $0x3;
	v6 =	vld.idx.msk [tilespmem:v6+s22+$0x0], $0xffff  }
0x3de: {  	v29 =	vmov s10;
	v12 =	vshrl.u32 v27, $0x3;
	v28 =	vld [tilespmem:s8+$0x12810];
	v4 =	vshll.u32 v4, v1  }
0x3df: {  	v12 =	vshll.u32 v12, v1;
	v8 =	vor.u32 v0, v8;
	v4 =	vbroadcast v4, $0x0  }
0x3e0: {  	v12 =	vbroadcast v12, $0x0;
	v14 =	vshrl.u32 v29, $0x3;
	v7 =	vld.idx.msk [tilespmem:v7+s22+$0x0], $0xffff  }
0x3e1: {  	v14 =	vshll.u32 v14, v1;
	v31 =	vld [tilespmem:s8+$0x13810];
	v4 =	vor.u32 v0, v4;
	v10 =	vmul.f32 v10, v24  }
0x3e2: {  	v30 =	vbroadcast v14, $0x0;
	v5 =	vld.idx.msk [tilespmem:v5+s22+$0x0], $0xffff  }
0x3e3: {  	v12 =	vor.u32 v0, v12;
	v32 =	vld [tilespmem:s8+$0x14010];
	v6 =	vmul.f32 v6, v28;
	v10 =	vadd.f32 $0.0e+00, v10  }
0x3e4: {  	v11 =	vor.u32 v0, v30;
	v8 =	vld.idx.msk [tilespmem:v8+s22+$0x0], $0xffff  }
0x3e5: {  	v33 =	vld [tilespmem:s8+$0x14810];
	v7 =	vmul.f32 v7, v26;
	v6 =	vadd.f32 v6, v10  }
0x3e6: {  	v4 =	vld.idx.msk [tilespmem:v4+s22+$0x0], $0xffff  }
0x3e7: {  	v34 =	vld [tilespmem:s8+$0x15010];
	v5 =	vmul.f32 v5, v31;
	v6 =	vadd.f32 v7, v6  }
0x3e8: {  	s11 =	sadd.s32 $0xFFFFF1F8, s7;
	v36 =	vld.idx.msk [tilespmem:v12+s22+$0x0], $0xffff  }
0x3e9: {  	s12 =	sadd.s32 $0xFFFFF3F8, s7;
	s13 =	sadd.s32 $0xFFFFF5F8, s7;
	v35 =	vmov s11;
	v38 =	vld.idx.msk [tilespmem:v11+s22+$0x0], $0xffff;
	v37 =	vmul.f32 v8, v32;
	v5 =	vadd.f32 v5, v6  }
0x3ea: {  	v40 =	vmov s12;
	v43 =	vmov s13;
	v39 =	vld [tilespmem:s8+$0x15810];
	v7 =	vshrl.u32 v35, $0x3  }
0x3eb: {  	v7 =	vshll.u32 v7, v1;
	v4 =	vmul.f32 v4, v33;
	v5 =	vadd.f32 v37, v5  }
0x3ec: {  	v42 =	vshrl.u32 v40, $0x3;
	v44 =	vshrl.u32 v43, $0x3;
	v41 =	vbroadcast v7, $0x0  }
0x3ed: {  	v7 =	vshll.u32 v42, v1;
	v4 =	vadd.f32 v4, v5;
	v5 =	vmul.f32 v36, v34  }
0x3ee: {  	v9 =	vshll.u32 v44, v1;
	v7 =	vbroadcast v7, $0x0  }
0x3ef: {  	s17 =	sadd.s32 $0xFFFFF7F8, s7;
	v6 =	vor.u32 v3, v41;
	v4 =	vadd.f32 v5, v4;
	v5 =	vmul.f32 v38, v39  }
0x3f0: {  	v46 =	vmov s17;
	v45 =	vbroadcast v9, $0x0  }
0x3f1: {  	s18 =	sadd.s32 $0xFFFFF9F8, s7;
	v9 =	vshrl.u32 v46, $0x3;
	v7 =	vor.u32 v3, v7;
	v4 =	vadd.f32 v5, v4  }
0x3f2: {  	v47 =	vmov s18;
	v5 =	vshll.u32 v9, v1  }
0x3f3: {  	s19 =	sadd.s32 $0xFFFFFBF8, s7;
	s23 =	sadd.s32 $0xFFFFFFF8, s7;
	v48 =	vshrl.u32 v47, $0x3;
	v49 =	vld [tilespmem:s8+$0x12020];
	v8 =	vor.u32 v3, v45;
	v5 =	vbroadcast v5, $0x0;
	[tilespmem:s8+$0x16810] =	vst v4  }
0x3f4: {  	v52 =	vmov s23;
	v9 =	vshll.u32 v48, v1;
	v4 =	vmov s19;
	v6 =	vld.idx.msk [tilespmem:v6+s22+$0x0], $0xffff  }
0x3f5: {  	s20 =	sadd.s32 $0xFFFFFDF8, s7;
	v51 =	vld [tilespmem:s8+$0x12820];
	v9 =	vbroadcast v9, $0x0;
	v4 =	vshrl.u32 v4, $0x3;
	v5 =	vor.u32 v3, v5  }
0x3f6: {  	v50 =	vmov s20;
	v13 =	vshrl.u32 v52, $0x3;
	v7 =	vld.idx.msk [tilespmem:v7+s22+$0x0], $0xffff;
	v4 =	vshll.u32 v4, v1  }
0x3f7: {  	v11 =	vshrl.u32 v50, $0x3;
	v53 =	vld [tilespmem:s8+$0x13020];
	v9 =	vor.u32 v3, v9;
	v4 =	vbroadcast v4, $0x0  }
0x3f8: {  	v13 =	vshll.u32 v13, v1;
	v11 =	vshll.u32 v11, v1;
	v8 =	vld.idx.msk [tilespmem:v8+s22+$0x0], $0xffff  }
0x3f9: {  	v54 =	vld [tilespmem:s8+$0x13820];
	v11 =	vbroadcast v11, $0x0;
	v4 =	vor.u32 v3, v4;
	v6 =	vmul.f32 v6, v49  }
0x3fa: {  	v55 =	vbroadcast v13, $0x0;
	v5 =	vld.idx.msk [tilespmem:v5+s22+$0x0], $0xffff  }
0x3fb: {  	v56 =	vld [tilespmem:s8+$0x14020];
	v11 =	vor.u32 v3, v11;
	v7 =	vmul.f32 v7, v51;
	v6 =	vadd.f32 $0.0e+00, v6  }
0x3fc: {  	v9 =	vld.idx.msk [tilespmem:v9+s22+$0x0], $0xffff  }
0x3fd: {  	v57 =	vld [tilespmem:s8+$0x14820];
	v10 =	vor.u32 v3, v55;
	v8 =	vmul.f32 v8, v53;
	v6 =	vadd.f32 v7, v6  }
0x3fe: {  	v4 =	vld.idx.msk [tilespmem:v4+s22+$0x0], $0xffff  }
0x3ff: {  	v58 =	vld [tilespmem:s8+$0x15020];
	v5 =	vmul.f32 v5, v54;
	v6 =	vadd.f32 v8, v6  }
0x400: {  	s26 =	sadd.s32 $0xFFFFF1FC, s7;
	v59 =	vld.idx.msk [tilespmem:v11+s22+$0x0], $0xffff  }
0x401: {  	s28 =	sadd.s32 $0xFFFFF3FC, s7;
	v60 =	vmov s26;
	v17 =	vld [tilespmem:s8+$0x15820];
	v61 =	vmul.f32 v9, v56;
	v5 =	vadd.f32 v5, v6  }
0x402: {  	v63 =	vmov s28;
	v62 =	vld.idx.msk [tilespmem:v10+s22+$0x0], $0xffff;
	v11 =	vshrl.u32 v60, $0x3  }
0x403: {  	s10 =	sadd.s32 $0xFFFFF7FC, s7;
	v11 =	vshll.u32 v11, v1;
	v4 =	vmul.f32 v4, v57;
	v5 =	vadd.f32 v61, v5  }
0x404: {  	v18 =	vshrl.u32 v63, $0x3;
	v21 =	vmov s10;
	s29 =	sadd.s32 $0xFFFFF5FC, s7;
	v11 =	vbroadcast v11, $0x0  }
0x405: {  	v16 =	vmov s29;
	v7 =	vmul.f32 v59, v58;
	v4 =	vadd.f32 v4, v5  }
0x406: {  	v19 =	vshrl.u32 v16, $0x3;
	v20 =	vor.u32 v0, v11;
	v6 =	vshll.u32 v18, v1  }
0x407: {  	v22 =	vmul.f32 v62, v17;
	v6 =	vbroadcast v6, $0x0;
	v4 =	vadd.f32 v7, v4  }
0x408: {  	v23 =	vshrl.u32 v21, $0x3;
	v5 =	vshll.u32 v19, v1  }
0x409: {  	s11 =	sadd.s32 $0xFFFFF9FC, s7;
	s13 =	sadd.s32 $0xFFFFFDFC, s7;
	v6 =	vor.u32 v0, v6;
	v5 =	vbroadcast v5, $0x0;
	v4 =	vadd.f32 v22, v4  }
0x40a: {  	v30 =	vmov s13;
	v24 =	vmov s11;
	v9 =	vshll.u32 v23, v1  }
0x40b: {  	s12 =	sadd.s32 $0xFFFFFBFC, s7;
	v25 =	vld [tilespmem:s8+$0x12030];
	v9 =	vbroadcast v9, $0x0;
	v7 =	vshrl.u32 v24, $0x3;
	v5 =	vor.u32 v0, v5;
	[tilespmem:s8+$0x16820] =	vst v4  }
0x40c: {  	v12 =	vshrl.u32 v30, $0x3;
	v26 =	vmov s12;
	v4 =	vshll.u32 v7, v1;
	v8 =	vld.idx.msk [tilespmem:v20+s22+$0x0], $0xffff  }
0x40d: {  	v29 =	vld [tilespmem:s8+$0x12830];
	v28 =	vshrl.u32 v26, $0x3;
	v27 =	vor.u32 v0, v9;
	v4 =	vbroadcast v4, $0x0  }
0x40e: {  	s17 =	sadd.s32 $0xFFFFFFFC, s7;
	v12 =	vshll.u32 v12, v1;
	v9 =	vshll.u32 v28, v1;
	v6 =	vld.idx.msk [tilespmem:v6+s22+$0x0], $0xffff  }
0x40f: {  	v31 =	vld [tilespmem:s8+$0x13030];
	v32 =	vmov s17;
	v9 =	vbroadcast v9, $0x0;
	v4 =	vor.u32 v0, v4  }
0x410: {  	v12 =	vbroadcast v12, $0x0;
	v14 =	vshrl.u32 v32, $0x3;
	v5 =	vld.idx.msk [tilespmem:v5+s22+$0x0], $0xffff  }
0x411: {  	v14 =	vshll.u32 v14, v1;
	v33 =	vld [tilespmem:s8+$0x13830];
	v9 =	vor.u32 v0, v9;
	v8 =	vmul.f32 v8, v25  }
0x412: {  	v35 =	vbroadcast v14, $0x0;
	v7 =	vld.idx.msk [tilespmem:v27+s22+$0x0], $0xffff  }
0x413: {  	v34 =	vor.u32 v0, v12;
	v36 =	vld [tilespmem:s8+$0x14030];
	v6 =	vmul.f32 v6, v29;
	v8 =	vadd.f32 $0.0e+00, v8  }
0x414: {  	v4 =	vld.idx.msk [tilespmem:v4+s22+$0x0], $0xffff  }
0x415: {  	v37 =	vor.u32 v0, v35;
	v39 =	vld [tilespmem:s8+$0x14830];
	v5 =	vmul.f32 v5, v31;
	v6 =	vadd.f32 v6, v8  }
0x416: {  	v38 =	vld.idx.msk [tilespmem:v9+s22+$0x0], $0xffff  }
0x417: {  	v40 =	vld [tilespmem:s8+$0x15030];
	v7 =	vmul.f32 v7, v33;
	v5 =	vadd.f32 v5, v6  }
0x418: {  	s18 =	sadd.s32 $0xFFFFF200, s7;
	v10 =	vld.idx.msk [tilespmem:v34+s22+$0x0], $0xffff  }
0x419: {  	s20 =	sadd.s32 $0xFFFFF400, s7;
	v44 =	vld [tilespmem:s8+$0x15830];
	v41 =	vmov s18;
	v4 =	vmul.f32 v4, v36;
	v5 =	vadd.f32 v7, v5  }
0x41a: {  	v43 =	vmov s20;
	v12 =	vshrl.u32 v41, $0x3;
	v11 =	vld.idx.msk [tilespmem:v37+s22+$0x0], $0xffff  }
0x41b: {  	s26 =	sadd.s32 $0xFFFFFA00, s7;
	v12 =	vshll.u32 v12, v1;
	v4 =	vadd.f32 v4, v5;
	v5 =	vmul.f32 v38, v39  }
0x41c: {  	v46 =	vshrl.u32 v43, $0x3;
	v47 =	vmov s26;
	v12 =	vbroadcast v12, $0x0  }
0x41d: {  	s23 =	sadd.s32 $0xFFFFF600, s7;
	v9 =	vshll.u32 v46, v1;
	v4 =	vadd.f32 v5, v4;
	v5 =	vmul.f32 v10, v40  }
0x41e: {  	v45 =	vmov s23;
	v48 =	vor.u32 v3, v12;
	v9 =	vbroadcast v9, $0x0  }
0x41f: {  	s19 =	sadd.s32 $0xFFFFF800, s7;
	v8 =	vshrl.u32 v45, $0x3;
	v4 =	vadd.f32 v5, v4;
	v5 =	vmul.f32 v11, v44  }
0x420: {  	v42 =	vmov s19;
	v9 =	vor.u32 v3, v9;
	v8 =	vshll.u32 v8, v1  }
0x421: {  	v8 =	vbroadcast v8, $0x0;
	v7 =	vshrl.u32 v42, $0x3;
	v4 =	vadd.f32 v5, v4  }
0x422: {  	v6 =	vshrl.u32 v47, $0x3;
	v49 =	vshll.u32 v7, v1  }
0x423: {  	s28 =	sadd.s32 $0xFFFFFC00, s7;
	v50 =	vld [tilespmem:s8+$0x12040];
	s29 =	sadd.s32 $0xFFFFFE00, s7;
	v8 =	vor.u32 v3, v8;
	v5 =	vshll.u32 v6, v1;
	v6 =	vbroadcast v49, $0x0;
	[tilespmem:s8+$0x16830] =	vst v4  }
0x424: {  	v51 =	vmov s28;
	v53 =	vmov s29;
	v10 =	vld.idx.msk [tilespmem:v48+s22+$0x0], $0xffff  }
0x425: {  	v52 =	vld [tilespmem:s8+$0x12840];
	v4 =	vbroadcast v5, $0x0;
	v5 =	vshrl.u32 v51, $0x3;
	v6 =	vor.u32 v3, v6  }
0x426: {  	v12 =	vshrl.u32 v53, $0x3;
	v5 =	vshll.u32 v5, v1;
	v9 =	vld.idx.msk [tilespmem:v9+s22+$0x0], $0xffff  }
0x427: {  	v12 =	vshll.u32 v12, v1;
	v54 =	vld [tilespmem:s8+$0x13040];
	v5 =	vbroadcast v5, $0x0;
	v4 =	vor.u32 v3, v4  }
0x428: {  	v55 =	vmov s7;
	v12 =	vbroadcast v12, $0x0;
	v8 =	vld.idx.msk [tilespmem:v8+s22+$0x0], $0xffff  }
0x429: {  	v14 =	vshrl.u32 v55, $0x3;
	v56 =	vld [tilespmem:s8+$0x13840];
	v5 =	vor.u32 v3, v5;
	v7 =	vmul.f32 v10, v50  }
0x42a: {  	v14 =	vshll.u32 v14, v1;
	v12 =	vor.u32 v3, v12;
	v6 =	vld.idx.msk [tilespmem:v6+s22+$0x0], $0xffff  }
0x42b: {  	v58 =	vld [tilespmem:s8+$0x14040];
	v57 =	vbroadcast v14, $0x0;
	v9 =	vmul.f32 v9, v52;
	v7 =	vadd.f32 $0.0e+00, v7  }
0x42c: {  	v4 =	vld.idx.msk [tilespmem:v4+s22+$0x0], $0xffff  }
0x42d: {  	v59 =	vld [tilespmem:s8+$0x14840];
	v10 =	vor.u32 v3, v57;
	v8 =	vmul.f32 v8, v54;
	v7 =	vadd.f32 v9, v7  }
0x42e: {  	v5 =	vld.idx.msk [tilespmem:v5+s22+$0x0], $0xffff  }
0x42f: {  	v60 =	vld [tilespmem:s8+$0x15040];
	v6 =	vmul.f32 v6, v56;
	v7 =	vadd.f32 v8, v7  }
0x430: {  	v61 =	vld.idx.msk [tilespmem:v12+s22+$0x0], $0xffff  }
0x431: {  	v62 =	vld [tilespmem:s8+$0x15840];
	v4 =	vmul.f32 v4, v58;
	v6 =	vadd.f32 v6, v7  }
0x432: {  	v10 =	vld.idx.msk [tilespmem:v10+s22+$0x0], $0xffff  }
0x433: {  	v5 =	vmul.f32 v5, v59;
	v4 =	vadd.f32 v4, v6;
	_ =	sdelay $0x1  }
0x434: {  	v63 =	vmul.f32 v61, v60;
	v4 =	vadd.f32 v5, v4  }
0x435: {  	s0 =	sadd.s32 $0x1, s0  }
0x436: {  	p0 =	sne.s32 s0, $0x20;
	v5 =	vmul.f32 v10, v62;
	v4 =	vadd.f32 v63, v4  }
.Ltmp9:
0x437: {  	_ = 	snop;
	(pc) =	sbr.rel @p0 .LBB2_6-.Ltmp9, $4  }
0x438: {  	v4 =	vadd.f32 v5, v4  }
0x439: {  	s1 =	sshrl.u32 s1, $0x3  }
0x43a: {  	s30 =	sadd.s32 $0x1, s30;
	s31 =	sadd.s32 $0x1, s31;
	s1 =	sadd.s32 s2, s1;
	[tilespmem:s8+$0x16840] =	vst v4  }
0x43b: {  	[hbm4b:s1+s3] =	stream.linear.scatter [tilespmem:s25], [sflag:$0x4], $0x800, $0x38;
	[tilespmem:$0x17010] =	vst v63  }
0x43c: {  	s0 =	simm.s32 $0x3  }
0x43d: {  	_ =	swait.ge [sflag:s0], $0x800  }
0x43e: {  	[sflag:s0] =	ssyncset.done $0x0  }
0x43f: {  	s1 =	simm.s32 $0x4;
	[sflag:s0] =	ssyncadd.s32 $0xFFFFF800  }
0x440: {  	_ =	swait.ge [sflag:s1], $0x800  }
0x441: {  	s5 =	rddreg [dreg:$0x8]  }
0x442: {  	s31 =	rddreg [dreg:$0x7];
	s5 =	sadd.s32 $0x1, s5  }
0x443: {  	p0 =	sne.s32 s5, s31  }
.Ltmp10:
0x444: {  	_ = 	snop;
	(pc) =	sbr.rel @p0 .LBB2_1-.Ltmp10, $3  }
0x445: {  	_ =	sdelay $0x1  }
0x446: {  	[sflag:s1] =	ssyncset.done $0x0  }
0x447: {  	[sflag:s1] =	ssyncadd.s32 $0xFFFFF800  }
0x448: {  	_ =	sfence.sel $0x180000  }
0x449: {  	[bflag:$0x0] =	sbarrier.arrive $0xFFFF  }
0x44a: {  	_ =	strace $0x9000004D  }
0x44b: {  	s0 =	stileid.u32;
	[bflag:$0x2] =	sbarrier.arrive $0xFFFF  }
0x44c: {  	p0 =	sne.s32 s0, $0x0;
	s0 =	rddreg [dreg:$0x2]  }
0x44d: {  	s0 =	sadd.s32 @!p0 $0x100000, s0  }
0x44e: {  	[sflag:s0] =	ssyncadd.tile.s32 @!p0 $0x1;
	_ =	shalt  }
.Lfunc_end2:
_tile_overlayer_lowered:
.L_overlay_start_2:
0x44f: {  	(tag) =	ssettag $0x2  }
0x450: {  	s0 =	rddreg [dreg:$0x0];
	s2 =	stileid.u32  }
0x451: {  	s1 =	rddreg [dreg:$0x1];
	p0 =	sne.s32 s2, $0x0  }
0x452: {  	s3 =	rddreg [dreg:$0x2];
	[bflag:$0x3] =	sbarrier.arrive $0xFFFF;
	s2 =	simm.s32 @!p0 $0x1C05  }
0x453: {  	[timem:s3], [sflag:s2] =	dma.local @!p0 [hbm:s0], s1  }
0x454: {  	s0 =	simm.s32 @!p0 $0x5  }
0x455: {  	_ =	swait.ge @!p0 [sflag:s0], s1  }
0x456: {  	s1 =	ssub.s32 @!p0 $0x0, s1;
	[sflag:s0] =	ssyncset.done @!p0 $0x0  }
0x457: {  	[sflag:s0] =	ssyncadd.s32 @!p0 s1  }
0x458: {  	[bflag:$0x3] =	sbarrier.arrive $0xFFFF  }
0x459: {  	_ =	shalt  }

// kernel: sparse-core-data-format-call.cloned.1.call-start
scs
called_computation_lowered:
.L_overlay_start_0:
0x0: {  	s2 =	sld [smem:$0x3FD9]  }
0x1: {  	s3 =	sld [smem:$0x3FFE];
	_ =	sdelay $0x1  }
0x2: {  	s1 =	srdreg.scid  }
0x3: {  	s0 =	sand.u32 $0x1, s1  }
0x4: {  	s18 =	sshll.u32 s0, $0xA;
	s2 =	sadd.s32 s3, s2  }
0x5: {  	s2 =	sadd.s32 s2, s18  }
0x6: {  	[smem:$0x3FC2] =	sst s2  }
0x7: {  	_ = 	snop  }
0x8: {  	s2 =	sld [smem:$0x3FC7];
	(tm) =	ssettm $0x1  }
0x9: {  	s19 =	sld [smem:$0x3FFB];
	_ =	sdelay $0x3  }
0xa: {  	_ =	strace s19  }
0xb: {  	s3 =	sld [smem:$0x3FFC];
	_ =	sdelay $0x3  }
0xc: {  	_ =	strace s3  }
0xd: {  	s3 =	sld [smem:$0x3FFD];
	_ =	sdelay $0x3  }
0xe: {  	_ =	strace s3  }
0xf: {  	_ =	strace $0x8FFFFFFF  }
0x10: {  	s20 =	sld [smem:$0x3FDB];
	_ =	sdelay $0x1  }
0x11: {  	s4 =	simm.s32 $_scs_section_size  }
0x12: {  	s5 =	simm.s32 $_size__tile_overlayer_lowered;
	s6 =	simm.s32 $_tile_overlayer_lowered  }
0x13: {  	s23 =	simm.s32 $0x1BFF;
	s22 =	sshll.u32 s6, $0x1;
	s3 =	sadd.s32 s4, s20  }
0x14: {  	s7 =	simm.s32 $0x0;
	s21 =	sshll.u32 s5, $0x1;
	s5 =	sadd.s32 s22, s3  }
0x15: {  	[timem:s7], [sflag:s23] =	dma.local [hbm:s5], s21  }
0x16: {  	_ =	swait.ge [sflag:s23], s21  }
0x17: {  	s4 =	ssub.s32 $0x0, s21;
	[sflag:s23] =	ssyncset.done $0x0  }
0x18: {  	[sflag:s23] =	ssyncadd.s32 s4;
	_ =	sdelay $0x1  }
0x19: {  	s24 =	simm.s32 $0x1B8B  }
0x1a: {  	_ =	swait.ge [sflag:s24], $0x1  }
0x1b: {  	[sflag:s24] =	ssyncset.done $0x0  }
0x1c: {  	s26 =	simm.s32 $0x1B8E;
	s25 =	sld [smem:$0x3FFE];
	[sflag:s24] =	ssyncadd.s32 $0xFFFFFFFF  }
0x1d: {  	s27 =	simm.s32 $execute0_lowered;
	[smem:$0x3FD2] =	sst s26  }
0x1e: {  	s5 =	sshll.u32 s27, $0x1;
	_ =	strace $0x80000046;
	[dreg:$0x1] =	wrdreg $0xFFFFFFFF  }
0x1f: {  	s28 =	simm.s32 $_size_execute0_lowered;
	s3 =	sadd.s32 s3, s5;
	[dreg:$0x0] =	wrdreg $0x0  }
0x20: {  	s5 =	sshll.u32 s28, $0x1;
	[dreg:$0x2] =	wrdreg s3  }
0x21: {  	[dreg:$0x3] =	wrdreg s5  }
0x22: {  	[dreg:$0x4] =	wrdreg $0xC0  }
0x23: {  	_ =	task [dreg:s7], $0x5FFFF  }
0x24: {  	[dreg:$0x1] =	wrdreg $0xFFFFFFFF  }
0x25: {  	[dreg:$0x0] =	wrdreg $0x60  }
0x26: {  	[dreg:$0x2] =	wrdreg s2  }
0x27: {  	[dreg:$0x3] =	wrdreg s25  }
0x28: {  	[dreg:$0x4] =	wrdreg $0xA  }
0x29: {  	_ =	task.clear_ibuf [dreg:s7], $0x5FFFF;
	_ =	strace $0x90000046  }
0x2a: {  	s29 =	simm.s32 $0xA;
	_ =	strace $0x80000048  }
0x2b: {  	_ =	swait.ge [sflag:s29], $0x1  }
0x2c: {  	[sflag:s29] =	ssyncadd.s32 $0xFFFFFFFF  }
0x2d: {  	_ =	strace $0x90000048  }
0x2e: {  	_ =	sfence  }
0x2f: {  	s30 =	sld [smem:$0x0];
	_ =	sdelay $0x2  }
0x30: {  	s31 =	sshll.u32 s1, $0xD;
	s1 =	sshrl.u32 s1, $0x2  }
0x31: {  	s3 =	sand.u32 $0x4000, s31;
	s1 =	sadd.s32 s1, s30  }
0x32: {  	s0 =	sor.u32 s3, s0;
	s1 =	sshll.u32 s1, $0x11  }
0x33: {  	s0 =	sor.u32 s1, s0  }
0x34: {  	s0 =	sadd.s32 $0x8F2B, s0  }
0x35: {  	[sflag:s0] =	ssyncadd.remote.s32 $0x1  }
0x36: {  	_ =	sfence.sel $0xFFFF  }
0x37: {  	[dreg:$0x0] =	wrdreg $0xFFFFFFFF;
	(pc) =	sbr.abs _section_cstart, $3  }
0x38: {  	[dreg:$0x1] =	wrdreg $0xFFFFFFFF  }
0x39: {  	_ =	task.clear_ibuf [dreg:s7], $0x2FFFF;
	_ =	strace $0x9FFFFFFF  }
0x3a: {  	(tm) =	ssettm $0x7FFFFFFF  }
0x3b: {  	_ =	shalt  }
tec
execute0_lowered:
.L_overlay_start_1:
0x0: {  	(tag) =	ssettag $0x1  }
0x1: {  	s0 =	stileid.u32  }
0x2: {  	s1 =	srdreg.scid;
	s2 =	rddreg [dreg:$0x0]  }
0x3: {  	s4 =	rddreg [dreg:$0x1];
	s7 =	simm.s32 $0x1;
	s8 =	simm.s32 $0x2  }
0x4: {  	s15 =	simm.s32 $0x0;
	s3 =	sshll.u32 s0, $0x2;
	s1 =	sshll.u32 s1, $0x6  }
0x5: {  	s9 =	simm.s32 $0x1000;
	s10 =	simm.s32 $0x80000;
	s1 =	sor.u32 s3, s1  }
0x6: {  	s11 =	simm.s32 $0x0;
	s16 =	simm.s32 $0x0;
	s3 =	sand.u32 $0x60, s1  }
0x7: {  	s14 =	simm.s32 $0x0;
	s4 =	sadd.s32 $0x1400, s4;
	s6 =	ssub.s32 $0x1000, s3  }
.Ltmp0:
0x8: {  	s1 =	rddreg [dreg:$0x2];
	s5 =	sand.u32 $0x60, s6;
	(pc) =	sbr.rel .LBB1_1-.Ltmp0, $4  }
0x9: {  	_ =	strace $0x80000047;
	s12 =	smov.u32 s3;
	p0 =	sne.s32 s5, $0x0  }
0xa: {  	s6 =	sshrl.u32 s6, $0x7;
	s5 =	simm.s32 $0x1;
	s7 =	simm.s32 @!p0 $0x0  }
0xb: {  	[sflag:s5] =	ssyncpa.u1 $0x0;
	s6 =	sadd.s32 s7, s6;
	s7 =	sand.u32 $0x7, s0  }
0xc: {  	[sflag:s8] =	ssyncpa.u1 $0x0;
	s8 =	sadd.s32 $0x1, s6;
	s13 =	smov.u32 s7  }
.LBB1_7:
0xd: {  	s17 =	sadd.s32 $0x80, s12  }
0xe: {  	s15 =	sadd.s32 $0x8, s13;
	s19 =	smov.u32 s13;
	p1 =	sgt.s32 s17, $0xFFF  }
0xf: {  	s19 =	smov.u32 @p1 s15  }
0x10: {  	s17 =	smov.u32 @p1 s3;
	p1 =	sgt.s32 s19, $0x7  }
0x11: {  	s19 =	smov.u32 @p1 s7;
	p1 =	sne.s32 s14, s8  }
.Ltmp1:
0x12: {  	p0 =	slt.u32 s14, $0x2;
	(pc) =	sbr.rel @!p1 .LBB1_8-.Ltmp1, $4  }
0x13: {  	s18 =	simm.s32 @!p0 $0x2  }
0x14: {  	s16 =	smov.u32 s13;
	s11 =	sadd.s32 $0x4000, s11;
	_ =	swait.ge @!p0 [sflag:s18], $0x4000  }
0x15: {  	s15 =	smov.u32 s12;
	[sflag:s18] =	ssyncset.done @!p0 $0x0;
	s12 =	smov.u32 s17  }
0x16: {  	s14 =	sadd.s32 $0x1, s14;
	[sflag:s18] =	ssyncadd.s32 @!p0 $0xFFFFC000;
	s13 =	smov.u32 s19  }
.LBB1_1:
0x17: {  	p0 =	sge.u32 s14, s6  }
0x18: {  	s31 =	sadd.s32 $0xFFFFFFFF, s14;
	s17 =	sxor.u32 @!p0 $0xFFFFFFFF, s14;
	s18 =	sshll.u32 @!p0 s13, $0x12  }
0x19: {  	s19 =	sshll.u32 @!p0 s12, $0x6;
	s17 =	sshll.u32 @!p0 s17, $0xE;
	s18 =	sadd.s32 @!p0 s2, s18  }
0x1a: {  	s17 =	sand.u32 @!p0 $0x4000, s17;
	s18 =	sadd.s32 @!p0 s19, s18;
	s19 =	simm.s32 @!p0 $0x0  }
0x1b: {  	[tilespmem:s17], [sflag:$0x1] =	stream.linear.gather @!p0 [hbm4b:s18+s19], $0x4000, $0x38;
	[tilespmem:$0x10000] =	vst v63  }
0x1c: {  	p0 =	sge.u32 s31, s6  }
.Ltmp2:
0x1d: {  	_ = 	snop;
	(pc) =	sbr.rel @p0 .LBB1_7-.Ltmp2, $1  }
0x1e: {  	_ =	sdelay $0x3  }
0x1f: {  	s18 =	sand.u32 $0x4000, s11  }
0x20: {  	_ =	swait.ge [sflag:s5], $0x4000;
	s20 =	sshll.u32 s14, $0xE;
	s17 =	sor.u32 $0x8040, s18  }
0x21: {  	s19 =	sor.u32 $0x40, s18;
	[sflag:s5] =	ssyncset.done $0x0;
	s31 =	sand.u32 $0x4000, s20  }
0x22: {  	s20 =	simm.s32 $0x0;
	[sflag:s5] =	ssyncadd.s32 $0xFFFFC000;
	s18 =	sor.u32 $0x8000, s31  }
.LBB1_3:
0x23: {  	v0 =	vmov s19;
	_ =	sdelay $0x3  }
0x24: {  	s22 =	simm.s32 $0x0  }
0x25: {  	v6 =	vld.idx.msk [tilespmem:v0+s22+$0x30 ss:$0x1], $0xffff  }
0x26: {  	v7 =	vld.idx.msk [tilespmem:v0+s22+$0xFFFFFFC0 ss:$0x1], $0xffff  }
0x27: {  	v5 =	vld.idx.msk [tilespmem:v0+s22+$0xFFFFFFD0 ss:$0x1], $0xffff  }
0x28: {  	v4 =	vld.idx.msk [tilespmem:v0+s22+$0xFFFFFFE0 ss:$0x1], $0xffff  }
0x29: {  	v3 =	vld.idx.msk [tilespmem:v0+s22+$0xFFFFFFF0 ss:$0x1], $0xffff  }
0x2a: {  	v1 =	vld.idx.msk [tilespmem:v0+s22+$0x0 ss:$0x1], $0xffff  }
0x2b: {  	v2 =	vld.idx.msk [tilespmem:v0+s22+$0x10 ss:$0x1], $0xffff;
	[tilespmem:s17+$0x30] =	vst v6  }
0x2c: {  	s21 =	simm.s32 $0x80;
	s23 =	simm.s32 $0x400;
	[tilespmem:s17+$0xFFFFFFC0] =	vst v7;
	v6 =	vld.idx.msk [tilespmem:v0+s22+$0x20 ss:$0x1], $0xffff;
	s22 =	smov.u32 s17  }
.LBB1_4:
0x2d: {  	p0 =	sne.s32 s23, $0x600;
	v7 =	vld.idx.msk [tilespmem:v0+s21+$0x30 ss:$0x1], $0xffff;
	[tilespmem:s22+$0xFFFFFFD0] =	vst v5  }
0x2e: {  	v8 =	vld.idx.msk [tilespmem:v0+s21+$0xFFFFFFC0 ss:$0x1], $0xffff;
	[tilespmem:s22+$0xFFFFFFE0] =	vst v4  }
0x2f: {  	v5 =	vld.idx.msk [tilespmem:v0+s21+$0xFFFFFFD0 ss:$0x1], $0xffff;
	[tilespmem:s22+$0xFFFFFFF0] =	vst v3  }
.Ltmp3:
0x30: {  	v4 =	vld.idx.msk [tilespmem:v0+s21+$0xFFFFFFE0 ss:$0x1], $0xffff;
	[tilespmem:s22+$0x0] =	vst v1;
	(pc) =	sbr.rel @p0 .LBB1_4-.Ltmp3, $4  }
0x31: {  	v3 =	vld.idx.msk [tilespmem:v0+s21+$0xFFFFFFF0 ss:$0x1], $0xffff;
	[tilespmem:s22+$0x10] =	vst v2  }
0x32: {  	v1 =	vld.idx.msk [tilespmem:v0+s21+$0x0 ss:$0x1], $0xffff;
	[tilespmem:s22+$0x20] =	vst v6;
	s22 =	sadd.s32 $0x1000, s22  }
0x33: {  	v2 =	vld.idx.msk [tilespmem:v0+s21+$0x10 ss:$0x1], $0xffff;
	[tilespmem:s22+$0x30] =	vst v7  }
0x34: {  	[tilespmem:s22+$0xFFFFFFC0] =	vst v8;
	v6 =	vld.idx.msk [tilespmem:v0+s21+$0x20 ss:$0x1], $0xffff;
	s21 =	sshra.s32 s23, $0x2;
	s23 =	sadd.s32 $0x200, s23  }
0x35: {  	_ =	sdelay $0x2  }
0x36: {  	[tilespmem:s22+$0xFFFFFFD0] =	vst v5  }
0x37: {  	v56 =	vld.idx.msk [tilespmem:v0+s21+$0x30 ss:$0x1], $0xffff;
	[tilespmem:s22+$0xFFFFFFE0] =	vst v4  }
0x38: {  	v57 =	vld.idx.msk [tilespmem:v0+s21+$0xFFFFFFC0 ss:$0x1], $0xffff;
	[tilespmem:s22+$0xFFFFFFF0] =	vst v3  }
0x39: {  	v58 =	vld.idx.msk [tilespmem:v0+s21+$0xFFFFFFD0 ss:$0x1], $0xffff;
	[tilespmem:s22+$0x0] =	vst v1  }
0x3a: {  	v59 =	vld.idx.msk [tilespmem:v0+s21+$0xFFFFFFE0 ss:$0x1], $0xffff;
	[tilespmem:s22+$0x10] =	vst v2  }
0x3b: {  	v60 =	vld.idx.msk [tilespmem:v0+s21+$0xFFFFFFF0 ss:$0x1], $0xffff;
	s31 =	sadd.s32 $0x1000, s22;
	[tilespmem:s22+$0x20] =	vst v6  }
0x3c: {  	v61 =	vld.idx.msk [tilespmem:v0+s21+$0x0 ss:$0x1], $0xffff;
	[tilespmem:s31+$0x30] =	vst v56  }
0x3d: {  	v62 =	vld.idx.msk [tilespmem:v0+s21+$0x10 ss:$0x1], $0xffff;
	s20 =	sadd.s32 $0x1, s20;
	[tilespmem:s31+$0xFFFFFFC0] =	vst v57  }
0x3e: {  	v63 =	vld.idx.msk [tilespmem:v0+s21+$0x20 ss:$0x1], $0xffff;
	p0 =	sne.s32 s20, $0x20;
	[tilespmem:s31+$0xFFFFFFD0] =	vst v58  }
.Ltmp4:
0x3f: {  	[tilespmem:s31+$0xFFFFFFE0] =	vst v59;
	(pc) =	sbr.rel @p0 .LBB1_3-.Ltmp4, $4  }
0x40: {  	[tilespmem:s31+$0xFFFFFFF0] =	vst v60  }
0x41: {  	[tilespmem:s31+$0x0] =	vst v61  }
0x42: {  	[tilespmem:s31+$0x10] =	vst v62  }
0x43: {  	s17 =	sadd.s32 $0x80, s17;
	s19 =	sadd.s32 $0x200, s19;
	[tilespmem:s31+$0x20] =	vst v63  }
.Ltmp5:
0x44: {  	(pc) =	sbr.rel .LBB1_7-.Ltmp5, $4  }
0x45: {  	s16 =	sshll.u32 s16, $0x12;
	s15 =	sshll.u32 s15, $0x4  }
0x46: {  	s15 =	sand.u32 $0xFFF0, s15;
	s16 =	sadd.s32 s4, s16  }
0x47: {  	s15 =	sadd.s32 s15, s16  }
0x48: {  	[hbm4b:s15+s9] =	stream.strided.scatter [tilespmem:s18], [sflag:$0x2], $0x4000, s10, s9, $0x38;
	[tilespmem:$0x10000] =	vst v63  }
.LBB1_8:
0x49: {  	_ =	sfence.sel $0x180000  }
0x4a: {  	s2 =	simm.s32 $0x1;
	[bflag:$0x0] =	sbarrier.arrive $0xFFFF  }
0x4b: {  	s31 =	simm.s32 $0x2;
	[sflag:s2] =	ssyncpa.u1 $0x1  }
0x4c: {  	[sflag:s31] =	ssyncpa.u1 $0x1  }
0x4d: {  	p0 =	sne.s32 s0, $0x0;
	_ =	strace $0x90000047  }
0x4e: {  	s0 =	sadd.s32 @!p0 $0x100000, s1;
	[bflag:$0x2] =	sbarrier.arrive $0xFFFF  }
0x4f: {  	[sflag:s0] =	ssyncadd.tile.s32 @!p0 $0x1;
	_ =	shalt  }
.Lfunc_end1:
_tile_overlayer_lowered:
.L_overlay_start_2:
0x50: {  	(tag) =	ssettag $0x2  }
0x51: {  	s0 =	rddreg [dreg:$0x0];
	s2 =	stileid.u32  }
0x52: {  	s1 =	rddreg [dreg:$0x1];
	p0 =	sne.s32 s2, $0x0  }
0x53: {  	s3 =	rddreg [dreg:$0x2];
	[bflag:$0x3] =	sbarrier.arrive $0xFFFF;
	s2 =	simm.s32 @!p0 $0x1C01  }
0x54: {  	[timem:s3], [sflag:s2] =	dma.local @!p0 [hbm:s0], s1  }
0x55: {  	s0 =	simm.s32 @!p0 $0x1  }
0x56: {  	_ =	swait.ge @!p0 [sflag:s0], s1  }
0x57: {  	s1 =	ssub.s32 @!p0 $0x0, s1;
	[sflag:s0] =	ssyncset.done @!p0 $0x0  }
0x58: {  	[sflag:s0] =	ssyncadd.s32 @!p0 s1  }
0x59: {  	[bflag:$0x3] =	sbarrier.arrive $0xFFFF  }
0x5a: {  	_ =	shalt  }

</sc_bundles>
